<compile_context>
chip_gen: v7x
topology: tpu7x:2x2x1
jax: 0.10.2.dev20260603
libtpu: 0.0.44.dev20260713+nightly
codegen_flags: <defaults>
</compile_context>

<pallas_src>
import functools

import jax
import jax.numpy as jnp
from jax import lax
from jax.experimental import pallas as pl
from jax.experimental.pallas import tpu as pltpu
from jax.experimental.pallas import tpu_sc as plsc

LATENT = 32
NUM_WORKERS = 32
LANES = 16
WAVE = 4


def _make_kernel(batch: int):
    b_per_w = batch // NUM_WORKERS
    n_super = b_per_w // LANES
    mesh = plsc.VectorSubcoreMesh(core_axis_name="c", subcore_axis_name="s")
    cparams = pltpu.CompilerParams(needs_layout_passes=False)

    @functools.partial(
        pl.kernel,
        out_type=jax.ShapeDtypeStruct((batch,), jnp.float32),
        mesh=mesh,
        compiler_params=cparams,
        scratch_types=[
            pltpu.VMEM((b_per_w,), jnp.int32),
            pltpu.VMEM((b_per_w,), jnp.int32),
            pltpu.VMEM((2, WAVE, LATENT, 128), jnp.float32),
            pltpu.VMEM((2, WAVE, LATENT, 128), jnp.float32),
            pltpu.VMEM((LANES, LANES), jnp.float32),
            pltpu.VMEM((b_per_w,), jnp.float32),
            pltpu.SemaphoreType.DMA,
            pltpu.SemaphoreType.DMA,
        ],
    )
    def bpr_kernel(user_hbm, item_hbm, ut_hbm, it_hbm, out_hbm,
                   uidx_v, iidx_v, ubuf_v, ibuf_v, tbuf_v, out_v,
                   idx_sem, sem):
        wid = lax.axis_index("s") * 2 + lax.axis_index("c")
        cp_u = pltpu.async_copy(user_hbm.at[wid], uidx_v, idx_sem)
        cp_i = pltpu.async_copy(item_hbm.at[wid], iidx_v, idx_sem)
        cp_u.wait()
        cp_i.wait()

        iota = lax.broadcasted_iota(jnp.int32, (LANES,), 0)
        zeros_i = jnp.zeros((LANES,), jnp.int32)
        n_waves = LANES // WAVE

        @pl.loop(0, n_super)
        def _(sb):
            base = sb * LANES
            uvec = uidx_v[pl.ds(base, LANES)]
            ivec = iidx_v[pl.ds(base, LANES)]

            def fire(w):
                buf = w % 2
                copies = []
                for kk in range(WAVE):
                    k = w * WAVE + kk
                    su = pl.multiple_of((uvec[k] // 128) * 128, 128)
                    si = pl.multiple_of((ivec[k] // 128) * 128, 128)
                    copies.append(pltpu.async_copy(
                        ut_hbm.at[:, pl.ds(su, 128)],
                        ubuf_v.at[buf, kk], sem))
                    copies.append(pltpu.async_copy(
                        it_hbm.at[:, pl.ds(si, 128)],
                        ibuf_v.at[buf, kk], sem))
                return copies

            def extract(w):
                buf = w % 2
                for kk in range(WAVE):
                    k = w * WAVE + kk
                    lu = zeros_i + (uvec[k] % 128)
                    li = zeros_i + (ivec[k] % 128)
                    u_lo = plsc.load_gather(ubuf_v.at[buf, kk], [iota, lu])
                    u_hi = plsc.load_gather(ubuf_v.at[buf, kk],
                                            [iota + 16, lu])
                    i_lo = plsc.load_gather(ibuf_v.at[buf, kk], [iota, li])
                    i_hi = plsc.load_gather(ibuf_v.at[buf, kk],
                                            [iota + 16, li])
                    p = u_lo * i_lo + u_hi * i_hi
                    plsc.store_scatter(tbuf_v, [iota, zeros_i + k], p)

            pending = fire(0)
            for w in range(n_waves):
                nxt = fire(w + 1) if w + 1 < n_waves else []
                for cp in pending:
                    cp.wait()
                extract(w)
                pending = nxt

            acc = jnp.zeros((LANES,), jnp.float32)
            for r in range(LANES):
                acc = acc + tbuf_v.at[r][...]
            out_v[pl.ds(base, LANES)] = acc

        pltpu.sync_copy(out_v, out_hbm.at[pl.ds(wid * b_per_w, b_per_w)])

    return bpr_kernel


def kernel(user, item, U, I):
    batch = user.shape[0]
    b_per_w = batch // NUM_WORKERS
    uidx = user.reshape(-1).astype(jnp.int32).reshape(NUM_WORKERS, b_per_w)
    iidx = item.reshape(-1).astype(jnp.int32).reshape(NUM_WORKERS, b_per_w)
    out = _make_kernel(batch)(uidx, iidx, U.T, I.T)
    return out.reshape(batch, 1)

# --- scband reference (transcript-rebuilt; emitter-appended) ---
"""Pipeline reference for scband-bpr-triplet-43430709297818 (READ-ONLY COPY).

The authoritative reference and input builder live on the scoring server;
editing this copy changes nothing except your own understanding.
"""

import jax, jax.numpy as jnp
import numpy as np

U_DIM = 1000000
I_DIM = 1000000
LATENT = 32
BATCH = 16384

def setup_inputs(seed: int = 0) -> dict:
    key = jax.random.key(seed)
    k1, k2, k3, k4 = jax.random.split(key, 4)
    user = jax.random.randint(k1, (BATCH, 1), 0, U_DIM, dtype=jnp.int64) if jax.config.jax_enable_x64 else jax.random.randint(k1, (BATCH, 1), 0, U_DIM).astype(jnp.int32)
    item = jax.random.randint(k2, (BATCH, 1), 0, I_DIM) .astype(user.dtype)
    # Embedding tables (keras Embedding default init ~ uniform(-0.05, 0.05))
    U = jax.random.uniform(k3, (U_DIM, LATENT), minval=-0.05, maxval=0.05, dtype=jnp.float32)
    I = jax.random.uniform(k4, (I_DIM, LATENT), minval=-0.05, maxval=0.05, dtype=jnp.float32)
    return {"user": user, "item": item, "U": U, "I": I}

def reference(user, item, U, I):
    # Embedding lookup (gather) + flatten, then batched dot product -> [B, 1]
    u_emb = jnp.take(U, user[:, 0], axis=0)  # [B, latent]
    i_emb = jnp.take(I, item[:, 0], axis=0)  # [B, latent]
    out = jnp.sum(u_emb * i_emb, axis=-1, keepdims=True)  # Dot(axes=1) -> [B, 1]
    return out

if __name__ == "__main__":
    import jax
    _d = setup_inputs()
    print(jax.jit(kernel)(*tuple(_d.values())))

</pallas_src>

<mosaic_0001>
#map = affine_map<(d0, d1) -> (0, 0)>
#map1 = affine_map<(d0, d1) -> (0)>
module attributes {stable_mosaic.version = 14 : i64} {
  func.func @bpr_kernel(%arg0: i32, %arg1: i32, %arg2: memref<32x512xi32, #tpu.memory_space<hbm>>, %arg3: memref<32x512xi32, #tpu.memory_space<hbm>>, %arg4: memref<32x1000000xf32, #tpu.memory_space<hbm>>, %arg5: memref<32x1000000xf32, #tpu.memory_space<hbm>>, %arg6: memref<16384xf32, #tpu.memory_space<hbm>>, %arg7: memref<512xi32, #tpu.memory_space<vmem>>, %arg8: memref<512xi32, #tpu.memory_space<vmem>>, %arg9: memref<2x4x32x128xf32, #tpu.memory_space<vmem>>, %arg10: memref<2x4x32x128xf32, #tpu.memory_space<vmem>>, %arg11: memref<16x16xf32, #tpu.memory_space<vmem>>, %arg12: memref<512xf32, #tpu.memory_space<vmem>>, %arg13: memref<!tpu.dma_semaphore, #tpu.memory_space<semaphore_mem>>, %arg14: memref<!tpu.dma_semaphore, #tpu.memory_space<semaphore_mem>>) attributes {dimension_semantics = [#tpu.dimension_semantics<core_parallel>, #tpu.dimension_semantics<subcore_parallel>], iteration_bounds = array<i64: 2, 16>, scalar_prefetch = 0 : i64, scratch_operands = 8 : i64, tpu.core_type = #tpu.core_type<sc_vector_subcore>, window_params = [{transform_indices = #map}, {transform_indices = #map}, {transform_indices = #map}, {transform_indices = #map}, {transform_indices = #map1}]} {
    %mul3A = arith.constant 2 : i32
    %mul3A_0 = arith.muli %arg1, %mul3A : i32
    %add3A = arith.addi %mul3A_0, %arg0 : i32
    %dma_start3A = arith.constant 0 : i32
    %dma_start3A_1 = tpu.memref_slice %arg2[%add3A, %dma_start3A] : memref<32x512xi32, #tpu.memory_space<hbm>> -> memref<1x512xi32, #tpu.memory_space<hbm>>
    %dma_start3A_2 = tpu.memref_squeeze %dma_start3A_1 : memref<1x512xi32, #tpu.memory_space<hbm>> -> memref<512xi32, #tpu.memory_space<hbm>>
    %dma_start3A_3 = arith.constant 0 : i32
    %dma_start3A_4 = tpu.memref_slice %arg2[%add3A, %dma_start3A_3] : memref<32x512xi32, #tpu.memory_space<hbm>> -> memref<1x512xi32, #tpu.memory_space<hbm>>
    %dma_start3A_5 = tpu.memref_squeeze %dma_start3A_4 : memref<1x512xi32, #tpu.memory_space<hbm>> -> memref<512xi32, #tpu.memory_space<hbm>>
    tpu.enqueue_dma source(%dma_start3A_5 : memref<512xi32, #tpu.memory_space<hbm>>) target(%arg7 : memref<512xi32, #tpu.memory_space<vmem>>) target_semaphore(%arg13 : memref<!tpu.dma_semaphore, #tpu.memory_space<semaphore_mem>>)
    %dma_start3A_6 = arith.constant 0 : i32
    %dma_start3A_7 = tpu.memref_slice %arg3[%add3A, %dma_start3A_6] : memref<32x512xi32, #tpu.memory_space<hbm>> -> memref<1x512xi32, #tpu.memory_space<hbm>>
    %dma_start3A_8 = tpu.memref_squeeze %dma_start3A_7 : memref<1x512xi32, #tpu.memory_space<hbm>> -> memref<512xi32, #tpu.memory_space<hbm>>
    %dma_start3A_9 = arith.constant 0 : i32
    %dma_start3A_10 = tpu.memref_slice %arg3[%add3A, %dma_start3A_9] : memref<32x512xi32, #tpu.memory_space<hbm>> -> memref<1x512xi32, #tpu.memory_space<hbm>>
    %dma_start3A_11 = tpu.memref_squeeze %dma_start3A_10 : memref<1x512xi32, #tpu.memory_space<hbm>> -> memref<512xi32, #tpu.memory_space<hbm>>
    tpu.enqueue_dma source(%dma_start3A_11 : memref<512xi32, #tpu.memory_space<hbm>>) target(%arg8 : memref<512xi32, #tpu.memory_space<vmem>>) target_semaphore(%arg13 : memref<!tpu.dma_semaphore, #tpu.memory_space<semaphore_mem>>)
    %dma_wait3A = arith.constant 0 : i32
    %dma_wait3A_12 = tpu.memref_slice %arg2[%add3A, %dma_wait3A] : memref<32x512xi32, #tpu.memory_space<hbm>> -> memref<1x512xi32, #tpu.memory_space<hbm>>
    %dma_wait3A_13 = tpu.memref_squeeze %dma_wait3A_12 : memref<1x512xi32, #tpu.memory_space<hbm>> -> memref<512xi32, #tpu.memory_space<hbm>>
    %dma_wait3A_14 = arith.constant 0 : i32
    %dma_wait3A_15 = tpu.memref_slice %arg2[%add3A, %dma_wait3A_14] : memref<32x512xi32, #tpu.memory_space<hbm>> -> memref<1x512xi32, #tpu.memory_space<hbm>>
    %dma_wait3A_16 = tpu.memref_squeeze %dma_wait3A_15 : memref<1x512xi32, #tpu.memory_space<hbm>> -> memref<512xi32, #tpu.memory_space<hbm>>
    tpu.wait_dma2 semaphore(%arg13 : memref<!tpu.dma_semaphore, #tpu.memory_space<semaphore_mem>>) src(%dma_wait3A_16 : memref<512xi32, #tpu.memory_space<hbm>>) dst(%arg7 : memref<512xi32, #tpu.memory_space<vmem>>)
    %dma_wait3A_17 = arith.constant 0 : i32
    %dma_wait3A_18 = tpu.memref_slice %arg3[%add3A, %dma_wait3A_17] : memref<32x512xi32, #tpu.memory_space<hbm>> -> memref<1x512xi32, #tpu.memory_space<hbm>>
    %dma_wait3A_19 = tpu.memref_squeeze %dma_wait3A_18 : memref<1x512xi32, #tpu.memory_space<hbm>> -> memref<512xi32, #tpu.memory_space<hbm>>
    %dma_wait3A_20 = arith.constant 0 : i32
    %dma_wait3A_21 = tpu.memref_slice %arg3[%add3A, %dma_wait3A_20] : memref<32x512xi32, #tpu.memory_space<hbm>> -> memref<1x512xi32, #tpu.memory_space<hbm>>
    %dma_wait3A_22 = tpu.memref_squeeze %dma_wait3A_21 : memref<1x512xi32, #tpu.memory_space<hbm>> -> memref<512xi32, #tpu.memory_space<hbm>>
    tpu.wait_dma2 semaphore(%arg13 : memref<!tpu.dma_semaphore, #tpu.memory_space<semaphore_mem>>) src(%dma_wait3A_22 : memref<512xi32, #tpu.memory_space<hbm>>) dst(%arg8 : memref<512xi32, #tpu.memory_space<vmem>>)
    %iota3A = tpu.iota {dimensions = array<i32: 0>} : vector<16xi32>
    %broadcast_in_dim3A = arith.constant 0 : i32
    %broadcast_in_dim3A_23 = vector.broadcast %broadcast_in_dim3A : i32 to vector<16xi32>
    %scan3A = arith.constant 0 : i32
    %scan3A_24 = arith.constant 32 : i32
    %scan3A_25 = arith.addi %scan3A, %scan3A_24 : i32
    %scan3A_26 = arith.constant 1 : i32
    scf.for %scan3A_30 = %scan3A to %scan3A_25 step %scan3A_26  : i32 {
      %mul3A_31 = arith.constant 1 : i32
      %mul3A_32 = arith.muli %scan3A_30, %mul3A_31 : i32
      %add3A_33 = arith.constant 0 : i32
      %add3A_34 = arith.addi %add3A_33, %mul3A_32 : i32
      %mul3A_35 = arith.constant 16 : i32
      %mul3A_36 = arith.muli %add3A_34, %mul3A_35 : i32
      %get3A = arith.index_cast %mul3A_36 : i32 to index
      %get3A_37 = tpu.vector_load %arg7[%get3A] {strides = array<i32>} : memref<512xi32, #tpu.memory_space<vmem>>, vector<16xi32>,
      %get3A_38 = arith.index_cast %mul3A_36 : i32 to index
      %get3A_39 = tpu.vector_load %arg8[%get3A_38] {strides = array<i32>} : memref<512xi32, #tpu.memory_space<vmem>>, vector<16xi32>,
      %slice3A = vector.extract_strided_slice %get3A_37 {offsets = [0], sizes = [1], strides = [1]} : vector<16xi32> to vector<1xi32>
      %squeeze3A = vector.extract %slice3A[0] : i32 from vector<1xi32>
      %jit3A = arith.constant 128 : i32
      %div3A = arith.divsi %squeeze3A, %jit3A : i32
      %sign3A = arith.constant 0 : i32
      %sign3A_40 = arith.cmpi sgt, %squeeze3A, %sign3A : i32
      %sign3A_41 = arith.extui %sign3A_40 : i1 to i32
      %sign3A_42 = arith.constant 0 : i32
      %sign3A_43 = arith.cmpi slt, %squeeze3A, %sign3A_42 : i32
      %sign3A_44 = arith.extui %sign3A_43 : i1 to i32
      %sign3A_45 = arith.subi %sign3A_41, %sign3A_44 : i32
      %sign3A_46 = arith.constant 0 : i32
      %sign3A_47 = arith.cmpi sgt, %jit3A, %sign3A_46 : i32
      %sign3A_48 = arith.extui %sign3A_47 : i1 to i32
      %sign3A_49 = arith.constant 0 : i32
      %sign3A_50 = arith.cmpi slt, %jit3A, %sign3A_49 : i32
      %sign3A_51 = arith.extui %sign3A_50 : i1 to i32
      %sign3A_52 = arith.subi %sign3A_48, %sign3A_51 : i32
      %ne3A = arith.cmpi ne, %sign3A_45, %sign3A_52 : i32
      %rem3A = arith.remsi %squeeze3A, %jit3A : i32
      %ne3A_53 = arith.constant 0 : i32
      %ne3A_54 = arith.cmpi ne, %rem3A, %ne3A_53 : i32
      %and3A = arith.andi %ne3A, %ne3A_54 : i1
      %sub3A = arith.constant 1 : i32
      %sub3A_55 = arith.subi %div3A, %sub3A : i32
      %select_n3A = arith.select %and3A, %sub3A_55, %div3A : i32
      %mul3A_56 = arith.constant 128 : i32
      %mul3A_57 = arith.muli %select_n3A, %mul3A_56 : i32
      %multiple_of3A = tpu.assume_multiple %mul3A_57, 128 : i32
      %slice3A_58 = vector.extract_strided_slice %get3A_39 {offsets = [0], sizes = [1], strides = [1]} : vector<16xi32> to vector<1xi32>
      %squeeze3A_59 = vector.extract %slice3A_58[0] : i32 from vector<1xi32>
      %jit3A_60 = arith.constant 128 : i32
      %div3A_61 = arith.divsi %squeeze3A_59, %jit3A_60 : i32
      %sign3A_62 = arith.constant 0 : i32
      %sign3A_63 = arith.cmpi sgt, %squeeze3A_59, %sign3A_62 : i32
      %sign3A_64 = arith.extui %sign3A_63 : i1 to i32
      %sign3A_65 = arith.constant 0 : i32
      %sign3A_66 = arith.cmpi slt, %squeeze3A_59, %sign3A_65 : i32
      %sign3A_67 = arith.extui %sign3A_66 : i1 to i32
      %sign3A_68 = arith.subi %sign3A_64, %sign3A_67 : i32
      %sign3A_69 = arith.constant 0 : i32
      %sign3A_70 = arith.cmpi sgt, %jit3A_60, %sign3A_69 : i32
      %sign3A_71 = arith.extui %sign3A_70 : i1 to i32
      %sign3A_72 = arith.constant 0 : i32
      %sign3A_73 = arith.cmpi slt, %jit3A_60, %sign3A_72 : i32
      %sign3A_74 = arith.extui %sign3A_73 : i1 to i32
      %sign3A_75 = arith.subi %sign3A_71, %sign3A_74 : i32
      %ne3A_76 = arith.cmpi ne, %sign3A_68, %sign3A_75 : i32
      %rem3A_77 = arith.remsi %squeeze3A_59, %jit3A_60 : i32
      %ne3A_78 = arith.constant 0 : i32
      %ne3A_79 = arith.cmpi ne, %rem3A_77, %ne3A_78 : i32
      %and3A_80 = arith.andi %ne3A_76, %ne3A_79 : i1
      %sub3A_81 = arith.constant 1 : i32
      %sub3A_82 = arith.subi %div3A_61, %sub3A_81 : i32
      %select_n3A_83 = arith.select %and3A_80, %sub3A_82, %div3A_61 : i32
      %mul3A_84 = arith.constant 128 : i32
      %mul3A_85 = arith.muli %select_n3A_83, %mul3A_84 : i32
      %multiple_of3A_86 = tpu.assume_multiple %mul3A_85, 128 : i32
      %dma_start3A_87 = arith.constant 0 : i32
      %dma_start3A_88 = arith.constant 0 : i32
      %dma_start3A_89 = arith.constant 0 : i32
      %dma_start3A_90 = arith.constant 0 : i32
      %dma_start3A_91 = tpu.memref_slice %arg9[%dma_start3A_87, %dma_start3A_88, %dma_start3A_89, %dma_start3A_90] : memref<2x4x32x128xf32, #tpu.memory_space<vmem>> -> memref<1x1x32x128xf32, #tpu.memory_space<vmem>>
      %dma_start3A_92 = tpu.memref_squeeze %dma_start3A_91 : memref<1x1x32x128xf32, #tpu.memory_space<vmem>> -> memref<32x128xf32, #tpu.memory_space<vmem>>
      %dma_start3A_93 = arith.constant 0 : i32
      %dma_start3A_94 = tpu.memref_slice %arg4[%dma_start3A_93, %multiple_of3A] : memref<32x1000000xf32, #tpu.memory_space<hbm>> -> memref<32x128xf32, #tpu.memory_space<hbm>>
      %dma_start3A_95 = arith.constant 0 : i32
      %dma_start3A_96 = arith.constant 0 : i32
      %dma_start3A_97 = tpu.memref_slice %arg9[%dma_start3A_87, %dma_start3A_88, %dma_start3A_95, %dma_start3A_96] : memref<2x4x32x128xf32, #tpu.memory_space<vmem>> -> memref<1x1x32x128xf32, #tpu.memory_space<vmem>>
      %dma_start3A_98 = tpu.memref_squeeze %dma_start3A_97 : memref<1x1x32x128xf32, #tpu.memory_space<vmem>> -> memref<32x128xf32, #tpu.memory_space<vmem>>
      %dma_start3A_99 = arith.constant 0 : i32
      %dma_start3A_100 = tpu.memref_slice %arg4[%dma_start3A_99, %multiple_of3A] : memref<32x1000000xf32, #tpu.memory_space<hbm>> -> memref<32x128xf32, #tpu.memory_space<hbm>>
      tpu.enqueue_dma source(%dma_start3A_100 : memref<32x128xf32, #tpu.memory_space<hbm>>) target(%dma_start3A_98 : memref<32x128xf32, #tpu.memory_space<vmem>>) target_semaphore(%arg14 : memref<!tpu.dma_semaphore, #tpu.memory_space<semaphore_mem>>)
      %dma_start3A_101 = arith.constant 0 : i32
      %dma_start3A_102 = arith.constant 0 : i32
      %dma_start3A_103 = arith.constant 0 : i32
      %dma_start3A_104 = arith.constant 0 : i32
      %dma_start3A_105 = tpu.memref_slice %arg10[%dma_start3A_101, %dma_start3A_102, %dma_start3A_103, %dma_start3A_104] : memref<2x4x32x128xf32, #tpu.memory_space<vmem>> -> memref<1x1x32x128xf32, #tpu.memory_space<vmem>>
      %dma_start3A_106 = tpu.memref_squeeze %dma_start3A_105 : memref<1x1x32x128xf32, #tpu.memory_space<vmem>> -> memref<32x128xf32, #tpu.memory_space<vmem>>
      %dma_start3A_107 = arith.constant 0 : i32
      %dma_start3A_108 = tpu.memref_slice %arg5[%dma_start3A_107, %multiple_of3A_86] : memref<32x1000000xf32, #tpu.memory_space<hbm>> -> memref<32x128xf32, #tpu.memory_space<hbm>>
      %dma_start3A_109 = arith.constant 0 : i32
      %dma_start3A_110 = arith.constant 0 : i32
      %dma_start3A_111 = tpu.memref_slice %arg10[%dma_start3A_101, %dma_start3A_102, %dma_start3A_109, %dma_start3A_110] : memref<2x4x32x128xf32, #tpu.memory_space<vmem>> -> memref<1x1x32x128xf32, #tpu.memory_space<vmem>>
      %dma_start3A_112 = tpu.memref_squeeze %dma_start3A_111 : memref<1x1x32x128xf32, #tpu.memory_space<vmem>> -> memref<32x128xf32, #tpu.memory_space<vmem>>
      %dma_start3A_113 = arith.constant 0 : i32
      %dma_start3A_114 = tpu.memref_slice %arg5[%dma_start3A_113, %multiple_of3A_86] : memref<32x1000000xf32, #tpu.memory_space<hbm>> -> memref<32x128xf32, #tpu.memory_space<hbm>>
      tpu.enqueue_dma source(%dma_start3A_114 : memref<32x128xf32, #tpu.memory_space<hbm>>) target(%dma_start3A_112 : memref<32x128xf32, #tpu.memory_space<vmem>>) target_semaphore(%arg14 : memref<!tpu.dma_semaphore, #tpu.memory_space<semaphore_mem>>)
      %slice3A_115 = vector.extract_strided_slice %get3A_37 {offsets = [1], sizes = [1], strides = [1]} : vector<16xi32> to vector<1xi32>
      %squeeze3A_116 = vector.extract %slice3A_115[0] : i32 from vector<1xi32>
      %jit3A_117 = arith.constant 128 : i32
      %div3A_118 = arith.divsi %squeeze3A_116, %jit3A_117 : i32
      %sign3A_119 = arith.constant 0 : i32
      %sign3A_120 = arith.cmpi sgt, %squeeze3A_116, %sign3A_119 : i32
      %sign3A_121 = arith.extui %sign3A_120 : i1 to i32
      %sign3A_122 = arith.constant 0 : i32
      %sign3A_123 = arith.cmpi slt, %squeeze3A_116, %sign3A_122 : i32
      %sign3A_124 = arith.extui %sign3A_123 : i1 to i32
      %sign3A_125 = arith.subi %sign3A_121, %sign3A_124 : i32
      %sign3A_126 = arith.constant 0 : i32
      %sign3A_127 = arith.cmpi sgt, %jit3A_117, %sign3A_126 : i32
      %sign3A_128 = arith.extui %sign3A_127 : i1 to i32
      %sign3A_129 = arith.constant 0 : i32
      %sign3A_130 = arith.cmpi slt, %jit3A_117, %sign3A_129 : i32
      %sign3A_131 = arith.extui %sign3A_130 : i1 to i32
      %sign3A_132 = arith.subi %sign3A_128, %sign3A_131 : i32
      %ne3A_133 = arith.cmpi ne, %sign3A_125, %sign3A_132 : i32
      %rem3A_134 = arith.remsi %squeeze3A_116, %jit3A_117 : i32
      %ne3A_135 = arith.constant 0 : i32
      %ne3A_136 = arith.cmpi ne, %rem3A_134, %ne3A_135 : i32
      %and3A_137 = arith.andi %ne3A_133, %ne3A_136 : i1
      %sub3A_138 = arith.constant 1 : i32
      %sub3A_139 = arith.subi %div3A_118, %sub3A_138 : i32
      %select_n3A_140 = arith.select %and3A_137, %sub3A_139, %div3A_118 : i32
      %mul3A_141 = arith.constant 128 : i32
      %mul3A_142 = arith.muli %select_n3A_140, %mul3A_141 : i32
      %multiple_of3A_143 = tpu.assume_multiple %mul3A_142, 128 : i32
      %slice3A_144 = vector.extract_strided_slice %get3A_39 {offsets = [1], sizes = [1], strides = [1]} : vector<16xi32> to vector<1xi32>
      %squeeze3A_145 = vector.extract %slice3A_144[0] : i32 from vector<1xi32>
      %jit3A_146 = arith.constant 128 : i32
      %div3A_147 = arith.divsi %squeeze3A_145, %jit3A_146 : i32
      %sign3A_148 = arith.constant 0 : i32
      %sign3A_149 = arith.cmpi sgt, %squeeze3A_145, %sign3A_148 : i32
      %sign3A_150 = arith.extui %sign3A_149 : i1 to i32
      %sign3A_151 = arith.constant 0 : i32
      %sign3A_152 = arith.cmpi slt, %squeeze3A_145, %sign3A_151 : i32
      %sign3A_153 = arith.extui %sign3A_152 : i1 to i32
      %sign3A_154 = arith.subi %sign3A_150, %sign3A_153 : i32
      %sign3A_155 = arith.constant 0 : i32
      %sign3A_156 = arith.cmpi sgt, %jit3A_146, %sign3A_155 : i32
      %sign3A_157 = arith.extui %sign3A_156 : i1 to i32
      %sign3A_158 = arith.constant 0 : i32
      %sign3A_159 = arith.cmpi slt, %jit3A_146, %sign3A_158 : i32
      %sign3A_160 = arith.extui %sign3A_159 : i1 to i32
      %sign3A_161 = arith.subi %sign3A_157, %sign3A_160 : i32
      %ne3A_162 = arith.cmpi ne, %sign3A_154, %sign3A_161 : i32
      %rem3A_163 = arith.remsi %squeeze3A_145, %jit3A_146 : i32
      %ne3A_164 = arith.constant 0 : i32
      %ne3A_165 = arith.cmpi ne, %rem3A_163, %ne3A_164 : i32
      %and3A_166 = arith.andi %ne3A_162, %ne3A_165 : i1
      %sub3A_167 = arith.constant 1 : i32
      %sub3A_168 = arith.subi %div3A_147, %sub3A_167 : i32
      %select_n3A_169 = arith.select %and3A_166, %sub3A_168, %div3A_147 : i32
      %mul3A_170 = arith.constant 128 : i32
      %mul3A_171 = arith.muli %select_n3A_169, %mul3A_170 : i32
      %multiple_of3A_172 = tpu.assume_multiple %mul3A_171, 128 : i32
      %dma_start3A_173 = arith.constant 0 : i32
      %dma_start3A_174 = arith.constant 1 : i32
      %dma_start3A_175 = arith.constant 0 : i32
      %dma_start3A_176 = arith.constant 0 : i32
      %dma_start3A_177 = tpu.memref_slice %arg9[%dma_start3A_173, %dma_start3A_174, %dma_start3A_175, %dma_start3A_176] : memref<2x4x32x128xf32, #tpu.memory_space<vmem>> -> memref<1x1x32x128xf32, #tpu.memory_space<vmem>>
      %dma_start3A_178 = tpu.memref_squeeze %dma_start3A_177 : memref<1x1x32x128xf32, #tpu.memory_space<vmem>> -> memref<32x128xf32, #tpu.memory_space<vmem>>
      %dma_start3A_179 = arith.constant 0 : i32
      %dma_start3A_180 = tpu.memref_slice %arg4[%dma_start3A_179, %multiple_of3A_143] : memref<32x1000000xf32, #tpu.memory_space<hbm>> -> memref<32x128xf32, #tpu.memory_space<hbm>>
      %dma_start3A_181 = arith.constant 0 : i32
      %dma_start3A_182 = arith.constant 0 : i32
      %dma_start3A_183 = tpu.memref_slice %arg9[%dma_start3A_173, %dma_start3A_174, %dma_start3A_181, %dma_start3A_182] : memref<2x4x32x128xf32, #tpu.memory_space<vmem>> -> memref<1x1x32x128xf32, #tpu.memory_space<vmem>>
      %dma_start3A_184 = tpu.memref_squeeze %dma_start3A_183 : memref<1x1x32x128xf32, #tpu.memory_space<vmem>> -> memref<32x128xf32, #tpu.memory_space<vmem>>
      %dma_start3A_185 = arith.constant 0 : i32
      %dma_start3A_186 = tpu.memref_slice %arg4[%dma_start3A_185, %multiple_of3A_143] : memref<32x1000000xf32, #tpu.memory_space<hbm>> -> memref<32x128xf32, #tpu.memory_space<hbm>>
      tpu.enqueue_dma source(%dma_start3A_186 : memref<32x128xf32, #tpu.memory_space<hbm>>) target(%dma_start3A_184 : memref<32x128xf32, #tpu.memory_space<vmem>>) target_semaphore(%arg14 : memref<!tpu.dma_semaphore, #tpu.memory_space<semaphore_mem>>)
      %dma_start3A_187 = arith.constant 0 : i32
      %dma_start3A_188 = arith.constant 1 : i32
      %dma_start3A_189 = arith.constant 0 : i32
      %dma_start3A_190 = arith.constant 0 : i32
      %dma_start3A_191 = tpu.memref_slice %arg10[%dma_start3A_187, %dma_start3A_188, %dma_start3A_189, %dma_start3A_190] : memref<2x4x32x128xf32, #tpu.memory_space<vmem>> -> memref<1x1x32x128xf32, #tpu.memory_space<vmem>>
      %dma_start3A_192 = tpu.memref_squeeze %dma_start3A_191 : memref<1x1x32x128xf32, #tpu.memory_space<vmem>> -> memref<32x128xf32, #tpu.memory_space<vmem>>
      %dma_start3A_193 = arith.constant 0 : i32
      %dma_start3A_194 = tpu.memref_slice %arg5[%dma_start3A_193, %multiple_of3A_172] : memref<32x1000000xf32, #tpu.memory_space<hbm>> -> memref<32x128xf32, #tpu.memory_space<hbm>>
      %dma_start3A_195 = arith.constant 0 : i32
      %dma_start3A_196 = arith.constant 0 : i32
      %dma_start3A_197 = tpu.memref_slice %arg10[%dma_start3A_187, %dma_start3A_188, %dma_start3A_195, %dma_start3A_196] : memref<2x4x32x128xf32, #tpu.memory_space<vmem>> -> memref<1x1x32x128xf32, #tpu.memory_space<vmem>>
      %dma_start3A_198 = tpu.memref_squeeze %dma_start3A_197 : memref<1x1x32x128xf32, #tpu.memory_space<vmem>> -> memref<32x128xf32, #tpu.memory_space<vmem>>
      %dma_start3A_199 = arith.constant 0 : i32
      %dma_start3A_200 = tpu.memref_slice %arg5[%dma_start3A_199, %multiple_of3A_172] : memref<32x1000000xf32, #tpu.memory_space<hbm>> -> memref<32x128xf32, #tpu.memory_space<hbm>>
      tpu.enqueue_dma source(%dma_start3A_200 : memref<32x128xf32, #tpu.memory_space<hbm>>) target(%dma_start3A_198 : memref<32x128xf32, #tpu.memory_space<vmem>>) target_semaphore(%arg14 : memref<!tpu.dma_semaphore, #tpu.memory_space<semaphore_mem>>)
      %slice3A_201 = vector.extract_strided_slice %get3A_37 {offsets = [2], sizes = [1], strides = [1]} : vector<16xi32> to vector<1xi32>
      %squeeze3A_202 = vector.extract %slice3A_201[0] : i32 from vector<1xi32>
      %jit3A_203 = arith.constant 128 : i32
      %div3A_204 = arith.divsi %squeeze3A_202, %jit3A_203 : i32
      %sign3A_205 = arith.constant 0 : i32
      %sign3A_206 = arith.cmpi sgt, %squeeze3A_202, %sign3A_205 : i32
      %sign3A_207 = arith.extui %sign3A_206 : i1 to i32
      %sign3A_208 = arith.constant 0 : i32
      %sign3A_209 = arith.cmpi slt, %squeeze3A_202, %sign3A_208 : i32
      %sign3A_210 = arith.extui %sign3A_209 : i1 to i32
      %sign3A_211 = arith.subi %sign3A_207, %sign3A_210 : i32
      %sign3A_212 = arith.constant 0 : i32
      %sign3A_213 = arith.cmpi sgt, %jit3A_203, %sign3A_212 : i32
      %sign3A_214 = arith.extui %sign3A_213 : i1 to i32
      %sign3A_215 = arith.constant 0 : i32
      %sign3A_216 = arith.cmpi slt, %jit3A_203, %sign3A_215 : i32
      %sign3A_217 = arith.extui %sign3A_216 : i1 to i32
      %sign3A_218 = arith.subi %sign3A_214, %sign3A_217 : i32
      %ne3A_219 = arith.cmpi ne, %sign3A_211, %sign3A_218 : i32
      %rem3A_220 = arith.remsi %squeeze3A_202, %jit3A_203 : i32
      %ne3A_221 = arith.constant 0 : i32
      %ne3A_222 = arith.cmpi ne, %rem3A_220, %ne3A_221 : i32
      %and3A_223 = arith.andi %ne3A_219, %ne3A_222 : i1
      %sub3A_224 = arith.constant 1 : i32
      %sub3A_225 = arith.subi %div3A_204, %sub3A_224 : i32
      %select_n3A_226 = arith.select %and3A_223, %sub3A_225, %div3A_204 : i32
      %mul3A_227 = arith.constant 128 : i32
      %mul3A_228 = arith.muli %select_n3A_226, %mul3A_227 : i32
      %multiple_of3A_229 = tpu.assume_multiple %mul3A_228, 128 : i32
      %slice3A_230 = vector.extract_strided_slice %get3A_39 {offsets = [2], sizes = [1], strides = [1]} : vector<16xi32> to vector<1xi32>
      %squeeze3A_231 = vector.extract %slice3A_230[0] : i32 from vector<1xi32>
      %jit3A_232 = arith.constant 128 : i32
      %div3A_233 = arith.divsi %squeeze3A_231, %jit3A_232 : i32
      %sign3A_234 = arith.constant 0 : i32
      %sign3A_235 = arith.cmpi sgt, %squeeze3A_231, %sign3A_234 : i32
      %sign3A_236 = arith.extui %sign3A_235 : i1 to i32
      %sign3A_237 = arith.constant 0 : i32
      %sign3A_238 = arith.cmpi slt, %squeeze3A_231, %sign3A_237 : i32
      %sign3A_239 = arith.extui %sign3A_238 : i1 to i32
      %sign3A_240 = arith.subi %sign3A_236, %sign3A_239 : i32
      %sign3A_241 = arith.constant 0 : i32
      %sign3A_242 = arith.cmpi sgt, %jit3A_232, %sign3A_241 : i32
      %sign3A_243 = arith.extui %sign3A_242 : i1 to i32
      %sign3A_244 = arith.constant 0 : i32
      %sign3A_245 = arith.cmpi slt, %jit3A_232, %sign3A_244 : i32
      %sign3A_246 = arith.extui %sign3A_245 : i1 to i32
      %sign3A_247 = arith.subi %sign3A_243, %sign3A_246 : i32
      %ne3A_248 = arith.cmpi ne, %sign3A_240, %sign3A_247 : i32
      %rem3A_249 = arith.remsi %squeeze3A_231, %jit3A_232 : i32
      %ne3A_250 = arith.constant 0 : i32
      %ne3A_251 = arith.cmpi ne, %rem3A_249, %ne3A_250 : i32
      %and3A_252 = arith.andi %ne3A_248, %ne3A_251 : i1
      %sub3A_253 = arith.constant 1 : i32
      %sub3A_254 = arith.subi %div3A_233, %sub3A_253 : i32
      %select_n3A_255 = arith.select %and3A_252, %sub3A_254, %div3A_233 : i32
      %mul3A_256 = arith.constant 128 : i32
      %mul3A_257 = arith.muli %select_n3A_255, %mul3A_256 : i32
      %multiple_of3A_258 = tpu.assume_multiple %mul3A_257, 128 : i32
      %dma_start3A_259 = arith.constant 0 : i32
      %dma_start3A_260 = arith.constant 2 : i32
      %dma_start3A_261 = arith.constant 0 : i32
      %dma_start3A_262 = arith.constant 0 : i32
      %dma_start3A_263 = tpu.memref_slice %arg9[%dma_start3A_259, %dma_start3A_260, %dma_start3A_261, %dma_start3A_262] : memref<2x4x32x128xf32, #tpu.memory_space<vmem>> -> memref<1x1x32x128xf32, #tpu.memory_space<vmem>>
      %dma_start3A_264 = tpu.memref_squeeze %dma_start3A_263 : memref<1x1x32x128xf32, #tpu.memory_space<vmem>> -> memref<32x128xf32, #tpu.memory_space<vmem>>
      %dma_start3A_265 = arith.constant 0 : i32
      %dma_start3A_266 = tpu.memref_slice %arg4[%dma_start3A_265, %multiple_of3A_229] : memref<32x1000000xf32, #tpu.memory_space<hbm>> -> memref<32x128xf32, #tpu.memory_space<hbm>>
      %dma_start3A_267 = arith.constant 0 : i32
      %dma_start3A_268 = arith.constant 0 : i32
      %dma_start3A_269 = tpu.memref_slice %arg9[%dma_start3A_259, %dma_start3A_260, %dma_start3A_267, %dma_start3A_268] : memref<2x4x32x128xf32, #tpu.memory_space<vmem>> -> memref<1x1x32x128xf32, #tpu.memory_space<vmem>>
      %dma_start3A_270 = tpu.memref_squeeze %dma_start3A_269 : memref<1x1x32x128xf32, #tpu.memory_space<vmem>> -> memref<32x128xf32, #tpu.memory_space<vmem>>
      %dma_start3A_271 = arith.constant 0 : i32
      %dma_start3A_272 = tpu.memref_slice %arg4[%dma_start3A_271, %multiple_of3A_229] : memref<32x1000000xf32, #tpu.memory_space<hbm>> -> memref<32x128xf32, #tpu.memory_space<hbm>>
      tpu.enqueue_dma source(%dma_start3A_272 : memref<32x128xf32, #tpu.memory_space<hbm>>) target(%dma_start3A_270 : memref<32x128xf32, #tpu.memory_space<vmem>>) target_semaphore(%arg14 : memref<!tpu.dma_semaphore, #tpu.memory_space<semaphore_mem>>)
      %dma_start3A_273 = arith.constant 0 : i32
      %dma_start3A_274 = arith.constant 2 : i32
      %dma_start3A_275 = arith.constant 0 : i32
      %dma_start3A_276 = arith.constant 0 : i32
      %dma_start3A_277 = tpu.memref_slice %arg10[%dma_start3A_273, %dma_start3A_274, %dma_start3A_275, %dma_start3A_276] : memref<2x4x32x128xf32, #tpu.memory_space<vmem>> -> memref<1x1x32x128xf32, #tpu.memory_space<vmem>>
      %dma_start3A_278 = tpu.memref_squeeze %dma_start3A_277 : memref<1x1x32x128xf32, #tpu.memory_space<vmem>> -> memref<32x128xf32, #tpu.memory_space<vmem>>
      %dma_start3A_279 = arith.constant 0 : i32
      %dma_start3A_280 = tpu.memref_slice %arg5[%dma_start3A_279, %multiple_of3A_258] : memref<32x1000000xf32, #tpu.memory_space<hbm>> -> memref<32x128xf32, #tpu.memory_space<hbm>>
      %dma_start3A_281 = arith.constant 0 : i32
      %dma_start3A_282 = arith.constant 0 : i32
      %dma_start3A_283 = tpu.memref_slice %arg10[%dma_start3A_273, %dma_start3A_274, %dma_start3A_281, %dma_start3A_282] : memref<2x4x32x128xf32, #tpu.memory_space<vmem>> -> memref<1x1x32x128xf32, #tpu.memory_space<vmem>>
      %dma_start3A_284 = tpu.memref_squeeze %dma_start3A_283 : memref<1x1x32x128xf32, #tpu.memory_space<vmem>> -> memref<32x128xf32, #tpu.memory_space<vmem>>
      %dma_start3A_285 = arith.constant 0 : i32
      %dma_start3A_286 = tpu.memref_slice %arg5[%dma_start3A_285, %multiple_of3A_258] : memref<32x1000000xf32, #tpu.memory_space<hbm>> -> memref<32x128xf32, #tpu.memory_space<hbm>>
      tpu.enqueue_dma source(%dma_start3A_286 : memref<32x128xf32, #tpu.memory_space<hbm>>) target(%dma_start3A_284 : memref<32x128xf32, #tpu.memory_space<vmem>>) target_semaphore(%arg14 : memref<!tpu.dma_semaphore, #tpu.memory_space<semaphore_mem>>)
      %slice3A_287 = vector.extract_strided_slice %get3A_37 {offsets = [3], sizes = [1], strides = [1]} : vector<16xi32> to vector<1xi32>
      %squeeze3A_288 = vector.extract %slice3A_287[0] : i32 from vector<1xi32>
      %jit3A_289 = arith.constant 128 : i32
      %div3A_290 = arith.divsi %squeeze3A_288, %jit3A_289 : i32
      %sign3A_291 = arith.constant 0 : i32
      %sign3A_292 = arith.cmpi sgt, %squeeze3A_288, %sign3A_291 : i32
      %sign3A_293 = arith.extui %sign3A_292 : i1 to i32
      %sign3A_294 = arith.constant 0 : i32
      %sign3A_295 = arith.cmpi slt, %squeeze3A_288, %sign3A_294 : i32
      %sign3A_296 = arith.extui %sign3A_295 : i1 to i32
      %sign3A_297 = arith.subi %sign3A_293, %sign3A_296 : i32
      %sign3A_298 = arith.constant 0 : i32
      %sign3A_299 = arith.cmpi sgt, %jit3A_289, %sign3A_298 : i32
      %sign3A_300 = arith.extui %sign3A_299 : i1 to i32
      %sign3A_301 = arith.constant 0 : i32
      %sign3A_302 = arith.cmpi slt, %jit3A_289, %sign3A_301 : i32
      %sign3A_303 = arith.extui %sign3A_302 : i1 to i32
      %sign3A_304 = arith.subi %sign3A_300, %sign3A_303 : i32
      %ne3A_305 = arith.cmpi ne, %sign3A_297, %sign3A_304 : i32
      %rem3A_306 = arith.remsi %squeeze3A_288, %jit3A_289 : i32
      %ne3A_307 = arith.constant 0 : i32
      %ne3A_308 = arith.cmpi ne, %rem3A_306, %ne3A_307 : i32
      %and3A_309 = arith.andi %ne3A_305, %ne3A_308 : i1
      %sub3A_310 = arith.constant 1 : i32
      %sub3A_311 = arith.subi %div3A_290, %sub3A_310 : i32
      %select_n3A_312 = arith.select %and3A_309, %sub3A_311, %div3A_290 : i32
      %mul3A_313 = arith.constant 128 : i32
      %mul3A_314 = arith.muli %select_n3A_312, %mul3A_313 : i32
      %multiple_of3A_315 = tpu.assume_multiple %mul3A_314, 128 : i32
      %slice3A_316 = vector.extract_strided_slice %get3A_39 {offsets = [3], sizes = [1], strides = [1]} : vector<16xi32> to vector<1xi32>
      %squeeze3A_317 = vector.extract %slice3A_316[0] : i32 from vector<1xi32>
      %jit3A_318 = arith.constant 128 : i32
      %div3A_319 = arith.divsi %squeeze3A_317, %jit3A_318 : i32
      %sign3A_320 = arith.constant 0 : i32
      %sign3A_321 = arith.cmpi sgt, %squeeze3A_317, %sign3A_320 : i32
      %sign3A_322 = arith.extui %sign3A_321 : i1 to i32
      %sign3A_323 = arith.constant 0 : i32
      %sign3A_324 = arith.cmpi slt, %squeeze3A_317, %sign3A_323 : i32
      %sign3A_325 = arith.extui %sign3A_324 : i1 to i32
      %sign3A_326 = arith.subi %sign3A_322, %sign3A_325 : i32
      %sign3A_327 = arith.constant 0 : i32
      %sign3A_328 = arith.cmpi sgt, %jit3A_318, %sign3A_327 : i32
      %sign3A_329 = arith.extui %sign3A_328 : i1 to i32
      %sign3A_330 = arith.constant 0 : i32
      %sign3A_331 = arith.cmpi slt, %jit3A_318, %sign3A_330 : i32
      %sign3A_332 = arith.extui %sign3A_331 : i1 to i32
      %sign3A_333 = arith.subi %sign3A_329, %sign3A_332 : i32
      %ne3A_334 = arith.cmpi ne, %sign3A_326, %sign3A_333 : i32
      %rem3A_335 = arith.remsi %squeeze3A_317, %jit3A_318 : i32
      %ne3A_336 = arith.constant 0 : i32
      %ne3A_337 = arith.cmpi ne, %rem3A_335, %ne3A_336 : i32
      %and3A_338 = arith.andi %ne3A_334, %ne3A_337 : i1
      %sub3A_339 = arith.constant 1 : i32
      %sub3A_340 = arith.subi %div3A_319, %sub3A_339 : i32
      %select_n3A_341 = arith.select %and3A_338, %sub3A_340, %div3A_319 : i32
      %mul3A_342 = arith.constant 128 : i32
      %mul3A_343 = arith.muli %select_n3A_341, %mul3A_342 : i32
      %multiple_of3A_344 = tpu.assume_multiple %mul3A_343, 128 : i32
      %dma_start3A_345 = arith.constant 0 : i32
      %dma_start3A_346 = arith.constant 3 : i32
      %dma_start3A_347 = arith.constant 0 : i32
      %dma_start3A_348 = arith.constant 0 : i32
      %dma_start3A_349 = tpu.memref_slice %arg9[%dma_start3A_345, %dma_start3A_346, %dma_start3A_347, %dma_start3A_348] : memref<2x4x32x128xf32, #tpu.memory_space<vmem>> -> memref<1x1x32x128xf32, #tpu.memory_space<vmem>>
      %dma_start3A_350 = tpu.memref_squeeze %dma_start3A_349 : memref<1x1x32x128xf32, #tpu.memory_space<vmem>> -> memref<32x128xf32, #tpu.memory_space<vmem>>
      %dma_start3A_351 = arith.constant 0 : i32
      %dma_start3A_352 = tpu.memref_slice %arg4[%dma_start3A_351, %multiple_of3A_315] : memref<32x1000000xf32, #tpu.memory_space<hbm>> -> memref<32x128xf32, #tpu.memory_space<hbm>>
      %dma_start3A_353 = arith.constant 0 : i32
      %dma_start3A_354 = arith.constant 0 : i32
      %dma_start3A_355 = tpu.memref_slice %arg9[%dma_start3A_345, %dma_start3A_346, %dma_start3A_353, %dma_start3A_354] : memref<2x4x32x128xf32, #tpu.memory_space<vmem>> -> memref<1x1x32x128xf32, #tpu.memory_space<vmem>>
      %dma_start3A_356 = tpu.memref_squeeze %dma_start3A_355 : memref<1x1x32x128xf32, #tpu.memory_space<vmem>> -> memref<32x128xf32, #tpu.memory_space<vmem>>
      %dma_start3A_357 = arith.constant 0 : i32
      %dma_start3A_358 = tpu.memref_slice %arg4[%dma_start3A_357, %multiple_of3A_315] : memref<32x1000000xf32, #tpu.memory_space<hbm>> -> memref<32x128xf32, #tpu.memory_space<hbm>>
      tpu.enqueue_dma source(%dma_start3A_358 : memref<32x128xf32, #tpu.memory_space<hbm>>) target(%dma_start3A_356 : memref<32x128xf32, #tpu.memory_space<vmem>>) target_semaphore(%arg14 : memref<!tpu.dma_semaphore, #tpu.memory_space<semaphore_mem>>)
      %dma_start3A_359 = arith.constant 0 : i32
      %dma_start3A_360 = arith.constant 3 : i32
      %dma_start3A_361 = arith.constant 0 : i32
      %dma_start3A_362 = arith.constant 0 : i32
      %dma_start3A_363 = tpu.memref_slice %arg10[%dma_start3A_359, %dma_start3A_360, %dma_start3A_361, %dma_start3A_362] : memref<2x4x32x128xf32, #tpu.memory_space<vmem>> -> memref<1x1x32x128xf32, #tpu.memory_space<vmem>>
      %dma_start3A_364 = tpu.memref_squeeze %dma_start3A_363 : memref<1x1x32x128xf32, #tpu.memory_space<vmem>> -> memref<32x128xf32, #tpu.memory_space<vmem>>
      %dma_start3A_365 = arith.constant 0 : i32
      %dma_start3A_366 = tpu.memref_slice %arg5[%dma_start3A_365, %multiple_of3A_344] : memref<32x1000000xf32, #tpu.memory_space<hbm>> -> memref<32x128xf32, #tpu.memory_space<hbm>>
      %dma_start3A_367 = arith.constant 0 : i32
      %dma_start3A_368 = arith.constant 0 : i32
      %dma_start3A_369 = tpu.memref_slice %arg10[%dma_start3A_359, %dma_start3A_360, %dma_start3A_367, %dma_start3A_368] : memref<2x4x32x128xf32, #tpu.memory_space<vmem>> -> memref<1x1x32x128xf32, #tpu.memory_space<vmem>>
      %dma_start3A_370 = tpu.memref_squeeze %dma_start3A_369 : memref<1x1x32x128xf32, #tpu.memory_space<vmem>> -> memref<32x128xf32, #tpu.memory_space<vmem>>
      %dma_start3A_371 = arith.constant 0 : i32
      %dma_start3A_372 = tpu.memref_slice %arg5[%dma_start3A_371, %multiple_of3A_344] : memref<32x1000000xf32, #tpu.memory_space<hbm>> -> memref<32x128xf32, #tpu.memory_space<hbm>>
      tpu.enqueue_dma source(%dma_start3A_372 : memref<32x128xf32, #tpu.memory_space<hbm>>) target(%dma_start3A_370 : memref<32x128xf32, #tpu.memory_space<vmem>>) target_semaphore(%arg14 : memref<!tpu.dma_semaphore, #tpu.memory_space<semaphore_mem>>)
      %slice3A_373 = vector.extract_strided_slice %get3A_37 {offsets = [4], sizes = [1], strides = [1]} : vector<16xi32> to vector<1xi32>
      %squeeze3A_374 = vector.extract %slice3A_373[0] : i32 from vector<1xi32>
      %jit3A_375 = arith.constant 128 : i32
      %div3A_376 = arith.divsi %squeeze3A_374, %jit3A_375 : i32
      %sign3A_377 = arith.constant 0 : i32
      %sign3A_378 = arith.cmpi sgt, %squeeze3A_374, %sign3A_377 : i32
      %sign3A_379 = arith.extui %sign3A_378 : i1 to i32
      %sign3A_380 = arith.constant 0 : i32
      %sign3A_381 = arith.cmpi slt, %squeeze3A_374, %sign3A_380 : i32
      %sign3A_382 = arith.extui %sign3A_381 : i1 to i32
      %sign3A_383 = arith.subi %sign3A_379, %sign3A_382 : i32
      %sign3A_384 = arith.constant 0 : i32
      %sign3A_385 = arith.cmpi sgt, %jit3A_375, %sign3A_384 : i32
      %sign3A_386 = arith.extui %sign3A_385 : i1 to i32
      %sign3A_387 = arith.constant 0 : i32
      %sign3A_388 = arith.cmpi slt, %jit3A_375, %sign3A_387 : i32
      %sign3A_389 = arith.extui %sign3A_388 : i1 to i32
      %sign3A_390 = arith.subi %sign3A_386, %sign3A_389 : i32
      %ne3A_391 = arith.cmpi ne, %sign3A_383, %sign3A_390 : i32
      %rem3A_392 = arith.remsi %squeeze3A_374, %jit3A_375 : i32
      %ne3A_393 = arith.constant 0 : i32
      %ne3A_394 = arith.cmpi ne, %rem3A_392, %ne3A_393 : i32
      %and3A_395 = arith.andi %ne3A_391, %ne3A_394 : i1
      %sub3A_396 = arith.constant 1 : i32
      %sub3A_397 = arith.subi %div3A_376, %sub3A_396 : i32
      %select_n3A_398 = arith.select %and3A_395, %sub3A_397, %div3A_376 : i32
      %mul3A_399 = arith.constant 128 : i32
      %mul3A_400 = arith.muli %select_n3A_398, %mul3A_399 : i32
      %multiple_of3A_401 = tpu.assume_multiple %mul3A_400, 128 : i32
      %slice3A_402 = vector.extract_strided_slice %get3A_39 {offsets = [4], sizes = [1], strides = [1]} : vector<16xi32> to vector<1xi32>
      %squeeze3A_403 = vector.extract %slice3A_402[0] : i32 from vector<1xi32>
      %jit3A_404 = arith.constant 128 : i32
      %div3A_405 = arith.divsi %squeeze3A_403, %jit3A_404 : i32
      %sign3A_406 = arith.constant 0 : i32
      %sign3A_407 = arith.cmpi sgt, %squeeze3A_403, %sign3A_406 : i32
      %sign3A_408 = arith.extui %sign3A_407 : i1 to i32
      %sign3A_409 = arith.constant 0 : i32
      %sign3A_410 = arith.cmpi slt, %squeeze3A_403, %sign3A_409 : i32
      %sign3A_411 = arith.extui %sign3A_410 : i1 to i32
      %sign3A_412 = arith.subi %sign3A_408, %sign3A_411 : i32
      %sign3A_413 = arith.constant 0 : i32
      %sign3A_414 = arith.cmpi sgt, %jit3A_404, %sign3A_413 : i32
      %sign3A_415 = arith.extui %sign3A_414 : i1 to i32
      %sign3A_416 = arith.constant 0 : i32
      %sign3A_417 = arith.cmpi slt, %jit3A_404, %sign3A_416 : i32
      %sign3A_418 = arith.extui %sign3A_417 : i1 to i32
      %sign3A_419 = arith.subi %sign3A_415, %sign3A_418 : i32
      %ne3A_420 = arith.cmpi ne, %sign3A_412, %sign3A_419 : i32
      %rem3A_421 = arith.remsi %squeeze3A_403, %jit3A_404 : i32
      %ne3A_422 = arith.constant 0 : i32
      %ne3A_423 = arith.cmpi ne, %rem3A_421, %ne3A_422 : i32
      %and3A_424 = arith.andi %ne3A_420, %ne3A_423 : i1
      %sub3A_425 = arith.constant 1 : i32
      %sub3A_426 = arith.subi %div3A_405, %sub3A_425 : i32
      %select_n3A_427 = arith.select %and3A_424, %sub3A_426, %div3A_405 : i32
      %mul3A_428 = arith.constant 128 : i32
      %mul3A_429 = arith.muli %select_n3A_427, %mul3A_428 : i32
      %multiple_of3A_430 = tpu.assume_multiple %mul3A_429, 128 : i32
      %dma_start3A_431 = arith.constant 1 : i32
      %dma_start3A_432 = arith.constant 0 : i32
      %dma_start3A_433 = arith.constant 0 : i32
      %dma_start3A_434 = arith.constant 0 : i32
      %dma_start3A_435 = tpu.memref_slice %arg9[%dma_start3A_431, %dma_start3A_432, %dma_start3A_433, %dma_start3A_434] : memref<2x4x32x128xf32, #tpu.memory_space<vmem>> -> memref<1x1x32x128xf32, #tpu.memory_space<vmem>>
      %dma_start3A_436 = tpu.memref_squeeze %dma_start3A_435 : memref<1x1x32x128xf32, #tpu.memory_space<vmem>> -> memref<32x128xf32, #tpu.memory_space<vmem>>
      %dma_start3A_437 = arith.constant 0 : i32
      %dma_start3A_438 = tpu.memref_slice %arg4[%dma_start3A_437, %multiple_of3A_401] : memref<32x1000000xf32, #tpu.memory_space<hbm>> -> memref<32x128xf32, #tpu.memory_space<hbm>>
      %dma_start3A_439 = arith.constant 0 : i32
      %dma_start3A_440 = arith.constant 0 : i32
      %dma_start3A_441 = tpu.memref_slice %arg9[%dma_start3A_431, %dma_start3A_432, %dma_start3A_439, %dma_start3A_440] : memref<2x4x32x128xf32, #tpu.memory_space<vmem>> -> memref<1x1x32x128xf32, #tpu.memory_space<vmem>>
      %dma_start3A_442 = tpu.memref_squeeze %dma_start3A_441 : memref<1x1x32x128xf32, #tpu.memory_space<vmem>> -> memref<32x128xf32, #tpu.memory_space<vmem>>
      %dma_start3A_443 = arith.constant 0 : i32
      %dma_start3A_444 = tpu.memref_slice %arg4[%dma_start3A_443, %multiple_of3A_401] : memref<32x1000000xf32, #tpu.memory_space<hbm>> -> memref<32x128xf32, #tpu.memory_space<hbm>>
      tpu.enqueue_dma source(%dma_start3A_444 : memref<32x128xf32, #tpu.memory_space<hbm>>) target(%dma_start3A_442 : memref<32x128xf32, #tpu.memory_space<vmem>>) target_semaphore(%arg14 : memref<!tpu.dma_semaphore, #tpu.memory_space<semaphore_mem>>)
      %dma_start3A_445 = arith.constant 1 : i32
      %dma_start3A_446 = arith.constant 0 : i32
      %dma_start3A_447 = arith.constant 0 : i32
      %dma_start3A_448 = arith.constant 0 : i32
      %dma_start3A_449 = tpu.memref_slice %arg10[%dma_start3A_445, %dma_start3A_446, %dma_start3A_447, %dma_start3A_448] : memref<2x4x32x128xf32, #tpu.memory_space<vmem>> -> memref<1x1x32x128xf32, #tpu.memory_space<vmem>>
      %dma_start3A_450 = tpu.memref_squeeze %dma_start3A_449 : memref<1x1x32x128xf32, #tpu.memory_space<vmem>> -> memref<32x128xf32, #tpu.memory_space<vmem>>
      %dma_start3A_451 = arith.constant 0 : i32
      %dma_start3A_452 = tpu.memref_slice %arg5[%dma_start3A_451, %multiple_of3A_430] : memref<32x1000000xf32, #tpu.memory_space<hbm>> -> memref<32x128xf32, #tpu.memory_space<hbm>>
      %dma_start3A_453 = arith.constant 0 : i32
      %dma_start3A_454 = arith.constant 0 : i32
      %dma_start3A_455 = tpu.memref_slice %arg10[%dma_start3A_445, %dma_start3A_446, %dma_start3A_453, %dma_start3A_454] : memref<2x4x32x128xf32, #tpu.memory_space<vmem>> -> memref<1x1x32x128xf32, #tpu.memory_space<vmem>>
      %dma_start3A_456 = tpu.memref_squeeze %dma_start3A_455 : memref<1x1x32x128xf32, #tpu.memory_space<vmem>> -> memref<32x128xf32, #tpu.memory_space<vmem>>
      %dma_start3A_457 = arith.constant 0 : i32
      %dma_start3A_458 = tpu.memref_slice %arg5[%dma_start3A_457, %multiple_of3A_430] : memref<32x1000000xf32, #tpu.memory_space<hbm>> -> memref<32x128xf32, #tpu.memory_space<hbm>>
      tpu.enqueue_dma source(%dma_start3A_458 : memref<32x128xf32, #tpu.memory_space<hbm>>) target(%dma_start3A_456 : memref<32x128xf32, #tpu.memory_space<vmem>>) target_semaphore(%arg14 : memref<!tpu.dma_semaphore, #tpu.memory_space<semaphore_mem>>)
      %slice3A_459 = vector.extract_strided_slice %get3A_37 {offsets = [5], sizes = [1], strides = [1]} : vector<16xi32> to vector<1xi32>
      %squeeze3A_460 = vector.extract %slice3A_459[0] : i32 from vector<1xi32>
      %jit3A_461 = arith.constant 128 : i32
      %div3A_462 = arith.divsi %squeeze3A_460, %jit3A_461 : i32
      %sign3A_463 = arith.constant 0 : i32
      %sign3A_464 = arith.cmpi sgt, %squeeze3A_460, %sign3A_463 : i32
      %sign3A_465 = arith.extui %sign3A_464 : i1 to i32
      %sign3A_466 = arith.constant 0 : i32
      %sign3A_467 = arith.cmpi slt, %squeeze3A_460, %sign3A_466 : i32
      %sign3A_468 = arith.extui %sign3A_467 : i1 to i32
      %sign3A_469 = arith.subi %sign3A_465, %sign3A_468 : i32
      %sign3A_470 = arith.constant 0 : i32
      %sign3A_471 = arith.cmpi sgt, %jit3A_461, %sign3A_470 : i32
      %sign3A_472 = arith.extui %sign3A_471 : i1 to i32
      %sign3A_473 = arith.constant 0 : i32
      %sign3A_474 = arith.cmpi slt, %jit3A_461, %sign3A_473 : i32
      %sign3A_475 = arith.extui %sign3A_474 : i1 to i32
      %sign3A_476 = arith.subi %sign3A_472, %sign3A_475 : i32
      %ne3A_477 = arith.cmpi ne, %sign3A_469, %sign3A_476 : i32
      %rem3A_478 = arith.remsi %squeeze3A_460, %jit3A_461 : i32
      %ne3A_479 = arith.constant 0 : i32
      %ne3A_480 = arith.cmpi ne, %rem3A_478, %ne3A_479 : i32
      %and3A_481 = arith.andi %ne3A_477, %ne3A_480 : i1
      %sub3A_482 = arith.constant 1 : i32
      %sub3A_483 = arith.subi %div3A_462, %sub3A_482 : i32
      %select_n3A_484 = arith.select %and3A_481, %sub3A_483, %div3A_462 : i32
      %mul3A_485 = arith.constant 128 : i32
      %mul3A_486 = arith.muli %select_n3A_484, %mul3A_485 : i32
      %multiple_of3A_487 = tpu.assume_multiple %mul3A_486, 128 : i32
      %slice3A_488 = vector.extract_strided_slice %get3A_39 {offsets = [5], sizes = [1], strides = [1]} : vector<16xi32> to vector<1xi32>
      %squeeze3A_489 = vector.extract %slice3A_488[0] : i32 from vector<1xi32>
      %jit3A_490 = arith.constant 128 : i32
      %div3A_491 = arith.divsi %squeeze3A_489, %jit3A_490 : i32
      %sign3A_492 = arith.constant 0 : i32
      %sign3A_493 = arith.cmpi sgt, %squeeze3A_489, %sign3A_492 : i32
      %sign3A_494 = arith.extui %sign3A_493 : i1 to i32
      %sign3A_495 = arith.constant 0 : i32
      %sign3A_496 = arith.cmpi slt, %squeeze3A_489, %sign3A_495 : i32
      %sign3A_497 = arith.extui %sign3A_496 : i1 to i32
      %sign3A_498 = arith.subi %sign3A_494, %sign3A_497 : i32
      %sign3A_499 = arith.constant 0 : i32
      %sign3A_500 = arith.cmpi sgt, %jit3A_490, %sign3A_499 : i32
      %sign3A_501 = arith.extui %sign3A_500 : i1 to i32
      %sign3A_502 = arith.constant 0 : i32
      %sign3A_503 = arith.cmpi slt, %jit3A_490, %sign3A_502 : i32
      %sign3A_504 = arith.extui %sign3A_503 : i1 to i32
      %sign3A_505 = arith.subi %sign3A_501, %sign3A_504 : i32
      %ne3A_506 = arith.cmpi ne, %sign3A_498, %sign3A_505 : i32
      %rem3A_507 = arith.remsi %squeeze3A_489, %jit3A_490 : i32
      %ne3A_508 = arith.constant 0 : i32
      %ne3A_509 = arith.cmpi ne, %rem3A_507, %ne3A_508 : i32
      %and3A_510 = arith.andi %ne3A_506, %ne3A_509 : i1
      %sub3A_511 = arith.constant 1 : i32
      %sub3A_512 = arith.subi %div3A_491, %sub3A_511 : i32
      %select_n3A_513 = arith.select %and3A_510, %sub3A_512, %div3A_491 : i32
      %mul3A_514 = arith.constant 128 : i32
      %mul3A_515 = arith.muli %select_n3A_513, %mul3A_514 : i32
      %multiple_of3A_516 = tpu.assume_multiple %mul3A_515, 128 : i32
      %dma_start3A_517 = arith.constant 1 : i32
      %dma_start3A_518 = arith.constant 1 : i32
      %dma_start3A_519 = arith.constant 0 : i32
      %dma_start3A_520 = arith.constant 0 : i32
      %dma_start3A_521 = tpu.memref_slice %arg9[%dma_start3A_517, %dma_start3A_518, %dma_start3A_519, %dma_start3A_520] : memref<2x4x32x128xf32, #tpu.memory_space<vmem>> -> memref<1x1x32x128xf32, #tpu.memory_space<vmem>>
      %dma_start3A_522 = tpu.memref_squeeze %dma_start3A_521 : memref<1x1x32x128xf32, #tpu.memory_space<vmem>> -> memref<32x128xf32, #tpu.memory_space<vmem>>
      %dma_start3A_523 = arith.constant 0 : i32
      %dma_start3A_524 = tpu.memref_slice %arg4[%dma_start3A_523, %multiple_of3A_487] : memref<32x1000000xf32, #tpu.memory_space<hbm>> -> memref<32x128xf32, #tpu.memory_space<hbm>>
      %dma_start3A_525 = arith.constant 0 : i32
      %dma_start3A_526 = arith.constant 0 : i32
      %dma_start3A_527 = tpu.memref_slice %arg9[%dma_start3A_517, %dma_start3A_518, %dma_start3A_525, %dma_start3A_526] : memref<2x4x32x128xf32, #tpu.memory_space<vmem>> -> memref<1x1x32x128xf32, #tpu.memory_space<vmem>>
      %dma_start3A_528 = tpu.memref_squeeze %dma_start3A_527 : memref<1x1x32x128xf32, #tpu.memory_space<vmem>> -> memref<32x128xf32, #tpu.memory_space<vmem>>
      %dma_start3A_529 = arith.constant 0 : i32
      %dma_start3A_530 = tpu.memref_slice %arg4[%dma_start3A_529, %multiple_of3A_487] : memref<32x1000000xf32, #tpu.memory_space<hbm>> -> memref<32x128xf32, #tpu.memory_space<hbm>>
      tpu.enqueue_dma source(%dma_start3A_530 : memref<32x128xf32, #tpu.memory_space<hbm>>) target(%dma_start3A_528 : memref<32x128xf32, #tpu.memory_space<vmem>>) target_semaphore(%arg14 : memref<!tpu.dma_semaphore, #tpu.memory_space<semaphore_mem>>)
      %dma_start3A_531 = arith.constant 1 : i32
      %dma_start3A_532 = arith.constant 1 : i32
      %dma_start3A_533 = arith.constant 0 : i32
      %dma_start3A_534 = arith.constant 0 : i32
      %dma_start3A_535 = tpu.memref_slice %arg10[%dma_start3A_531, %dma_start3A_532, %dma_start3A_533, %dma_start3A_534] : memref<2x4x32x128xf32, #tpu.memory_space<vmem>> -> memref<1x1x32x128xf32, #tpu.memory_space<vmem>>
      %dma_start3A_536 = tpu.memref_squeeze %dma_start3A_535 : memref<1x1x32x128xf32, #tpu.memory_space<vmem>> -> memref<32x128xf32, #tpu.memory_space<vmem>>
      %dma_start3A_537 = arith.constant 0 : i32
      %dma_start3A_538 = tpu.memref_slice %arg5[%dma_start3A_537, %multiple_of3A_516] : memref<32x1000000xf32, #tpu.memory_space<hbm>> -> memref<32x128xf32, #tpu.memory_space<hbm>>
      %dma_start3A_539 = arith.constant 0 : i32
      %dma_start3A_540 = arith.constant 0 : i32
      %dma_start3A_541 = tpu.memref_slice %arg10[%dma_start3A_531, %dma_start3A_532, %dma_start3A_539, %dma_start3A_540] : memref<2x4x32x128xf32, #tpu.memory_space<vmem>> -> memref<1x1x32x128xf32, #tpu.memory_space<vmem>>
      %dma_start3A_542 = tpu.memref_squeeze %dma_start3A_541 : memref<1x1x32x128xf32, #tpu.memory_space<vmem>> -> memref<32x128xf32, #tpu.memory_space<vmem>>
      %dma_start3A_543 = arith.constant 0 : i32
      %dma_start3A_544 = tpu.memref_slice %arg5[%dma_start3A_543, %multiple_of3A_516] : memref<32x1000000xf32, #tpu.memory_space<hbm>> -> memref<32x128xf32, #tpu.memory_space<hbm>>
      tpu.enqueue_dma source(%dma_start3A_544 : memref<32x128xf32, #tpu.memory_space<hbm>>) target(%dma_start3A_542 : memref<32x128xf32, #tpu.memory_space<vmem>>) target_semaphore(%arg14 : memref<!tpu.dma_semaphore, #tpu.memory_space<semaphore_mem>>)
      %slice3A_545 = vector.extract_strided_slice %get3A_37 {offsets = [6], sizes = [1], strides = [1]} : vector<16xi32> to vector<1xi32>
      %squeeze3A_546 = vector.extract %slice3A_545[0] : i32 from vector<1xi32>
      %jit3A_547 = arith.constant 128 : i32
      %div3A_548 = arith.divsi %squeeze3A_546, %jit3A_547 : i32
      %sign3A_549 = arith.constant 0 : i32
      %sign3A_550 = arith.cmpi sgt, %squeeze3A_546, %sign3A_549 : i32
      %sign3A_551 = arith.extui %sign3A_550 : i1 to i32
      %sign3A_552 = arith.constant 0 : i32
      %sign3A_553 = arith.cmpi slt, %squeeze3A_546, %sign3A_552 : i32
      %sign3A_554 = arith.extui %sign3A_553 : i1 to i32
      %sign3A_555 = arith.subi %sign3A_551, %sign3A_554 : i32
      %sign3A_556 = arith.constant 0 : i32
      %sign3A_557 = arith.cmpi sgt, %jit3A_547, %sign3A_556 : i32
      %sign3A_558 = arith.extui %sign3A_557 : i1 to i32
      %sign3A_559 = arith.constant 0 : i32
      %sign3A_560 = arith.cmpi slt, %jit3A_547, %sign3A_559 : i32
      %sign3A_561 = arith.extui %sign3A_560 : i1 to i32
      %sign3A_562 = arith.subi %sign3A_558, %sign3A_561 : i32
      %ne3A_563 = arith.cmpi ne, %sign3A_555, %sign3A_562 : i32
      %rem3A_564 = arith.remsi %squeeze3A_546, %jit3A_547 : i32
      %ne3A_565 = arith.constant 0 : i32
      %ne3A_566 = arith.cmpi ne, %rem3A_564, %ne3A_565 : i32
      %and3A_567 = arith.andi %ne3A_563, %ne3A_566 : i1
      %sub3A_568 = arith.constant 1 : i32
      %sub3A_569 = arith.subi %div3A_548, %sub3A_568 : i32
      %select_n3A_570 = arith.select %and3A_567, %sub3A_569, %div3A_548 : i32
      %mul3A_571 = arith.constant 128 : i32
      %mul3A_572 = arith.muli %select_n3A_570, %mul3A_571 : i32
      %multiple_of3A_573 = tpu.assume_multiple %mul3A_572, 128 : i32
      %slice3A_574 = vector.extract_strided_slice %get3A_39 {offsets = [6], sizes = [1], strides = [1]} : vector<16xi32> to vector<1xi32>
      %squeeze3A_575 = vector.extract %slice3A_574[0] : i32 from vector<1xi32>
      %jit3A_576 = arith.constant 128 : i32
      %div3A_577 = arith.divsi %squeeze3A_575, %jit3A_576 : i32
      %sign3A_578 = arith.constant 0 : i32
      %sign3A_579 = arith.cmpi sgt, %squeeze3A_575, %sign3A_578 : i32
      %sign3A_580 = arith.extui %sign3A_579 : i1 to i32
      %sign3A_581 = arith.constant 0 : i32
      %sign3A_582 = arith.cmpi slt, %squeeze3A_575, %sign3A_581 : i32
      %sign3A_583 = arith.extui %sign3A_582 : i1 to i32
      %sign3A_584 = arith.subi %sign3A_580, %sign3A_583 : i32
      %sign3A_585 = arith.constant 0 : i32
      %sign3A_586 = arith.cmpi sgt, %jit3A_576, %sign3A_585 : i32
      %sign3A_587 = arith.extui %sign3A_586 : i1 to i32
      %sign3A_588 = arith.constant 0 : i32
      %sign3A_589 = arith.cmpi slt, %jit3A_576, %sign3A_588 : i32
      %sign3A_590 = arith.extui %sign3A_589 : i1 to i32
      %sign3A_591 = arith.subi %sign3A_587, %sign3A_590 : i32
      %ne3A_592 = arith.cmpi ne, %sign3A_584, %sign3A_591 : i32
      %rem3A_593 = arith.remsi %squeeze3A_575, %jit3A_576 : i32
      %ne3A_594 = arith.constant 0 : i32
      %ne3A_595 = arith.cmpi ne, %rem3A_593, %ne3A_594 : i32
      %and3A_596 = arith.andi %ne3A_592, %ne3A_595 : i1
      %sub3A_597 = arith.constant 1 : i32
      %sub3A_598 = arith.subi %div3A_577, %sub3A_597 : i32
      %select_n3A_599 = arith.select %and3A_596, %sub3A_598, %div3A_577 : i32
      %mul3A_600 = arith.constant 128 : i32
      %mul3A_601 = arith.muli %select_n3A_599, %mul3A_600 : i32
      %multiple_of3A_602 = tpu.assume_multiple %mul3A_601, 128 : i32
      %dma_start3A_603 = arith.constant 1 : i32
      %dma_start3A_604 = arith.constant 2 : i32
      %dma_start3A_605 = arith.constant 0 : i32
      %dma_start3A_606 = arith.constant 0 : i32
      %dma_start3A_607 = tpu.memref_slice %arg9[%dma_start3A_603, %dma_start3A_604, %dma_start3A_605, %dma_start3A_606] : memref<2x4x32x128xf32, #tpu.memory_space<vmem>> -> memref<1x1x32x128xf32, #tpu.memory_space<vmem>>
      %dma_start3A_608 = tpu.memref_squeeze %dma_start3A_607 : memref<1x1x32x128xf32, #tpu.memory_space<vmem>> -> memref<32x128xf32, #tpu.memory_space<vmem>>
      %dma_start3A_609 = arith.constant 0 : i32
      %dma_start3A_610 = tpu.memref_slice %arg4[%dma_start3A_609, %multiple_of3A_573] : memref<32x1000000xf32, #tpu.memory_space<hbm>> -> memref<32x128xf32, #tpu.memory_space<hbm>>
      %dma_start3A_611 = arith.constant 0 : i32
      %dma_start3A_612 = arith.constant 0 : i32
      %dma_start3A_613 = tpu.memref_slice %arg9[%dma_start3A_603, %dma_start3A_604, %dma_start3A_611, %dma_start3A_612] : memref<2x4x32x128xf32, #tpu.memory_space<vmem>> -> memref<1x1x32x128xf32, #tpu.memory_space<vmem>>
      %dma_start3A_614 = tpu.memref_squeeze %dma_start3A_613 : memref<1x1x32x128xf32, #tpu.memory_space<vmem>> -> memref<32x128xf32, #tpu.memory_space<vmem>>
      %dma_start3A_615 = arith.constant 0 : i32
      %dma_start3A_616 = tpu.memref_slice %arg4[%dma_start3A_615, %multiple_of3A_573] : memref<32x1000000xf32, #tpu.memory_space<hbm>> -> memref<32x128xf32, #tpu.memory_space<hbm>>
      tpu.enqueue_dma source(%dma_start3A_616 : memref<32x128xf32, #tpu.memory_space<hbm>>) target(%dma_start3A_614 : memref<32x128xf32, #tpu.memory_space<vmem>>) target_semaphore(%arg14 : memref<!tpu.dma_semaphore, #tpu.memory_space<semaphore_mem>>)
      %dma_start3A_617 = arith.constant 1 : i32
      %dma_start3A_618 = arith.constant 2 : i32
      %dma_start3A_619 = arith.constant 0 : i32
      %dma_start3A_620 = arith.constant 0 : i32
      %dma_start3A_621 = tpu.memref_slice %arg10[%dma_start3A_617, %dma_start3A_618, %dma_start3A_619, %dma_start3A_620] : memref<2x4x32x128xf32, #tpu.memory_space<vmem>> -> memref<1x1x32x128xf32, #tpu.memory_space<vmem>>
      %dma_start3A_622 = tpu.memref_squeeze %dma_start3A_621 : memref<1x1x32x128xf32, #tpu.memory_space<vmem>> -> memref<32x128xf32, #tpu.memory_space<vmem>>
      %dma_start3A_623 = arith.constant 0 : i32
      %dma_start3A_624 = tpu.memref_slice %arg5[%dma_start3A_623, %multiple_of3A_602] : memref<32x1000000xf32, #tpu.memory_space<hbm>> -> memref<32x128xf32, #tpu.memory_space<hbm>>
      %dma_start3A_625 = arith.constant 0 : i32
      %dma_start3A_626 = arith.constant 0 : i32
      %dma_start3A_627 = tpu.memref_slice %arg10[%dma_start3A_617, %dma_start3A_618, %dma_start3A_625, %dma_start3A_626] : memref<2x4x32x128xf32, #tpu.memory_space<vmem>> -> memref<1x1x32x128xf32, #tpu.memory_space<vmem>>
      %dma_start3A_628 = tpu.memref_squeeze %dma_start3A_627 : memref<1x1x32x128xf32, #tpu.memory_space<vmem>> -> memref<32x128xf32, #tpu.memory_space<vmem>>
      %dma_start3A_629 = arith.constant 0 : i32
      %dma_start3A_630 = tpu.memref_slice %arg5[%dma_start3A_629, %multiple_of3A_602] : memref<32x1000000xf32, #tpu.memory_space<hbm>> -> memref<32x128xf32, #tpu.memory_space<hbm>>
      tpu.enqueue_dma source(%dma_start3A_630 : memref<32x128xf32, #tpu.memory_space<hbm>>) target(%dma_start3A_628 : memref<32x128xf32, #tpu.memory_space<vmem>>) target_semaphore(%arg14 : memref<!tpu.dma_semaphore, #tpu.memory_space<semaphore_mem>>)
      %slice3A_631 = vector.extract_strided_slice %get3A_37 {offsets = [7], sizes = [1], strides = [1]} : vector<16xi32> to vector<1xi32>
      %squeeze3A_632 = vector.extract %slice3A_631[0] : i32 from vector<1xi32>
      %jit3A_633 = arith.constant 128 : i32
      %div3A_634 = arith.divsi %squeeze3A_632, %jit3A_633 : i32
      %sign3A_635 = arith.constant 0 : i32
      %sign3A_636 = arith.cmpi sgt, %squeeze3A_632, %sign3A_635 : i32
      %sign3A_637 = arith.extui %sign3A_636 : i1 to i32
      %sign3A_638 = arith.constant 0 : i32
      %sign3A_639 = arith.cmpi slt, %squeeze3A_632, %sign3A_638 : i32
      %sign3A_640 = arith.extui %sign3A_639 : i1 to i32
      %sign3A_641 = arith.subi %sign3A_637, %sign3A_640 : i32
      %sign3A_642 = arith.constant 0 : i32
      %sign3A_643 = arith.cmpi sgt, %jit3A_633, %sign3A_642 : i32
      %sign3A_644 = arith.extui %sign3A_643 : i1 to i32
      %sign3A_645 = arith.constant 0 : i32
      %sign3A_646 = arith.cmpi slt, %jit3A_633, %sign3A_645 : i32
      %sign3A_647 = arith.extui %sign3A_646 : i1 to i32
      %sign3A_648 = arith.subi %sign3A_644, %sign3A_647 : i32
      %ne3A_649 = arith.cmpi ne, %sign3A_641, %sign3A_648 : i32
      %rem3A_650 = arith.remsi %squeeze3A_632, %jit3A_633 : i32
      %ne3A_651 = arith.constant 0 : i32
      %ne3A_652 = arith.cmpi ne, %rem3A_650, %ne3A_651 : i32
      %and3A_653 = arith.andi %ne3A_649, %ne3A_652 : i1
      %sub3A_654 = arith.constant 1 : i32
      %sub3A_655 = arith.subi %div3A_634, %sub3A_654 : i32
      %select_n3A_656 = arith.select %and3A_653, %sub3A_655, %div3A_634 : i32
      %mul3A_657 = arith.constant 128 : i32
      %mul3A_658 = arith.muli %select_n3A_656, %mul3A_657 : i32
      %multiple_of3A_659 = tpu.assume_multiple %mul3A_658, 128 : i32
      %slice3A_660 = vector.extract_strided_slice %get3A_39 {offsets = [7], sizes = [1], strides = [1]} : vector<16xi32> to vector<1xi32>
      %squeeze3A_661 = vector.extract %slice3A_660[0] : i32 from vector<1xi32>
      %jit3A_662 = arith.constant 128 : i32
      %div3A_663 = arith.divsi %squeeze3A_661, %jit3A_662 : i32
      %sign3A_664 = arith.constant 0 : i32
      %sign3A_665 = arith.cmpi sgt, %squeeze3A_661, %sign3A_664 : i32
      %sign3A_666 = arith.extui %sign3A_665 : i1 to i32
      %sign3A_667 = arith.constant 0 : i32
      %sign3A_668 = arith.cmpi slt, %squeeze3A_661, %sign3A_667 : i32
      %sign3A_669 = arith.extui %sign3A_668 : i1 to i32
      %sign3A_670 = arith.subi %sign3A_666, %sign3A_669 : i32
      %sign3A_671 = arith.constant 0 : i32
      %sign3A_672 = arith.cmpi sgt, %jit3A_662, %sign3A_671 : i32
      %sign3A_673 = arith.extui %sign3A_672 : i1 to i32
      %sign3A_674 = arith.constant 0 : i32
      %sign3A_675 = arith.cmpi slt, %jit3A_662, %sign3A_674 : i32
      %sign3A_676 = arith.extui %sign3A_675 : i1 to i32
      %sign3A_677 = arith.subi %sign3A_673, %sign3A_676 : i32
      %ne3A_678 = arith.cmpi ne, %sign3A_670, %sign3A_677 : i32
      %rem3A_679 = arith.remsi %squeeze3A_661, %jit3A_662 : i32
      %ne3A_680 = arith.constant 0 : i32
      %ne3A_681 = arith.cmpi ne, %rem3A_679, %ne3A_680 : i32
      %and3A_682 = arith.andi %ne3A_678, %ne3A_681 : i1
      %sub3A_683 = arith.constant 1 : i32
      %sub3A_684 = arith.subi %div3A_663, %sub3A_683 : i32
      %select_n3A_685 = arith.select %and3A_682, %sub3A_684, %div3A_663 : i32
      %mul3A_686 = arith.constant 128 : i32
      %mul3A_687 = arith.muli %select_n3A_685, %mul3A_686 : i32
      %multiple_of3A_688 = tpu.assume_multiple %mul3A_687, 128 : i32
      %dma_start3A_689 = arith.constant 1 : i32
      %dma_start3A_690 = arith.constant 3 : i32
      %dma_start3A_691 = arith.constant 0 : i32
      %dma_start3A_692 = arith.constant 0 : i32
      %dma_start3A_693 = tpu.memref_slice %arg9[%dma_start3A_689, %dma_start3A_690, %dma_start3A_691, %dma_start3A_692] : memref<2x4x32x128xf32, #tpu.memory_space<vmem>> -> memref<1x1x32x128xf32, #tpu.memory_space<vmem>>
      %dma_start3A_694 = tpu.memref_squeeze %dma_start3A_693 : memref<1x1x32x128xf32, #tpu.memory_space<vmem>> -> memref<32x128xf32, #tpu.memory_space<vmem>>
      %dma_start3A_695 = arith.constant 0 : i32
      %dma_start3A_696 = tpu.memref_slice %arg4[%dma_start3A_695, %multiple_of3A_659] : memref<32x1000000xf32, #tpu.memory_space<hbm>> -> memref<32x128xf32, #tpu.memory_space<hbm>>
      %dma_start3A_697 = arith.constant 0 : i32
      %dma_start3A_698 = arith.constant 0 : i32
      %dma_start3A_699 = tpu.memref_slice %arg9[%dma_start3A_689, %dma_start3A_690, %dma_start3A_697, %dma_start3A_698] : memref<2x4x32x128xf32, #tpu.memory_space<vmem>> -> memref<1x1x32x128xf32, #tpu.memory_space<vmem>>
      %dma_start3A_700 = tpu.memref_squeeze %dma_start3A_699 : memref<1x1x32x128xf32, #tpu.memory_space<vmem>> -> memref<32x128xf32, #tpu.memory_space<vmem>>
      %dma_start3A_701 = arith.constant 0 : i32
      %dma_start3A_702 = tpu.memref_slice %arg4[%dma_start3A_701, %multiple_of3A_659] : memref<32x1000000xf32, #tpu.memory_space<hbm>> -> memref<32x128xf32, #tpu.memory_space<hbm>>
      tpu.enqueue_dma source(%dma_start3A_702 : memref<32x128xf32, #tpu.memory_space<hbm>>) target(%dma_start3A_700 : memref<32x128xf32, #tpu.memory_space<vmem>>) target_semaphore(%arg14 : memref<!tpu.dma_semaphore, #tpu.memory_space<semaphore_mem>>)
      %dma_start3A_703 = arith.constant 1 : i32
      %dma_start3A_704 = arith.constant 3 : i32
      %dma_start3A_705 = arith.constant 0 : i32
      %dma_start3A_706 = arith.constant 0 : i32
      %dma_start3A_707 = tpu.memref_slice %arg10[%dma_start3A_703, %dma_start3A_704, %dma_start3A_705, %dma_start3A_706] : memref<2x4x32x128xf32, #tpu.memory_space<vmem>> -> memref<1x1x32x128xf32, #tpu.memory_space<vmem>>
      %dma_start3A_708 = tpu.memref_squeeze %dma_start3A_707 : memref<1x1x32x128xf32, #tpu.memory_space<vmem>> -> memref<32x128xf32, #tpu.memory_space<vmem>>
      %dma_start3A_709 = arith.constant 0 : i32
      %dma_start3A_710 = tpu.memref_slice %arg5[%dma_start3A_709, %multiple_of3A_688] : memref<32x1000000xf32, #tpu.memory_space<hbm>> -> memref<32x128xf32, #tpu.memory_space<hbm>>
      %dma_start3A_711 = arith.constant 0 : i32
      %dma_start3A_712 = arith.constant 0 : i32
      %dma_start3A_713 = tpu.memref_slice %arg10[%dma_start3A_703, %dma_start3A_704, %dma_start3A_711, %dma_start3A_712] : memref<2x4x32x128xf32, #tpu.memory_space<vmem>> -> memref<1x1x32x128xf32, #tpu.memory_space<vmem>>
      %dma_start3A_714 = tpu.memref_squeeze %dma_start3A_713 : memref<1x1x32x128xf32, #tpu.memory_space<vmem>> -> memref<32x128xf32, #tpu.memory_space<vmem>>
      %dma_start3A_715 = arith.constant 0 : i32
      %dma_start3A_716 = tpu.memref_slice %arg5[%dma_start3A_715, %multiple_of3A_688] : memref<32x1000000xf32, #tpu.memory_space<hbm>> -> memref<32x128xf32, #tpu.memory_space<hbm>>
      tpu.enqueue_dma source(%dma_start3A_716 : memref<32x128xf32, #tpu.memory_space<hbm>>) target(%dma_start3A_714 : memref<32x128xf32, #tpu.memory_space<vmem>>) target_semaphore(%arg14 : memref<!tpu.dma_semaphore, #tpu.memory_space<semaphore_mem>>)
      %dma_wait3A_717 = arith.constant 0 : i32
      %dma_wait3A_718 = arith.constant 0 : i32
      %dma_wait3A_719 = arith.constant 0 : i32
      %dma_wait3A_720 = arith.constant 0 : i32
      %dma_wait3A_721 = tpu.memref_slice %arg9[%dma_wait3A_717, %dma_wait3A_718, %dma_wait3A_719, %dma_wait3A_720] : memref<2x4x32x128xf32, #tpu.memory_space<vmem>> -> memref<1x1x32x128xf32, #tpu.memory_space<vmem>>
      %dma_wait3A_722 = tpu.memref_squeeze %dma_wait3A_721 : memref<1x1x32x128xf32, #tpu.memory_space<vmem>> -> memref<32x128xf32, #tpu.memory_space<vmem>>
      %dma_wait3A_723 = arith.constant 0 : i32
      %dma_wait3A_724 = tpu.memref_slice %arg4[%dma_wait3A_723, %multiple_of3A] : memref<32x1000000xf32, #tpu.memory_space<hbm>> -> memref<32x128xf32, #tpu.memory_space<hbm>>
      %dma_wait3A_725 = arith.constant 0 : i32
      %dma_wait3A_726 = arith.constant 0 : i32
      %dma_wait3A_727 = tpu.memref_slice %arg9[%dma_wait3A_717, %dma_wait3A_718, %dma_wait3A_725, %dma_wait3A_726] : memref<2x4x32x128xf32, #tpu.memory_space<vmem>> -> memref<1x1x32x128xf32, #tpu.memory_space<vmem>>
      %dma_wait3A_728 = tpu.memref_squeeze %dma_wait3A_727 : memref<1x1x32x128xf32, #tpu.memory_space<vmem>> -> memref<32x128xf32, #tpu.memory_space<vmem>>
      %dma_wait3A_729 = arith.constant 0 : i32
      %dma_wait3A_730 = tpu.memref_slice %arg4[%dma_wait3A_729, %multiple_of3A] : memref<32x1000000xf32, #tpu.memory_space<hbm>> -> memref<32x128xf32, #tpu.memory_space<hbm>>
      tpu.wait_dma2 semaphore(%arg14 : memref<!tpu.dma_semaphore, #tpu.memory_space<semaphore_mem>>) src(%dma_wait3A_730 : memref<32x128xf32, #tpu.memory_space<hbm>>) dst(%dma_wait3A_728 : memref<32x128xf32, #tpu.memory_space<vmem>>)
      %dma_wait3A_731 = arith.constant 0 : i32
      %dma_wait3A_732 = arith.constant 0 : i32
      %dma_wait3A_733 = arith.constant 0 : i32
      %dma_wait3A_734 = arith.constant 0 : i32
      %dma_wait3A_735 = tpu.memref_slice %arg10[%dma_wait3A_731, %dma_wait3A_732, %dma_wait3A_733, %dma_wait3A_734] : memref<2x4x32x128xf32, #tpu.memory_space<vmem>> -> memref<1x1x32x128xf32, #tpu.memory_space<vmem>>
      %dma_wait3A_736 = tpu.memref_squeeze %dma_wait3A_735 : memref<1x1x32x128xf32, #tpu.memory_space<vmem>> -> memref<32x128xf32, #tpu.memory_space<vmem>>
      %dma_wait3A_737 = arith.constant 0 : i32
      %dma_wait3A_738 = tpu.memref_slice %arg5[%dma_wait3A_737, %multiple_of3A_86] : memref<32x1000000xf32, #tpu.memory_space<hbm>> -> memref<32x128xf32, #tpu.memory_space<hbm>>
      %dma_wait3A_739 = arith.constant 0 : i32
      %dma_wait3A_740 = arith.constant 0 : i32
      %dma_wait3A_741 = tpu.memref_slice %arg10[%dma_wait3A_731, %dma_wait3A_732, %dma_wait3A_739, %dma_wait3A_740] : memref<2x4x32x128xf32, #tpu.memory_space<vmem>> -> memref<1x1x32x128xf32, #tpu.memory_space<vmem>>
      %dma_wait3A_742 = tpu.memref_squeeze %dma_wait3A_741 : memref<1x1x32x128xf32, #tpu.memory_space<vmem>> -> memref<32x128xf32, #tpu.memory_space<vmem>>
      %dma_wait3A_743 = arith.constant 0 : i32
      %dma_wait3A_744 = tpu.memref_slice %arg5[%dma_wait3A_743, %multiple_of3A_86] : memref<32x1000000xf32, #tpu.memory_space<hbm>> -> memref<32x128xf32, #tpu.memory_space<hbm>>
      tpu.wait_dma2 semaphore(%arg14 : memref<!tpu.dma_semaphore, #tpu.memory_space<semaphore_mem>>) src(%dma_wait3A_744 : memref<32x128xf32, #tpu.memory_space<hbm>>) dst(%dma_wait3A_742 : memref<32x128xf32, #tpu.memory_space<vmem>>)
      %dma_wait3A_745 = arith.constant 0 : i32
      %dma_wait3A_746 = arith.constant 1 : i32
      %dma_wait3A_747 = arith.constant 0 : i32
      %dma_wait3A_748 = arith.constant 0 : i32
      %dma_wait3A_749 = tpu.memref_slice %arg9[%dma_wait3A_745, %dma_wait3A_746, %dma_wait3A_747, %dma_wait3A_748] : memref<2x4x32x128xf32, #tpu.memory_space<vmem>> -> memref<1x1x32x128xf32, #tpu.memory_space<vmem>>
      %dma_wait3A_750 = tpu.memref_squeeze %dma_wait3A_749 : memref<1x1x32x128xf32, #tpu.memory_space<vmem>> -> memref<32x128xf32, #tpu.memory_space<vmem>>
      %dma_wait3A_751 = arith.constant 0 : i32
      %dma_wait3A_752 = tpu.memref_slice %arg4[%dma_wait3A_751, %multiple_of3A_143] : memref<32x1000000xf32, #tpu.memory_space<hbm>> -> memref<32x128xf32, #tpu.memory_space<hbm>>
      %dma_wait3A_753 = arith.constant 0 : i32
      %dma_wait3A_754 = arith.constant 0 : i32
      %dma_wait3A_755 = tpu.memref_slice %arg9[%dma_wait3A_745, %dma_wait3A_746, %dma_wait3A_753, %dma_wait3A_754] : memref<2x4x32x128xf32, #tpu.memory_space<vmem>> -> memref<1x1x32x128xf32, #tpu.memory_space<vmem>>
      %dma_wait3A_756 = tpu.memref_squeeze %dma_wait3A_755 : memref<1x1x32x128xf32, #tpu.memory_space<vmem>> -> memref<32x128xf32, #tpu.memory_space<vmem>>
      %dma_wait3A_757 = arith.constant 0 : i32
      %dma_wait3A_758 = tpu.memref_slice %arg4[%dma_wait3A_757, %multiple_of3A_143] : memref<32x1000000xf32, #tpu.memory_space<hbm>> -> memref<32x128xf32, #tpu.memory_space<hbm>>
      tpu.wait_dma2 semaphore(%arg14 : memref<!tpu.dma_semaphore, #tpu.memory_space<semaphore_mem>>) src(%dma_wait3A_758 : memref<32x128xf32, #tpu.memory_space<hbm>>) dst(%dma_wait3A_756 : memref<32x128xf32, #tpu.memory_space<vmem>>)
      %dma_wait3A_759 = arith.constant 0 : i32
      %dma_wait3A_760 = arith.constant 1 : i32
      %dma_wait3A_761 = arith.constant 0 : i32
      %dma_wait3A_762 = arith.constant 0 : i32
      %dma_wait3A_763 = tpu.memref_slice %arg10[%dma_wait3A_759, %dma_wait3A_760, %dma_wait3A_761, %dma_wait3A_762] : memref<2x4x32x128xf32, #tpu.memory_space<vmem>> -> memref<1x1x32x128xf32, #tpu.memory_space<vmem>>
      %dma_wait3A_764 = tpu.memref_squeeze %dma_wait3A_763 : memref<1x1x32x128xf32, #tpu.memory_space<vmem>> -> memref<32x128xf32, #tpu.memory_space<vmem>>
      %dma_wait3A_765 = arith.constant 0 : i32
      %dma_wait3A_766 = tpu.memref_slice %arg5[%dma_wait3A_765, %multiple_of3A_172] : memref<32x1000000xf32, #tpu.memory_space<hbm>> -> memref<32x128xf32, #tpu.memory_space<hbm>>
      %dma_wait3A_767 = arith.constant 0 : i32
      %dma_wait3A_768 = arith.constant 0 : i32
      %dma_wait3A_769 = tpu.memref_slice %arg10[%dma_wait3A_759, %dma_wait3A_760, %dma_wait3A_767, %dma_wait3A_768] : memref<2x4x32x128xf32, #tpu.memory_space<vmem>> -> memref<1x1x32x128xf32, #tpu.memory_space<vmem>>
      %dma_wait3A_770 = tpu.memref_squeeze %dma_wait3A_769 : memref<1x1x32x128xf32, #tpu.memory_space<vmem>> -> memref<32x128xf32, #tpu.memory_space<vmem>>
      %dma_wait3A_771 = arith.constant 0 : i32
      %dma_wait3A_772 = tpu.memref_slice %arg5[%dma_wait3A_771, %multiple_of3A_172] : memref<32x1000000xf32, #tpu.memory_space<hbm>> -> memref<32x128xf32, #tpu.memory_space<hbm>>
      tpu.wait_dma2 semaphore(%arg14 : memref<!tpu.dma_semaphore, #tpu.memory_space<semaphore_mem>>) src(%dma_wait3A_772 : memref<32x128xf32, #tpu.memory_space<hbm>>) dst(%dma_wait3A_770 : memref<32x128xf32, #tpu.memory_space<vmem>>)
      %dma_wait3A_773 = arith.constant 0 : i32
      %dma_wait3A_774 = arith.constant 2 : i32
      %dma_wait3A_775 = arith.constant 0 : i32
      %dma_wait3A_776 = arith.constant 0 : i32
      %dma_wait3A_777 = tpu.memref_slice %arg9[%dma_wait3A_773, %dma_wait3A_774, %dma_wait3A_775, %dma_wait3A_776] : memref<2x4x32x128xf32, #tpu.memory_space<vmem>> -> memref<1x1x32x128xf32, #tpu.memory_space<vmem>>
      %dma_wait3A_778 = tpu.memref_squeeze %dma_wait3A_777 : memref<1x1x32x128xf32, #tpu.memory_space<vmem>> -> memref<32x128xf32, #tpu.memory_space<vmem>>
      %dma_wait3A_779 = arith.constant 0 : i32
      %dma_wait3A_780 = tpu.memref_slice %arg4[%dma_wait3A_779, %multiple_of3A_229] : memref<32x1000000xf32, #tpu.memory_space<hbm>> -> memref<32x128xf32, #tpu.memory_space<hbm>>
      %dma_wait3A_781 = arith.constant 0 : i32
      %dma_wait3A_782 = arith.constant 0 : i32
      %dma_wait3A_783 = tpu.memref_slice %arg9[%dma_wait3A_773, %dma_wait3A_774, %dma_wait3A_781, %dma_wait3A_782] : memref<2x4x32x128xf32, #tpu.memory_space<vmem>> -> memref<1x1x32x128xf32, #tpu.memory_space<vmem>>
      %dma_wait3A_784 = tpu.memref_squeeze %dma_wait3A_783 : memref<1x1x32x128xf32, #tpu.memory_space<vmem>> -> memref<32x128xf32, #tpu.memory_space<vmem>>
      %dma_wait3A_785 = arith.constant 0 : i32
      %dma_wait3A_786 = tpu.memref_slice %arg4[%dma_wait3A_785, %multiple_of3A_229] : memref<32x1000000xf32, #tpu.memory_space<hbm>> -> memref<32x128xf32, #tpu.memory_space<hbm>>
      tpu.wait_dma2 semaphore(%arg14 : memref<!tpu.dma_semaphore, #tpu.memory_space<semaphore_mem>>) src(%dma_wait3A_786 : memref<32x128xf32, #tpu.memory_space<hbm>>) dst(%dma_wait3A_784 : memref<32x128xf32, #tpu.memory_space<vmem>>)
      %dma_wait3A_787 = arith.constant 0 : i32
      %dma_wait3A_788 = arith.constant 2 : i32
      %dma_wait3A_789 = arith.constant 0 : i32
      %dma_wait3A_790 = arith.constant 0 : i32
      %dma_wait3A_791 = tpu.memref_slice %arg10[%dma_wait3A_787, %dma_wait3A_788, %dma_wait3A_789, %dma_wait3A_790] : memref<2x4x32x128xf32, #tpu.memory_space<vmem>> -> memref<1x1x32x128xf32, #tpu.memory_space<vmem>>
      %dma_wait3A_792 = tpu.memref_squeeze %dma_wait3A_791 : memref<1x1x32x128xf32, #tpu.memory_space<vmem>> -> memref<32x128xf32, #tpu.memory_space<vmem>>
      %dma_wait3A_793 = arith.constant 0 : i32
      %dma_wait3A_794 = tpu.memref_slice %arg5[%dma_wait3A_793, %multiple_of3A_258] : memref<32x1000000xf32, #tpu.memory_space<hbm>> -> memref<32x128xf32, #tpu.memory_space<hbm>>
      %dma_wait3A_795 = arith.constant 0 : i32
      %dma_wait3A_796 = arith.constant 0 : i32
      %dma_wait3A_797 = tpu.memref_slice %arg10[%dma_wait3A_787, %dma_wait3A_788, %dma_wait3A_795, %dma_wait3A_796] : memref<2x4x32x128xf32, #tpu.memory_space<vmem>> -> memref<1x1x32x128xf32, #tpu.memory_space<vmem>>
      %dma_wait3A_798 = tpu.memref_squeeze %dma_wait3A_797 : memref<1x1x32x128xf32, #tpu.memory_space<vmem>> -> memref<32x128xf32, #tpu.memory_space<vmem>>
      %dma_wait3A_799 = arith.constant 0 : i32
      %dma_wait3A_800 = tpu.memref_slice %arg5[%dma_wait3A_799, %multiple_of3A_258] : memref<32x1000000xf32, #tpu.memory_space<hbm>> -> memref<32x128xf32, #tpu.memory_space<hbm>>
      tpu.wait_dma2 semaphore(%arg14 : memref<!tpu.dma_semaphore, #tpu.memory_space<semaphore_mem>>) src(%dma_wait3A_800 : memref<32x128xf32, #tpu.memory_space<hbm>>) dst(%dma_wait3A_798 : memref<32x128xf32, #tpu.memory_space<vmem>>)
      %dma_wait3A_801 = arith.constant 0 : i32
      %dma_wait3A_802 = arith.constant 3 : i32
      %dma_wait3A_803 = arith.constant 0 : i32
      %dma_wait3A_804 = arith.constant 0 : i32
      %dma_wait3A_805 = tpu.memref_slice %arg9[%dma_wait3A_801, %dma_wait3A_802, %dma_wait3A_803, %dma_wait3A_804] : memref<2x4x32x128xf32, #tpu.memory_space<vmem>> -> memref<1x1x32x128xf32, #tpu.memory_space<vmem>>
      %dma_wait3A_806 = tpu.memref_squeeze %dma_wait3A_805 : memref<1x1x32x128xf32, #tpu.memory_space<vmem>> -> memref<32x128xf32, #tpu.memory_space<vmem>>
      %dma_wait3A_807 = arith.constant 0 : i32
      %dma_wait3A_808 = tpu.memref_slice %arg4[%dma_wait3A_807, %multiple_of3A_315] : memref<32x1000000xf32, #tpu.memory_space<hbm>> -> memref<32x128xf32, #tpu.memory_space<hbm>>
      %dma_wait3A_809 = arith.constant 0 : i32
      %dma_wait3A_810 = arith.constant 0 : i32
      %dma_wait3A_811 = tpu.memref_slice %arg9[%dma_wait3A_801, %dma_wait3A_802, %dma_wait3A_809, %dma_wait3A_810] : memref<2x4x32x128xf32, #tpu.memory_space<vmem>> -> memref<1x1x32x128xf32, #tpu.memory_space<vmem>>
      %dma_wait3A_812 = tpu.memref_squeeze %dma_wait3A_811 : memref<1x1x32x128xf32, #tpu.memory_space<vmem>> -> memref<32x128xf32, #tpu.memory_space<vmem>>
      %dma_wait3A_813 = arith.constant 0 : i32
      %dma_wait3A_814 = tpu.memref_slice %arg4[%dma_wait3A_813, %multiple_of3A_315] : memref<32x1000000xf32, #tpu.memory_space<hbm>> -> memref<32x128xf32, #tpu.memory_space<hbm>>
      tpu.wait_dma2 semaphore(%arg14 : memref<!tpu.dma_semaphore, #tpu.memory_space<semaphore_mem>>) src(%dma_wait3A_814 : memref<32x128xf32, #tpu.memory_space<hbm>>) dst(%dma_wait3A_812 : memref<32x128xf32, #tpu.memory_space<vmem>>)
      %dma_wait3A_815 = arith.constant 0 : i32
      %dma_wait3A_816 = arith.constant 3 : i32
      %dma_wait3A_817 = arith.constant 0 : i32
      %dma_wait3A_818 = arith.constant 0 : i32
      %dma_wait3A_819 = tpu.memref_slice %arg10[%dma_wait3A_815, %dma_wait3A_816, %dma_wait3A_817, %dma_wait3A_818] : memref<2x4x32x128xf32, #tpu.memory_space<vmem>> -> memref<1x1x32x128xf32, #tpu.memory_space<vmem>>
      %dma_wait3A_820 = tpu.memref_squeeze %dma_wait3A_819 : memref<1x1x32x128xf32, #tpu.memory_space<vmem>> -> memref<32x128xf32, #tpu.memory_space<vmem>>
      %dma_wait3A_821 = arith.constant 0 : i32
      %dma_wait3A_822 = tpu.memref_slice %arg5[%dma_wait3A_821, %multiple_of3A_344] : memref<32x1000000xf32, #tpu.memory_space<hbm>> -> memref<32x128xf32, #tpu.memory_space<hbm>>
      %dma_wait3A_823 = arith.constant 0 : i32
      %dma_wait3A_824 = arith.constant 0 : i32
      %dma_wait3A_825 = tpu.memref_slice %arg10[%dma_wait3A_815, %dma_wait3A_816, %dma_wait3A_823, %dma_wait3A_824] : memref<2x4x32x128xf32, #tpu.memory_space<vmem>> -> memref<1x1x32x128xf32, #tpu.memory_space<vmem>>
      %dma_wait3A_826 = tpu.memref_squeeze %dma_wait3A_825 : memref<1x1x32x128xf32, #tpu.memory_space<vmem>> -> memref<32x128xf32, #tpu.memory_space<vmem>>
      %dma_wait3A_827 = arith.constant 0 : i32
      %dma_wait3A_828 = tpu.memref_slice %arg5[%dma_wait3A_827, %multiple_of3A_344] : memref<32x1000000xf32, #tpu.memory_space<hbm>> -> memref<32x128xf32, #tpu.memory_space<hbm>>
      tpu.wait_dma2 semaphore(%arg14 : memref<!tpu.dma_semaphore, #tpu.memory_space<semaphore_mem>>) src(%dma_wait3A_828 : memref<32x128xf32, #tpu.memory_space<hbm>>) dst(%dma_wait3A_826 : memref<32x128xf32, #tpu.memory_space<vmem>>)
      %slice3A_829 = vector.extract_strided_slice %get3A_37 {offsets = [0], sizes = [1], strides = [1]} : vector<16xi32> to vector<1xi32>
      %squeeze3A_830 = vector.extract %slice3A_829[0] : i32 from vector<1xi32>
      %jit3A_831 = arith.constant 128 : i32
      %eq3A = arith.constant 0 : i32
      %eq3A_832 = arith.cmpi eq, %jit3A_831, %eq3A : i32
      %jit3A_833 = arith.constant 1 : i32
      %select_n3A_834 = arith.select %eq3A_832, %jit3A_833, %jit3A_831 : i32
      %rem3A_835 = arith.remsi %squeeze3A_830, %select_n3A_834 : i32
      %ne3A_836 = arith.constant 0 : i32
      %ne3A_837 = arith.cmpi ne, %rem3A_835, %ne3A_836 : i32
      %lt3A = arith.constant 0 : i32
      %lt3A_838 = arith.cmpi slt, %rem3A_835, %lt3A : i32
      %lt3A_839 = arith.constant 0 : i32
      %lt3A_840 = arith.cmpi slt, %select_n3A_834, %lt3A_839 : i32
      %ne3A_841 = arith.xori %lt3A_838, %lt3A_840 : i1
      %and3A_842 = arith.andi %ne3A_841, %ne3A_837 : i1
      %add3A_843 = arith.addi %rem3A_835, %select_n3A_834 : i32
      %select_n3A_844 = arith.select %and3A_842, %add3A_843, %rem3A_835 : i32
      %add3A_845 = vector.broadcast %select_n3A_844 : i32 to vector<16xi32>
      %add3A_846 = arith.addi %broadcast_in_dim3A_23, %add3A_845 : vector<16xi32>
      %slice3A_847 = vector.extract_strided_slice %get3A_39 {offsets = [0], sizes = [1], strides = [1]} : vector<16xi32> to vector<1xi32>
      %squeeze3A_848 = vector.extract %slice3A_847[0] : i32 from vector<1xi32>
      %jit3A_849 = arith.constant 128 : i32
      %eq3A_850 = arith.constant 0 : i32
      %eq3A_851 = arith.cmpi eq, %jit3A_849, %eq3A_850 : i32
      %jit3A_852 = arith.constant 1 : i32
      %select_n3A_853 = arith.select %eq3A_851, %jit3A_852, %jit3A_849 : i32
      %rem3A_854 = arith.remsi %squeeze3A_848, %select_n3A_853 : i32
      %ne3A_855 = arith.constant 0 : i32
      %ne3A_856 = arith.cmpi ne, %rem3A_854, %ne3A_855 : i32
      %lt3A_857 = arith.constant 0 : i32
      %lt3A_858 = arith.cmpi slt, %rem3A_854, %lt3A_857 : i32
      %lt3A_859 = arith.constant 0 : i32
      %lt3A_860 = arith.cmpi slt, %select_n3A_853, %lt3A_859 : i32
      %ne3A_861 = arith.xori %lt3A_858, %lt3A_860 : i1
      %and3A_862 = arith.andi %ne3A_861, %ne3A_856 : i1
      %add3A_863 = arith.addi %rem3A_854, %select_n3A_853 : i32
      %select_n3A_864 = arith.select %and3A_862, %add3A_863, %rem3A_854 : i32
      %add3A_865 = vector.broadcast %select_n3A_864 : i32 to vector<16xi32>
      %add3A_866 = arith.addi %broadcast_in_dim3A_23, %add3A_865 : vector<16xi32>
      %gather3A = arith.constant 0 : i32
      %gather3A_867 = arith.constant 0 : i32
      %gather3A_868 = arith.constant 0 : i32
      %gather3A_869 = arith.constant 0 : i32
      %gather3A_870 = tpu.memref_slice %arg9[%gather3A, %gather3A_867, %gather3A_868, %gather3A_869] : memref<2x4x32x128xf32, #tpu.memory_space<vmem>> -> memref<1x1x32x128xf32, #tpu.memory_space<vmem>>
      %gather3A_871 = tpu.memref_squeeze %gather3A_870 : memref<1x1x32x128xf32, #tpu.memory_space<vmem>> -> memref<32x128xf32, #tpu.memory_space<vmem>>
      %gather3A_872 = tpu.vector_load_idx %gather3A_871[%iota3A, %add3A_846] : memref<32x128xf32, #tpu.memory_space<vmem>>[vector<16xi32>, vector<16xi32>], vector<16xf32>,
      %add3A_873 = arith.constant 16 : i32
      %add3A_874 = vector.broadcast %add3A_873 : i32 to vector<16xi32>
      %add3A_875 = arith.addi %iota3A, %add3A_874 : vector<16xi32>
      %gather3A_876 = arith.constant 0 : i32
      %gather3A_877 = arith.constant 0 : i32
      %gather3A_878 = arith.constant 0 : i32
      %gather3A_879 = arith.constant 0 : i32
      %gather3A_880 = tpu.memref_slice %arg9[%gather3A_876, %gather3A_877, %gather3A_878, %gather3A_879] : memref<2x4x32x128xf32, #tpu.memory_space<vmem>> -> memref<1x1x32x128xf32, #tpu.memory_space<vmem>>
      %gather3A_881 = tpu.memref_squeeze %gather3A_880 : memref<1x1x32x128xf32, #tpu.memory_space<vmem>> -> memref<32x128xf32, #tpu.memory_space<vmem>>
      %gather3A_882 = tpu.vector_load_idx %gather3A_881[%add3A_875, %add3A_846] : memref<32x128xf32, #tpu.memory_space<vmem>>[vector<16xi32>, vector<16xi32>], vector<16xf32>,
      %gather3A_883 = arith.constant 0 : i32
      %gather3A_884 = arith.constant 0 : i32
      %gather3A_885 = arith.constant 0 : i32
      %gather3A_886 = arith.constant 0 : i32
      %gather3A_887 = tpu.memref_slice %arg10[%gather3A_883, %gather3A_884, %gather3A_885, %gather3A_886] : memref<2x4x32x128xf32, #tpu.memory_space<vmem>> -> memref<1x1x32x128xf32, #tpu.memory_space<vmem>>
      %gather3A_888 = tpu.memref_squeeze %gather3A_887 : memref<1x1x32x128xf32, #tpu.memory_space<vmem>> -> memref<32x128xf32, #tpu.memory_space<vmem>>
      %gather3A_889 = tpu.vector_load_idx %gather3A_888[%iota3A, %add3A_866] : memref<32x128xf32, #tpu.memory_space<vmem>>[vector<16xi32>, vector<16xi32>], vector<16xf32>,
      %add3A_890 = arith.constant 16 : i32
      %add3A_891 = vector.broadcast %add3A_890 : i32 to vector<16xi32>
      %add3A_892 = arith.addi %iota3A, %add3A_891 : vector<16xi32>
      %gather3A_893 = arith.constant 0 : i32
      %gather3A_894 = arith.constant 0 : i32
      %gather3A_895 = arith.constant 0 : i32
      %gather3A_896 = arith.constant 0 : i32
      %gather3A_897 = tpu.memref_slice %arg10[%gather3A_893, %gather3A_894, %gather3A_895, %gather3A_896] : memref<2x4x32x128xf32, #tpu.memory_space<vmem>> -> memref<1x1x32x128xf32, #tpu.memory_space<vmem>>
      %gather3A_898 = tpu.memref_squeeze %gather3A_897 : memref<1x1x32x128xf32, #tpu.memory_space<vmem>> -> memref<32x128xf32, #tpu.memory_space<vmem>>
      %gather3A_899 = tpu.vector_load_idx %gather3A_898[%add3A_892, %add3A_866] : memref<32x128xf32, #tpu.memory_space<vmem>>[vector<16xi32>, vector<16xi32>], vector<16xf32>,
      %mul3A_900 = arith.mulf %gather3A_872, %gather3A_889 : vector<16xf32>
      %mul3A_901 = arith.mulf %gather3A_882, %gather3A_899 : vector<16xf32>
      %add3A_902 = arith.addf %mul3A_900, %mul3A_901 : vector<16xf32>
      %add3A_903 = arith.constant 0 : i32
      %add3A_904 = vector.broadcast %add3A_903 : i32 to vector<16xi32>
      %add3A_905 = arith.addi %broadcast_in_dim3A_23, %add3A_904 : vector<16xi32>
      tpu.vector_store_idx %arg11[%iota3A, %add3A_905], %add3A_902 : memref<16x16xf32, #tpu.memory_space<vmem>>[vector<16xi32>, vector<16xi32>], vector<16xf32>,
      %slice3A_906 = vector.extract_strided_slice %get3A_37 {offsets = [1], sizes = [1], strides = [1]} : vector<16xi32> to vector<1xi32>
      %squeeze3A_907 = vector.extract %slice3A_906[0] : i32 from vector<1xi32>
      %jit3A_908 = arith.constant 128 : i32
      %eq3A_909 = arith.constant 0 : i32
      %eq3A_910 = arith.cmpi eq, %jit3A_908, %eq3A_909 : i32
      %jit3A_911 = arith.constant 1 : i32
      %select_n3A_912 = arith.select %eq3A_910, %jit3A_911, %jit3A_908 : i32
      %rem3A_913 = arith.remsi %squeeze3A_907, %select_n3A_912 : i32
      %ne3A_914 = arith.constant 0 : i32
      %ne3A_915 = arith.cmpi ne, %rem3A_913, %ne3A_914 : i32
      %lt3A_916 = arith.constant 0 : i32
      %lt3A_917 = arith.cmpi slt, %rem3A_913, %lt3A_916 : i32
      %lt3A_918 = arith.constant 0 : i32
      %lt3A_919 = arith.cmpi slt, %select_n3A_912, %lt3A_918 : i32
      %ne3A_920 = arith.xori %lt3A_917, %lt3A_919 : i1
      %and3A_921 = arith.andi %ne3A_920, %ne3A_915 : i1
      %add3A_922 = arith.addi %rem3A_913, %select_n3A_912 : i32
      %select_n3A_923 = arith.select %and3A_921, %add3A_922, %rem3A_913 : i32
      %add3A_924 = vector.broadcast %select_n3A_923 : i32 to vector<16xi32>
      %add3A_925 = arith.addi %broadcast_in_dim3A_23, %add3A_924 : vector<16xi32>
      %slice3A_926 = vector.extract_strided_slice %get3A_39 {offsets = [1], sizes = [1], strides = [1]} : vector<16xi32> to vector<1xi32>
      %squeeze3A_927 = vector.extract %slice3A_926[0] : i32 from vector<1xi32>
      %jit3A_928 = arith.constant 128 : i32
      %eq3A_929 = arith.constant 0 : i32
      %eq3A_930 = arith.cmpi eq, %jit3A_928, %eq3A_929 : i32
      %jit3A_931 = arith.constant 1 : i32
      %select_n3A_932 = arith.select %eq3A_930, %jit3A_931, %jit3A_928 : i32
      %rem3A_933 = arith.remsi %squeeze3A_927, %select_n3A_932 : i32
      %ne3A_934 = arith.constant 0 : i32
      %ne3A_935 = arith.cmpi ne, %rem3A_933, %ne3A_934 : i32
      %lt3A_936 = arith.constant 0 : i32
      %lt3A_937 = arith.cmpi slt, %rem3A_933, %lt3A_936 : i32
      %lt3A_938 = arith.constant 0 : i32
      %lt3A_939 = arith.cmpi slt, %select_n3A_932, %lt3A_938 : i32
      %ne3A_940 = arith.xori %lt3A_937, %lt3A_939 : i1
      %and3A_941 = arith.andi %ne3A_940, %ne3A_935 : i1
      %add3A_942 = arith.addi %rem3A_933, %select_n3A_932 : i32
      %select_n3A_943 = arith.select %and3A_941, %add3A_942, %rem3A_933 : i32
      %add3A_944 = vector.broadcast %select_n3A_943 : i32 to vector<16xi32>
      %add3A_945 = arith.addi %broadcast_in_dim3A_23, %add3A_944 : vector<16xi32>
      %gather3A_946 = arith.constant 0 : i32
      %gather3A_947 = arith.constant 1 : i32
      %gather3A_948 = arith.constant 0 : i32
      %gather3A_949 = arith.constant 0 : i32
      %gather3A_950 = tpu.memref_slice %arg9[%gather3A_946, %gather3A_947, %gather3A_948, %gather3A_949] : memref<2x4x32x128xf32, #tpu.memory_space<vmem>> -> memref<1x1x32x128xf32, #tpu.memory_space<vmem>>
      %gather3A_951 = tpu.memref_squeeze %gather3A_950 : memref<1x1x32x128xf32, #tpu.memory_space<vmem>> -> memref<32x128xf32, #tpu.memory_space<vmem>>
      %gather3A_952 = tpu.vector_load_idx %gather3A_951[%iota3A, %add3A_925] : memref<32x128xf32, #tpu.memory_space<vmem>>[vector<16xi32>, vector<16xi32>], vector<16xf32>,
      %add3A_953 = arith.constant 16 : i32
      %add3A_954 = vector.broadcast %add3A_953 : i32 to vector<16xi32>
      %add3A_955 = arith.addi %iota3A, %add3A_954 : vector<16xi32>
      %gather3A_956 = arith.constant 0 : i32
      %gather3A_957 = arith.constant 1 : i32
      %gather3A_958 = arith.constant 0 : i32
      %gather3A_959 = arith.constant 0 : i32
      %gather3A_960 = tpu.memref_slice %arg9[%gather3A_956, %gather3A_957, %gather3A_958, %gather3A_959] : memref<2x4x32x128xf32, #tpu.memory_space<vmem>> -> memref<1x1x32x128xf32, #tpu.memory_space<vmem>>
      %gather3A_961 = tpu.memref_squeeze %gather3A_960 : memref<1x1x32x128xf32, #tpu.memory_space<vmem>> -> memref<32x128xf32, #tpu.memory_space<vmem>>
      %gather3A_962 = tpu.vector_load_idx %gather3A_961[%add3A_955, %add3A_925] : memref<32x128xf32, #tpu.memory_space<vmem>>[vector<16xi32>, vector<16xi32>], vector<16xf32>,
      %gather3A_963 = arith.constant 0 : i32
      %gather3A_964 = arith.constant 1 : i32
      %gather3A_965 = arith.constant 0 : i32
      %gather3A_966 = arith.constant 0 : i32
      %gather3A_967 = tpu.memref_slice %arg10[%gather3A_963, %gather3A_964, %gather3A_965, %gather3A_966] : memref<2x4x32x128xf32, #tpu.memory_space<vmem>> -> memref<1x1x32x128xf32, #tpu.memory_space<vmem>>
      %gather3A_968 = tpu.memref_squeeze %gather3A_967 : memref<1x1x32x128xf32, #tpu.memory_space<vmem>> -> memref<32x128xf32, #tpu.memory_space<vmem>>
      %gather3A_969 = tpu.vector_load_idx %gather3A_968[%iota3A, %add3A_945] : memref<32x128xf32, #tpu.memory_space<vmem>>[vector<16xi32>, vector<16xi32>], vector<16xf32>,
      %add3A_970 = arith.constant 16 : i32
      %add3A_971 = vector.broadcast %add3A_970 : i32 to vector<16xi32>
      %add3A_972 = arith.addi %iota3A, %add3A_971 : vector<16xi32>
      %gather3A_973 = arith.constant 0 : i32
      %gather3A_974 = arith.constant 1 : i32
      %gather3A_975 = arith.constant 0 : i32
      %gather3A_976 = arith.constant 0 : i32
      %gather3A_977 = tpu.memref_slice %arg10[%gather3A_973, %gather3A_974, %gather3A_975, %gather3A_976] : memref<2x4x32x128xf32, #tpu.memory_space<vmem>> -> memref<1x1x32x128xf32, #tpu.memory_space<vmem>>
      %gather3A_978 = tpu.memref_squeeze %gather3A_977 : memref<1x1x32x128xf32, #tpu.memory_space<vmem>> -> memref<32x128xf32, #tpu.memory_space<vmem>>
      %gather3A_979 = tpu.vector_load_idx %gather3A_978[%add3A_972, %add3A_945] : memref<32x128xf32, #tpu.memory_space<vmem>>[vector<16xi32>, vector<16xi32>], vector<16xf32>,
      %mul3A_980 = arith.mulf %gather3A_952, %gather3A_969 : vector<16xf32>
      %mul3A_981 = arith.mulf %gather3A_962, %gather3A_979 : vector<16xf32>
      %add3A_982 = arith.addf %mul3A_980, %mul3A_981 : vector<16xf32>
      %add3A_983 = arith.constant 1 : i32
      %add3A_984 = vector.broadcast %add3A_983 : i32 to vector<16xi32>
      %add3A_985 = arith.addi %broadcast_in_dim3A_23, %add3A_984 : vector<16xi32>
      tpu.vector_store_idx %arg11[%iota3A, %add3A_985], %add3A_982 : memref<16x16xf32, #tpu.memory_space<vmem>>[vector<16xi32>, vector<16xi32>], vector<16xf32>,
      %slice3A_986 = vector.extract_strided_slice %get3A_37 {offsets = [2], sizes = [1], strides = [1]} : vector<16xi32> to vector<1xi32>
      %squeeze3A_987 = vector.extract %slice3A_986[0] : i32 from vector<1xi32>
      %jit3A_988 = arith.constant 128 : i32
      %eq3A_989 = arith.constant 0 : i32
      %eq3A_990 = arith.cmpi eq, %jit3A_988, %eq3A_989 : i32
      %jit3A_991 = arith.constant 1 : i32
      %select_n3A_992 = arith.select %eq3A_990, %jit3A_991, %jit3A_988 : i32
      %rem3A_993 = arith.remsi %squeeze3A_987, %select_n3A_992 : i32
      %ne3A_994 = arith.constant 0 : i32
      %ne3A_995 = arith.cmpi ne, %rem3A_993, %ne3A_994 : i32
      %lt3A_996 = arith.constant 0 : i32
      %lt3A_997 = arith.cmpi slt, %rem3A_993, %lt3A_996 : i32
      %lt3A_998 = arith.constant 0 : i32
      %lt3A_999 = arith.cmpi slt, %select_n3A_992, %lt3A_998 : i32
      %ne3A_1000 = arith.xori %lt3A_997, %lt3A_999 : i1
      %and3A_1001 = arith.andi %ne3A_1000, %ne3A_995 : i1
      %add3A_1002 = arith.addi %rem3A_993, %select_n3A_992 : i32
      %select_n3A_1003 = arith.select %and3A_1001, %add3A_1002, %rem3A_993 : i32
      %add3A_1004 = vector.broadcast %select_n3A_1003 : i32 to vector<16xi32>
      %add3A_1005 = arith.addi %broadcast_in_dim3A_23, %add3A_1004 : vector<16xi32>
      %slice3A_1006 = vector.extract_strided_slice %get3A_39 {offsets = [2], sizes = [1], strides = [1]} : vector<16xi32> to vector<1xi32>
      %squeeze3A_1007 = vector.extract %slice3A_1006[0] : i32 from vector<1xi32>
      %jit3A_1008 = arith.constant 128 : i32
      %eq3A_1009 = arith.constant 0 : i32
      %eq3A_1010 = arith.cmpi eq, %jit3A_1008, %eq3A_1009 : i32
      %jit3A_1011 = arith.constant 1 : i32
      %select_n3A_1012 = arith.select %eq3A_1010, %jit3A_1011, %jit3A_1008 : i32
      %rem3A_1013 = arith.remsi %squeeze3A_1007, %select_n3A_1012 : i32
      %ne3A_1014 = arith.constant 0 : i32
      %ne3A_1015 = arith.cmpi ne, %rem3A_1013, %ne3A_1014 : i32
      %lt3A_1016 = arith.constant 0 : i32
      %lt3A_1017 = arith.cmpi slt, %rem3A_1013, %lt3A_1016 : i32
      %lt3A_1018 = arith.constant 0 : i32
      %lt3A_1019 = arith.cmpi slt, %select_n3A_1012, %lt3A_1018 : i32
      %ne3A_1020 = arith.xori %lt3A_1017, %lt3A_1019 : i1
      %and3A_1021 = arith.andi %ne3A_1020, %ne3A_1015 : i1
      %add3A_1022 = arith.addi %rem3A_1013, %select_n3A_1012 : i32
      %select_n3A_1023 = arith.select %and3A_1021, %add3A_1022, %rem3A_1013 : i32
      %add3A_1024 = vector.broadcast %select_n3A_1023 : i32 to vector<16xi32>
      %add3A_1025 = arith.addi %broadcast_in_dim3A_23, %add3A_1024 : vector<16xi32>
      %gather3A_1026 = arith.constant 0 : i32
      %gather3A_1027 = arith.constant 2 : i32
      %gather3A_1028 = arith.constant 0 : i32
      %gather3A_1029 = arith.constant 0 : i32
      %gather3A_1030 = tpu.memref_slice %arg9[%gather3A_1026, %gather3A_1027, %gather3A_1028, %gather3A_1029] : memref<2x4x32x128xf32, #tpu.memory_space<vmem>> -> memref<1x1x32x128xf32, #tpu.memory_space<vmem>>
      %gather3A_1031 = tpu.memref_squeeze %gather3A_1030 : memref<1x1x32x128xf32, #tpu.memory_space<vmem>> -> memref<32x128xf32, #tpu.memory_space<vmem>>
      %gather3A_1032 = tpu.vector_load_idx %gather3A_1031[%iota3A, %add3A_1005] : memref<32x128xf32, #tpu.memory_space<vmem>>[vector<16xi32>, vector<16xi32>], vector<16xf32>,
      %add3A_1033 = arith.constant 16 : i32
      %add3A_1034 = vector.broadcast %add3A_1033 : i32 to vector<16xi32>
      %add3A_1035 = arith.addi %iota3A, %add3A_1034 : vector<16xi32>
      %gather3A_1036 = arith.constant 0 : i32
      %gather3A_1037 = arith.constant 2 : i32
      %gather3A_1038 = arith.constant 0 : i32
      %gather3A_1039 = arith.constant 0 : i32
      %gather3A_1040 = tpu.memref_slice %arg9[%gather3A_1036, %gather3A_1037, %gather3A_1038, %gather3A_1039] : memref<2x4x32x128xf32, #tpu.memory_space<vmem>> -> memref<1x1x32x128xf32, #tpu.memory_space<vmem>>
      %gather3A_1041 = tpu.memref_squeeze %gather3A_1040 : memref<1x1x32x128xf32, #tpu.memory_space<vmem>> -> memref<32x128xf32, #tpu.memory_space<vmem>>
      %gather3A_1042 = tpu.vector_load_idx %gather3A_1041[%add3A_1035, %add3A_1005] : memref<32x128xf32, #tpu.memory_space<vmem>>[vector<16xi32>, vector<16xi32>], vector<16xf32>,
      %gather3A_1043 = arith.constant 0 : i32
      %gather3A_1044 = arith.constant 2 : i32
      %gather3A_1045 = arith.constant 0 : i32
      %gather3A_1046 = arith.constant 0 : i32
      %gather3A_1047 = tpu.memref_slice %arg10[%gather3A_1043, %gather3A_1044, %gather3A_1045, %gather3A_1046] : memref<2x4x32x128xf32, #tpu.memory_space<vmem>> -> memref<1x1x32x128xf32, #tpu.memory_space<vmem>>
      %gather3A_1048 = tpu.memref_squeeze %gather3A_1047 : memref<1x1x32x128xf32, #tpu.memory_space<vmem>> -> memref<32x128xf32, #tpu.memory_space<vmem>>
      %gather3A_1049 = tpu.vector_load_idx %gather3A_1048[%iota3A, %add3A_1025] : memref<32x128xf32, #tpu.memory_space<vmem>>[vector<16xi32>, vector<16xi32>], vector<16xf32>,
      %add3A_1050 = arith.constant 16 : i32
      %add3A_1051 = vector.broadcast %add3A_1050 : i32 to vector<16xi32>
      %add3A_1052 = arith.addi %iota3A, %add3A_1051 : vector<16xi32>
      %gather3A_1053 = arith.constant 0 : i32
      %gather3A_1054 = arith.constant 2 : i32
      %gather3A_1055 = arith.constant 0 : i32
      %gather3A_1056 = arith.constant 0 : i32
      %gather3A_1057 = tpu.memref_slice %arg10[%gather3A_1053, %gather3A_1054, %gather3A_1055, %gather3A_1056] : memref<2x4x32x128xf32, #tpu.memory_space<vmem>> -> memref<1x1x32x128xf32, #tpu.memory_space<vmem>>
      %gather3A_1058 = tpu.memref_squeeze %gather3A_1057 : memref<1x1x32x128xf32, #tpu.memory_space<vmem>> -> memref<32x128xf32, #tpu.memory_space<vmem>>
      %gather3A_1059 = tpu.vector_load_idx %gather3A_1058[%add3A_1052, %add3A_1025] : memref<32x128xf32, #tpu.memory_space<vmem>>[vector<16xi32>, vector<16xi32>], vector<16xf32>,
      %mul3A_1060 = arith.mulf %gather3A_1032, %gather3A_1049 : vector<16xf32>
      %mul3A_1061 = arith.mulf %gather3A_1042, %gather3A_1059 : vector<16xf32>
      %add3A_1062 = arith.addf %mul3A_1060, %mul3A_1061 : vector<16xf32>
      %add3A_1063 = arith.constant 2 : i32
      %add3A_1064 = vector.broadcast %add3A_1063 : i32 to vector<16xi32>
      %add3A_1065 = arith.addi %broadcast_in_dim3A_23, %add3A_1064 : vector<16xi32>
      tpu.vector_store_idx %arg11[%iota3A, %add3A_1065], %add3A_1062 : memref<16x16xf32, #tpu.memory_space<vmem>>[vector<16xi32>, vector<16xi32>], vector<16xf32>,
      %slice3A_1066 = vector.extract_strided_slice %get3A_37 {offsets = [3], sizes = [1], strides = [1]} : vector<16xi32> to vector<1xi32>
      %squeeze3A_1067 = vector.extract %slice3A_1066[0] : i32 from vector<1xi32>
      %jit3A_1068 = arith.constant 128 : i32
      %eq3A_1069 = arith.constant 0 : i32
      %eq3A_1070 = arith.cmpi eq, %jit3A_1068, %eq3A_1069 : i32
      %jit3A_1071 = arith.constant 1 : i32
      %select_n3A_1072 = arith.select %eq3A_1070, %jit3A_1071, %jit3A_1068 : i32
      %rem3A_1073 = arith.remsi %squeeze3A_1067, %select_n3A_1072 : i32
      %ne3A_1074 = arith.constant 0 : i32
      %ne3A_1075 = arith.cmpi ne, %rem3A_1073, %ne3A_1074 : i32
      %lt3A_1076 = arith.constant 0 : i32
      %lt3A_1077 = arith.cmpi slt, %rem3A_1073, %lt3A_1076 : i32
      %lt3A_1078 = arith.constant 0 : i32
      %lt3A_1079 = arith.cmpi slt, %select_n3A_1072, %lt3A_1078 : i32
      %ne3A_1080 = arith.xori %lt3A_1077, %lt3A_1079 : i1
      %and3A_1081 = arith.andi %ne3A_1080, %ne3A_1075 : i1
      %add3A_1082 = arith.addi %rem3A_1073, %select_n3A_1072 : i32
      %select_n3A_1083 = arith.select %and3A_1081, %add3A_1082, %rem3A_1073 : i32
      %add3A_1084 = vector.broadcast %select_n3A_1083 : i32 to vector<16xi32>
      %add3A_1085 = arith.addi %broadcast_in_dim3A_23, %add3A_1084 : vector<16xi32>
      %slice3A_1086 = vector.extract_strided_slice %get3A_39 {offsets = [3], sizes = [1], strides = [1]} : vector<16xi32> to vector<1xi32>
      %squeeze3A_1087 = vector.extract %slice3A_1086[0] : i32 from vector<1xi32>
      %jit3A_1088 = arith.constant 128 : i32
      %eq3A_1089 = arith.constant 0 : i32
      %eq3A_1090 = arith.cmpi eq, %jit3A_1088, %eq3A_1089 : i32
      %jit3A_1091 = arith.constant 1 : i32
      %select_n3A_1092 = arith.select %eq3A_1090, %jit3A_1091, %jit3A_1088 : i32
      %rem3A_1093 = arith.remsi %squeeze3A_1087, %select_n3A_1092 : i32
      %ne3A_1094 = arith.constant 0 : i32
      %ne3A_1095 = arith.cmpi ne, %rem3A_1093, %ne3A_1094 : i32
      %lt3A_1096 = arith.constant 0 : i32
      %lt3A_1097 = arith.cmpi slt, %rem3A_1093, %lt3A_1096 : i32
      %lt3A_1098 = arith.constant 0 : i32
      %lt3A_1099 = arith.cmpi slt, %select_n3A_1092, %lt3A_1098 : i32
      %ne3A_1100 = arith.xori %lt3A_1097, %lt3A_1099 : i1
      %and3A_1101 = arith.andi %ne3A_1100, %ne3A_1095 : i1
      %add3A_1102 = arith.addi %rem3A_1093, %select_n3A_1092 : i32
      %select_n3A_1103 = arith.select %and3A_1101, %add3A_1102, %rem3A_1093 : i32
      %add3A_1104 = vector.broadcast %select_n3A_1103 : i32 to vector<16xi32>
      %add3A_1105 = arith.addi %broadcast_in_dim3A_23, %add3A_1104 : vector<16xi32>
      %gather3A_1106 = arith.constant 0 : i32
      %gather3A_1107 = arith.constant 3 : i32
      %gather3A_1108 = arith.constant 0 : i32
      %gather3A_1109 = arith.constant 0 : i32
      %gather3A_1110 = tpu.memref_slice %arg9[%gather3A_1106, %gather3A_1107, %gather3A_1108, %gather3A_1109] : memref<2x4x32x128xf32, #tpu.memory_space<vmem>> -> memref<1x1x32x128xf32, #tpu.memory_space<vmem>>
      %gather3A_1111 = tpu.memref_squeeze %gather3A_1110 : memref<1x1x32x128xf32, #tpu.memory_space<vmem>> -> memref<32x128xf32, #tpu.memory_space<vmem>>
      %gather3A_1112 = tpu.vector_load_idx %gather3A_1111[%iota3A, %add3A_1085] : memref<32x128xf32, #tpu.memory_space<vmem>>[vector<16xi32>, vector<16xi32>], vector<16xf32>,
      %add3A_1113 = arith.constant 16 : i32
      %add3A_1114 = vector.broadcast %add3A_1113 : i32 to vector<16xi32>
      %add3A_1115 = arith.addi %iota3A, %add3A_1114 : vector<16xi32>
      %gather3A_1116 = arith.constant 0 : i32
      %gather3A_1117 = arith.constant 3 : i32
      %gather3A_1118 = arith.constant 0 : i32
      %gather3A_1119 = arith.constant 0 : i32
      %gather3A_1120 = tpu.memref_slice %arg9[%gather3A_1116, %gather3A_1117, %gather3A_1118, %gather3A_1119] : memref<2x4x32x128xf32, #tpu.memory_space<vmem>> -> memref<1x1x32x128xf32, #tpu.memory_space<vmem>>
      %gather3A_1121 = tpu.memref_squeeze %gather3A_1120 : memref<1x1x32x128xf32, #tpu.memory_space<vmem>> -> memref<32x128xf32, #tpu.memory_space<vmem>>
      %gather3A_1122 = tpu.vector_load_idx %gather3A_1121[%add3A_1115, %add3A_1085] : memref<32x128xf32, #tpu.memory_space<vmem>>[vector<16xi32>, vector<16xi32>], vector<16xf32>,
      %gather3A_1123 = arith.constant 0 : i32
      %gather3A_1124 = arith.constant 3 : i32
      %gather3A_1125 = arith.constant 0 : i32
      %gather3A_1126 = arith.constant 0 : i32
      %gather3A_1127 = tpu.memref_slice %arg10[%gather3A_1123, %gather3A_1124, %gather3A_1125, %gather3A_1126] : memref<2x4x32x128xf32, #tpu.memory_space<vmem>> -> memref<1x1x32x128xf32, #tpu.memory_space<vmem>>
      %gather3A_1128 = tpu.memref_squeeze %gather3A_1127 : memref<1x1x32x128xf32, #tpu.memory_space<vmem>> -> memref<32x128xf32, #tpu.memory_space<vmem>>
      %gather3A_1129 = tpu.vector_load_idx %gather3A_1128[%iota3A, %add3A_1105] : memref<32x128xf32, #tpu.memory_space<vmem>>[vector<16xi32>, vector<16xi32>], vector<16xf32>,
      %add3A_1130 = arith.constant 16 : i32
      %add3A_1131 = vector.broadcast %add3A_1130 : i32 to vector<16xi32>
      %add3A_1132 = arith.addi %iota3A, %add3A_1131 : vector<16xi32>
      %gather3A_1133 = arith.constant 0 : i32
      %gather3A_1134 = arith.constant 3 : i32
      %gather3A_1135 = arith.constant 0 : i32
      %gather3A_1136 = arith.constant 0 : i32
      %gather3A_1137 = tpu.memref_slice %arg10[%gather3A_1133, %gather3A_1134, %gather3A_1135, %gather3A_1136] : memref<2x4x32x128xf32, #tpu.memory_space<vmem>> -> memref<1x1x32x128xf32, #tpu.memory_space<vmem>>
      %gather3A_1138 = tpu.memref_squeeze %gather3A_1137 : memref<1x1x32x128xf32, #tpu.memory_space<vmem>> -> memref<32x128xf32, #tpu.memory_space<vmem>>
      %gather3A_1139 = tpu.vector_load_idx %gather3A_1138[%add3A_1132, %add3A_1105] : memref<32x128xf32, #tpu.memory_space<vmem>>[vector<16xi32>, vector<16xi32>], vector<16xf32>,
      %mul3A_1140 = arith.mulf %gather3A_1112, %gather3A_1129 : vector<16xf32>
      %mul3A_1141 = arith.mulf %gather3A_1122, %gather3A_1139 : vector<16xf32>
      %add3A_1142 = arith.addf %mul3A_1140, %mul3A_1141 : vector<16xf32>
      %add3A_1143 = arith.constant 3 : i32
      %add3A_1144 = vector.broadcast %add3A_1143 : i32 to vector<16xi32>
      %add3A_1145 = arith.addi %broadcast_in_dim3A_23, %add3A_1144 : vector<16xi32>
      tpu.vector_store_idx %arg11[%iota3A, %add3A_1145], %add3A_1142 : memref<16x16xf32, #tpu.memory_space<vmem>>[vector<16xi32>, vector<16xi32>], vector<16xf32>,
      %slice3A_1146 = vector.extract_strided_slice %get3A_37 {offsets = [8], sizes = [1], strides = [1]} : vector<16xi32> to vector<1xi32>
      %squeeze3A_1147 = vector.extract %slice3A_1146[0] : i32 from vector<1xi32>
      %jit3A_1148 = arith.constant 128 : i32
      %div3A_1149 = arith.divsi %squeeze3A_1147, %jit3A_1148 : i32
      %sign3A_1150 = arith.constant 0 : i32
      %sign3A_1151 = arith.cmpi sgt, %squeeze3A_1147, %sign3A_1150 : i32
      %sign3A_1152 = arith.extui %sign3A_1151 : i1 to i32
      %sign3A_1153 = arith.constant 0 : i32
      %sign3A_1154 = arith.cmpi slt, %squeeze3A_1147, %sign3A_1153 : i32
      %sign3A_1155 = arith.extui %sign3A_1154 : i1 to i32
      %sign3A_1156 = arith.subi %sign3A_1152, %sign3A_1155 : i32
      %sign3A_1157 = arith.constant 0 : i32
      %sign3A_1158 = arith.cmpi sgt, %jit3A_1148, %sign3A_1157 : i32
      %sign3A_1159 = arith.extui %sign3A_1158 : i1 to i32
      %sign3A_1160 = arith.constant 0 : i32
      %sign3A_1161 = arith.cmpi slt, %jit3A_1148, %sign3A_1160 : i32
      %sign3A_1162 = arith.extui %sign3A_1161 : i1 to i32
      %sign3A_1163 = arith.subi %sign3A_1159, %sign3A_1162 : i32
      %ne3A_1164 = arith.cmpi ne, %sign3A_1156, %sign3A_1163 : i32
      %rem3A_1165 = arith.remsi %squeeze3A_1147, %jit3A_1148 : i32
      %ne3A_1166 = arith.constant 0 : i32
      %ne3A_1167 = arith.cmpi ne, %rem3A_1165, %ne3A_1166 : i32
      %and3A_1168 = arith.andi %ne3A_1164, %ne3A_1167 : i1
      %sub3A_1169 = arith.constant 1 : i32
      %sub3A_1170 = arith.subi %div3A_1149, %sub3A_1169 : i32
      %select_n3A_1171 = arith.select %and3A_1168, %sub3A_1170, %div3A_1149 : i32
      %mul3A_1172 = arith.constant 128 : i32
      %mul3A_1173 = arith.muli %select_n3A_1171, %mul3A_1172 : i32
      %multiple_of3A_1174 = tpu.assume_multiple %mul3A_1173, 128 : i32
      %slice3A_1175 = vector.extract_strided_slice %get3A_39 {offsets = [8], sizes = [1], strides = [1]} : vector<16xi32> to vector<1xi32>
      %squeeze3A_1176 = vector.extract %slice3A_1175[0] : i32 from vector<1xi32>
      %jit3A_1177 = arith.constant 128 : i32
      %div3A_1178 = arith.divsi %squeeze3A_1176, %jit3A_1177 : i32
      %sign3A_1179 = arith.constant 0 : i32
      %sign3A_1180 = arith.cmpi sgt, %squeeze3A_1176, %sign3A_1179 : i32
      %sign3A_1181 = arith.extui %sign3A_1180 : i1 to i32
      %sign3A_1182 = arith.constant 0 : i32
      %sign3A_1183 = arith.cmpi slt, %squeeze3A_1176, %sign3A_1182 : i32
      %sign3A_1184 = arith.extui %sign3A_1183 : i1 to i32
      %sign3A_1185 = arith.subi %sign3A_1181, %sign3A_1184 : i32
      %sign3A_1186 = arith.constant 0 : i32
      %sign3A_1187 = arith.cmpi sgt, %jit3A_1177, %sign3A_1186 : i32
      %sign3A_1188 = arith.extui %sign3A_1187 : i1 to i32
      %sign3A_1189 = arith.constant 0 : i32
      %sign3A_1190 = arith.cmpi slt, %jit3A_1177, %sign3A_1189 : i32
      %sign3A_1191 = arith.extui %sign3A_1190 : i1 to i32
      %sign3A_1192 = arith.subi %sign3A_1188, %sign3A_1191 : i32
      %ne3A_1193 = arith.cmpi ne, %sign3A_1185, %sign3A_1192 : i32
      %rem3A_1194 = arith.remsi %squeeze3A_1176, %jit3A_1177 : i32
      %ne3A_1195 = arith.constant 0 : i32
      %ne3A_1196 = arith.cmpi ne, %rem3A_1194, %ne3A_1195 : i32
      %and3A_1197 = arith.andi %ne3A_1193, %ne3A_1196 : i1
      %sub3A_1198 = arith.constant 1 : i32
      %sub3A_1199 = arith.subi %div3A_1178, %sub3A_1198 : i32
      %select_n3A_1200 = arith.select %and3A_1197, %sub3A_1199, %div3A_1178 : i32
      %mul3A_1201 = arith.constant 128 : i32
      %mul3A_1202 = arith.muli %select_n3A_1200, %mul3A_1201 : i32
      %multiple_of3A_1203 = tpu.assume_multiple %mul3A_1202, 128 : i32
      %dma_start3A_1204 = arith.constant 0 : i32
      %dma_start3A_1205 = arith.constant 0 : i32
      %dma_start3A_1206 = arith.constant 0 : i32
      %dma_start3A_1207 = arith.constant 0 : i32
      %dma_start3A_1208 = tpu.memref_slice %arg9[%dma_start3A_1204, %dma_start3A_1205, %dma_start3A_1206, %dma_start3A_1207] : memref<2x4x32x128xf32, #tpu.memory_space<vmem>> -> memref<1x1x32x128xf32, #tpu.memory_space<vmem>>
      %dma_start3A_1209 = tpu.memref_squeeze %dma_start3A_1208 : memref<1x1x32x128xf32, #tpu.memory_space<vmem>> -> memref<32x128xf32, #tpu.memory_space<vmem>>
      %dma_start3A_1210 = arith.constant 0 : i32
      %dma_start3A_1211 = tpu.memref_slice %arg4[%dma_start3A_1210, %multiple_of3A_1174] : memref<32x1000000xf32, #tpu.memory_space<hbm>> -> memref<32x128xf32, #tpu.memory_space<hbm>>
      %dma_start3A_1212 = arith.constant 0 : i32
      %dma_start3A_1213 = arith.constant 0 : i32
      %dma_start3A_1214 = tpu.memref_slice %arg9[%dma_start3A_1204, %dma_start3A_1205, %dma_start3A_1212, %dma_start3A_1213] : memref<2x4x32x128xf32, #tpu.memory_space<vmem>> -> memref<1x1x32x128xf32, #tpu.memory_space<vmem>>
      %dma_start3A_1215 = tpu.memref_squeeze %dma_start3A_1214 : memref<1x1x32x128xf32, #tpu.memory_space<vmem>> -> memref<32x128xf32, #tpu.memory_space<vmem>>
      %dma_start3A_1216 = arith.constant 0 : i32
      %dma_start3A_1217 = tpu.memref_slice %arg4[%dma_start3A_1216, %multiple_of3A_1174] : memref<32x1000000xf32, #tpu.memory_space<hbm>> -> memref<32x128xf32, #tpu.memory_space<hbm>>
      tpu.enqueue_dma source(%dma_start3A_1217 : memref<32x128xf32, #tpu.memory_space<hbm>>) target(%dma_start3A_1215 : memref<32x128xf32, #tpu.memory_space<vmem>>) target_semaphore(%arg14 : memref<!tpu.dma_semaphore, #tpu.memory_space<semaphore_mem>>)
      %dma_start3A_1218 = arith.constant 0 : i32
      %dma_start3A_1219 = arith.constant 0 : i32
      %dma_start3A_1220 = arith.constant 0 : i32
      %dma_start3A_1221 = arith.constant 0 : i32
      %dma_start3A_1222 = tpu.memref_slice %arg10[%dma_start3A_1218, %dma_start3A_1219, %dma_start3A_1220, %dma_start3A_1221] : memref<2x4x32x128xf32, #tpu.memory_space<vmem>> -> memref<1x1x32x128xf32, #tpu.memory_space<vmem>>
      %dma_start3A_1223 = tpu.memref_squeeze %dma_start3A_1222 : memref<1x1x32x128xf32, #tpu.memory_space<vmem>> -> memref<32x128xf32, #tpu.memory_space<vmem>>
      %dma_start3A_1224 = arith.constant 0 : i32
      %dma_start3A_1225 = tpu.memref_slice %arg5[%dma_start3A_1224, %multiple_of3A_1203] : memref<32x1000000xf32, #tpu.memory_space<hbm>> -> memref<32x128xf32, #tpu.memory_space<hbm>>
      %dma_start3A_1226 = arith.constant 0 : i32
      %dma_start3A_1227 = arith.constant 0 : i32
      %dma_start3A_1228 = tpu.memref_slice %arg10[%dma_start3A_1218, %dma_start3A_1219, %dma_start3A_1226, %dma_start3A_1227] : memref<2x4x32x128xf32, #tpu.memory_space<vmem>> -> memref<1x1x32x128xf32, #tpu.memory_space<vmem>>
      %dma_start3A_1229 = tpu.memref_squeeze %dma_start3A_1228 : memref<1x1x32x128xf32, #tpu.memory_space<vmem>> -> memref<32x128xf32, #tpu.memory_space<vmem>>
      %dma_start3A_1230 = arith.constant 0 : i32
      %dma_start3A_1231 = tpu.memref_slice %arg5[%dma_start3A_1230, %multiple_of3A_1203] : memref<32x1000000xf32, #tpu.memory_space<hbm>> -> memref<32x128xf32, #tpu.memory_space<hbm>>
      tpu.enqueue_dma source(%dma_start3A_1231 : memref<32x128xf32, #tpu.memory_space<hbm>>) target(%dma_start3A_1229 : memref<32x128xf32, #tpu.memory_space<vmem>>) target_semaphore(%arg14 : memref<!tpu.dma_semaphore, #tpu.memory_space<semaphore_mem>>)
      %slice3A_1232 = vector.extract_strided_slice %get3A_37 {offsets = [9], sizes = [1], strides = [1]} : vector<16xi32> to vector<1xi32>
      %squeeze3A_1233 = vector.extract %slice3A_1232[0] : i32 from vector<1xi32>
      %jit3A_1234 = arith.constant 128 : i32
      %div3A_1235 = arith.divsi %squeeze3A_1233, %jit3A_1234 : i32
      %sign3A_1236 = arith.constant 0 : i32
      %sign3A_1237 = arith.cmpi sgt, %squeeze3A_1233, %sign3A_1236 : i32
      %sign3A_1238 = arith.extui %sign3A_1237 : i1 to i32
      %sign3A_1239 = arith.constant 0 : i32
      %sign3A_1240 = arith.cmpi slt, %squeeze3A_1233, %sign3A_1239 : i32
      %sign3A_1241 = arith.extui %sign3A_1240 : i1 to i32
      %sign3A_1242 = arith.subi %sign3A_1238, %sign3A_1241 : i32
      %sign3A_1243 = arith.constant 0 : i32
      %sign3A_1244 = arith.cmpi sgt, %jit3A_1234, %sign3A_1243 : i32
      %sign3A_1245 = arith.extui %sign3A_1244 : i1 to i32
      %sign3A_1246 = arith.constant 0 : i32
      %sign3A_1247 = arith.cmpi slt, %jit3A_1234, %sign3A_1246 : i32
      %sign3A_1248 = arith.extui %sign3A_1247 : i1 to i32
      %sign3A_1249 = arith.subi %sign3A_1245, %sign3A_1248 : i32
      %ne3A_1250 = arith.cmpi ne, %sign3A_1242, %sign3A_1249 : i32
      %rem3A_1251 = arith.remsi %squeeze3A_1233, %jit3A_1234 : i32
      %ne3A_1252 = arith.constant 0 : i32
      %ne3A_1253 = arith.cmpi ne, %rem3A_1251, %ne3A_1252 : i32
      %and3A_1254 = arith.andi %ne3A_1250, %ne3A_1253 : i1
      %sub3A_1255 = arith.constant 1 : i32
      %sub3A_1256 = arith.subi %div3A_1235, %sub3A_1255 : i32
      %select_n3A_1257 = arith.select %and3A_1254, %sub3A_1256, %div3A_1235 : i32
      %mul3A_1258 = arith.constant 128 : i32
      %mul3A_1259 = arith.muli %select_n3A_1257, %mul3A_1258 : i32
      %multiple_of3A_1260 = tpu.assume_multiple %mul3A_1259, 128 : i32
      %slice3A_1261 = vector.extract_strided_slice %get3A_39 {offsets = [9], sizes = [1], strides = [1]} : vector<16xi32> to vector<1xi32>
      %squeeze3A_1262 = vector.extract %slice3A_1261[0] : i32 from vector<1xi32>
      %jit3A_1263 = arith.constant 128 : i32
      %div3A_1264 = arith.divsi %squeeze3A_1262, %jit3A_1263 : i32
      %sign3A_1265 = arith.constant 0 : i32
      %sign3A_1266 = arith.cmpi sgt, %squeeze3A_1262, %sign3A_1265 : i32
      %sign3A_1267 = arith.extui %sign3A_1266 : i1 to i32
      %sign3A_1268 = arith.constant 0 : i32
      %sign3A_1269 = arith.cmpi slt, %squeeze3A_1262, %sign3A_1268 : i32
      %sign3A_1270 = arith.extui %sign3A_1269 : i1 to i32
      %sign3A_1271 = arith.subi %sign3A_1267, %sign3A_1270 : i32
      %sign3A_1272 = arith.constant 0 : i32
      %sign3A_1273 = arith.cmpi sgt, %jit3A_1263, %sign3A_1272 : i32
      %sign3A_1274 = arith.extui %sign3A_1273 : i1 to i32
      %sign3A_1275 = arith.constant 0 : i32
      %sign3A_1276 = arith.cmpi slt, %jit3A_1263, %sign3A_1275 : i32
      %sign3A_1277 = arith.extui %sign3A_1276 : i1 to i32
      %sign3A_1278 = arith.subi %sign3A_1274, %sign3A_1277 : i32
      %ne3A_1279 = arith.cmpi ne, %sign3A_1271, %sign3A_1278 : i32
      %rem3A_1280 = arith.remsi %squeeze3A_1262, %jit3A_1263 : i32
      %ne3A_1281 = arith.constant 0 : i32
      %ne3A_1282 = arith.cmpi ne, %rem3A_1280, %ne3A_1281 : i32
      %and3A_1283 = arith.andi %ne3A_1279, %ne3A_1282 : i1
      %sub3A_1284 = arith.constant 1 : i32
      %sub3A_1285 = arith.subi %div3A_1264, %sub3A_1284 : i32
      %select_n3A_1286 = arith.select %and3A_1283, %sub3A_1285, %div3A_1264 : i32
      %mul3A_1287 = arith.constant 128 : i32
      %mul3A_1288 = arith.muli %select_n3A_1286, %mul3A_1287 : i32
      %multiple_of3A_1289 = tpu.assume_multiple %mul3A_1288, 128 : i32
      %dma_start3A_1290 = arith.constant 0 : i32
      %dma_start3A_1291 = arith.constant 1 : i32
      %dma_start3A_1292 = arith.constant 0 : i32
      %dma_start3A_1293 = arith.constant 0 : i32
      %dma_start3A_1294 = tpu.memref_slice %arg9[%dma_start3A_1290, %dma_start3A_1291, %dma_start3A_1292, %dma_start3A_1293] : memref<2x4x32x128xf32, #tpu.memory_space<vmem>> -> memref<1x1x32x128xf32, #tpu.memory_space<vmem>>
      %dma_start3A_1295 = tpu.memref_squeeze %dma_start3A_1294 : memref<1x1x32x128xf32, #tpu.memory_space<vmem>> -> memref<32x128xf32, #tpu.memory_space<vmem>>
      %dma_start3A_1296 = arith.constant 0 : i32
      %dma_start3A_1297 = tpu.memref_slice %arg4[%dma_start3A_1296, %multiple_of3A_1260] : memref<32x1000000xf32, #tpu.memory_space<hbm>> -> memref<32x128xf32, #tpu.memory_space<hbm>>
      %dma_start3A_1298 = arith.constant 0 : i32
      %dma_start3A_1299 = arith.constant 0 : i32
      %dma_start3A_1300 = tpu.memref_slice %arg9[%dma_start3A_1290, %dma_start3A_1291, %dma_start3A_1298, %dma_start3A_1299] : memref<2x4x32x128xf32, #tpu.memory_space<vmem>> -> memref<1x1x32x128xf32, #tpu.memory_space<vmem>>
      %dma_start3A_1301 = tpu.memref_squeeze %dma_start3A_1300 : memref<1x1x32x128xf32, #tpu.memory_space<vmem>> -> memref<32x128xf32, #tpu.memory_space<vmem>>
      %dma_start3A_1302 = arith.constant 0 : i32
      %dma_start3A_1303 = tpu.memref_slice %arg4[%dma_start3A_1302, %multiple_of3A_1260] : memref<32x1000000xf32, #tpu.memory_space<hbm>> -> memref<32x128xf32, #tpu.memory_space<hbm>>
      tpu.enqueue_dma source(%dma_start3A_1303 : memref<32x128xf32, #tpu.memory_space<hbm>>) target(%dma_start3A_1301 : memref<32x128xf32, #tpu.memory_space<vmem>>) target_semaphore(%arg14 : memref<!tpu.dma_semaphore, #tpu.memory_space<semaphore_mem>>)
      %dma_start3A_1304 = arith.constant 0 : i32
      %dma_start3A_1305 = arith.constant 1 : i32
      %dma_start3A_1306 = arith.constant 0 : i32
      %dma_start3A_1307 = arith.constant 0 : i32
      %dma_start3A_1308 = tpu.memref_slice %arg10[%dma_start3A_1304, %dma_start3A_1305, %dma_start3A_1306, %dma_start3A_1307] : memref<2x4x32x128xf32, #tpu.memory_space<vmem>> -> memref<1x1x32x128xf32, #tpu.memory_space<vmem>>
      %dma_start3A_1309 = tpu.memref_squeeze %dma_start3A_1308 : memref<1x1x32x128xf32, #tpu.memory_space<vmem>> -> memref<32x128xf32, #tpu.memory_space<vmem>>
      %dma_start3A_1310 = arith.constant 0 : i32
      %dma_start3A_1311 = tpu.memref_slice %arg5[%dma_start3A_1310, %multiple_of3A_1289] : memref<32x1000000xf32, #tpu.memory_space<hbm>> -> memref<32x128xf32, #tpu.memory_space<hbm>>
      %dma_start3A_1312 = arith.constant 0 : i32
      %dma_start3A_1313 = arith.constant 0 : i32
      %dma_start3A_1314 = tpu.memref_slice %arg10[%dma_start3A_1304, %dma_start3A_1305, %dma_start3A_1312, %dma_start3A_1313] : memref<2x4x32x128xf32, #tpu.memory_space<vmem>> -> memref<1x1x32x128xf32, #tpu.memory_space<vmem>>
      %dma_start3A_1315 = tpu.memref_squeeze %dma_start3A_1314 : memref<1x1x32x128xf32, #tpu.memory_space<vmem>> -> memref<32x128xf32, #tpu.memory_space<vmem>>
      %dma_start3A_1316 = arith.constant 0 : i32
      %dma_start3A_1317 = tpu.memref_slice %arg5[%dma_start3A_1316, %multiple_of3A_1289] : memref<32x1000000xf32, #tpu.memory_space<hbm>> -> memref<32x128xf32, #tpu.memory_space<hbm>>
      tpu.enqueue_dma source(%dma_start3A_1317 : memref<32x128xf32, #tpu.memory_space<hbm>>) target(%dma_start3A_1315 : memref<32x128xf32, #tpu.memory_space<vmem>>) target_semaphore(%arg14 : memref<!tpu.dma_semaphore, #tpu.memory_space<semaphore_mem>>)
      %slice3A_1318 = vector.extract_strided_slice %get3A_37 {offsets = [10], sizes = [1], strides = [1]} : vector<16xi32> to vector<1xi32>
      %squeeze3A_1319 = vector.extract %slice3A_1318[0] : i32 from vector<1xi32>
      %jit3A_1320 = arith.constant 128 : i32
      %div3A_1321 = arith.divsi %squeeze3A_1319, %jit3A_1320 : i32
      %sign3A_1322 = arith.constant 0 : i32
      %sign3A_1323 = arith.cmpi sgt, %squeeze3A_1319, %sign3A_1322 : i32
      %sign3A_1324 = arith.extui %sign3A_1323 : i1 to i32
      %sign3A_1325 = arith.constant 0 : i32
      %sign3A_1326 = arith.cmpi slt, %squeeze3A_1319, %sign3A_1325 : i32
      %sign3A_1327 = arith.extui %sign3A_1326 : i1 to i32
      %sign3A_1328 = arith.subi %sign3A_1324, %sign3A_1327 : i32
      %sign3A_1329 = arith.constant 0 : i32
      %sign3A_1330 = arith.cmpi sgt, %jit3A_1320, %sign3A_1329 : i32
      %sign3A_1331 = arith.extui %sign3A_1330 : i1 to i32
      %sign3A_1332 = arith.constant 0 : i32
      %sign3A_1333 = arith.cmpi slt, %jit3A_1320, %sign3A_1332 : i32
      %sign3A_1334 = arith.extui %sign3A_1333 : i1 to i32
      %sign3A_1335 = arith.subi %sign3A_1331, %sign3A_1334 : i32
      %ne3A_1336 = arith.cmpi ne, %sign3A_1328, %sign3A_1335 : i32
      %rem3A_1337 = arith.remsi %squeeze3A_1319, %jit3A_1320 : i32
      %ne3A_1338 = arith.constant 0 : i32
      %ne3A_1339 = arith.cmpi ne, %rem3A_1337, %ne3A_1338 : i32
      %and3A_1340 = arith.andi %ne3A_1336, %ne3A_1339 : i1
      %sub3A_1341 = arith.constant 1 : i32
      %sub3A_1342 = arith.subi %div3A_1321, %sub3A_1341 : i32
      %select_n3A_1343 = arith.select %and3A_1340, %sub3A_1342, %div3A_1321 : i32
      %mul3A_1344 = arith.constant 128 : i32
      %mul3A_1345 = arith.muli %select_n3A_1343, %mul3A_1344 : i32
      %multiple_of3A_1346 = tpu.assume_multiple %mul3A_1345, 128 : i32
      %slice3A_1347 = vector.extract_strided_slice %get3A_39 {offsets = [10], sizes = [1], strides = [1]} : vector<16xi32> to vector<1xi32>
      %squeeze3A_1348 = vector.extract %slice3A_1347[0] : i32 from vector<1xi32>
      %jit3A_1349 = arith.constant 128 : i32
      %div3A_1350 = arith.divsi %squeeze3A_1348, %jit3A_1349 : i32
      %sign3A_1351 = arith.constant 0 : i32
      %sign3A_1352 = arith.cmpi sgt, %squeeze3A_1348, %sign3A_1351 : i32
      %sign3A_1353 = arith.extui %sign3A_1352 : i1 to i32
      %sign3A_1354 = arith.constant 0 : i32
      %sign3A_1355 = arith.cmpi slt, %squeeze3A_1348, %sign3A_1354 : i32
      %sign3A_1356 = arith.extui %sign3A_1355 : i1 to i32
      %sign3A_1357 = arith.subi %sign3A_1353, %sign3A_1356 : i32
      %sign3A_1358 = arith.constant 0 : i32
      %sign3A_1359 = arith.cmpi sgt, %jit3A_1349, %sign3A_1358 : i32
      %sign3A_1360 = arith.extui %sign3A_1359 : i1 to i32
      %sign3A_1361 = arith.constant 0 : i32
      %sign3A_1362 = arith.cmpi slt, %jit3A_1349, %sign3A_1361 : i32
      %sign3A_1363 = arith.extui %sign3A_1362 : i1 to i32
      %sign3A_1364 = arith.subi %sign3A_1360, %sign3A_1363 : i32
      %ne3A_1365 = arith.cmpi ne, %sign3A_1357, %sign3A_1364 : i32
      %rem3A_1366 = arith.remsi %squeeze3A_1348, %jit3A_1349 : i32
      %ne3A_1367 = arith.constant 0 : i32
      %ne3A_1368 = arith.cmpi ne, %rem3A_1366, %ne3A_1367 : i32
      %and3A_1369 = arith.andi %ne3A_1365, %ne3A_1368 : i1
      %sub3A_1370 = arith.constant 1 : i32
      %sub3A_1371 = arith.subi %div3A_1350, %sub3A_1370 : i32
      %select_n3A_1372 = arith.select %and3A_1369, %sub3A_1371, %div3A_1350 : i32
      %mul3A_1373 = arith.constant 128 : i32
      %mul3A_1374 = arith.muli %select_n3A_1372, %mul3A_1373 : i32
      %multiple_of3A_1375 = tpu.assume_multiple %mul3A_1374, 128 : i32
      %dma_start3A_1376 = arith.constant 0 : i32
      %dma_start3A_1377 = arith.constant 2 : i32
      %dma_start3A_1378 = arith.constant 0 : i32
      %dma_start3A_1379 = arith.constant 0 : i32
      %dma_start3A_1380 = tpu.memref_slice %arg9[%dma_start3A_1376, %dma_start3A_1377, %dma_start3A_1378, %dma_start3A_1379] : memref<2x4x32x128xf32, #tpu.memory_space<vmem>> -> memref<1x1x32x128xf32, #tpu.memory_space<vmem>>
      %dma_start3A_1381 = tpu.memref_squeeze %dma_start3A_1380 : memref<1x1x32x128xf32, #tpu.memory_space<vmem>> -> memref<32x128xf32, #tpu.memory_space<vmem>>
      %dma_start3A_1382 = arith.constant 0 : i32
      %dma_start3A_1383 = tpu.memref_slice %arg4[%dma_start3A_1382, %multiple_of3A_1346] : memref<32x1000000xf32, #tpu.memory_space<hbm>> -> memref<32x128xf32, #tpu.memory_space<hbm>>
      %dma_start3A_1384 = arith.constant 0 : i32
      %dma_start3A_1385 = arith.constant 0 : i32
      %dma_start3A_1386 = tpu.memref_slice %arg9[%dma_start3A_1376, %dma_start3A_1377, %dma_start3A_1384, %dma_start3A_1385] : memref<2x4x32x128xf32, #tpu.memory_space<vmem>> -> memref<1x1x32x128xf32, #tpu.memory_space<vmem>>
      %dma_start3A_1387 = tpu.memref_squeeze %dma_start3A_1386 : memref<1x1x32x128xf32, #tpu.memory_space<vmem>> -> memref<32x128xf32, #tpu.memory_space<vmem>>
      %dma_start3A_1388 = arith.constant 0 : i32
      %dma_start3A_1389 = tpu.memref_slice %arg4[%dma_start3A_1388, %multiple_of3A_1346] : memref<32x1000000xf32, #tpu.memory_space<hbm>> -> memref<32x128xf32, #tpu.memory_space<hbm>>
      tpu.enqueue_dma source(%dma_start3A_1389 : memref<32x128xf32, #tpu.memory_space<hbm>>) target(%dma_start3A_1387 : memref<32x128xf32, #tpu.memory_space<vmem>>) target_semaphore(%arg14 : memref<!tpu.dma_semaphore, #tpu.memory_space<semaphore_mem>>)
      %dma_start3A_1390 = arith.constant 0 : i32
      %dma_start3A_1391 = arith.constant 2 : i32
      %dma_start3A_1392 = arith.constant 0 : i32
      %dma_start3A_1393 = arith.constant 0 : i32
      %dma_start3A_1394 = tpu.memref_slice %arg10[%dma_start3A_1390, %dma_start3A_1391, %dma_start3A_1392, %dma_start3A_1393] : memref<2x4x32x128xf32, #tpu.memory_space<vmem>> -> memref<1x1x32x128xf32, #tpu.memory_space<vmem>>
      %dma_start3A_1395 = tpu.memref_squeeze %dma_start3A_1394 : memref<1x1x32x128xf32, #tpu.memory_space<vmem>> -> memref<32x128xf32, #tpu.memory_space<vmem>>
      %dma_start3A_1396 = arith.constant 0 : i32
      %dma_start3A_1397 = tpu.memref_slice %arg5[%dma_start3A_1396, %multiple_of3A_1375] : memref<32x1000000xf32, #tpu.memory_space<hbm>> -> memref<32x128xf32, #tpu.memory_space<hbm>>
      %dma_start3A_1398 = arith.constant 0 : i32
      %dma_start3A_1399 = arith.constant 0 : i32
      %dma_start3A_1400 = tpu.memref_slice %arg10[%dma_start3A_1390, %dma_start3A_1391, %dma_start3A_1398, %dma_start3A_1399] : memref<2x4x32x128xf32, #tpu.memory_space<vmem>> -> memref<1x1x32x128xf32, #tpu.memory_space<vmem>>
      %dma_start3A_1401 = tpu.memref_squeeze %dma_start3A_1400 : memref<1x1x32x128xf32, #tpu.memory_space<vmem>> -> memref<32x128xf32, #tpu.memory_space<vmem>>
      %dma_start3A_1402 = arith.constant 0 : i32
      %dma_start3A_1403 = tpu.memref_slice %arg5[%dma_start3A_1402, %multiple_of3A_1375] : memref<32x1000000xf32, #tpu.memory_space<hbm>> -> memref<32x128xf32, #tpu.memory_space<hbm>>
      tpu.enqueue_dma source(%dma_start3A_1403 : memref<32x128xf32, #tpu.memory_space<hbm>>) target(%dma_start3A_1401 : memref<32x128xf32, #tpu.memory_space<vmem>>) target_semaphore(%arg14 : memref<!tpu.dma_semaphore, #tpu.memory_space<semaphore_mem>>)
      %slice3A_1404 = vector.extract_strided_slice %get3A_37 {offsets = [11], sizes = [1], strides = [1]} : vector<16xi32> to vector<1xi32>
      %squeeze3A_1405 = vector.extract %slice3A_1404[0] : i32 from vector<1xi32>
      %jit3A_1406 = arith.constant 128 : i32
      %div3A_1407 = arith.divsi %squeeze3A_1405, %jit3A_1406 : i32
      %sign3A_1408 = arith.constant 0 : i32
      %sign3A_1409 = arith.cmpi sgt, %squeeze3A_1405, %sign3A_1408 : i32
      %sign3A_1410 = arith.extui %sign3A_1409 : i1 to i32
      %sign3A_1411 = arith.constant 0 : i32
      %sign3A_1412 = arith.cmpi slt, %squeeze3A_1405, %sign3A_1411 : i32
      %sign3A_1413 = arith.extui %sign3A_1412 : i1 to i32
      %sign3A_1414 = arith.subi %sign3A_1410, %sign3A_1413 : i32
      %sign3A_1415 = arith.constant 0 : i32
      %sign3A_1416 = arith.cmpi sgt, %jit3A_1406, %sign3A_1415 : i32
      %sign3A_1417 = arith.extui %sign3A_1416 : i1 to i32
      %sign3A_1418 = arith.constant 0 : i32
      %sign3A_1419 = arith.cmpi slt, %jit3A_1406, %sign3A_1418 : i32
      %sign3A_1420 = arith.extui %sign3A_1419 : i1 to i32
      %sign3A_1421 = arith.subi %sign3A_1417, %sign3A_1420 : i32
      %ne3A_1422 = arith.cmpi ne, %sign3A_1414, %sign3A_1421 : i32
      %rem3A_1423 = arith.remsi %squeeze3A_1405, %jit3A_1406 : i32
      %ne3A_1424 = arith.constant 0 : i32
      %ne3A_1425 = arith.cmpi ne, %rem3A_1423, %ne3A_1424 : i32
      %and3A_1426 = arith.andi %ne3A_1422, %ne3A_1425 : i1
      %sub3A_1427 = arith.constant 1 : i32
      %sub3A_1428 = arith.subi %div3A_1407, %sub3A_1427 : i32
      %select_n3A_1429 = arith.select %and3A_1426, %sub3A_1428, %div3A_1407 : i32
      %mul3A_1430 = arith.constant 128 : i32
      %mul3A_1431 = arith.muli %select_n3A_1429, %mul3A_1430 : i32
      %multiple_of3A_1432 = tpu.assume_multiple %mul3A_1431, 128 : i32
      %slice3A_1433 = vector.extract_strided_slice %get3A_39 {offsets = [11], sizes = [1], strides = [1]} : vector<16xi32> to vector<1xi32>
      %squeeze3A_1434 = vector.extract %slice3A_1433[0] : i32 from vector<1xi32>
      %jit3A_1435 = arith.constant 128 : i32
      %div3A_1436 = arith.divsi %squeeze3A_1434, %jit3A_1435 : i32
      %sign3A_1437 = arith.constant 0 : i32
      %sign3A_1438 = arith.cmpi sgt, %squeeze3A_1434, %sign3A_1437 : i32
      %sign3A_1439 = arith.extui %sign3A_1438 : i1 to i32
      %sign3A_1440 = arith.constant 0 : i32
      %sign3A_1441 = arith.cmpi slt, %squeeze3A_1434, %sign3A_1440 : i32
      %sign3A_1442 = arith.extui %sign3A_1441 : i1 to i32
      %sign3A_1443 = arith.subi %sign3A_1439, %sign3A_1442 : i32
      %sign3A_1444 = arith.constant 0 : i32
      %sign3A_1445 = arith.cmpi sgt, %jit3A_1435, %sign3A_1444 : i32
      %sign3A_1446 = arith.extui %sign3A_1445 : i1 to i32
      %sign3A_1447 = arith.constant 0 : i32
      %sign3A_1448 = arith.cmpi slt, %jit3A_1435, %sign3A_1447 : i32
      %sign3A_1449 = arith.extui %sign3A_1448 : i1 to i32
      %sign3A_1450 = arith.subi %sign3A_1446, %sign3A_1449 : i32
      %ne3A_1451 = arith.cmpi ne, %sign3A_1443, %sign3A_1450 : i32
      %rem3A_1452 = arith.remsi %squeeze3A_1434, %jit3A_1435 : i32
      %ne3A_1453 = arith.constant 0 : i32
      %ne3A_1454 = arith.cmpi ne, %rem3A_1452, %ne3A_1453 : i32
      %and3A_1455 = arith.andi %ne3A_1451, %ne3A_1454 : i1
      %sub3A_1456 = arith.constant 1 : i32
      %sub3A_1457 = arith.subi %div3A_1436, %sub3A_1456 : i32
      %select_n3A_1458 = arith.select %and3A_1455, %sub3A_1457, %div3A_1436 : i32
      %mul3A_1459 = arith.constant 128 : i32
      %mul3A_1460 = arith.muli %select_n3A_1458, %mul3A_1459 : i32
      %multiple_of3A_1461 = tpu.assume_multiple %mul3A_1460, 128 : i32
      %dma_start3A_1462 = arith.constant 0 : i32
      %dma_start3A_1463 = arith.constant 3 : i32
      %dma_start3A_1464 = arith.constant 0 : i32
      %dma_start3A_1465 = arith.constant 0 : i32
      %dma_start3A_1466 = tpu.memref_slice %arg9[%dma_start3A_1462, %dma_start3A_1463, %dma_start3A_1464, %dma_start3A_1465] : memref<2x4x32x128xf32, #tpu.memory_space<vmem>> -> memref<1x1x32x128xf32, #tpu.memory_space<vmem>>
      %dma_start3A_1467 = tpu.memref_squeeze %dma_start3A_1466 : memref<1x1x32x128xf32, #tpu.memory_space<vmem>> -> memref<32x128xf32, #tpu.memory_space<vmem>>
      %dma_start3A_1468 = arith.constant 0 : i32
      %dma_start3A_1469 = tpu.memref_slice %arg4[%dma_start3A_1468, %multiple_of3A_1432] : memref<32x1000000xf32, #tpu.memory_space<hbm>> -> memref<32x128xf32, #tpu.memory_space<hbm>>
      %dma_start3A_1470 = arith.constant 0 : i32
      %dma_start3A_1471 = arith.constant 0 : i32
      %dma_start3A_1472 = tpu.memref_slice %arg9[%dma_start3A_1462, %dma_start3A_1463, %dma_start3A_1470, %dma_start3A_1471] : memref<2x4x32x128xf32, #tpu.memory_space<vmem>> -> memref<1x1x32x128xf32, #tpu.memory_space<vmem>>
      %dma_start3A_1473 = tpu.memref_squeeze %dma_start3A_1472 : memref<1x1x32x128xf32, #tpu.memory_space<vmem>> -> memref<32x128xf32, #tpu.memory_space<vmem>>
      %dma_start3A_1474 = arith.constant 0 : i32
      %dma_start3A_1475 = tpu.memref_slice %arg4[%dma_start3A_1474, %multiple_of3A_1432] : memref<32x1000000xf32, #tpu.memory_space<hbm>> -> memref<32x128xf32, #tpu.memory_space<hbm>>
      tpu.enqueue_dma source(%dma_start3A_1475 : memref<32x128xf32, #tpu.memory_space<hbm>>) target(%dma_start3A_1473 : memref<32x128xf32, #tpu.memory_space<vmem>>) target_semaphore(%arg14 : memref<!tpu.dma_semaphore, #tpu.memory_space<semaphore_mem>>)
      %dma_start3A_1476 = arith.constant 0 : i32
      %dma_start3A_1477 = arith.constant 3 : i32
      %dma_start3A_1478 = arith.constant 0 : i32
      %dma_start3A_1479 = arith.constant 0 : i32
      %dma_start3A_1480 = tpu.memref_slice %arg10[%dma_start3A_1476, %dma_start3A_1477, %dma_start3A_1478, %dma_start3A_1479] : memref<2x4x32x128xf32, #tpu.memory_space<vmem>> -> memref<1x1x32x128xf32, #tpu.memory_space<vmem>>
      %dma_start3A_1481 = tpu.memref_squeeze %dma_start3A_1480 : memref<1x1x32x128xf32, #tpu.memory_space<vmem>> -> memref<32x128xf32, #tpu.memory_space<vmem>>
      %dma_start3A_1482 = arith.constant 0 : i32
      %dma_start3A_1483 = tpu.memref_slice %arg5[%dma_start3A_1482, %multiple_of3A_1461] : memref<32x1000000xf32, #tpu.memory_space<hbm>> -> memref<32x128xf32, #tpu.memory_space<hbm>>
      %dma_start3A_1484 = arith.constant 0 : i32
      %dma_start3A_1485 = arith.constant 0 : i32
      %dma_start3A_1486 = tpu.memref_slice %arg10[%dma_start3A_1476, %dma_start3A_1477, %dma_start3A_1484, %dma_start3A_1485] : memref<2x4x32x128xf32, #tpu.memory_space<vmem>> -> memref<1x1x32x128xf32, #tpu.memory_space<vmem>>
      %dma_start3A_1487 = tpu.memref_squeeze %dma_start3A_1486 : memref<1x1x32x128xf32, #tpu.memory_space<vmem>> -> memref<32x128xf32, #tpu.memory_space<vmem>>
      %dma_start3A_1488 = arith.constant 0 : i32
      %dma_start3A_1489 = tpu.memref_slice %arg5[%dma_start3A_1488, %multiple_of3A_1461] : memref<32x1000000xf32, #tpu.memory_space<hbm>> -> memref<32x128xf32, #tpu.memory_space<hbm>>
      tpu.enqueue_dma source(%dma_start3A_1489 : memref<32x128xf32, #tpu.memory_space<hbm>>) target(%dma_start3A_1487 : memref<32x128xf32, #tpu.memory_space<vmem>>) target_semaphore(%arg14 : memref<!tpu.dma_semaphore, #tpu.memory_space<semaphore_mem>>)
      %dma_wait3A_1490 = arith.constant 1 : i32
      %dma_wait3A_1491 = arith.constant 0 : i32
      %dma_wait3A_1492 = arith.constant 0 : i32
      %dma_wait3A_1493 = arith.constant 0 : i32
      %dma_wait3A_1494 = tpu.memref_slice %arg9[%dma_wait3A_1490, %dma_wait3A_1491, %dma_wait3A_1492, %dma_wait3A_1493] : memref<2x4x32x128xf32, #tpu.memory_space<vmem>> -> memref<1x1x32x128xf32, #tpu.memory_space<vmem>>
      %dma_wait3A_1495 = tpu.memref_squeeze %dma_wait3A_1494 : memref<1x1x32x128xf32, #tpu.memory_space<vmem>> -> memref<32x128xf32, #tpu.memory_space<vmem>>
      %dma_wait3A_1496 = arith.constant 0 : i32
      %dma_wait3A_1497 = tpu.memref_slice %arg4[%dma_wait3A_1496, %multiple_of3A_401] : memref<32x1000000xf32, #tpu.memory_space<hbm>> -> memref<32x128xf32, #tpu.memory_space<hbm>>
      %dma_wait3A_1498 = arith.constant 0 : i32
      %dma_wait3A_1499 = arith.constant 0 : i32
      %dma_wait3A_1500 = tpu.memref_slice %arg9[%dma_wait3A_1490, %dma_wait3A_1491, %dma_wait3A_1498, %dma_wait3A_1499] : memref<2x4x32x128xf32, #tpu.memory_space<vmem>> -> memref<1x1x32x128xf32, #tpu.memory_space<vmem>>
      %dma_wait3A_1501 = tpu.memref_squeeze %dma_wait3A_1500 : memref<1x1x32x128xf32, #tpu.memory_space<vmem>> -> memref<32x128xf32, #tpu.memory_space<vmem>>
      %dma_wait3A_1502 = arith.constant 0 : i32
      %dma_wait3A_1503 = tpu.memref_slice %arg4[%dma_wait3A_1502, %multiple_of3A_401] : memref<32x1000000xf32, #tpu.memory_space<hbm>> -> memref<32x128xf32, #tpu.memory_space<hbm>>
      tpu.wait_dma2 semaphore(%arg14 : memref<!tpu.dma_semaphore, #tpu.memory_space<semaphore_mem>>) src(%dma_wait3A_1503 : memref<32x128xf32, #tpu.memory_space<hbm>>) dst(%dma_wait3A_1501 : memref<32x128xf32, #tpu.memory_space<vmem>>)
      %dma_wait3A_1504 = arith.constant 1 : i32
      %dma_wait3A_1505 = arith.constant 0 : i32
      %dma_wait3A_1506 = arith.constant 0 : i32
      %dma_wait3A_1507 = arith.constant 0 : i32
      %dma_wait3A_1508 = tpu.memref_slice %arg10[%dma_wait3A_1504, %dma_wait3A_1505, %dma_wait3A_1506, %dma_wait3A_1507] : memref<2x4x32x128xf32, #tpu.memory_space<vmem>> -> memref<1x1x32x128xf32, #tpu.memory_space<vmem>>
      %dma_wait3A_1509 = tpu.memref_squeeze %dma_wait3A_1508 : memref<1x1x32x128xf32, #tpu.memory_space<vmem>> -> memref<32x128xf32, #tpu.memory_space<vmem>>
      %dma_wait3A_1510 = arith.constant 0 : i32
      %dma_wait3A_1511 = tpu.memref_slice %arg5[%dma_wait3A_1510, %multiple_of3A_430] : memref<32x1000000xf32, #tpu.memory_space<hbm>> -> memref<32x128xf32, #tpu.memory_space<hbm>>
      %dma_wait3A_1512 = arith.constant 0 : i32
      %dma_wait3A_1513 = arith.constant 0 : i32
      %dma_wait3A_1514 = tpu.memref_slice %arg10[%dma_wait3A_1504, %dma_wait3A_1505, %dma_wait3A_1512, %dma_wait3A_1513] : memref<2x4x32x128xf32, #tpu.memory_space<vmem>> -> memref<1x1x32x128xf32, #tpu.memory_space<vmem>>
      %dma_wait3A_1515 = tpu.memref_squeeze %dma_wait3A_1514 : memref<1x1x32x128xf32, #tpu.memory_space<vmem>> -> memref<32x128xf32, #tpu.memory_space<vmem>>
      %dma_wait3A_1516 = arith.constant 0 : i32
      %dma_wait3A_1517 = tpu.memref_slice %arg5[%dma_wait3A_1516, %multiple_of3A_430] : memref<32x1000000xf32, #tpu.memory_space<hbm>> -> memref<32x128xf32, #tpu.memory_space<hbm>>
      tpu.wait_dma2 semaphore(%arg14 : memref<!tpu.dma_semaphore, #tpu.memory_space<semaphore_mem>>) src(%dma_wait3A_1517 : memref<32x128xf32, #tpu.memory_space<hbm>>) dst(%dma_wait3A_1515 : memref<32x128xf32, #tpu.memory_space<vmem>>)
      %dma_wait3A_1518 = arith.constant 1 : i32
      %dma_wait3A_1519 = arith.constant 1 : i32
      %dma_wait3A_1520 = arith.constant 0 : i32
      %dma_wait3A_1521 = arith.constant 0 : i32
      %dma_wait3A_1522 = tpu.memref_slice %arg9[%dma_wait3A_1518, %dma_wait3A_1519, %dma_wait3A_1520, %dma_wait3A_1521] : memref<2x4x32x128xf32, #tpu.memory_space<vmem>> -> memref<1x1x32x128xf32, #tpu.memory_space<vmem>>
      %dma_wait3A_1523 = tpu.memref_squeeze %dma_wait3A_1522 : memref<1x1x32x128xf32, #tpu.memory_space<vmem>> -> memref<32x128xf32, #tpu.memory_space<vmem>>
      %dma_wait3A_1524 = arith.constant 0 : i32
      %dma_wait3A_1525 = tpu.memref_slice %arg4[%dma_wait3A_1524, %multiple_of3A_487] : memref<32x1000000xf32, #tpu.memory_space<hbm>> -> memref<32x128xf32, #tpu.memory_space<hbm>>
      %dma_wait3A_1526 = arith.constant 0 : i32
      %dma_wait3A_1527 = arith.constant 0 : i32
      %dma_wait3A_1528 = tpu.memref_slice %arg9[%dma_wait3A_1518, %dma_wait3A_1519, %dma_wait3A_1526, %dma_wait3A_1527] : memref<2x4x32x128xf32, #tpu.memory_space<vmem>> -> memref<1x1x32x128xf32, #tpu.memory_space<vmem>>
      %dma_wait3A_1529 = tpu.memref_squeeze %dma_wait3A_1528 : memref<1x1x32x128xf32, #tpu.memory_space<vmem>> -> memref<32x128xf32, #tpu.memory_space<vmem>>
      %dma_wait3A_1530 = arith.constant 0 : i32
      %dma_wait3A_1531 = tpu.memref_slice %arg4[%dma_wait3A_1530, %multiple_of3A_487] : memref<32x1000000xf32, #tpu.memory_space<hbm>> -> memref<32x128xf32, #tpu.memory_space<hbm>>
      tpu.wait_dma2 semaphore(%arg14 : memref<!tpu.dma_semaphore, #tpu.memory_space<semaphore_mem>>) src(%dma_wait3A_1531 : memref<32x128xf32, #tpu.memory_space<hbm>>) dst(%dma_wait3A_1529 : memref<32x128xf32, #tpu.memory_space<vmem>>)
      %dma_wait3A_1532 = arith.constant 1 : i32
      %dma_wait3A_1533 = arith.constant 1 : i32
      %dma_wait3A_1534 = arith.constant 0 : i32
      %dma_wait3A_1535 = arith.constant 0 : i32
      %dma_wait3A_1536 = tpu.memref_slice %arg10[%dma_wait3A_1532, %dma_wait3A_1533, %dma_wait3A_1534, %dma_wait3A_1535] : memref<2x4x32x128xf32, #tpu.memory_space<vmem>> -> memref<1x1x32x128xf32, #tpu.memory_space<vmem>>
      %dma_wait3A_1537 = tpu.memref_squeeze %dma_wait3A_1536 : memref<1x1x32x128xf32, #tpu.memory_space<vmem>> -> memref<32x128xf32, #tpu.memory_space<vmem>>
      %dma_wait3A_1538 = arith.constant 0 : i32
      %dma_wait3A_1539 = tpu.memref_slice %arg5[%dma_wait3A_1538, %multiple_of3A_516] : memref<32x1000000xf32, #tpu.memory_space<hbm>> -> memref<32x128xf32, #tpu.memory_space<hbm>>
      %dma_wait3A_1540 = arith.constant 0 : i32
      %dma_wait3A_1541 = arith.constant 0 : i32
      %dma_wait3A_1542 = tpu.memref_slice %arg10[%dma_wait3A_1532, %dma_wait3A_1533, %dma_wait3A_1540, %dma_wait3A_1541] : memref<2x4x32x128xf32, #tpu.memory_space<vmem>> -> memref<1x1x32x128xf32, #tpu.memory_space<vmem>>
      %dma_wait3A_1543 = tpu.memref_squeeze %dma_wait3A_1542 : memref<1x1x32x128xf32, #tpu.memory_space<vmem>> -> memref<32x128xf32, #tpu.memory_space<vmem>>
      %dma_wait3A_1544 = arith.constant 0 : i32
      %dma_wait3A_1545 = tpu.memref_slice %arg5[%dma_wait3A_1544, %multiple_of3A_516] : memref<32x1000000xf32, #tpu.memory_space<hbm>> -> memref<32x128xf32, #tpu.memory_space<hbm>>
      tpu.wait_dma2 semaphore(%arg14 : memref<!tpu.dma_semaphore, #tpu.memory_space<semaphore_mem>>) src(%dma_wait3A_1545 : memref<32x128xf32, #tpu.memory_space<hbm>>) dst(%dma_wait3A_1543 : memref<32x128xf32, #tpu.memory_space<vmem>>)
      %dma_wait3A_1546 = arith.constant 1 : i32
      %dma_wait3A_1547 = arith.constant 2 : i32
      %dma_wait3A_1548 = arith.constant 0 : i32
      %dma_wait3A_1549 = arith.constant 0 : i32
      %dma_wait3A_1550 = tpu.memref_slice %arg9[%dma_wait3A_1546, %dma_wait3A_1547, %dma_wait3A_1548, %dma_wait3A_1549] : memref<2x4x32x128xf32, #tpu.memory_space<vmem>> -> memref<1x1x32x128xf32, #tpu.memory_space<vmem>>
      %dma_wait3A_1551 = tpu.memref_squeeze %dma_wait3A_1550 : memref<1x1x32x128xf32, #tpu.memory_space<vmem>> -> memref<32x128xf32, #tpu.memory_space<vmem>>
      %dma_wait3A_1552 = arith.constant 0 : i32
      %dma_wait3A_1553 = tpu.memref_slice %arg4[%dma_wait3A_1552, %multiple_of3A_573] : memref<32x1000000xf32, #tpu.memory_space<hbm>> -> memref<32x128xf32, #tpu.memory_space<hbm>>
      %dma_wait3A_1554 = arith.constant 0 : i32
      %dma_wait3A_1555 = arith.constant 0 : i32
      %dma_wait3A_1556 = tpu.memref_slice %arg9[%dma_wait3A_1546, %dma_wait3A_1547, %dma_wait3A_1554, %dma_wait3A_1555] : memref<2x4x32x128xf32, #tpu.memory_space<vmem>> -> memref<1x1x32x128xf32, #tpu.memory_space<vmem>>
      %dma_wait3A_1557 = tpu.memref_squeeze %dma_wait3A_1556 : memref<1x1x32x128xf32, #tpu.memory_space<vmem>> -> memref<32x128xf32, #tpu.memory_space<vmem>>
      %dma_wait3A_1558 = arith.constant 0 : i32
      %dma_wait3A_1559 = tpu.memref_slice %arg4[%dma_wait3A_1558, %multiple_of3A_573] : memref<32x1000000xf32, #tpu.memory_space<hbm>> -> memref<32x128xf32, #tpu.memory_space<hbm>>
      tpu.wait_dma2 semaphore(%arg14 : memref<!tpu.dma_semaphore, #tpu.memory_space<semaphore_mem>>) src(%dma_wait3A_1559 : memref<32x128xf32, #tpu.memory_space<hbm>>) dst(%dma_wait3A_1557 : memref<32x128xf32, #tpu.memory_space<vmem>>)
      %dma_wait3A_1560 = arith.constant 1 : i32
      %dma_wait3A_1561 = arith.constant 2 : i32
      %dma_wait3A_1562 = arith.constant 0 : i32
      %dma_wait3A_1563 = arith.constant 0 : i32
      %dma_wait3A_1564 = tpu.memref_slice %arg10[%dma_wait3A_1560, %dma_wait3A_1561, %dma_wait3A_1562, %dma_wait3A_1563] : memref<2x4x32x128xf32, #tpu.memory_space<vmem>> -> memref<1x1x32x128xf32, #tpu.memory_space<vmem>>
      %dma_wait3A_1565 = tpu.memref_squeeze %dma_wait3A_1564 : memref<1x1x32x128xf32, #tpu.memory_space<vmem>> -> memref<32x128xf32, #tpu.memory_space<vmem>>
      %dma_wait3A_1566 = arith.constant 0 : i32
      %dma_wait3A_1567 = tpu.memref_slice %arg5[%dma_wait3A_1566, %multiple_of3A_602] : memref<32x1000000xf32, #tpu.memory_space<hbm>> -> memref<32x128xf32, #tpu.memory_space<hbm>>
      %dma_wait3A_1568 = arith.constant 0 : i32
      %dma_wait3A_1569 = arith.constant 0 : i32
      %dma_wait3A_1570 = tpu.memref_slice %arg10[%dma_wait3A_1560, %dma_wait3A_1561, %dma_wait3A_1568, %dma_wait3A_1569] : memref<2x4x32x128xf32, #tpu.memory_space<vmem>> -> memref<1x1x32x128xf32, #tpu.memory_space<vmem>>
      %dma_wait3A_1571 = tpu.memref_squeeze %dma_wait3A_1570 : memref<1x1x32x128xf32, #tpu.memory_space<vmem>> -> memref<32x128xf32, #tpu.memory_space<vmem>>
      %dma_wait3A_1572 = arith.constant 0 : i32
      %dma_wait3A_1573 = tpu.memref_slice %arg5[%dma_wait3A_1572, %multiple_of3A_602] : memref<32x1000000xf32, #tpu.memory_space<hbm>> -> memref<32x128xf32, #tpu.memory_space<hbm>>
      tpu.wait_dma2 semaphore(%arg14 : memref<!tpu.dma_semaphore, #tpu.memory_space<semaphore_mem>>) src(%dma_wait3A_1573 : memref<32x128xf32, #tpu.memory_space<hbm>>) dst(%dma_wait3A_1571 : memref<32x128xf32, #tpu.memory_space<vmem>>)
      %dma_wait3A_1574 = arith.constant 1 : i32
      %dma_wait3A_1575 = arith.constant 3 : i32
      %dma_wait3A_1576 = arith.constant 0 : i32
      %dma_wait3A_1577 = arith.constant 0 : i32
      %dma_wait3A_1578 = tpu.memref_slice %arg9[%dma_wait3A_1574, %dma_wait3A_1575, %dma_wait3A_1576, %dma_wait3A_1577] : memref<2x4x32x128xf32, #tpu.memory_space<vmem>> -> memref<1x1x32x128xf32, #tpu.memory_space<vmem>>
      %dma_wait3A_1579 = tpu.memref_squeeze %dma_wait3A_1578 : memref<1x1x32x128xf32, #tpu.memory_space<vmem>> -> memref<32x128xf32, #tpu.memory_space<vmem>>
      %dma_wait3A_1580 = arith.constant 0 : i32
      %dma_wait3A_1581 = tpu.memref_slice %arg4[%dma_wait3A_1580, %multiple_of3A_659] : memref<32x1000000xf32, #tpu.memory_space<hbm>> -> memref<32x128xf32, #tpu.memory_space<hbm>>
      %dma_wait3A_1582 = arith.constant 0 : i32
      %dma_wait3A_1583 = arith.constant 0 : i32
      %dma_wait3A_1584 = tpu.memref_slice %arg9[%dma_wait3A_1574, %dma_wait3A_1575, %dma_wait3A_1582, %dma_wait3A_1583] : memref<2x4x32x128xf32, #tpu.memory_space<vmem>> -> memref<1x1x32x128xf32, #tpu.memory_space<vmem>>
      %dma_wait3A_1585 = tpu.memref_squeeze %dma_wait3A_1584 : memref<1x1x32x128xf32, #tpu.memory_space<vmem>> -> memref<32x128xf32, #tpu.memory_space<vmem>>
      %dma_wait3A_1586 = arith.constant 0 : i32
      %dma_wait3A_1587 = tpu.memref_slice %arg4[%dma_wait3A_1586, %multiple_of3A_659] : memref<32x1000000xf32, #tpu.memory_space<hbm>> -> memref<32x128xf32, #tpu.memory_space<hbm>>
      tpu.wait_dma2 semaphore(%arg14 : memref<!tpu.dma_semaphore, #tpu.memory_space<semaphore_mem>>) src(%dma_wait3A_1587 : memref<32x128xf32, #tpu.memory_space<hbm>>) dst(%dma_wait3A_1585 : memref<32x128xf32, #tpu.memory_space<vmem>>)
      %dma_wait3A_1588 = arith.constant 1 : i32
      %dma_wait3A_1589 = arith.constant 3 : i32
      %dma_wait3A_1590 = arith.constant 0 : i32
      %dma_wait3A_1591 = arith.constant 0 : i32
      %dma_wait3A_1592 = tpu.memref_slice %arg10[%dma_wait3A_1588, %dma_wait3A_1589, %dma_wait3A_1590, %dma_wait3A_1591] : memref<2x4x32x128xf32, #tpu.memory_space<vmem>> -> memref<1x1x32x128xf32, #tpu.memory_space<vmem>>
      %dma_wait3A_1593 = tpu.memref_squeeze %dma_wait3A_1592 : memref<1x1x32x128xf32, #tpu.memory_space<vmem>> -> memref<32x128xf32, #tpu.memory_space<vmem>>
      %dma_wait3A_1594 = arith.constant 0 : i32
      %dma_wait3A_1595 = tpu.memref_slice %arg5[%dma_wait3A_1594, %multiple_of3A_688] : memref<32x1000000xf32, #tpu.memory_space<hbm>> -> memref<32x128xf32, #tpu.memory_space<hbm>>
      %dma_wait3A_1596 = arith.constant 0 : i32
      %dma_wait3A_1597 = arith.constant 0 : i32
      %dma_wait3A_1598 = tpu.memref_slice %arg10[%dma_wait3A_1588, %dma_wait3A_1589, %dma_wait3A_1596, %dma_wait3A_1597] : memref<2x4x32x128xf32, #tpu.memory_space<vmem>> -> memref<1x1x32x128xf32, #tpu.memory_space<vmem>>
      %dma_wait3A_1599 = tpu.memref_squeeze %dma_wait3A_1598 : memref<1x1x32x128xf32, #tpu.memory_space<vmem>> -> memref<32x128xf32, #tpu.memory_space<vmem>>
      %dma_wait3A_1600 = arith.constant 0 : i32
      %dma_wait3A_1601 = tpu.memref_slice %arg5[%dma_wait3A_1600, %multiple_of3A_688] : memref<32x1000000xf32, #tpu.memory_space<hbm>> -> memref<32x128xf32, #tpu.memory_space<hbm>>
      tpu.wait_dma2 semaphore(%arg14 : memref<!tpu.dma_semaphore, #tpu.memory_space<semaphore_mem>>) src(%dma_wait3A_1601 : memref<32x128xf32, #tpu.memory_space<hbm>>) dst(%dma_wait3A_1599 : memref<32x128xf32, #tpu.memory_space<vmem>>)
      %slice3A_1602 = vector.extract_strided_slice %get3A_37 {offsets = [4], sizes = [1], strides = [1]} : vector<16xi32> to vector<1xi32>
      %squeeze3A_1603 = vector.extract %slice3A_1602[0] : i32 from vector<1xi32>
      %jit3A_1604 = arith.constant 128 : i32
      %eq3A_1605 = arith.constant 0 : i32
      %eq3A_1606 = arith.cmpi eq, %jit3A_1604, %eq3A_1605 : i32
      %jit3A_1607 = arith.constant 1 : i32
      %select_n3A_1608 = arith.select %eq3A_1606, %jit3A_1607, %jit3A_1604 : i32
      %rem3A_1609 = arith.remsi %squeeze3A_1603, %select_n3A_1608 : i32
      %ne3A_1610 = arith.constant 0 : i32
      %ne3A_1611 = arith.cmpi ne, %rem3A_1609, %ne3A_1610 : i32
      %lt3A_1612 = arith.constant 0 : i32
      %lt3A_1613 = arith.cmpi slt, %rem3A_1609, %lt3A_1612 : i32
      %lt3A_1614 = arith.constant 0 : i32
      %lt3A_1615 = arith.cmpi slt, %select_n3A_1608, %lt3A_1614 : i32
      %ne3A_1616 = arith.xori %lt3A_1613, %lt3A_1615 : i1
      %and3A_1617 = arith.andi %ne3A_1616, %ne3A_1611 : i1
      %add3A_1618 = arith.addi %rem3A_1609, %select_n3A_1608 : i32
      %select_n3A_1619 = arith.select %and3A_1617, %add3A_1618, %rem3A_1609 : i32
      %add3A_1620 = vector.broadcast %select_n3A_1619 : i32 to vector<16xi32>
      %add3A_1621 = arith.addi %broadcast_in_dim3A_23, %add3A_1620 : vector<16xi32>
      %slice3A_1622 = vector.extract_strided_slice %get3A_39 {offsets = [4], sizes = [1], strides = [1]} : vector<16xi32> to vector<1xi32>
      %squeeze3A_1623 = vector.extract %slice3A_1622[0] : i32 from vector<1xi32>
      %jit3A_1624 = arith.constant 128 : i32
      %eq3A_1625 = arith.constant 0 : i32
      %eq3A_1626 = arith.cmpi eq, %jit3A_1624, %eq3A_1625 : i32
      %jit3A_1627 = arith.constant 1 : i32
      %select_n3A_1628 = arith.select %eq3A_1626, %jit3A_1627, %jit3A_1624 : i32
      %rem3A_1629 = arith.remsi %squeeze3A_1623, %select_n3A_1628 : i32
      %ne3A_1630 = arith.constant 0 : i32
      %ne3A_1631 = arith.cmpi ne, %rem3A_1629, %ne3A_1630 : i32
      %lt3A_1632 = arith.constant 0 : i32
      %lt3A_1633 = arith.cmpi slt, %rem3A_1629, %lt3A_1632 : i32
      %lt3A_1634 = arith.constant 0 : i32
      %lt3A_1635 = arith.cmpi slt, %select_n3A_1628, %lt3A_1634 : i32
      %ne3A_1636 = arith.xori %lt3A_1633, %lt3A_1635 : i1
      %and3A_1637 = arith.andi %ne3A_1636, %ne3A_1631 : i1
      %add3A_1638 = arith.addi %rem3A_1629, %select_n3A_1628 : i32
      %select_n3A_1639 = arith.select %and3A_1637, %add3A_1638, %rem3A_1629 : i32
      %add3A_1640 = vector.broadcast %select_n3A_1639 : i32 to vector<16xi32>
      %add3A_1641 = arith.addi %broadcast_in_dim3A_23, %add3A_1640 : vector<16xi32>
      %gather3A_1642 = arith.constant 1 : i32
      %gather3A_1643 = arith.constant 0 : i32
      %gather3A_1644 = arith.constant 0 : i32
      %gather3A_1645 = arith.constant 0 : i32
      %gather3A_1646 = tpu.memref_slice %arg9[%gather3A_1642, %gather3A_1643, %gather3A_1644, %gather3A_1645] : memref<2x4x32x128xf32, #tpu.memory_space<vmem>> -> memref<1x1x32x128xf32, #tpu.memory_space<vmem>>
      %gather3A_1647 = tpu.memref_squeeze %gather3A_1646 : memref<1x1x32x128xf32, #tpu.memory_space<vmem>> -> memref<32x128xf32, #tpu.memory_space<vmem>>
      %gather3A_1648 = tpu.vector_load_idx %gather3A_1647[%iota3A, %add3A_1621] : memref<32x128xf32, #tpu.memory_space<vmem>>[vector<16xi32>, vector<16xi32>], vector<16xf32>,
      %add3A_1649 = arith.constant 16 : i32
      %add3A_1650 = vector.broadcast %add3A_1649 : i32 to vector<16xi32>
      %add3A_1651 = arith.addi %iota3A, %add3A_1650 : vector<16xi32>
      %gather3A_1652 = arith.constant 1 : i32
      %gather3A_1653 = arith.constant 0 : i32
      %gather3A_1654 = arith.constant 0 : i32
      %gather3A_1655 = arith.constant 0 : i32
      %gather3A_1656 = tpu.memref_slice %arg9[%gather3A_1652, %gather3A_1653, %gather3A_1654, %gather3A_1655] : memref<2x4x32x128xf32, #tpu.memory_space<vmem>> -> memref<1x1x32x128xf32, #tpu.memory_space<vmem>>
      %gather3A_1657 = tpu.memref_squeeze %gather3A_1656 : memref<1x1x32x128xf32, #tpu.memory_space<vmem>> -> memref<32x128xf32, #tpu.memory_space<vmem>>
      %gather3A_1658 = tpu.vector_load_idx %gather3A_1657[%add3A_1651, %add3A_1621] : memref<32x128xf32, #tpu.memory_space<vmem>>[vector<16xi32>, vector<16xi32>], vector<16xf32>,
      %gather3A_1659 = arith.constant 1 : i32
      %gather3A_1660 = arith.constant 0 : i32
      %gather3A_1661 = arith.constant 0 : i32
      %gather3A_1662 = arith.constant 0 : i32
      %gather3A_1663 = tpu.memref_slice %arg10[%gather3A_1659, %gather3A_1660, %gather3A_1661, %gather3A_1662] : memref<2x4x32x128xf32, #tpu.memory_space<vmem>> -> memref<1x1x32x128xf32, #tpu.memory_space<vmem>>
      %gather3A_1664 = tpu.memref_squeeze %gather3A_1663 : memref<1x1x32x128xf32, #tpu.memory_space<vmem>> -> memref<32x128xf32, #tpu.memory_space<vmem>>
      %gather3A_1665 = tpu.vector_load_idx %gather3A_1664[%iota3A, %add3A_1641] : memref<32x128xf32, #tpu.memory_space<vmem>>[vector<16xi32>, vector<16xi32>], vector<16xf32>,
      %add3A_1666 = arith.constant 16 : i32
      %add3A_1667 = vector.broadcast %add3A_1666 : i32 to vector<16xi32>
      %add3A_1668 = arith.addi %iota3A, %add3A_1667 : vector<16xi32>
      %gather3A_1669 = arith.constant 1 : i32
      %gather3A_1670 = arith.constant 0 : i32
      %gather3A_1671 = arith.constant 0 : i32
      %gather3A_1672 = arith.constant 0 : i32
      %gather3A_1673 = tpu.memref_slice %arg10[%gather3A_1669, %gather3A_1670, %gather3A_1671, %gather3A_1672] : memref<2x4x32x128xf32, #tpu.memory_space<vmem>> -> memref<1x1x32x128xf32, #tpu.memory_space<vmem>>
      %gather3A_1674 = tpu.memref_squeeze %gather3A_1673 : memref<1x1x32x128xf32, #tpu.memory_space<vmem>> -> memref<32x128xf32, #tpu.memory_space<vmem>>
      %gather3A_1675 = tpu.vector_load_idx %gather3A_1674[%add3A_1668, %add3A_1641] : memref<32x128xf32, #tpu.memory_space<vmem>>[vector<16xi32>, vector<16xi32>], vector<16xf32>,
      %mul3A_1676 = arith.mulf %gather3A_1648, %gather3A_1665 : vector<16xf32>
      %mul3A_1677 = arith.mulf %gather3A_1658, %gather3A_1675 : vector<16xf32>
      %add3A_1678 = arith.addf %mul3A_1676, %mul3A_1677 : vector<16xf32>
      %add3A_1679 = arith.constant 4 : i32
      %add3A_1680 = vector.broadcast %add3A_1679 : i32 to vector<16xi32>
      %add3A_1681 = arith.addi %broadcast_in_dim3A_23, %add3A_1680 : vector<16xi32>
      tpu.vector_store_idx %arg11[%iota3A, %add3A_1681], %add3A_1678 : memref<16x16xf32, #tpu.memory_space<vmem>>[vector<16xi32>, vector<16xi32>], vector<16xf32>,
      %slice3A_1682 = vector.extract_strided_slice %get3A_37 {offsets = [5], sizes = [1], strides = [1]} : vector<16xi32> to vector<1xi32>
      %squeeze3A_1683 = vector.extract %slice3A_1682[0] : i32 from vector<1xi32>
      %jit3A_1684 = arith.constant 128 : i32
      %eq3A_1685 = arith.constant 0 : i32
      %eq3A_1686 = arith.cmpi eq, %jit3A_1684, %eq3A_1685 : i32
      %jit3A_1687 = arith.constant 1 : i32
      %select_n3A_1688 = arith.select %eq3A_1686, %jit3A_1687, %jit3A_1684 : i32
      %rem3A_1689 = arith.remsi %squeeze3A_1683, %select_n3A_1688 : i32
      %ne3A_1690 = arith.constant 0 : i32
      %ne3A_1691 = arith.cmpi ne, %rem3A_1689, %ne3A_1690 : i32
      %lt3A_1692 = arith.constant 0 : i32
      %lt3A_1693 = arith.cmpi slt, %rem3A_1689, %lt3A_1692 : i32
      %lt3A_1694 = arith.constant 0 : i32
      %lt3A_1695 = arith.cmpi slt, %select_n3A_1688, %lt3A_1694 : i32
      %ne3A_1696 = arith.xori %lt3A_1693, %lt3A_1695 : i1
      %and3A_1697 = arith.andi %ne3A_1696, %ne3A_1691 : i1
      %add3A_1698 = arith.addi %rem3A_1689, %select_n3A_1688 : i32
      %select_n3A_1699 = arith.select %and3A_1697, %add3A_1698, %rem3A_1689 : i32
      %add3A_1700 = vector.broadcast %select_n3A_1699 : i32 to vector<16xi32>
      %add3A_1701 = arith.addi %broadcast_in_dim3A_23, %add3A_1700 : vector<16xi32>
      %slice3A_1702 = vector.extract_strided_slice %get3A_39 {offsets = [5], sizes = [1], strides = [1]} : vector<16xi32> to vector<1xi32>
      %squeeze3A_1703 = vector.extract %slice3A_1702[0] : i32 from vector<1xi32>
      %jit3A_1704 = arith.constant 128 : i32
      %eq3A_1705 = arith.constant 0 : i32
      %eq3A_1706 = arith.cmpi eq, %jit3A_1704, %eq3A_1705 : i32
      %jit3A_1707 = arith.constant 1 : i32
      %select_n3A_1708 = arith.select %eq3A_1706, %jit3A_1707, %jit3A_1704 : i32
      %rem3A_1709 = arith.remsi %squeeze3A_1703, %select_n3A_1708 : i32
      %ne3A_1710 = arith.constant 0 : i32
      %ne3A_1711 = arith.cmpi ne, %rem3A_1709, %ne3A_1710 : i32
      %lt3A_1712 = arith.constant 0 : i32
      %lt3A_1713 = arith.cmpi slt, %rem3A_1709, %lt3A_1712 : i32
      %lt3A_1714 = arith.constant 0 : i32
      %lt3A_1715 = arith.cmpi slt, %select_n3A_1708, %lt3A_1714 : i32
      %ne3A_1716 = arith.xori %lt3A_1713, %lt3A_1715 : i1
      %and3A_1717 = arith.andi %ne3A_1716, %ne3A_1711 : i1
      %add3A_1718 = arith.addi %rem3A_1709, %select_n3A_1708 : i32
      %select_n3A_1719 = arith.select %and3A_1717, %add3A_1718, %rem3A_1709 : i32
      %add3A_1720 = vector.broadcast %select_n3A_1719 : i32 to vector<16xi32>
      %add3A_1721 = arith.addi %broadcast_in_dim3A_23, %add3A_1720 : vector<16xi32>
      %gather3A_1722 = arith.constant 1 : i32
      %gather3A_1723 = arith.constant 1 : i32
      %gather3A_1724 = arith.constant 0 : i32
      %gather3A_1725 = arith.constant 0 : i32
      %gather3A_1726 = tpu.memref_slice %arg9[%gather3A_1722, %gather3A_1723, %gather3A_1724, %gather3A_1725] : memref<2x4x32x128xf32, #tpu.memory_space<vmem>> -> memref<1x1x32x128xf32, #tpu.memory_space<vmem>>
      %gather3A_1727 = tpu.memref_squeeze %gather3A_1726 : memref<1x1x32x128xf32, #tpu.memory_space<vmem>> -> memref<32x128xf32, #tpu.memory_space<vmem>>
      %gather3A_1728 = tpu.vector_load_idx %gather3A_1727[%iota3A, %add3A_1701] : memref<32x128xf32, #tpu.memory_space<vmem>>[vector<16xi32>, vector<16xi32>], vector<16xf32>,
      %add3A_1729 = arith.constant 16 : i32
      %add3A_1730 = vector.broadcast %add3A_1729 : i32 to vector<16xi32>
      %add3A_1731 = arith.addi %iota3A, %add3A_1730 : vector<16xi32>
      %gather3A_1732 = arith.constant 1 : i32
      %gather3A_1733 = arith.constant 1 : i32
      %gather3A_1734 = arith.constant 0 : i32
      %gather3A_1735 = arith.constant 0 : i32
      %gather3A_1736 = tpu.memref_slice %arg9[%gather3A_1732, %gather3A_1733, %gather3A_1734, %gather3A_1735] : memref<2x4x32x128xf32, #tpu.memory_space<vmem>> -> memref<1x1x32x128xf32, #tpu.memory_space<vmem>>
      %gather3A_1737 = tpu.memref_squeeze %gather3A_1736 : memref<1x1x32x128xf32, #tpu.memory_space<vmem>> -> memref<32x128xf32, #tpu.memory_space<vmem>>
      %gather3A_1738 = tpu.vector_load_idx %gather3A_1737[%add3A_1731, %add3A_1701] : memref<32x128xf32, #tpu.memory_space<vmem>>[vector<16xi32>, vector<16xi32>], vector<16xf32>,
      %gather3A_1739 = arith.constant 1 : i32
      %gather3A_1740 = arith.constant 1 : i32
      %gather3A_1741 = arith.constant 0 : i32
      %gather3A_1742 = arith.constant 0 : i32
      %gather3A_1743 = tpu.memref_slice %arg10[%gather3A_1739, %gather3A_1740, %gather3A_1741, %gather3A_1742] : memref<2x4x32x128xf32, #tpu.memory_space<vmem>> -> memref<1x1x32x128xf32, #tpu.memory_space<vmem>>
      %gather3A_1744 = tpu.memref_squeeze %gather3A_1743 : memref<1x1x32x128xf32, #tpu.memory_space<vmem>> -> memref<32x128xf32, #tpu.memory_space<vmem>>
      %gather3A_1745 = tpu.vector_load_idx %gather3A_1744[%iota3A, %add3A_1721] : memref<32x128xf32, #tpu.memory_space<vmem>>[vector<16xi32>, vector<16xi32>], vector<16xf32>,
      %add3A_1746 = arith.constant 16 : i32
      %add3A_1747 = vector.broadcast %add3A_1746 : i32 to vector<16xi32>
      %add3A_1748 = arith.addi %iota3A, %add3A_1747 : vector<16xi32>
      %gather3A_1749 = arith.constant 1 : i32
      %gather3A_1750 = arith.constant 1 : i32
      %gather3A_1751 = arith.constant 0 : i32
      %gather3A_1752 = arith.constant 0 : i32
      %gather3A_1753 = tpu.memref_slice %arg10[%gather3A_1749, %gather3A_1750, %gather3A_1751, %gather3A_1752] : memref<2x4x32x128xf32, #tpu.memory_space<vmem>> -> memref<1x1x32x128xf32, #tpu.memory_space<vmem>>
      %gather3A_1754 = tpu.memref_squeeze %gather3A_1753 : memref<1x1x32x128xf32, #tpu.memory_space<vmem>> -> memref<32x128xf32, #tpu.memory_space<vmem>>
      %gather3A_1755 = tpu.vector_load_idx %gather3A_1754[%add3A_1748, %add3A_1721] : memref<32x128xf32, #tpu.memory_space<vmem>>[vector<16xi32>, vector<16xi32>], vector<16xf32>,
      %mul3A_1756 = arith.mulf %gather3A_1728, %gather3A_1745 : vector<16xf32>
      %mul3A_1757 = arith.mulf %gather3A_1738, %gather3A_1755 : vector<16xf32>
      %add3A_1758 = arith.addf %mul3A_1756, %mul3A_1757 : vector<16xf32>
      %add3A_1759 = arith.constant 5 : i32
      %add3A_1760 = vector.broadcast %add3A_1759 : i32 to vector<16xi32>
      %add3A_1761 = arith.addi %broadcast_in_dim3A_23, %add3A_1760 : vector<16xi32>
      tpu.vector_store_idx %arg11[%iota3A, %add3A_1761], %add3A_1758 : memref<16x16xf32, #tpu.memory_space<vmem>>[vector<16xi32>, vector<16xi32>], vector<16xf32>,
      %slice3A_1762 = vector.extract_strided_slice %get3A_37 {offsets = [6], sizes = [1], strides = [1]} : vector<16xi32> to vector<1xi32>
      %squeeze3A_1763 = vector.extract %slice3A_1762[0] : i32 from vector<1xi32>
      %jit3A_1764 = arith.constant 128 : i32
      %eq3A_1765 = arith.constant 0 : i32
      %eq3A_1766 = arith.cmpi eq, %jit3A_1764, %eq3A_1765 : i32
      %jit3A_1767 = arith.constant 1 : i32
      %select_n3A_1768 = arith.select %eq3A_1766, %jit3A_1767, %jit3A_1764 : i32
      %rem3A_1769 = arith.remsi %squeeze3A_1763, %select_n3A_1768 : i32
      %ne3A_1770 = arith.constant 0 : i32
      %ne3A_1771 = arith.cmpi ne, %rem3A_1769, %ne3A_1770 : i32
      %lt3A_1772 = arith.constant 0 : i32
      %lt3A_1773 = arith.cmpi slt, %rem3A_1769, %lt3A_1772 : i32
      %lt3A_1774 = arith.constant 0 : i32
      %lt3A_1775 = arith.cmpi slt, %select_n3A_1768, %lt3A_1774 : i32
      %ne3A_1776 = arith.xori %lt3A_1773, %lt3A_1775 : i1
      %and3A_1777 = arith.andi %ne3A_1776, %ne3A_1771 : i1
      %add3A_1778 = arith.addi %rem3A_1769, %select_n3A_1768 : i32
      %select_n3A_1779 = arith.select %and3A_1777, %add3A_1778, %rem3A_1769 : i32
      %add3A_1780 = vector.broadcast %select_n3A_1779 : i32 to vector<16xi32>
      %add3A_1781 = arith.addi %broadcast_in_dim3A_23, %add3A_1780 : vector<16xi32>
      %slice3A_1782 = vector.extract_strided_slice %get3A_39 {offsets = [6], sizes = [1], strides = [1]} : vector<16xi32> to vector<1xi32>
      %squeeze3A_1783 = vector.extract %slice3A_1782[0] : i32 from vector<1xi32>
      %jit3A_1784 = arith.constant 128 : i32
      %eq3A_1785 = arith.constant 0 : i32
      %eq3A_1786 = arith.cmpi eq, %jit3A_1784, %eq3A_1785 : i32
      %jit3A_1787 = arith.constant 1 : i32
      %select_n3A_1788 = arith.select %eq3A_1786, %jit3A_1787, %jit3A_1784 : i32
      %rem3A_1789 = arith.remsi %squeeze3A_1783, %select_n3A_1788 : i32
      %ne3A_1790 = arith.constant 0 : i32
      %ne3A_1791 = arith.cmpi ne, %rem3A_1789, %ne3A_1790 : i32
      %lt3A_1792 = arith.constant 0 : i32
      %lt3A_1793 = arith.cmpi slt, %rem3A_1789, %lt3A_1792 : i32
      %lt3A_1794 = arith.constant 0 : i32
      %lt3A_1795 = arith.cmpi slt, %select_n3A_1788, %lt3A_1794 : i32
      %ne3A_1796 = arith.xori %lt3A_1793, %lt3A_1795 : i1
      %and3A_1797 = arith.andi %ne3A_1796, %ne3A_1791 : i1
      %add3A_1798 = arith.addi %rem3A_1789, %select_n3A_1788 : i32
      %select_n3A_1799 = arith.select %and3A_1797, %add3A_1798, %rem3A_1789 : i32
      %add3A_1800 = vector.broadcast %select_n3A_1799 : i32 to vector<16xi32>
      %add3A_1801 = arith.addi %broadcast_in_dim3A_23, %add3A_1800 : vector<16xi32>
      %gather3A_1802 = arith.constant 1 : i32
      %gather3A_1803 = arith.constant 2 : i32
      %gather3A_1804 = arith.constant 0 : i32
      %gather3A_1805 = arith.constant 0 : i32
      %gather3A_1806 = tpu.memref_slice %arg9[%gather3A_1802, %gather3A_1803, %gather3A_1804, %gather3A_1805] : memref<2x4x32x128xf32, #tpu.memory_space<vmem>> -> memref<1x1x32x128xf32, #tpu.memory_space<vmem>>
      %gather3A_1807 = tpu.memref_squeeze %gather3A_1806 : memref<1x1x32x128xf32, #tpu.memory_space<vmem>> -> memref<32x128xf32, #tpu.memory_space<vmem>>
      %gather3A_1808 = tpu.vector_load_idx %gather3A_1807[%iota3A, %add3A_1781] : memref<32x128xf32, #tpu.memory_space<vmem>>[vector<16xi32>, vector<16xi32>], vector<16xf32>,
      %add3A_1809 = arith.constant 16 : i32
      %add3A_1810 = vector.broadcast %add3A_1809 : i32 to vector<16xi32>
      %add3A_1811 = arith.addi %iota3A, %add3A_1810 : vector<16xi32>
      %gather3A_1812 = arith.constant 1 : i32
      %gather3A_1813 = arith.constant 2 : i32
      %gather3A_1814 = arith.constant 0 : i32
      %gather3A_1815 = arith.constant 0 : i32
      %gather3A_1816 = tpu.memref_slice %arg9[%gather3A_1812, %gather3A_1813, %gather3A_1814, %gather3A_1815] : memref<2x4x32x128xf32, #tpu.memory_space<vmem>> -> memref<1x1x32x128xf32, #tpu.memory_space<vmem>>
      %gather3A_1817 = tpu.memref_squeeze %gather3A_1816 : memref<1x1x32x128xf32, #tpu.memory_space<vmem>> -> memref<32x128xf32, #tpu.memory_space<vmem>>
      %gather3A_1818 = tpu.vector_load_idx %gather3A_1817[%add3A_1811, %add3A_1781] : memref<32x128xf32, #tpu.memory_space<vmem>>[vector<16xi32>, vector<16xi32>], vector<16xf32>,
      %gather3A_1819 = arith.constant 1 : i32
      %gather3A_1820 = arith.constant 2 : i32
      %gather3A_1821 = arith.constant 0 : i32
      %gather3A_1822 = arith.constant 0 : i32
      %gather3A_1823 = tpu.memref_slice %arg10[%gather3A_1819, %gather3A_1820, %gather3A_1821, %gather3A_1822] : memref<2x4x32x128xf32, #tpu.memory_space<vmem>> -> memref<1x1x32x128xf32, #tpu.memory_space<vmem>>
      %gather3A_1824 = tpu.memref_squeeze %gather3A_1823 : memref<1x1x32x128xf32, #tpu.memory_space<vmem>> -> memref<32x128xf32, #tpu.memory_space<vmem>>
      %gather3A_1825 = tpu.vector_load_idx %gather3A_1824[%iota3A, %add3A_1801] : memref<32x128xf32, #tpu.memory_space<vmem>>[vector<16xi32>, vector<16xi32>], vector<16xf32>,
      %add3A_1826 = arith.constant 16 : i32
      %add3A_1827 = vector.broadcast %add3A_1826 : i32 to vector<16xi32>
      %add3A_1828 = arith.addi %iota3A, %add3A_1827 : vector<16xi32>
      %gather3A_1829 = arith.constant 1 : i32
      %gather3A_1830 = arith.constant 2 : i32
      %gather3A_1831 = arith.constant 0 : i32
      %gather3A_1832 = arith.constant 0 : i32
      %gather3A_1833 = tpu.memref_slice %arg10[%gather3A_1829, %gather3A_1830, %gather3A_1831, %gather3A_1832] : memref<2x4x32x128xf32, #tpu.memory_space<vmem>> -> memref<1x1x32x128xf32, #tpu.memory_space<vmem>>
      %gather3A_1834 = tpu.memref_squeeze %gather3A_1833 : memref<1x1x32x128xf32, #tpu.memory_space<vmem>> -> memref<32x128xf32, #tpu.memory_space<vmem>>
      %gather3A_1835 = tpu.vector_load_idx %gather3A_1834[%add3A_1828, %add3A_1801] : memref<32x128xf32, #tpu.memory_space<vmem>>[vector<16xi32>, vector<16xi32>], vector<16xf32>,
      %mul3A_1836 = arith.mulf %gather3A_1808, %gather3A_1825 : vector<16xf32>
      %mul3A_1837 = arith.mulf %gather3A_1818, %gather3A_1835 : vector<16xf32>
      %add3A_1838 = arith.addf %mul3A_1836, %mul3A_1837 : vector<16xf32>
      %add3A_1839 = arith.constant 6 : i32
      %add3A_1840 = vector.broadcast %add3A_1839 : i32 to vector<16xi32>
      %add3A_1841 = arith.addi %broadcast_in_dim3A_23, %add3A_1840 : vector<16xi32>
      tpu.vector_store_idx %arg11[%iota3A, %add3A_1841], %add3A_1838 : memref<16x16xf32, #tpu.memory_space<vmem>>[vector<16xi32>, vector<16xi32>], vector<16xf32>,
      %slice3A_1842 = vector.extract_strided_slice %get3A_37 {offsets = [7], sizes = [1], strides = [1]} : vector<16xi32> to vector<1xi32>
      %squeeze3A_1843 = vector.extract %slice3A_1842[0] : i32 from vector<1xi32>
      %jit3A_1844 = arith.constant 128 : i32
      %eq3A_1845 = arith.constant 0 : i32
      %eq3A_1846 = arith.cmpi eq, %jit3A_1844, %eq3A_1845 : i32
      %jit3A_1847 = arith.constant 1 : i32
      %select_n3A_1848 = arith.select %eq3A_1846, %jit3A_1847, %jit3A_1844 : i32
      %rem3A_1849 = arith.remsi %squeeze3A_1843, %select_n3A_1848 : i32
      %ne3A_1850 = arith.constant 0 : i32
      %ne3A_1851 = arith.cmpi ne, %rem3A_1849, %ne3A_1850 : i32
      %lt3A_1852 = arith.constant 0 : i32
      %lt3A_1853 = arith.cmpi slt, %rem3A_1849, %lt3A_1852 : i32
      %lt3A_1854 = arith.constant 0 : i32
      %lt3A_1855 = arith.cmpi slt, %select_n3A_1848, %lt3A_1854 : i32
      %ne3A_1856 = arith.xori %lt3A_1853, %lt3A_1855 : i1
      %and3A_1857 = arith.andi %ne3A_1856, %ne3A_1851 : i1
      %add3A_1858 = arith.addi %rem3A_1849, %select_n3A_1848 : i32
      %select_n3A_1859 = arith.select %and3A_1857, %add3A_1858, %rem3A_1849 : i32
      %add3A_1860 = vector.broadcast %select_n3A_1859 : i32 to vector<16xi32>
      %add3A_1861 = arith.addi %broadcast_in_dim3A_23, %add3A_1860 : vector<16xi32>
      %slice3A_1862 = vector.extract_strided_slice %get3A_39 {offsets = [7], sizes = [1], strides = [1]} : vector<16xi32> to vector<1xi32>
      %squeeze3A_1863 = vector.extract %slice3A_1862[0] : i32 from vector<1xi32>
      %jit3A_1864 = arith.constant 128 : i32
      %eq3A_1865 = arith.constant 0 : i32
      %eq3A_1866 = arith.cmpi eq, %jit3A_1864, %eq3A_1865 : i32
      %jit3A_1867 = arith.constant 1 : i32
      %select_n3A_1868 = arith.select %eq3A_1866, %jit3A_1867, %jit3A_1864 : i32
      %rem3A_1869 = arith.remsi %squeeze3A_1863, %select_n3A_1868 : i32
      %ne3A_1870 = arith.constant 0 : i32
      %ne3A_1871 = arith.cmpi ne, %rem3A_1869, %ne3A_1870 : i32
      %lt3A_1872 = arith.constant 0 : i32
      %lt3A_1873 = arith.cmpi slt, %rem3A_1869, %lt3A_1872 : i32
      %lt3A_1874 = arith.constant 0 : i32
      %lt3A_1875 = arith.cmpi slt, %select_n3A_1868, %lt3A_1874 : i32
      %ne3A_1876 = arith.xori %lt3A_1873, %lt3A_1875 : i1
      %and3A_1877 = arith.andi %ne3A_1876, %ne3A_1871 : i1
      %add3A_1878 = arith.addi %rem3A_1869, %select_n3A_1868 : i32
      %select_n3A_1879 = arith.select %and3A_1877, %add3A_1878, %rem3A_1869 : i32
      %add3A_1880 = vector.broadcast %select_n3A_1879 : i32 to vector<16xi32>
      %add3A_1881 = arith.addi %broadcast_in_dim3A_23, %add3A_1880 : vector<16xi32>
      %gather3A_1882 = arith.constant 1 : i32
      %gather3A_1883 = arith.constant 3 : i32
      %gather3A_1884 = arith.constant 0 : i32
      %gather3A_1885 = arith.constant 0 : i32
      %gather3A_1886 = tpu.memref_slice %arg9[%gather3A_1882, %gather3A_1883, %gather3A_1884, %gather3A_1885] : memref<2x4x32x128xf32, #tpu.memory_space<vmem>> -> memref<1x1x32x128xf32, #tpu.memory_space<vmem>>
      %gather3A_1887 = tpu.memref_squeeze %gather3A_1886 : memref<1x1x32x128xf32, #tpu.memory_space<vmem>> -> memref<32x128xf32, #tpu.memory_space<vmem>>
      %gather3A_1888 = tpu.vector_load_idx %gather3A_1887[%iota3A, %add3A_1861] : memref<32x128xf32, #tpu.memory_space<vmem>>[vector<16xi32>, vector<16xi32>], vector<16xf32>,
      %add3A_1889 = arith.constant 16 : i32
      %add3A_1890 = vector.broadcast %add3A_1889 : i32 to vector<16xi32>
      %add3A_1891 = arith.addi %iota3A, %add3A_1890 : vector<16xi32>
      %gather3A_1892 = arith.constant 1 : i32
      %gather3A_1893 = arith.constant 3 : i32
      %gather3A_1894 = arith.constant 0 : i32
      %gather3A_1895 = arith.constant 0 : i32
      %gather3A_1896 = tpu.memref_slice %arg9[%gather3A_1892, %gather3A_1893, %gather3A_1894, %gather3A_1895] : memref<2x4x32x128xf32, #tpu.memory_space<vmem>> -> memref<1x1x32x128xf32, #tpu.memory_space<vmem>>
      %gather3A_1897 = tpu.memref_squeeze %gather3A_1896 : memref<1x1x32x128xf32, #tpu.memory_space<vmem>> -> memref<32x128xf32, #tpu.memory_space<vmem>>
      %gather3A_1898 = tpu.vector_load_idx %gather3A_1897[%add3A_1891, %add3A_1861] : memref<32x128xf32, #tpu.memory_space<vmem>>[vector<16xi32>, vector<16xi32>], vector<16xf32>,
      %gather3A_1899 = arith.constant 1 : i32
      %gather3A_1900 = arith.constant 3 : i32
      %gather3A_1901 = arith.constant 0 : i32
      %gather3A_1902 = arith.constant 0 : i32
      %gather3A_1903 = tpu.memref_slice %arg10[%gather3A_1899, %gather3A_1900, %gather3A_1901, %gather3A_1902] : memref<2x4x32x128xf32, #tpu.memory_space<vmem>> -> memref<1x1x32x128xf32, #tpu.memory_space<vmem>>
      %gather3A_1904 = tpu.memref_squeeze %gather3A_1903 : memref<1x1x32x128xf32, #tpu.memory_space<vmem>> -> memref<32x128xf32, #tpu.memory_space<vmem>>
      %gather3A_1905 = tpu.vector_load_idx %gather3A_1904[%iota3A, %add3A_1881] : memref<32x128xf32, #tpu.memory_space<vmem>>[vector<16xi32>, vector<16xi32>], vector<16xf32>,
      %add3A_1906 = arith.constant 16 : i32
      %add3A_1907 = vector.broadcast %add3A_1906 : i32 to vector<16xi32>
      %add3A_1908 = arith.addi %iota3A, %add3A_1907 : vector<16xi32>
      %gather3A_1909 = arith.constant 1 : i32
      %gather3A_1910 = arith.constant 3 : i32
      %gather3A_1911 = arith.constant 0 : i32
      %gather3A_1912 = arith.constant 0 : i32
      %gather3A_1913 = tpu.memref_slice %arg10[%gather3A_1909, %gather3A_1910, %gather3A_1911, %gather3A_1912] : memref<2x4x32x128xf32, #tpu.memory_space<vmem>> -> memref<1x1x32x128xf32, #tpu.memory_space<vmem>>
      %gather3A_1914 = tpu.memref_squeeze %gather3A_1913 : memref<1x1x32x128xf32, #tpu.memory_space<vmem>> -> memref<32x128xf32, #tpu.memory_space<vmem>>
      %gather3A_1915 = tpu.vector_load_idx %gather3A_1914[%add3A_1908, %add3A_1881] : memref<32x128xf32, #tpu.memory_space<vmem>>[vector<16xi32>, vector<16xi32>], vector<16xf32>,
      %mul3A_1916 = arith.mulf %gather3A_1888, %gather3A_1905 : vector<16xf32>
      %mul3A_1917 = arith.mulf %gather3A_1898, %gather3A_1915 : vector<16xf32>
      %add3A_1918 = arith.addf %mul3A_1916, %mul3A_1917 : vector<16xf32>
      %add3A_1919 = arith.constant 7 : i32
      %add3A_1920 = vector.broadcast %add3A_1919 : i32 to vector<16xi32>
      %add3A_1921 = arith.addi %broadcast_in_dim3A_23, %add3A_1920 : vector<16xi32>
      tpu.vector_store_idx %arg11[%iota3A, %add3A_1921], %add3A_1918 : memref<16x16xf32, #tpu.memory_space<vmem>>[vector<16xi32>, vector<16xi32>], vector<16xf32>,
      %slice3A_1922 = vector.extract_strided_slice %get3A_37 {offsets = [12], sizes = [1], strides = [1]} : vector<16xi32> to vector<1xi32>
      %squeeze3A_1923 = vector.extract %slice3A_1922[0] : i32 from vector<1xi32>
      %jit3A_1924 = arith.constant 128 : i32
      %div3A_1925 = arith.divsi %squeeze3A_1923, %jit3A_1924 : i32
      %sign3A_1926 = arith.constant 0 : i32
      %sign3A_1927 = arith.cmpi sgt, %squeeze3A_1923, %sign3A_1926 : i32
      %sign3A_1928 = arith.extui %sign3A_1927 : i1 to i32
      %sign3A_1929 = arith.constant 0 : i32
      %sign3A_1930 = arith.cmpi slt, %squeeze3A_1923, %sign3A_1929 : i32
      %sign3A_1931 = arith.extui %sign3A_1930 : i1 to i32
      %sign3A_1932 = arith.subi %sign3A_1928, %sign3A_1931 : i32
      %sign3A_1933 = arith.constant 0 : i32
      %sign3A_1934 = arith.cmpi sgt, %jit3A_1924, %sign3A_1933 : i32
      %sign3A_1935 = arith.extui %sign3A_1934 : i1 to i32
      %sign3A_1936 = arith.constant 0 : i32
      %sign3A_1937 = arith.cmpi slt, %jit3A_1924, %sign3A_1936 : i32
      %sign3A_1938 = arith.extui %sign3A_1937 : i1 to i32
      %sign3A_1939 = arith.subi %sign3A_1935, %sign3A_1938 : i32
      %ne3A_1940 = arith.cmpi ne, %sign3A_1932, %sign3A_1939 : i32
      %rem3A_1941 = arith.remsi %squeeze3A_1923, %jit3A_1924 : i32
      %ne3A_1942 = arith.constant 0 : i32
      %ne3A_1943 = arith.cmpi ne, %rem3A_1941, %ne3A_1942 : i32
      %and3A_1944 = arith.andi %ne3A_1940, %ne3A_1943 : i1
      %sub3A_1945 = arith.constant 1 : i32
      %sub3A_1946 = arith.subi %div3A_1925, %sub3A_1945 : i32
      %select_n3A_1947 = arith.select %and3A_1944, %sub3A_1946, %div3A_1925 : i32
      %mul3A_1948 = arith.constant 128 : i32
      %mul3A_1949 = arith.muli %select_n3A_1947, %mul3A_1948 : i32
      %multiple_of3A_1950 = tpu.assume_multiple %mul3A_1949, 128 : i32
      %slice3A_1951 = vector.extract_strided_slice %get3A_39 {offsets = [12], sizes = [1], strides = [1]} : vector<16xi32> to vector<1xi32>
      %squeeze3A_1952 = vector.extract %slice3A_1951[0] : i32 from vector<1xi32>
      %jit3A_1953 = arith.constant 128 : i32
      %div3A_1954 = arith.divsi %squeeze3A_1952, %jit3A_1953 : i32
      %sign3A_1955 = arith.constant 0 : i32
      %sign3A_1956 = arith.cmpi sgt, %squeeze3A_1952, %sign3A_1955 : i32
      %sign3A_1957 = arith.extui %sign3A_1956 : i1 to i32
      %sign3A_1958 = arith.constant 0 : i32
      %sign3A_1959 = arith.cmpi slt, %squeeze3A_1952, %sign3A_1958 : i32
      %sign3A_1960 = arith.extui %sign3A_1959 : i1 to i32
      %sign3A_1961 = arith.subi %sign3A_1957, %sign3A_1960 : i32
      %sign3A_1962 = arith.constant 0 : i32
      %sign3A_1963 = arith.cmpi sgt, %jit3A_1953, %sign3A_1962 : i32
      %sign3A_1964 = arith.extui %sign3A_1963 : i1 to i32
      %sign3A_1965 = arith.constant 0 : i32
      %sign3A_1966 = arith.cmpi slt, %jit3A_1953, %sign3A_1965 : i32
      %sign3A_1967 = arith.extui %sign3A_1966 : i1 to i32
      %sign3A_1968 = arith.subi %sign3A_1964, %sign3A_1967 : i32
      %ne3A_1969 = arith.cmpi ne, %sign3A_1961, %sign3A_1968 : i32
      %rem3A_1970 = arith.remsi %squeeze3A_1952, %jit3A_1953 : i32
      %ne3A_1971 = arith.constant 0 : i32
      %ne3A_1972 = arith.cmpi ne, %rem3A_1970, %ne3A_1971 : i32
      %and3A_1973 = arith.andi %ne3A_1969, %ne3A_1972 : i1
      %sub3A_1974 = arith.constant 1 : i32
      %sub3A_1975 = arith.subi %div3A_1954, %sub3A_1974 : i32
      %select_n3A_1976 = arith.select %and3A_1973, %sub3A_1975, %div3A_1954 : i32
      %mul3A_1977 = arith.constant 128 : i32
      %mul3A_1978 = arith.muli %select_n3A_1976, %mul3A_1977 : i32
      %multiple_of3A_1979 = tpu.assume_multiple %mul3A_1978, 128 : i32
      %dma_start3A_1980 = arith.constant 1 : i32
      %dma_start3A_1981 = arith.constant 0 : i32
      %dma_start3A_1982 = arith.constant 0 : i32
      %dma_start3A_1983 = arith.constant 0 : i32
      %dma_start3A_1984 = tpu.memref_slice %arg9[%dma_start3A_1980, %dma_start3A_1981, %dma_start3A_1982, %dma_start3A_1983] : memref<2x4x32x128xf32, #tpu.memory_space<vmem>> -> memref<1x1x32x128xf32, #tpu.memory_space<vmem>>
      %dma_start3A_1985 = tpu.memref_squeeze %dma_start3A_1984 : memref<1x1x32x128xf32, #tpu.memory_space<vmem>> -> memref<32x128xf32, #tpu.memory_space<vmem>>
      %dma_start3A_1986 = arith.constant 0 : i32
      %dma_start3A_1987 = tpu.memref_slice %arg4[%dma_start3A_1986, %multiple_of3A_1950] : memref<32x1000000xf32, #tpu.memory_space<hbm>> -> memref<32x128xf32, #tpu.memory_space<hbm>>
      %dma_start3A_1988 = arith.constant 0 : i32
      %dma_start3A_1989 = arith.constant 0 : i32
      %dma_start3A_1990 = tpu.memref_slice %arg9[%dma_start3A_1980, %dma_start3A_1981, %dma_start3A_1988, %dma_start3A_1989] : memref<2x4x32x128xf32, #tpu.memory_space<vmem>> -> memref<1x1x32x128xf32, #tpu.memory_space<vmem>>
      %dma_start3A_1991 = tpu.memref_squeeze %dma_start3A_1990 : memref<1x1x32x128xf32, #tpu.memory_space<vmem>> -> memref<32x128xf32, #tpu.memory_space<vmem>>
      %dma_start3A_1992 = arith.constant 0 : i32
      %dma_start3A_1993 = tpu.memref_slice %arg4[%dma_start3A_1992, %multiple_of3A_1950] : memref<32x1000000xf32, #tpu.memory_space<hbm>> -> memref<32x128xf32, #tpu.memory_space<hbm>>
      tpu.enqueue_dma source(%dma_start3A_1993 : memref<32x128xf32, #tpu.memory_space<hbm>>) target(%dma_start3A_1991 : memref<32x128xf32, #tpu.memory_space<vmem>>) target_semaphore(%arg14 : memref<!tpu.dma_semaphore, #tpu.memory_space<semaphore_mem>>)
      %dma_start3A_1994 = arith.constant 1 : i32
      %dma_start3A_1995 = arith.constant 0 : i32
      %dma_start3A_1996 = arith.constant 0 : i32
      %dma_start3A_1997 = arith.constant 0 : i32
      %dma_start3A_1998 = tpu.memref_slice %arg10[%dma_start3A_1994, %dma_start3A_1995, %dma_start3A_1996, %dma_start3A_1997] : memref<2x4x32x128xf32, #tpu.memory_space<vmem>> -> memref<1x1x32x128xf32, #tpu.memory_space<vmem>>
      %dma_start3A_1999 = tpu.memref_squeeze %dma_start3A_1998 : memref<1x1x32x128xf32, #tpu.memory_space<vmem>> -> memref<32x128xf32, #tpu.memory_space<vmem>>
      %dma_start3A_2000 = arith.constant 0 : i32
      %dma_start3A_2001 = tpu.memref_slice %arg5[%dma_start3A_2000, %multiple_of3A_1979] : memref<32x1000000xf32, #tpu.memory_space<hbm>> -> memref<32x128xf32, #tpu.memory_space<hbm>>
      %dma_start3A_2002 = arith.constant 0 : i32
      %dma_start3A_2003 = arith.constant 0 : i32
      %dma_start3A_2004 = tpu.memref_slice %arg10[%dma_start3A_1994, %dma_start3A_1995, %dma_start3A_2002, %dma_start3A_2003] : memref<2x4x32x128xf32, #tpu.memory_space<vmem>> -> memref<1x1x32x128xf32, #tpu.memory_space<vmem>>
      %dma_start3A_2005 = tpu.memref_squeeze %dma_start3A_2004 : memref<1x1x32x128xf32, #tpu.memory_space<vmem>> -> memref<32x128xf32, #tpu.memory_space<vmem>>
      %dma_start3A_2006 = arith.constant 0 : i32
      %dma_start3A_2007 = tpu.memref_slice %arg5[%dma_start3A_2006, %multiple_of3A_1979] : memref<32x1000000xf32, #tpu.memory_space<hbm>> -> memref<32x128xf32, #tpu.memory_space<hbm>>
      tpu.enqueue_dma source(%dma_start3A_2007 : memref<32x128xf32, #tpu.memory_space<hbm>>) target(%dma_start3A_2005 : memref<32x128xf32, #tpu.memory_space<vmem>>) target_semaphore(%arg14 : memref<!tpu.dma_semaphore, #tpu.memory_space<semaphore_mem>>)
      %slice3A_2008 = vector.extract_strided_slice %get3A_37 {offsets = [13], sizes = [1], strides = [1]} : vector<16xi32> to vector<1xi32>
      %squeeze3A_2009 = vector.extract %slice3A_2008[0] : i32 from vector<1xi32>
      %jit3A_2010 = arith.constant 128 : i32
      %div3A_2011 = arith.divsi %squeeze3A_2009, %jit3A_2010 : i32
      %sign3A_2012 = arith.constant 0 : i32
      %sign3A_2013 = arith.cmpi sgt, %squeeze3A_2009, %sign3A_2012 : i32
      %sign3A_2014 = arith.extui %sign3A_2013 : i1 to i32
      %sign3A_2015 = arith.constant 0 : i32
      %sign3A_2016 = arith.cmpi slt, %squeeze3A_2009, %sign3A_2015 : i32
      %sign3A_2017 = arith.extui %sign3A_2016 : i1 to i32
      %sign3A_2018 = arith.subi %sign3A_2014, %sign3A_2017 : i32
      %sign3A_2019 = arith.constant 0 : i32
      %sign3A_2020 = arith.cmpi sgt, %jit3A_2010, %sign3A_2019 : i32
      %sign3A_2021 = arith.extui %sign3A_2020 : i1 to i32
      %sign3A_2022 = arith.constant 0 : i32
      %sign3A_2023 = arith.cmpi slt, %jit3A_2010, %sign3A_2022 : i32
      %sign3A_2024 = arith.extui %sign3A_2023 : i1 to i32
      %sign3A_2025 = arith.subi %sign3A_2021, %sign3A_2024 : i32
      %ne3A_2026 = arith.cmpi ne, %sign3A_2018, %sign3A_2025 : i32
      %rem3A_2027 = arith.remsi %squeeze3A_2009, %jit3A_2010 : i32
      %ne3A_2028 = arith.constant 0 : i32
      %ne3A_2029 = arith.cmpi ne, %rem3A_2027, %ne3A_2028 : i32
      %and3A_2030 = arith.andi %ne3A_2026, %ne3A_2029 : i1
      %sub3A_2031 = arith.constant 1 : i32
      %sub3A_2032 = arith.subi %div3A_2011, %sub3A_2031 : i32
      %select_n3A_2033 = arith.select %and3A_2030, %sub3A_2032, %div3A_2011 : i32
      %mul3A_2034 = arith.constant 128 : i32
      %mul3A_2035 = arith.muli %select_n3A_2033, %mul3A_2034 : i32
      %multiple_of3A_2036 = tpu.assume_multiple %mul3A_2035, 128 : i32
      %slice3A_2037 = vector.extract_strided_slice %get3A_39 {offsets = [13], sizes = [1], strides = [1]} : vector<16xi32> to vector<1xi32>
      %squeeze3A_2038 = vector.extract %slice3A_2037[0] : i32 from vector<1xi32>
      %jit3A_2039 = arith.constant 128 : i32
      %div3A_2040 = arith.divsi %squeeze3A_2038, %jit3A_2039 : i32
      %sign3A_2041 = arith.constant 0 : i32
      %sign3A_2042 = arith.cmpi sgt, %squeeze3A_2038, %sign3A_2041 : i32
      %sign3A_2043 = arith.extui %sign3A_2042 : i1 to i32
      %sign3A_2044 = arith.constant 0 : i32
      %sign3A_2045 = arith.cmpi slt, %squeeze3A_2038, %sign3A_2044 : i32
      %sign3A_2046 = arith.extui %sign3A_2045 : i1 to i32
      %sign3A_2047 = arith.subi %sign3A_2043, %sign3A_2046 : i32
      %sign3A_2048 = arith.constant 0 : i32
      %sign3A_2049 = arith.cmpi sgt, %jit3A_2039, %sign3A_2048 : i32
      %sign3A_2050 = arith.extui %sign3A_2049 : i1 to i32
      %sign3A_2051 = arith.constant 0 : i32
      %sign3A_2052 = arith.cmpi slt, %jit3A_2039, %sign3A_2051 : i32
      %sign3A_2053 = arith.extui %sign3A_2052 : i1 to i32
      %sign3A_2054 = arith.subi %sign3A_2050, %sign3A_2053 : i32
      %ne3A_2055 = arith.cmpi ne, %sign3A_2047, %sign3A_2054 : i32
      %rem3A_2056 = arith.remsi %squeeze3A_2038, %jit3A_2039 : i32
      %ne3A_2057 = arith.constant 0 : i32
      %ne3A_2058 = arith.cmpi ne, %rem3A_2056, %ne3A_2057 : i32
      %and3A_2059 = arith.andi %ne3A_2055, %ne3A_2058 : i1
      %sub3A_2060 = arith.constant 1 : i32
      %sub3A_2061 = arith.subi %div3A_2040, %sub3A_2060 : i32
      %select_n3A_2062 = arith.select %and3A_2059, %sub3A_2061, %div3A_2040 : i32
      %mul3A_2063 = arith.constant 128 : i32
      %mul3A_2064 = arith.muli %select_n3A_2062, %mul3A_2063 : i32
      %multiple_of3A_2065 = tpu.assume_multiple %mul3A_2064, 128 : i32
      %dma_start3A_2066 = arith.constant 1 : i32
      %dma_start3A_2067 = arith.constant 1 : i32
      %dma_start3A_2068 = arith.constant 0 : i32
      %dma_start3A_2069 = arith.constant 0 : i32
      %dma_start3A_2070 = tpu.memref_slice %arg9[%dma_start3A_2066, %dma_start3A_2067, %dma_start3A_2068, %dma_start3A_2069] : memref<2x4x32x128xf32, #tpu.memory_space<vmem>> -> memref<1x1x32x128xf32, #tpu.memory_space<vmem>>
      %dma_start3A_2071 = tpu.memref_squeeze %dma_start3A_2070 : memref<1x1x32x128xf32, #tpu.memory_space<vmem>> -> memref<32x128xf32, #tpu.memory_space<vmem>>
      %dma_start3A_2072 = arith.constant 0 : i32
      %dma_start3A_2073 = tpu.memref_slice %arg4[%dma_start3A_2072, %multiple_of3A_2036] : memref<32x1000000xf32, #tpu.memory_space<hbm>> -> memref<32x128xf32, #tpu.memory_space<hbm>>
      %dma_start3A_2074 = arith.constant 0 : i32
      %dma_start3A_2075 = arith.constant 0 : i32
      %dma_start3A_2076 = tpu.memref_slice %arg9[%dma_start3A_2066, %dma_start3A_2067, %dma_start3A_2074, %dma_start3A_2075] : memref<2x4x32x128xf32, #tpu.memory_space<vmem>> -> memref<1x1x32x128xf32, #tpu.memory_space<vmem>>
      %dma_start3A_2077 = tpu.memref_squeeze %dma_start3A_2076 : memref<1x1x32x128xf32, #tpu.memory_space<vmem>> -> memref<32x128xf32, #tpu.memory_space<vmem>>
      %dma_start3A_2078 = arith.constant 0 : i32
      %dma_start3A_2079 = tpu.memref_slice %arg4[%dma_start3A_2078, %multiple_of3A_2036] : memref<32x1000000xf32, #tpu.memory_space<hbm>> -> memref<32x128xf32, #tpu.memory_space<hbm>>
      tpu.enqueue_dma source(%dma_start3A_2079 : memref<32x128xf32, #tpu.memory_space<hbm>>) target(%dma_start3A_2077 : memref<32x128xf32, #tpu.memory_space<vmem>>) target_semaphore(%arg14 : memref<!tpu.dma_semaphore, #tpu.memory_space<semaphore_mem>>)
      %dma_start3A_2080 = arith.constant 1 : i32
      %dma_start3A_2081 = arith.constant 1 : i32
      %dma_start3A_2082 = arith.constant 0 : i32
      %dma_start3A_2083 = arith.constant 0 : i32
      %dma_start3A_2084 = tpu.memref_slice %arg10[%dma_start3A_2080, %dma_start3A_2081, %dma_start3A_2082, %dma_start3A_2083] : memref<2x4x32x128xf32, #tpu.memory_space<vmem>> -> memref<1x1x32x128xf32, #tpu.memory_space<vmem>>
      %dma_start3A_2085 = tpu.memref_squeeze %dma_start3A_2084 : memref<1x1x32x128xf32, #tpu.memory_space<vmem>> -> memref<32x128xf32, #tpu.memory_space<vmem>>
      %dma_start3A_2086 = arith.constant 0 : i32
      %dma_start3A_2087 = tpu.memref_slice %arg5[%dma_start3A_2086, %multiple_of3A_2065] : memref<32x1000000xf32, #tpu.memory_space<hbm>> -> memref<32x128xf32, #tpu.memory_space<hbm>>
      %dma_start3A_2088 = arith.constant 0 : i32
      %dma_start3A_2089 = arith.constant 0 : i32
      %dma_start3A_2090 = tpu.memref_slice %arg10[%dma_start3A_2080, %dma_start3A_2081, %dma_start3A_2088, %dma_start3A_2089] : memref<2x4x32x128xf32, #tpu.memory_space<vmem>> -> memref<1x1x32x128xf32, #tpu.memory_space<vmem>>
      %dma_start3A_2091 = tpu.memref_squeeze %dma_start3A_2090 : memref<1x1x32x128xf32, #tpu.memory_space<vmem>> -> memref<32x128xf32, #tpu.memory_space<vmem>>
      %dma_start3A_2092 = arith.constant 0 : i32
      %dma_start3A_2093 = tpu.memref_slice %arg5[%dma_start3A_2092, %multiple_of3A_2065] : memref<32x1000000xf32, #tpu.memory_space<hbm>> -> memref<32x128xf32, #tpu.memory_space<hbm>>
      tpu.enqueue_dma source(%dma_start3A_2093 : memref<32x128xf32, #tpu.memory_space<hbm>>) target(%dma_start3A_2091 : memref<32x128xf32, #tpu.memory_space<vmem>>) target_semaphore(%arg14 : memref<!tpu.dma_semaphore, #tpu.memory_space<semaphore_mem>>)
      %slice3A_2094 = vector.extract_strided_slice %get3A_37 {offsets = [14], sizes = [1], strides = [1]} : vector<16xi32> to vector<1xi32>
      %squeeze3A_2095 = vector.extract %slice3A_2094[0] : i32 from vector<1xi32>
      %jit3A_2096 = arith.constant 128 : i32
      %div3A_2097 = arith.divsi %squeeze3A_2095, %jit3A_2096 : i32
      %sign3A_2098 = arith.constant 0 : i32
      %sign3A_2099 = arith.cmpi sgt, %squeeze3A_2095, %sign3A_2098 : i32
      %sign3A_2100 = arith.extui %sign3A_2099 : i1 to i32
      %sign3A_2101 = arith.constant 0 : i32
      %sign3A_2102 = arith.cmpi slt, %squeeze3A_2095, %sign3A_2101 : i32
      %sign3A_2103 = arith.extui %sign3A_2102 : i1 to i32
      %sign3A_2104 = arith.subi %sign3A_2100, %sign3A_2103 : i32
      %sign3A_2105 = arith.constant 0 : i32
      %sign3A_2106 = arith.cmpi sgt, %jit3A_2096, %sign3A_2105 : i32
      %sign3A_2107 = arith.extui %sign3A_2106 : i1 to i32
      %sign3A_2108 = arith.constant 0 : i32
      %sign3A_2109 = arith.cmpi slt, %jit3A_2096, %sign3A_2108 : i32
      %sign3A_2110 = arith.extui %sign3A_2109 : i1 to i32
      %sign3A_2111 = arith.subi %sign3A_2107, %sign3A_2110 : i32
      %ne3A_2112 = arith.cmpi ne, %sign3A_2104, %sign3A_2111 : i32
      %rem3A_2113 = arith.remsi %squeeze3A_2095, %jit3A_2096 : i32
      %ne3A_2114 = arith.constant 0 : i32
      %ne3A_2115 = arith.cmpi ne, %rem3A_2113, %ne3A_2114 : i32
      %and3A_2116 = arith.andi %ne3A_2112, %ne3A_2115 : i1
      %sub3A_2117 = arith.constant 1 : i32
      %sub3A_2118 = arith.subi %div3A_2097, %sub3A_2117 : i32
      %select_n3A_2119 = arith.select %and3A_2116, %sub3A_2118, %div3A_2097 : i32
      %mul3A_2120 = arith.constant 128 : i32
      %mul3A_2121 = arith.muli %select_n3A_2119, %mul3A_2120 : i32
      %multiple_of3A_2122 = tpu.assume_multiple %mul3A_2121, 128 : i32
      %slice3A_2123 = vector.extract_strided_slice %get3A_39 {offsets = [14], sizes = [1], strides = [1]} : vector<16xi32> to vector<1xi32>
      %squeeze3A_2124 = vector.extract %slice3A_2123[0] : i32 from vector<1xi32>
      %jit3A_2125 = arith.constant 128 : i32
      %div3A_2126 = arith.divsi %squeeze3A_2124, %jit3A_2125 : i32
      %sign3A_2127 = arith.constant 0 : i32
      %sign3A_2128 = arith.cmpi sgt, %squeeze3A_2124, %sign3A_2127 : i32
      %sign3A_2129 = arith.extui %sign3A_2128 : i1 to i32
      %sign3A_2130 = arith.constant 0 : i32
      %sign3A_2131 = arith.cmpi slt, %squeeze3A_2124, %sign3A_2130 : i32
      %sign3A_2132 = arith.extui %sign3A_2131 : i1 to i32
      %sign3A_2133 = arith.subi %sign3A_2129, %sign3A_2132 : i32
      %sign3A_2134 = arith.constant 0 : i32
      %sign3A_2135 = arith.cmpi sgt, %jit3A_2125, %sign3A_2134 : i32
      %sign3A_2136 = arith.extui %sign3A_2135 : i1 to i32
      %sign3A_2137 = arith.constant 0 : i32
      %sign3A_2138 = arith.cmpi slt, %jit3A_2125, %sign3A_2137 : i32
      %sign3A_2139 = arith.extui %sign3A_2138 : i1 to i32
      %sign3A_2140 = arith.subi %sign3A_2136, %sign3A_2139 : i32
      %ne3A_2141 = arith.cmpi ne, %sign3A_2133, %sign3A_2140 : i32
      %rem3A_2142 = arith.remsi %squeeze3A_2124, %jit3A_2125 : i32
      %ne3A_2143 = arith.constant 0 : i32
      %ne3A_2144 = arith.cmpi ne, %rem3A_2142, %ne3A_2143 : i32
      %and3A_2145 = arith.andi %ne3A_2141, %ne3A_2144 : i1
      %sub3A_2146 = arith.constant 1 : i32
      %sub3A_2147 = arith.subi %div3A_2126, %sub3A_2146 : i32
      %select_n3A_2148 = arith.select %and3A_2145, %sub3A_2147, %div3A_2126 : i32
      %mul3A_2149 = arith.constant 128 : i32
      %mul3A_2150 = arith.muli %select_n3A_2148, %mul3A_2149 : i32
      %multiple_of3A_2151 = tpu.assume_multiple %mul3A_2150, 128 : i32
      %dma_start3A_2152 = arith.constant 1 : i32
      %dma_start3A_2153 = arith.constant 2 : i32
      %dma_start3A_2154 = arith.constant 0 : i32
      %dma_start3A_2155 = arith.constant 0 : i32
      %dma_start3A_2156 = tpu.memref_slice %arg9[%dma_start3A_2152, %dma_start3A_2153, %dma_start3A_2154, %dma_start3A_2155] : memref<2x4x32x128xf32, #tpu.memory_space<vmem>> -> memref<1x1x32x128xf32, #tpu.memory_space<vmem>>
      %dma_start3A_2157 = tpu.memref_squeeze %dma_start3A_2156 : memref<1x1x32x128xf32, #tpu.memory_space<vmem>> -> memref<32x128xf32, #tpu.memory_space<vmem>>
      %dma_start3A_2158 = arith.constant 0 : i32
      %dma_start3A_2159 = tpu.memref_slice %arg4[%dma_start3A_2158, %multiple_of3A_2122] : memref<32x1000000xf32, #tpu.memory_space<hbm>> -> memref<32x128xf32, #tpu.memory_space<hbm>>
      %dma_start3A_2160 = arith.constant 0 : i32
      %dma_start3A_2161 = arith.constant 0 : i32
      %dma_start3A_2162 = tpu.memref_slice %arg9[%dma_start3A_2152, %dma_start3A_2153, %dma_start3A_2160, %dma_start3A_2161] : memref<2x4x32x128xf32, #tpu.memory_space<vmem>> -> memref<1x1x32x128xf32, #tpu.memory_space<vmem>>
      %dma_start3A_2163 = tpu.memref_squeeze %dma_start3A_2162 : memref<1x1x32x128xf32, #tpu.memory_space<vmem>> -> memref<32x128xf32, #tpu.memory_space<vmem>>
      %dma_start3A_2164 = arith.constant 0 : i32
      %dma_start3A_2165 = tpu.memref_slice %arg4[%dma_start3A_2164, %multiple_of3A_2122] : memref<32x1000000xf32, #tpu.memory_space<hbm>> -> memref<32x128xf32, #tpu.memory_space<hbm>>
      tpu.enqueue_dma source(%dma_start3A_2165 : memref<32x128xf32, #tpu.memory_space<hbm>>) target(%dma_start3A_2163 : memref<32x128xf32, #tpu.memory_space<vmem>>) target_semaphore(%arg14 : memref<!tpu.dma_semaphore, #tpu.memory_space<semaphore_mem>>)
      %dma_start3A_2166 = arith.constant 1 : i32
      %dma_start3A_2167 = arith.constant 2 : i32
      %dma_start3A_2168 = arith.constant 0 : i32
      %dma_start3A_2169 = arith.constant 0 : i32
      %dma_start3A_2170 = tpu.memref_slice %arg10[%dma_start3A_2166, %dma_start3A_2167, %dma_start3A_2168, %dma_start3A_2169] : memref<2x4x32x128xf32, #tpu.memory_space<vmem>> -> memref<1x1x32x128xf32, #tpu.memory_space<vmem>>
      %dma_start3A_2171 = tpu.memref_squeeze %dma_start3A_2170 : memref<1x1x32x128xf32, #tpu.memory_space<vmem>> -> memref<32x128xf32, #tpu.memory_space<vmem>>
      %dma_start3A_2172 = arith.constant 0 : i32
      %dma_start3A_2173 = tpu.memref_slice %arg5[%dma_start3A_2172, %multiple_of3A_2151] : memref<32x1000000xf32, #tpu.memory_space<hbm>> -> memref<32x128xf32, #tpu.memory_space<hbm>>
      %dma_start3A_2174 = arith.constant 0 : i32
      %dma_start3A_2175 = arith.constant 0 : i32
      %dma_start3A_2176 = tpu.memref_slice %arg10[%dma_start3A_2166, %dma_start3A_2167, %dma_start3A_2174, %dma_start3A_2175] : memref<2x4x32x128xf32, #tpu.memory_space<vmem>> -> memref<1x1x32x128xf32, #tpu.memory_space<vmem>>
      %dma_start3A_2177 = tpu.memref_squeeze %dma_start3A_2176 : memref<1x1x32x128xf32, #tpu.memory_space<vmem>> -> memref<32x128xf32, #tpu.memory_space<vmem>>
      %dma_start3A_2178 = arith.constant 0 : i32
      %dma_start3A_2179 = tpu.memref_slice %arg5[%dma_start3A_2178, %multiple_of3A_2151] : memref<32x1000000xf32, #tpu.memory_space<hbm>> -> memref<32x128xf32, #tpu.memory_space<hbm>>
      tpu.enqueue_dma source(%dma_start3A_2179 : memref<32x128xf32, #tpu.memory_space<hbm>>) target(%dma_start3A_2177 : memref<32x128xf32, #tpu.memory_space<vmem>>) target_semaphore(%arg14 : memref<!tpu.dma_semaphore, #tpu.memory_space<semaphore_mem>>)
      %slice3A_2180 = vector.extract_strided_slice %get3A_37 {offsets = [15], sizes = [1], strides = [1]} : vector<16xi32> to vector<1xi32>
      %squeeze3A_2181 = vector.extract %slice3A_2180[0] : i32 from vector<1xi32>
      %jit3A_2182 = arith.constant 128 : i32
      %div3A_2183 = arith.divsi %squeeze3A_2181, %jit3A_2182 : i32
      %sign3A_2184 = arith.constant 0 : i32
      %sign3A_2185 = arith.cmpi sgt, %squeeze3A_2181, %sign3A_2184 : i32
      %sign3A_2186 = arith.extui %sign3A_2185 : i1 to i32
      %sign3A_2187 = arith.constant 0 : i32
      %sign3A_2188 = arith.cmpi slt, %squeeze3A_2181, %sign3A_2187 : i32
      %sign3A_2189 = arith.extui %sign3A_2188 : i1 to i32
      %sign3A_2190 = arith.subi %sign3A_2186, %sign3A_2189 : i32
      %sign3A_2191 = arith.constant 0 : i32
      %sign3A_2192 = arith.cmpi sgt, %jit3A_2182, %sign3A_2191 : i32
      %sign3A_2193 = arith.extui %sign3A_2192 : i1 to i32
      %sign3A_2194 = arith.constant 0 : i32
      %sign3A_2195 = arith.cmpi slt, %jit3A_2182, %sign3A_2194 : i32
      %sign3A_2196 = arith.extui %sign3A_2195 : i1 to i32
      %sign3A_2197 = arith.subi %sign3A_2193, %sign3A_2196 : i32
      %ne3A_2198 = arith.cmpi ne, %sign3A_2190, %sign3A_2197 : i32
      %rem3A_2199 = arith.remsi %squeeze3A_2181, %jit3A_2182 : i32
      %ne3A_2200 = arith.constant 0 : i32
      %ne3A_2201 = arith.cmpi ne, %rem3A_2199, %ne3A_2200 : i32
      %and3A_2202 = arith.andi %ne3A_2198, %ne3A_2201 : i1
      %sub3A_2203 = arith.constant 1 : i32
      %sub3A_2204 = arith.subi %div3A_2183, %sub3A_2203 : i32
      %select_n3A_2205 = arith.select %and3A_2202, %sub3A_2204, %div3A_2183 : i32
      %mul3A_2206 = arith.constant 128 : i32
      %mul3A_2207 = arith.muli %select_n3A_2205, %mul3A_2206 : i32
      %multiple_of3A_2208 = tpu.assume_multiple %mul3A_2207, 128 : i32
      %slice3A_2209 = vector.extract_strided_slice %get3A_39 {offsets = [15], sizes = [1], strides = [1]} : vector<16xi32> to vector<1xi32>
      %squeeze3A_2210 = vector.extract %slice3A_2209[0] : i32 from vector<1xi32>
      %jit3A_2211 = arith.constant 128 : i32
      %div3A_2212 = arith.divsi %squeeze3A_2210, %jit3A_2211 : i32
      %sign3A_2213 = arith.constant 0 : i32
      %sign3A_2214 = arith.cmpi sgt, %squeeze3A_2210, %sign3A_2213 : i32
      %sign3A_2215 = arith.extui %sign3A_2214 : i1 to i32
      %sign3A_2216 = arith.constant 0 : i32
      %sign3A_2217 = arith.cmpi slt, %squeeze3A_2210, %sign3A_2216 : i32
      %sign3A_2218 = arith.extui %sign3A_2217 : i1 to i32
      %sign3A_2219 = arith.subi %sign3A_2215, %sign3A_2218 : i32
      %sign3A_2220 = arith.constant 0 : i32
      %sign3A_2221 = arith.cmpi sgt, %jit3A_2211, %sign3A_2220 : i32
      %sign3A_2222 = arith.extui %sign3A_2221 : i1 to i32
      %sign3A_2223 = arith.constant 0 : i32
      %sign3A_2224 = arith.cmpi slt, %jit3A_2211, %sign3A_2223 : i32
      %sign3A_2225 = arith.extui %sign3A_2224 : i1 to i32
      %sign3A_2226 = arith.subi %sign3A_2222, %sign3A_2225 : i32
      %ne3A_2227 = arith.cmpi ne, %sign3A_2219, %sign3A_2226 : i32
      %rem3A_2228 = arith.remsi %squeeze3A_2210, %jit3A_2211 : i32
      %ne3A_2229 = arith.constant 0 : i32
      %ne3A_2230 = arith.cmpi ne, %rem3A_2228, %ne3A_2229 : i32
      %and3A_2231 = arith.andi %ne3A_2227, %ne3A_2230 : i1
      %sub3A_2232 = arith.constant 1 : i32
      %sub3A_2233 = arith.subi %div3A_2212, %sub3A_2232 : i32
      %select_n3A_2234 = arith.select %and3A_2231, %sub3A_2233, %div3A_2212 : i32
      %mul3A_2235 = arith.constant 128 : i32
      %mul3A_2236 = arith.muli %select_n3A_2234, %mul3A_2235 : i32
      %multiple_of3A_2237 = tpu.assume_multiple %mul3A_2236, 128 : i32
      %dma_start3A_2238 = arith.constant 1 : i32
      %dma_start3A_2239 = arith.constant 3 : i32
      %dma_start3A_2240 = arith.constant 0 : i32
      %dma_start3A_2241 = arith.constant 0 : i32
      %dma_start3A_2242 = tpu.memref_slice %arg9[%dma_start3A_2238, %dma_start3A_2239, %dma_start3A_2240, %dma_start3A_2241] : memref<2x4x32x128xf32, #tpu.memory_space<vmem>> -> memref<1x1x32x128xf32, #tpu.memory_space<vmem>>
      %dma_start3A_2243 = tpu.memref_squeeze %dma_start3A_2242 : memref<1x1x32x128xf32, #tpu.memory_space<vmem>> -> memref<32x128xf32, #tpu.memory_space<vmem>>
      %dma_start3A_2244 = arith.constant 0 : i32
      %dma_start3A_2245 = tpu.memref_slice %arg4[%dma_start3A_2244, %multiple_of3A_2208] : memref<32x1000000xf32, #tpu.memory_space<hbm>> -> memref<32x128xf32, #tpu.memory_space<hbm>>
      %dma_start3A_2246 = arith.constant 0 : i32
      %dma_start3A_2247 = arith.constant 0 : i32
      %dma_start3A_2248 = tpu.memref_slice %arg9[%dma_start3A_2238, %dma_start3A_2239, %dma_start3A_2246, %dma_start3A_2247] : memref<2x4x32x128xf32, #tpu.memory_space<vmem>> -> memref<1x1x32x128xf32, #tpu.memory_space<vmem>>
      %dma_start3A_2249 = tpu.memref_squeeze %dma_start3A_2248 : memref<1x1x32x128xf32, #tpu.memory_space<vmem>> -> memref<32x128xf32, #tpu.memory_space<vmem>>
      %dma_start3A_2250 = arith.constant 0 : i32
      %dma_start3A_2251 = tpu.memref_slice %arg4[%dma_start3A_2250, %multiple_of3A_2208] : memref<32x1000000xf32, #tpu.memory_space<hbm>> -> memref<32x128xf32, #tpu.memory_space<hbm>>
      tpu.enqueue_dma source(%dma_start3A_2251 : memref<32x128xf32, #tpu.memory_space<hbm>>) target(%dma_start3A_2249 : memref<32x128xf32, #tpu.memory_space<vmem>>) target_semaphore(%arg14 : memref<!tpu.dma_semaphore, #tpu.memory_space<semaphore_mem>>)
      %dma_start3A_2252 = arith.constant 1 : i32
      %dma_start3A_2253 = arith.constant 3 : i32
      %dma_start3A_2254 = arith.constant 0 : i32
      %dma_start3A_2255 = arith.constant 0 : i32
      %dma_start3A_2256 = tpu.memref_slice %arg10[%dma_start3A_2252, %dma_start3A_2253, %dma_start3A_2254, %dma_start3A_2255] : memref<2x4x32x128xf32, #tpu.memory_space<vmem>> -> memref<1x1x32x128xf32, #tpu.memory_space<vmem>>
      %dma_start3A_2257 = tpu.memref_squeeze %dma_start3A_2256 : memref<1x1x32x128xf32, #tpu.memory_space<vmem>> -> memref<32x128xf32, #tpu.memory_space<vmem>>
      %dma_start3A_2258 = arith.constant 0 : i32
      %dma_start3A_2259 = tpu.memref_slice %arg5[%dma_start3A_2258, %multiple_of3A_2237] : memref<32x1000000xf32, #tpu.memory_space<hbm>> -> memref<32x128xf32, #tpu.memory_space<hbm>>
      %dma_start3A_2260 = arith.constant 0 : i32
      %dma_start3A_2261 = arith.constant 0 : i32
      %dma_start3A_2262 = tpu.memref_slice %arg10[%dma_start3A_2252, %dma_start3A_2253, %dma_start3A_2260, %dma_start3A_2261] : memref<2x4x32x128xf32, #tpu.memory_space<vmem>> -> memref<1x1x32x128xf32, #tpu.memory_space<vmem>>
      %dma_start3A_2263 = tpu.memref_squeeze %dma_start3A_2262 : memref<1x1x32x128xf32, #tpu.memory_space<vmem>> -> memref<32x128xf32, #tpu.memory_space<vmem>>
      %dma_start3A_2264 = arith.constant 0 : i32
      %dma_start3A_2265 = tpu.memref_slice %arg5[%dma_start3A_2264, %multiple_of3A_2237] : memref<32x1000000xf32, #tpu.memory_space<hbm>> -> memref<32x128xf32, #tpu.memory_space<hbm>>
      tpu.enqueue_dma source(%dma_start3A_2265 : memref<32x128xf32, #tpu.memory_space<hbm>>) target(%dma_start3A_2263 : memref<32x128xf32, #tpu.memory_space<vmem>>) target_semaphore(%arg14 : memref<!tpu.dma_semaphore, #tpu.memory_space<semaphore_mem>>)
      %dma_wait3A_2266 = arith.constant 0 : i32
      %dma_wait3A_2267 = arith.constant 0 : i32
      %dma_wait3A_2268 = arith.constant 0 : i32
      %dma_wait3A_2269 = arith.constant 0 : i32
      %dma_wait3A_2270 = tpu.memref_slice %arg9[%dma_wait3A_2266, %dma_wait3A_2267, %dma_wait3A_2268, %dma_wait3A_2269] : memref<2x4x32x128xf32, #tpu.memory_space<vmem>> -> memref<1x1x32x128xf32, #tpu.memory_space<vmem>>
      %dma_wait3A_2271 = tpu.memref_squeeze %dma_wait3A_2270 : memref<1x1x32x128xf32, #tpu.memory_space<vmem>> -> memref<32x128xf32, #tpu.memory_space<vmem>>
      %dma_wait3A_2272 = arith.constant 0 : i32
      %dma_wait3A_2273 = tpu.memref_slice %arg4[%dma_wait3A_2272, %multiple_of3A_1174] : memref<32x1000000xf32, #tpu.memory_space<hbm>> -> memref<32x128xf32, #tpu.memory_space<hbm>>
      %dma_wait3A_2274 = arith.constant 0 : i32
      %dma_wait3A_2275 = arith.constant 0 : i32
      %dma_wait3A_2276 = tpu.memref_slice %arg9[%dma_wait3A_2266, %dma_wait3A_2267, %dma_wait3A_2274, %dma_wait3A_2275] : memref<2x4x32x128xf32, #tpu.memory_space<vmem>> -> memref<1x1x32x128xf32, #tpu.memory_space<vmem>>
      %dma_wait3A_2277 = tpu.memref_squeeze %dma_wait3A_2276 : memref<1x1x32x128xf32, #tpu.memory_space<vmem>> -> memref<32x128xf32, #tpu.memory_space<vmem>>
      %dma_wait3A_2278 = arith.constant 0 : i32
      %dma_wait3A_2279 = tpu.memref_slice %arg4[%dma_wait3A_2278, %multiple_of3A_1174] : memref<32x1000000xf32, #tpu.memory_space<hbm>> -> memref<32x128xf32, #tpu.memory_space<hbm>>
      tpu.wait_dma2 semaphore(%arg14 : memref<!tpu.dma_semaphore, #tpu.memory_space<semaphore_mem>>) src(%dma_wait3A_2279 : memref<32x128xf32, #tpu.memory_space<hbm>>) dst(%dma_wait3A_2277 : memref<32x128xf32, #tpu.memory_space<vmem>>)
      %dma_wait3A_2280 = arith.constant 0 : i32
      %dma_wait3A_2281 = arith.constant 0 : i32
      %dma_wait3A_2282 = arith.constant 0 : i32
      %dma_wait3A_2283 = arith.constant 0 : i32
      %dma_wait3A_2284 = tpu.memref_slice %arg10[%dma_wait3A_2280, %dma_wait3A_2281, %dma_wait3A_2282, %dma_wait3A_2283] : memref<2x4x32x128xf32, #tpu.memory_space<vmem>> -> memref<1x1x32x128xf32, #tpu.memory_space<vmem>>
      %dma_wait3A_2285 = tpu.memref_squeeze %dma_wait3A_2284 : memref<1x1x32x128xf32, #tpu.memory_space<vmem>> -> memref<32x128xf32, #tpu.memory_space<vmem>>
      %dma_wait3A_2286 = arith.constant 0 : i32
      %dma_wait3A_2287 = tpu.memref_slice %arg5[%dma_wait3A_2286, %multiple_of3A_1203] : memref<32x1000000xf32, #tpu.memory_space<hbm>> -> memref<32x128xf32, #tpu.memory_space<hbm>>
      %dma_wait3A_2288 = arith.constant 0 : i32
      %dma_wait3A_2289 = arith.constant 0 : i32
      %dma_wait3A_2290 = tpu.memref_slice %arg10[%dma_wait3A_2280, %dma_wait3A_2281, %dma_wait3A_2288, %dma_wait3A_2289] : memref<2x4x32x128xf32, #tpu.memory_space<vmem>> -> memref<1x1x32x128xf32, #tpu.memory_space<vmem>>
      %dma_wait3A_2291 = tpu.memref_squeeze %dma_wait3A_2290 : memref<1x1x32x128xf32, #tpu.memory_space<vmem>> -> memref<32x128xf32, #tpu.memory_space<vmem>>
      %dma_wait3A_2292 = arith.constant 0 : i32
      %dma_wait3A_2293 = tpu.memref_slice %arg5[%dma_wait3A_2292, %multiple_of3A_1203] : memref<32x1000000xf32, #tpu.memory_space<hbm>> -> memref<32x128xf32, #tpu.memory_space<hbm>>
      tpu.wait_dma2 semaphore(%arg14 : memref<!tpu.dma_semaphore, #tpu.memory_space<semaphore_mem>>) src(%dma_wait3A_2293 : memref<32x128xf32, #tpu.memory_space<hbm>>) dst(%dma_wait3A_2291 : memref<32x128xf32, #tpu.memory_space<vmem>>)
      %dma_wait3A_2294 = arith.constant 0 : i32
      %dma_wait3A_2295 = arith.constant 1 : i32
      %dma_wait3A_2296 = arith.constant 0 : i32
      %dma_wait3A_2297 = arith.constant 0 : i32
      %dma_wait3A_2298 = tpu.memref_slice %arg9[%dma_wait3A_2294, %dma_wait3A_2295, %dma_wait3A_2296, %dma_wait3A_2297] : memref<2x4x32x128xf32, #tpu.memory_space<vmem>> -> memref<1x1x32x128xf32, #tpu.memory_space<vmem>>
      %dma_wait3A_2299 = tpu.memref_squeeze %dma_wait3A_2298 : memref<1x1x32x128xf32, #tpu.memory_space<vmem>> -> memref<32x128xf32, #tpu.memory_space<vmem>>
      %dma_wait3A_2300 = arith.constant 0 : i32
      %dma_wait3A_2301 = tpu.memref_slice %arg4[%dma_wait3A_2300, %multiple_of3A_1260] : memref<32x1000000xf32, #tpu.memory_space<hbm>> -> memref<32x128xf32, #tpu.memory_space<hbm>>
      %dma_wait3A_2302 = arith.constant 0 : i32
      %dma_wait3A_2303 = arith.constant 0 : i32
      %dma_wait3A_2304 = tpu.memref_slice %arg9[%dma_wait3A_2294, %dma_wait3A_2295, %dma_wait3A_2302, %dma_wait3A_2303] : memref<2x4x32x128xf32, #tpu.memory_space<vmem>> -> memref<1x1x32x128xf32, #tpu.memory_space<vmem>>
      %dma_wait3A_2305 = tpu.memref_squeeze %dma_wait3A_2304 : memref<1x1x32x128xf32, #tpu.memory_space<vmem>> -> memref<32x128xf32, #tpu.memory_space<vmem>>
      %dma_wait3A_2306 = arith.constant 0 : i32
      %dma_wait3A_2307 = tpu.memref_slice %arg4[%dma_wait3A_2306, %multiple_of3A_1260] : memref<32x1000000xf32, #tpu.memory_space<hbm>> -> memref<32x128xf32, #tpu.memory_space<hbm>>
      tpu.wait_dma2 semaphore(%arg14 : memref<!tpu.dma_semaphore, #tpu.memory_space<semaphore_mem>>) src(%dma_wait3A_2307 : memref<32x128xf32, #tpu.memory_space<hbm>>) dst(%dma_wait3A_2305 : memref<32x128xf32, #tpu.memory_space<vmem>>)
      %dma_wait3A_2308 = arith.constant 0 : i32
      %dma_wait3A_2309 = arith.constant 1 : i32
      %dma_wait3A_2310 = arith.constant 0 : i32
      %dma_wait3A_2311 = arith.constant 0 : i32
      %dma_wait3A_2312 = tpu.memref_slice %arg10[%dma_wait3A_2308, %dma_wait3A_2309, %dma_wait3A_2310, %dma_wait3A_2311] : memref<2x4x32x128xf32, #tpu.memory_space<vmem>> -> memref<1x1x32x128xf32, #tpu.memory_space<vmem>>
      %dma_wait3A_2313 = tpu.memref_squeeze %dma_wait3A_2312 : memref<1x1x32x128xf32, #tpu.memory_space<vmem>> -> memref<32x128xf32, #tpu.memory_space<vmem>>
      %dma_wait3A_2314 = arith.constant 0 : i32
      %dma_wait3A_2315 = tpu.memref_slice %arg5[%dma_wait3A_2314, %multiple_of3A_1289] : memref<32x1000000xf32, #tpu.memory_space<hbm>> -> memref<32x128xf32, #tpu.memory_space<hbm>>
      %dma_wait3A_2316 = arith.constant 0 : i32
      %dma_wait3A_2317 = arith.constant 0 : i32
      %dma_wait3A_2318 = tpu.memref_slice %arg10[%dma_wait3A_2308, %dma_wait3A_2309, %dma_wait3A_2316, %dma_wait3A_2317] : memref<2x4x32x128xf32, #tpu.memory_space<vmem>> -> memref<1x1x32x128xf32, #tpu.memory_space<vmem>>
      %dma_wait3A_2319 = tpu.memref_squeeze %dma_wait3A_2318 : memref<1x1x32x128xf32, #tpu.memory_space<vmem>> -> memref<32x128xf32, #tpu.memory_space<vmem>>
      %dma_wait3A_2320 = arith.constant 0 : i32
      %dma_wait3A_2321 = tpu.memref_slice %arg5[%dma_wait3A_2320, %multiple_of3A_1289] : memref<32x1000000xf32, #tpu.memory_space<hbm>> -> memref<32x128xf32, #tpu.memory_space<hbm>>
      tpu.wait_dma2 semaphore(%arg14 : memref<!tpu.dma_semaphore, #tpu.memory_space<semaphore_mem>>) src(%dma_wait3A_2321 : memref<32x128xf32, #tpu.memory_space<hbm>>) dst(%dma_wait3A_2319 : memref<32x128xf32, #tpu.memory_space<vmem>>)
      %dma_wait3A_2322 = arith.constant 0 : i32
      %dma_wait3A_2323 = arith.constant 2 : i32
      %dma_wait3A_2324 = arith.constant 0 : i32
      %dma_wait3A_2325 = arith.constant 0 : i32
      %dma_wait3A_2326 = tpu.memref_slice %arg9[%dma_wait3A_2322, %dma_wait3A_2323, %dma_wait3A_2324, %dma_wait3A_2325] : memref<2x4x32x128xf32, #tpu.memory_space<vmem>> -> memref<1x1x32x128xf32, #tpu.memory_space<vmem>>
      %dma_wait3A_2327 = tpu.memref_squeeze %dma_wait3A_2326 : memref<1x1x32x128xf32, #tpu.memory_space<vmem>> -> memref<32x128xf32, #tpu.memory_space<vmem>>
      %dma_wait3A_2328 = arith.constant 0 : i32
      %dma_wait3A_2329 = tpu.memref_slice %arg4[%dma_wait3A_2328, %multiple_of3A_1346] : memref<32x1000000xf32, #tpu.memory_space<hbm>> -> memref<32x128xf32, #tpu.memory_space<hbm>>
      %dma_wait3A_2330 = arith.constant 0 : i32
      %dma_wait3A_2331 = arith.constant 0 : i32
      %dma_wait3A_2332 = tpu.memref_slice %arg9[%dma_wait3A_2322, %dma_wait3A_2323, %dma_wait3A_2330, %dma_wait3A_2331] : memref<2x4x32x128xf32, #tpu.memory_space<vmem>> -> memref<1x1x32x128xf32, #tpu.memory_space<vmem>>
      %dma_wait3A_2333 = tpu.memref_squeeze %dma_wait3A_2332 : memref<1x1x32x128xf32, #tpu.memory_space<vmem>> -> memref<32x128xf32, #tpu.memory_space<vmem>>
      %dma_wait3A_2334 = arith.constant 0 : i32
      %dma_wait3A_2335 = tpu.memref_slice %arg4[%dma_wait3A_2334, %multiple_of3A_1346] : memref<32x1000000xf32, #tpu.memory_space<hbm>> -> memref<32x128xf32, #tpu.memory_space<hbm>>
      tpu.wait_dma2 semaphore(%arg14 : memref<!tpu.dma_semaphore, #tpu.memory_space<semaphore_mem>>) src(%dma_wait3A_2335 : memref<32x128xf32, #tpu.memory_space<hbm>>) dst(%dma_wait3A_2333 : memref<32x128xf32, #tpu.memory_space<vmem>>)
      %dma_wait3A_2336 = arith.constant 0 : i32
      %dma_wait3A_2337 = arith.constant 2 : i32
      %dma_wait3A_2338 = arith.constant 0 : i32
      %dma_wait3A_2339 = arith.constant 0 : i32
      %dma_wait3A_2340 = tpu.memref_slice %arg10[%dma_wait3A_2336, %dma_wait3A_2337, %dma_wait3A_2338, %dma_wait3A_2339] : memref<2x4x32x128xf32, #tpu.memory_space<vmem>> -> memref<1x1x32x128xf32, #tpu.memory_space<vmem>>
      %dma_wait3A_2341 = tpu.memref_squeeze %dma_wait3A_2340 : memref<1x1x32x128xf32, #tpu.memory_space<vmem>> -> memref<32x128xf32, #tpu.memory_space<vmem>>
      %dma_wait3A_2342 = arith.constant 0 : i32
      %dma_wait3A_2343 = tpu.memref_slice %arg5[%dma_wait3A_2342, %multiple_of3A_1375] : memref<32x1000000xf32, #tpu.memory_space<hbm>> -> memref<32x128xf32, #tpu.memory_space<hbm>>
      %dma_wait3A_2344 = arith.constant 0 : i32
      %dma_wait3A_2345 = arith.constant 0 : i32
      %dma_wait3A_2346 = tpu.memref_slice %arg10[%dma_wait3A_2336, %dma_wait3A_2337, %dma_wait3A_2344, %dma_wait3A_2345] : memref<2x4x32x128xf32, #tpu.memory_space<vmem>> -> memref<1x1x32x128xf32, #tpu.memory_space<vmem>>
      %dma_wait3A_2347 = tpu.memref_squeeze %dma_wait3A_2346 : memref<1x1x32x128xf32, #tpu.memory_space<vmem>> -> memref<32x128xf32, #tpu.memory_space<vmem>>
      %dma_wait3A_2348 = arith.constant 0 : i32
      %dma_wait3A_2349 = tpu.memref_slice %arg5[%dma_wait3A_2348, %multiple_of3A_1375] : memref<32x1000000xf32, #tpu.memory_space<hbm>> -> memref<32x128xf32, #tpu.memory_space<hbm>>
      tpu.wait_dma2 semaphore(%arg14 : memref<!tpu.dma_semaphore, #tpu.memory_space<semaphore_mem>>) src(%dma_wait3A_2349 : memref<32x128xf32, #tpu.memory_space<hbm>>) dst(%dma_wait3A_2347 : memref<32x128xf32, #tpu.memory_space<vmem>>)
      %dma_wait3A_2350 = arith.constant 0 : i32
      %dma_wait3A_2351 = arith.constant 3 : i32
      %dma_wait3A_2352 = arith.constant 0 : i32
      %dma_wait3A_2353 = arith.constant 0 : i32
      %dma_wait3A_2354 = tpu.memref_slice %arg9[%dma_wait3A_2350, %dma_wait3A_2351, %dma_wait3A_2352, %dma_wait3A_2353] : memref<2x4x32x128xf32, #tpu.memory_space<vmem>> -> memref<1x1x32x128xf32, #tpu.memory_space<vmem>>
      %dma_wait3A_2355 = tpu.memref_squeeze %dma_wait3A_2354 : memref<1x1x32x128xf32, #tpu.memory_space<vmem>> -> memref<32x128xf32, #tpu.memory_space<vmem>>
      %dma_wait3A_2356 = arith.constant 0 : i32
      %dma_wait3A_2357 = tpu.memref_slice %arg4[%dma_wait3A_2356, %multiple_of3A_1432] : memref<32x1000000xf32, #tpu.memory_space<hbm>> -> memref<32x128xf32, #tpu.memory_space<hbm>>
      %dma_wait3A_2358 = arith.constant 0 : i32
      %dma_wait3A_2359 = arith.constant 0 : i32
      %dma_wait3A_2360 = tpu.memref_slice %arg9[%dma_wait3A_2350, %dma_wait3A_2351, %dma_wait3A_2358, %dma_wait3A_2359] : memref<2x4x32x128xf32, #tpu.memory_space<vmem>> -> memref<1x1x32x128xf32, #tpu.memory_space<vmem>>
      %dma_wait3A_2361 = tpu.memref_squeeze %dma_wait3A_2360 : memref<1x1x32x128xf32, #tpu.memory_space<vmem>> -> memref<32x128xf32, #tpu.memory_space<vmem>>
      %dma_wait3A_2362 = arith.constant 0 : i32
      %dma_wait3A_2363 = tpu.memref_slice %arg4[%dma_wait3A_2362, %multiple_of3A_1432] : memref<32x1000000xf32, #tpu.memory_space<hbm>> -> memref<32x128xf32, #tpu.memory_space<hbm>>
      tpu.wait_dma2 semaphore(%arg14 : memref<!tpu.dma_semaphore, #tpu.memory_space<semaphore_mem>>) src(%dma_wait3A_2363 : memref<32x128xf32, #tpu.memory_space<hbm>>) dst(%dma_wait3A_2361 : memref<32x128xf32, #tpu.memory_space<vmem>>)
      %dma_wait3A_2364 = arith.constant 0 : i32
      %dma_wait3A_2365 = arith.constant 3 : i32
      %dma_wait3A_2366 = arith.constant 0 : i32
      %dma_wait3A_2367 = arith.constant 0 : i32
      %dma_wait3A_2368 = tpu.memref_slice %arg10[%dma_wait3A_2364, %dma_wait3A_2365, %dma_wait3A_2366, %dma_wait3A_2367] : memref<2x4x32x128xf32, #tpu.memory_space<vmem>> -> memref<1x1x32x128xf32, #tpu.memory_space<vmem>>
      %dma_wait3A_2369 = tpu.memref_squeeze %dma_wait3A_2368 : memref<1x1x32x128xf32, #tpu.memory_space<vmem>> -> memref<32x128xf32, #tpu.memory_space<vmem>>
      %dma_wait3A_2370 = arith.constant 0 : i32
      %dma_wait3A_2371 = tpu.memref_slice %arg5[%dma_wait3A_2370, %multiple_of3A_1461] : memref<32x1000000xf32, #tpu.memory_space<hbm>> -> memref<32x128xf32, #tpu.memory_space<hbm>>
      %dma_wait3A_2372 = arith.constant 0 : i32
      %dma_wait3A_2373 = arith.constant 0 : i32
      %dma_wait3A_2374 = tpu.memref_slice %arg10[%dma_wait3A_2364, %dma_wait3A_2365, %dma_wait3A_2372, %dma_wait3A_2373] : memref<2x4x32x128xf32, #tpu.memory_space<vmem>> -> memref<1x1x32x128xf32, #tpu.memory_space<vmem>>
      %dma_wait3A_2375 = tpu.memref_squeeze %dma_wait3A_2374 : memref<1x1x32x128xf32, #tpu.memory_space<vmem>> -> memref<32x128xf32, #tpu.memory_space<vmem>>
      %dma_wait3A_2376 = arith.constant 0 : i32
      %dma_wait3A_2377 = tpu.memref_slice %arg5[%dma_wait3A_2376, %multiple_of3A_1461] : memref<32x1000000xf32, #tpu.memory_space<hbm>> -> memref<32x128xf32, #tpu.memory_space<hbm>>
      tpu.wait_dma2 semaphore(%arg14 : memref<!tpu.dma_semaphore, #tpu.memory_space<semaphore_mem>>) src(%dma_wait3A_2377 : memref<32x128xf32, #tpu.memory_space<hbm>>) dst(%dma_wait3A_2375 : memref<32x128xf32, #tpu.memory_space<vmem>>)
      %slice3A_2378 = vector.extract_strided_slice %get3A_37 {offsets = [8], sizes = [1], strides = [1]} : vector<16xi32> to vector<1xi32>
      %squeeze3A_2379 = vector.extract %slice3A_2378[0] : i32 from vector<1xi32>
      %jit3A_2380 = arith.constant 128 : i32
      %eq3A_2381 = arith.constant 0 : i32
      %eq3A_2382 = arith.cmpi eq, %jit3A_2380, %eq3A_2381 : i32
      %jit3A_2383 = arith.constant 1 : i32
      %select_n3A_2384 = arith.select %eq3A_2382, %jit3A_2383, %jit3A_2380 : i32
      %rem3A_2385 = arith.remsi %squeeze3A_2379, %select_n3A_2384 : i32
      %ne3A_2386 = arith.constant 0 : i32
      %ne3A_2387 = arith.cmpi ne, %rem3A_2385, %ne3A_2386 : i32
      %lt3A_2388 = arith.constant 0 : i32
      %lt3A_2389 = arith.cmpi slt, %rem3A_2385, %lt3A_2388 : i32
      %lt3A_2390 = arith.constant 0 : i32
      %lt3A_2391 = arith.cmpi slt, %select_n3A_2384, %lt3A_2390 : i32
      %ne3A_2392 = arith.xori %lt3A_2389, %lt3A_2391 : i1
      %and3A_2393 = arith.andi %ne3A_2392, %ne3A_2387 : i1
      %add3A_2394 = arith.addi %rem3A_2385, %select_n3A_2384 : i32
      %select_n3A_2395 = arith.select %and3A_2393, %add3A_2394, %rem3A_2385 : i32
      %add3A_2396 = vector.broadcast %select_n3A_2395 : i32 to vector<16xi32>
      %add3A_2397 = arith.addi %broadcast_in_dim3A_23, %add3A_2396 : vector<16xi32>
      %slice3A_2398 = vector.extract_strided_slice %get3A_39 {offsets = [8], sizes = [1], strides = [1]} : vector<16xi32> to vector<1xi32>
      %squeeze3A_2399 = vector.extract %slice3A_2398[0] : i32 from vector<1xi32>
      %jit3A_2400 = arith.constant 128 : i32
      %eq3A_2401 = arith.constant 0 : i32
      %eq3A_2402 = arith.cmpi eq, %jit3A_2400, %eq3A_2401 : i32
      %jit3A_2403 = arith.constant 1 : i32
      %select_n3A_2404 = arith.select %eq3A_2402, %jit3A_2403, %jit3A_2400 : i32
      %rem3A_2405 = arith.remsi %squeeze3A_2399, %select_n3A_2404 : i32
      %ne3A_2406 = arith.constant 0 : i32
      %ne3A_2407 = arith.cmpi ne, %rem3A_2405, %ne3A_2406 : i32
      %lt3A_2408 = arith.constant 0 : i32
      %lt3A_2409 = arith.cmpi slt, %rem3A_2405, %lt3A_2408 : i32
      %lt3A_2410 = arith.constant 0 : i32
      %lt3A_2411 = arith.cmpi slt, %select_n3A_2404, %lt3A_2410 : i32
      %ne3A_2412 = arith.xori %lt3A_2409, %lt3A_2411 : i1
      %and3A_2413 = arith.andi %ne3A_2412, %ne3A_2407 : i1
      %add3A_2414 = arith.addi %rem3A_2405, %select_n3A_2404 : i32
      %select_n3A_2415 = arith.select %and3A_2413, %add3A_2414, %rem3A_2405 : i32
      %add3A_2416 = vector.broadcast %select_n3A_2415 : i32 to vector<16xi32>
      %add3A_2417 = arith.addi %broadcast_in_dim3A_23, %add3A_2416 : vector<16xi32>
      %gather3A_2418 = arith.constant 0 : i32
      %gather3A_2419 = arith.constant 0 : i32
      %gather3A_2420 = arith.constant 0 : i32
      %gather3A_2421 = arith.constant 0 : i32
      %gather3A_2422 = tpu.memref_slice %arg9[%gather3A_2418, %gather3A_2419, %gather3A_2420, %gather3A_2421] : memref<2x4x32x128xf32, #tpu.memory_space<vmem>> -> memref<1x1x32x128xf32, #tpu.memory_space<vmem>>
      %gather3A_2423 = tpu.memref_squeeze %gather3A_2422 : memref<1x1x32x128xf32, #tpu.memory_space<vmem>> -> memref<32x128xf32, #tpu.memory_space<vmem>>
      %gather3A_2424 = tpu.vector_load_idx %gather3A_2423[%iota3A, %add3A_2397] : memref<32x128xf32, #tpu.memory_space<vmem>>[vector<16xi32>, vector<16xi32>], vector<16xf32>,
      %add3A_2425 = arith.constant 16 : i32
      %add3A_2426 = vector.broadcast %add3A_2425 : i32 to vector<16xi32>
      %add3A_2427 = arith.addi %iota3A, %add3A_2426 : vector<16xi32>
      %gather3A_2428 = arith.constant 0 : i32
      %gather3A_2429 = arith.constant 0 : i32
      %gather3A_2430 = arith.constant 0 : i32
      %gather3A_2431 = arith.constant 0 : i32
      %gather3A_2432 = tpu.memref_slice %arg9[%gather3A_2428, %gather3A_2429, %gather3A_2430, %gather3A_2431] : memref<2x4x32x128xf32, #tpu.memory_space<vmem>> -> memref<1x1x32x128xf32, #tpu.memory_space<vmem>>
      %gather3A_2433 = tpu.memref_squeeze %gather3A_2432 : memref<1x1x32x128xf32, #tpu.memory_space<vmem>> -> memref<32x128xf32, #tpu.memory_space<vmem>>
      %gather3A_2434 = tpu.vector_load_idx %gather3A_2433[%add3A_2427, %add3A_2397] : memref<32x128xf32, #tpu.memory_space<vmem>>[vector<16xi32>, vector<16xi32>], vector<16xf32>,
      %gather3A_2435 = arith.constant 0 : i32
      %gather3A_2436 = arith.constant 0 : i32
      %gather3A_2437 = arith.constant 0 : i32
      %gather3A_2438 = arith.constant 0 : i32
      %gather3A_2439 = tpu.memref_slice %arg10[%gather3A_2435, %gather3A_2436, %gather3A_2437, %gather3A_2438] : memref<2x4x32x128xf32, #tpu.memory_space<vmem>> -> memref<1x1x32x128xf32, #tpu.memory_space<vmem>>
      %gather3A_2440 = tpu.memref_squeeze %gather3A_2439 : memref<1x1x32x128xf32, #tpu.memory_space<vmem>> -> memref<32x128xf32, #tpu.memory_space<vmem>>
      %gather3A_2441 = tpu.vector_load_idx %gather3A_2440[%iota3A, %add3A_2417] : memref<32x128xf32, #tpu.memory_space<vmem>>[vector<16xi32>, vector<16xi32>], vector<16xf32>,
      %add3A_2442 = arith.constant 16 : i32
      %add3A_2443 = vector.broadcast %add3A_2442 : i32 to vector<16xi32>
      %add3A_2444 = arith.addi %iota3A, %add3A_2443 : vector<16xi32>
      %gather3A_2445 = arith.constant 0 : i32
      %gather3A_2446 = arith.constant 0 : i32
      %gather3A_2447 = arith.constant 0 : i32
      %gather3A_2448 = arith.constant 0 : i32
      %gather3A_2449 = tpu.memref_slice %arg10[%gather3A_2445, %gather3A_2446, %gather3A_2447, %gather3A_2448] : memref<2x4x32x128xf32, #tpu.memory_space<vmem>> -> memref<1x1x32x128xf32, #tpu.memory_space<vmem>>
      %gather3A_2450 = tpu.memref_squeeze %gather3A_2449 : memref<1x1x32x128xf32, #tpu.memory_space<vmem>> -> memref<32x128xf32, #tpu.memory_space<vmem>>
      %gather3A_2451 = tpu.vector_load_idx %gather3A_2450[%add3A_2444, %add3A_2417] : memref<32x128xf32, #tpu.memory_space<vmem>>[vector<16xi32>, vector<16xi32>], vector<16xf32>,
      %mul3A_2452 = arith.mulf %gather3A_2424, %gather3A_2441 : vector<16xf32>
      %mul3A_2453 = arith.mulf %gather3A_2434, %gather3A_2451 : vector<16xf32>
      %add3A_2454 = arith.addf %mul3A_2452, %mul3A_2453 : vector<16xf32>
      %add3A_2455 = arith.constant 8 : i32
      %add3A_2456 = vector.broadcast %add3A_2455 : i32 to vector<16xi32>
      %add3A_2457 = arith.addi %broadcast_in_dim3A_23, %add3A_2456 : vector<16xi32>
      tpu.vector_store_idx %arg11[%iota3A, %add3A_2457], %add3A_2454 : memref<16x16xf32, #tpu.memory_space<vmem>>[vector<16xi32>, vector<16xi32>], vector<16xf32>,
      %slice3A_2458 = vector.extract_strided_slice %get3A_37 {offsets = [9], sizes = [1], strides = [1]} : vector<16xi32> to vector<1xi32>
      %squeeze3A_2459 = vector.extract %slice3A_2458[0] : i32 from vector<1xi32>
      %jit3A_2460 = arith.constant 128 : i32
      %eq3A_2461 = arith.constant 0 : i32
      %eq3A_2462 = arith.cmpi eq, %jit3A_2460, %eq3A_2461 : i32
      %jit3A_2463 = arith.constant 1 : i32
      %select_n3A_2464 = arith.select %eq3A_2462, %jit3A_2463, %jit3A_2460 : i32
      %rem3A_2465 = arith.remsi %squeeze3A_2459, %select_n3A_2464 : i32
      %ne3A_2466 = arith.constant 0 : i32
      %ne3A_2467 = arith.cmpi ne, %rem3A_2465, %ne3A_2466 : i32
      %lt3A_2468 = arith.constant 0 : i32
      %lt3A_2469 = arith.cmpi slt, %rem3A_2465, %lt3A_2468 : i32
      %lt3A_2470 = arith.constant 0 : i32
      %lt3A_2471 = arith.cmpi slt, %select_n3A_2464, %lt3A_2470 : i32
      %ne3A_2472 = arith.xori %lt3A_2469, %lt3A_2471 : i1
      %and3A_2473 = arith.andi %ne3A_2472, %ne3A_2467 : i1
      %add3A_2474 = arith.addi %rem3A_2465, %select_n3A_2464 : i32
      %select_n3A_2475 = arith.select %and3A_2473, %add3A_2474, %rem3A_2465 : i32
      %add3A_2476 = vector.broadcast %select_n3A_2475 : i32 to vector<16xi32>
      %add3A_2477 = arith.addi %broadcast_in_dim3A_23, %add3A_2476 : vector<16xi32>
      %slice3A_2478 = vector.extract_strided_slice %get3A_39 {offsets = [9], sizes = [1], strides = [1]} : vector<16xi32> to vector<1xi32>
      %squeeze3A_2479 = vector.extract %slice3A_2478[0] : i32 from vector<1xi32>
      %jit3A_2480 = arith.constant 128 : i32
      %eq3A_2481 = arith.constant 0 : i32
      %eq3A_2482 = arith.cmpi eq, %jit3A_2480, %eq3A_2481 : i32
      %jit3A_2483 = arith.constant 1 : i32
      %select_n3A_2484 = arith.select %eq3A_2482, %jit3A_2483, %jit3A_2480 : i32
      %rem3A_2485 = arith.remsi %squeeze3A_2479, %select_n3A_2484 : i32
      %ne3A_2486 = arith.constant 0 : i32
      %ne3A_2487 = arith.cmpi ne, %rem3A_2485, %ne3A_2486 : i32
      %lt3A_2488 = arith.constant 0 : i32
      %lt3A_2489 = arith.cmpi slt, %rem3A_2485, %lt3A_2488 : i32
      %lt3A_2490 = arith.constant 0 : i32
      %lt3A_2491 = arith.cmpi slt, %select_n3A_2484, %lt3A_2490 : i32
      %ne3A_2492 = arith.xori %lt3A_2489, %lt3A_2491 : i1
      %and3A_2493 = arith.andi %ne3A_2492, %ne3A_2487 : i1
      %add3A_2494 = arith.addi %rem3A_2485, %select_n3A_2484 : i32
      %select_n3A_2495 = arith.select %and3A_2493, %add3A_2494, %rem3A_2485 : i32
      %add3A_2496 = vector.broadcast %select_n3A_2495 : i32 to vector<16xi32>
      %add3A_2497 = arith.addi %broadcast_in_dim3A_23, %add3A_2496 : vector<16xi32>
      %gather3A_2498 = arith.constant 0 : i32
      %gather3A_2499 = arith.constant 1 : i32
      %gather3A_2500 = arith.constant 0 : i32
      %gather3A_2501 = arith.constant 0 : i32
      %gather3A_2502 = tpu.memref_slice %arg9[%gather3A_2498, %gather3A_2499, %gather3A_2500, %gather3A_2501] : memref<2x4x32x128xf32, #tpu.memory_space<vmem>> -> memref<1x1x32x128xf32, #tpu.memory_space<vmem>>
      %gather3A_2503 = tpu.memref_squeeze %gather3A_2502 : memref<1x1x32x128xf32, #tpu.memory_space<vmem>> -> memref<32x128xf32, #tpu.memory_space<vmem>>
      %gather3A_2504 = tpu.vector_load_idx %gather3A_2503[%iota3A, %add3A_2477] : memref<32x128xf32, #tpu.memory_space<vmem>>[vector<16xi32>, vector<16xi32>], vector<16xf32>,
      %add3A_2505 = arith.constant 16 : i32
      %add3A_2506 = vector.broadcast %add3A_2505 : i32 to vector<16xi32>
      %add3A_2507 = arith.addi %iota3A, %add3A_2506 : vector<16xi32>
      %gather3A_2508 = arith.constant 0 : i32
      %gather3A_2509 = arith.constant 1 : i32
      %gather3A_2510 = arith.constant 0 : i32
      %gather3A_2511 = arith.constant 0 : i32
      %gather3A_2512 = tpu.memref_slice %arg9[%gather3A_2508, %gather3A_2509, %gather3A_2510, %gather3A_2511] : memref<2x4x32x128xf32, #tpu.memory_space<vmem>> -> memref<1x1x32x128xf32, #tpu.memory_space<vmem>>
      %gather3A_2513 = tpu.memref_squeeze %gather3A_2512 : memref<1x1x32x128xf32, #tpu.memory_space<vmem>> -> memref<32x128xf32, #tpu.memory_space<vmem>>
      %gather3A_2514 = tpu.vector_load_idx %gather3A_2513[%add3A_2507, %add3A_2477] : memref<32x128xf32, #tpu.memory_space<vmem>>[vector<16xi32>, vector<16xi32>], vector<16xf32>,
      %gather3A_2515 = arith.constant 0 : i32
      %gather3A_2516 = arith.constant 1 : i32
      %gather3A_2517 = arith.constant 0 : i32
      %gather3A_2518 = arith.constant 0 : i32
      %gather3A_2519 = tpu.memref_slice %arg10[%gather3A_2515, %gather3A_2516, %gather3A_2517, %gather3A_2518] : memref<2x4x32x128xf32, #tpu.memory_space<vmem>> -> memref<1x1x32x128xf32, #tpu.memory_space<vmem>>
      %gather3A_2520 = tpu.memref_squeeze %gather3A_2519 : memref<1x1x32x128xf32, #tpu.memory_space<vmem>> -> memref<32x128xf32, #tpu.memory_space<vmem>>
      %gather3A_2521 = tpu.vector_load_idx %gather3A_2520[%iota3A, %add3A_2497] : memref<32x128xf32, #tpu.memory_space<vmem>>[vector<16xi32>, vector<16xi32>], vector<16xf32>,
      %add3A_2522 = arith.constant 16 : i32
      %add3A_2523 = vector.broadcast %add3A_2522 : i32 to vector<16xi32>
      %add3A_2524 = arith.addi %iota3A, %add3A_2523 : vector<16xi32>
      %gather3A_2525 = arith.constant 0 : i32
      %gather3A_2526 = arith.constant 1 : i32
      %gather3A_2527 = arith.constant 0 : i32
      %gather3A_2528 = arith.constant 0 : i32
      %gather3A_2529 = tpu.memref_slice %arg10[%gather3A_2525, %gather3A_2526, %gather3A_2527, %gather3A_2528] : memref<2x4x32x128xf32, #tpu.memory_space<vmem>> -> memref<1x1x32x128xf32, #tpu.memory_space<vmem>>
      %gather3A_2530 = tpu.memref_squeeze %gather3A_2529 : memref<1x1x32x128xf32, #tpu.memory_space<vmem>> -> memref<32x128xf32, #tpu.memory_space<vmem>>
      %gather3A_2531 = tpu.vector_load_idx %gather3A_2530[%add3A_2524, %add3A_2497] : memref<32x128xf32, #tpu.memory_space<vmem>>[vector<16xi32>, vector<16xi32>], vector<16xf32>,
      %mul3A_2532 = arith.mulf %gather3A_2504, %gather3A_2521 : vector<16xf32>
      %mul3A_2533 = arith.mulf %gather3A_2514, %gather3A_2531 : vector<16xf32>
      %add3A_2534 = arith.addf %mul3A_2532, %mul3A_2533 : vector<16xf32>
      %add3A_2535 = arith.constant 9 : i32
      %add3A_2536 = vector.broadcast %add3A_2535 : i32 to vector<16xi32>
      %add3A_2537 = arith.addi %broadcast_in_dim3A_23, %add3A_2536 : vector<16xi32>
      tpu.vector_store_idx %arg11[%iota3A, %add3A_2537], %add3A_2534 : memref<16x16xf32, #tpu.memory_space<vmem>>[vector<16xi32>, vector<16xi32>], vector<16xf32>,
      %slice3A_2538 = vector.extract_strided_slice %get3A_37 {offsets = [10], sizes = [1], strides = [1]} : vector<16xi32> to vector<1xi32>
      %squeeze3A_2539 = vector.extract %slice3A_2538[0] : i32 from vector<1xi32>
      %jit3A_2540 = arith.constant 128 : i32
      %eq3A_2541 = arith.constant 0 : i32
      %eq3A_2542 = arith.cmpi eq, %jit3A_2540, %eq3A_2541 : i32
      %jit3A_2543 = arith.constant 1 : i32
      %select_n3A_2544 = arith.select %eq3A_2542, %jit3A_2543, %jit3A_2540 : i32
      %rem3A_2545 = arith.remsi %squeeze3A_2539, %select_n3A_2544 : i32
      %ne3A_2546 = arith.constant 0 : i32
      %ne3A_2547 = arith.cmpi ne, %rem3A_2545, %ne3A_2546 : i32
      %lt3A_2548 = arith.constant 0 : i32
      %lt3A_2549 = arith.cmpi slt, %rem3A_2545, %lt3A_2548 : i32
      %lt3A_2550 = arith.constant 0 : i32
      %lt3A_2551 = arith.cmpi slt, %select_n3A_2544, %lt3A_2550 : i32
      %ne3A_2552 = arith.xori %lt3A_2549, %lt3A_2551 : i1
      %and3A_2553 = arith.andi %ne3A_2552, %ne3A_2547 : i1
      %add3A_2554 = arith.addi %rem3A_2545, %select_n3A_2544 : i32
      %select_n3A_2555 = arith.select %and3A_2553, %add3A_2554, %rem3A_2545 : i32
      %add3A_2556 = vector.broadcast %select_n3A_2555 : i32 to vector<16xi32>
      %add3A_2557 = arith.addi %broadcast_in_dim3A_23, %add3A_2556 : vector<16xi32>
      %slice3A_2558 = vector.extract_strided_slice %get3A_39 {offsets = [10], sizes = [1], strides = [1]} : vector<16xi32> to vector<1xi32>
      %squeeze3A_2559 = vector.extract %slice3A_2558[0] : i32 from vector<1xi32>
      %jit3A_2560 = arith.constant 128 : i32
      %eq3A_2561 = arith.constant 0 : i32
      %eq3A_2562 = arith.cmpi eq, %jit3A_2560, %eq3A_2561 : i32
      %jit3A_2563 = arith.constant 1 : i32
      %select_n3A_2564 = arith.select %eq3A_2562, %jit3A_2563, %jit3A_2560 : i32
      %rem3A_2565 = arith.remsi %squeeze3A_2559, %select_n3A_2564 : i32
      %ne3A_2566 = arith.constant 0 : i32
      %ne3A_2567 = arith.cmpi ne, %rem3A_2565, %ne3A_2566 : i32
      %lt3A_2568 = arith.constant 0 : i32
      %lt3A_2569 = arith.cmpi slt, %rem3A_2565, %lt3A_2568 : i32
      %lt3A_2570 = arith.constant 0 : i32
      %lt3A_2571 = arith.cmpi slt, %select_n3A_2564, %lt3A_2570 : i32
      %ne3A_2572 = arith.xori %lt3A_2569, %lt3A_2571 : i1
      %and3A_2573 = arith.andi %ne3A_2572, %ne3A_2567 : i1
      %add3A_2574 = arith.addi %rem3A_2565, %select_n3A_2564 : i32
      %select_n3A_2575 = arith.select %and3A_2573, %add3A_2574, %rem3A_2565 : i32
      %add3A_2576 = vector.broadcast %select_n3A_2575 : i32 to vector<16xi32>
      %add3A_2577 = arith.addi %broadcast_in_dim3A_23, %add3A_2576 : vector<16xi32>
      %gather3A_2578 = arith.constant 0 : i32
      %gather3A_2579 = arith.constant 2 : i32
      %gather3A_2580 = arith.constant 0 : i32
      %gather3A_2581 = arith.constant 0 : i32
      %gather3A_2582 = tpu.memref_slice %arg9[%gather3A_2578, %gather3A_2579, %gather3A_2580, %gather3A_2581] : memref<2x4x32x128xf32, #tpu.memory_space<vmem>> -> memref<1x1x32x128xf32, #tpu.memory_space<vmem>>
      %gather3A_2583 = tpu.memref_squeeze %gather3A_2582 : memref<1x1x32x128xf32, #tpu.memory_space<vmem>> -> memref<32x128xf32, #tpu.memory_space<vmem>>
      %gather3A_2584 = tpu.vector_load_idx %gather3A_2583[%iota3A, %add3A_2557] : memref<32x128xf32, #tpu.memory_space<vmem>>[vector<16xi32>, vector<16xi32>], vector<16xf32>,
      %add3A_2585 = arith.constant 16 : i32
      %add3A_2586 = vector.broadcast %add3A_2585 : i32 to vector<16xi32>
      %add3A_2587 = arith.addi %iota3A, %add3A_2586 : vector<16xi32>
      %gather3A_2588 = arith.constant 0 : i32
      %gather3A_2589 = arith.constant 2 : i32
      %gather3A_2590 = arith.constant 0 : i32
      %gather3A_2591 = arith.constant 0 : i32
      %gather3A_2592 = tpu.memref_slice %arg9[%gather3A_2588, %gather3A_2589, %gather3A_2590, %gather3A_2591] : memref<2x4x32x128xf32, #tpu.memory_space<vmem>> -> memref<1x1x32x128xf32, #tpu.memory_space<vmem>>
      %gather3A_2593 = tpu.memref_squeeze %gather3A_2592 : memref<1x1x32x128xf32, #tpu.memory_space<vmem>> -> memref<32x128xf32, #tpu.memory_space<vmem>>
      %gather3A_2594 = tpu.vector_load_idx %gather3A_2593[%add3A_2587, %add3A_2557] : memref<32x128xf32, #tpu.memory_space<vmem>>[vector<16xi32>, vector<16xi32>], vector<16xf32>,
      %gather3A_2595 = arith.constant 0 : i32
      %gather3A_2596 = arith.constant 2 : i32
      %gather3A_2597 = arith.constant 0 : i32
      %gather3A_2598 = arith.constant 0 : i32
      %gather3A_2599 = tpu.memref_slice %arg10[%gather3A_2595, %gather3A_2596, %gather3A_2597, %gather3A_2598] : memref<2x4x32x128xf32, #tpu.memory_space<vmem>> -> memref<1x1x32x128xf32, #tpu.memory_space<vmem>>
      %gather3A_2600 = tpu.memref_squeeze %gather3A_2599 : memref<1x1x32x128xf32, #tpu.memory_space<vmem>> -> memref<32x128xf32, #tpu.memory_space<vmem>>
      %gather3A_2601 = tpu.vector_load_idx %gather3A_2600[%iota3A, %add3A_2577] : memref<32x128xf32, #tpu.memory_space<vmem>>[vector<16xi32>, vector<16xi32>], vector<16xf32>,
      %add3A_2602 = arith.constant 16 : i32
      %add3A_2603 = vector.broadcast %add3A_2602 : i32 to vector<16xi32>
      %add3A_2604 = arith.addi %iota3A, %add3A_2603 : vector<16xi32>
      %gather3A_2605 = arith.constant 0 : i32
      %gather3A_2606 = arith.constant 2 : i32
      %gather3A_2607 = arith.constant 0 : i32
      %gather3A_2608 = arith.constant 0 : i32
      %gather3A_2609 = tpu.memref_slice %arg10[%gather3A_2605, %gather3A_2606, %gather3A_2607, %gather3A_2608] : memref<2x4x32x128xf32, #tpu.memory_space<vmem>> -> memref<1x1x32x128xf32, #tpu.memory_space<vmem>>
      %gather3A_2610 = tpu.memref_squeeze %gather3A_2609 : memref<1x1x32x128xf32, #tpu.memory_space<vmem>> -> memref<32x128xf32, #tpu.memory_space<vmem>>
      %gather3A_2611 = tpu.vector_load_idx %gather3A_2610[%add3A_2604, %add3A_2577] : memref<32x128xf32, #tpu.memory_space<vmem>>[vector<16xi32>, vector<16xi32>], vector<16xf32>,
      %mul3A_2612 = arith.mulf %gather3A_2584, %gather3A_2601 : vector<16xf32>
      %mul3A_2613 = arith.mulf %gather3A_2594, %gather3A_2611 : vector<16xf32>
      %add3A_2614 = arith.addf %mul3A_2612, %mul3A_2613 : vector<16xf32>
      %add3A_2615 = arith.constant 10 : i32
      %add3A_2616 = vector.broadcast %add3A_2615 : i32 to vector<16xi32>
      %add3A_2617 = arith.addi %broadcast_in_dim3A_23, %add3A_2616 : vector<16xi32>
      tpu.vector_store_idx %arg11[%iota3A, %add3A_2617], %add3A_2614 : memref<16x16xf32, #tpu.memory_space<vmem>>[vector<16xi32>, vector<16xi32>], vector<16xf32>,
      %slice3A_2618 = vector.extract_strided_slice %get3A_37 {offsets = [11], sizes = [1], strides = [1]} : vector<16xi32> to vector<1xi32>
      %squeeze3A_2619 = vector.extract %slice3A_2618[0] : i32 from vector<1xi32>
      %jit3A_2620 = arith.constant 128 : i32
      %eq3A_2621 = arith.constant 0 : i32
      %eq3A_2622 = arith.cmpi eq, %jit3A_2620, %eq3A_2621 : i32
      %jit3A_2623 = arith.constant 1 : i32
      %select_n3A_2624 = arith.select %eq3A_2622, %jit3A_2623, %jit3A_2620 : i32
      %rem3A_2625 = arith.remsi %squeeze3A_2619, %select_n3A_2624 : i32
      %ne3A_2626 = arith.constant 0 : i32
      %ne3A_2627 = arith.cmpi ne, %rem3A_2625, %ne3A_2626 : i32
      %lt3A_2628 = arith.constant 0 : i32
      %lt3A_2629 = arith.cmpi slt, %rem3A_2625, %lt3A_2628 : i32
      %lt3A_2630 = arith.constant 0 : i32
      %lt3A_2631 = arith.cmpi slt, %select_n3A_2624, %lt3A_2630 : i32
      %ne3A_2632 = arith.xori %lt3A_2629, %lt3A_2631 : i1
      %and3A_2633 = arith.andi %ne3A_2632, %ne3A_2627 : i1
      %add3A_2634 = arith.addi %rem3A_2625, %select_n3A_2624 : i32
      %select_n3A_2635 = arith.select %and3A_2633, %add3A_2634, %rem3A_2625 : i32
      %add3A_2636 = vector.broadcast %select_n3A_2635 : i32 to vector<16xi32>
      %add3A_2637 = arith.addi %broadcast_in_dim3A_23, %add3A_2636 : vector<16xi32>
      %slice3A_2638 = vector.extract_strided_slice %get3A_39 {offsets = [11], sizes = [1], strides = [1]} : vector<16xi32> to vector<1xi32>
      %squeeze3A_2639 = vector.extract %slice3A_2638[0] : i32 from vector<1xi32>
      %jit3A_2640 = arith.constant 128 : i32
      %eq3A_2641 = arith.constant 0 : i32
      %eq3A_2642 = arith.cmpi eq, %jit3A_2640, %eq3A_2641 : i32
      %jit3A_2643 = arith.constant 1 : i32
      %select_n3A_2644 = arith.select %eq3A_2642, %jit3A_2643, %jit3A_2640 : i32
      %rem3A_2645 = arith.remsi %squeeze3A_2639, %select_n3A_2644 : i32
      %ne3A_2646 = arith.constant 0 : i32
      %ne3A_2647 = arith.cmpi ne, %rem3A_2645, %ne3A_2646 : i32
      %lt3A_2648 = arith.constant 0 : i32
      %lt3A_2649 = arith.cmpi slt, %rem3A_2645, %lt3A_2648 : i32
      %lt3A_2650 = arith.constant 0 : i32
      %lt3A_2651 = arith.cmpi slt, %select_n3A_2644, %lt3A_2650 : i32
      %ne3A_2652 = arith.xori %lt3A_2649, %lt3A_2651 : i1
      %and3A_2653 = arith.andi %ne3A_2652, %ne3A_2647 : i1
      %add3A_2654 = arith.addi %rem3A_2645, %select_n3A_2644 : i32
      %select_n3A_2655 = arith.select %and3A_2653, %add3A_2654, %rem3A_2645 : i32
      %add3A_2656 = vector.broadcast %select_n3A_2655 : i32 to vector<16xi32>
      %add3A_2657 = arith.addi %broadcast_in_dim3A_23, %add3A_2656 : vector<16xi32>
      %gather3A_2658 = arith.constant 0 : i32
      %gather3A_2659 = arith.constant 3 : i32
      %gather3A_2660 = arith.constant 0 : i32
      %gather3A_2661 = arith.constant 0 : i32
      %gather3A_2662 = tpu.memref_slice %arg9[%gather3A_2658, %gather3A_2659, %gather3A_2660, %gather3A_2661] : memref<2x4x32x128xf32, #tpu.memory_space<vmem>> -> memref<1x1x32x128xf32, #tpu.memory_space<vmem>>
      %gather3A_2663 = tpu.memref_squeeze %gather3A_2662 : memref<1x1x32x128xf32, #tpu.memory_space<vmem>> -> memref<32x128xf32, #tpu.memory_space<vmem>>
      %gather3A_2664 = tpu.vector_load_idx %gather3A_2663[%iota3A, %add3A_2637] : memref<32x128xf32, #tpu.memory_space<vmem>>[vector<16xi32>, vector<16xi32>], vector<16xf32>,
      %add3A_2665 = arith.constant 16 : i32
      %add3A_2666 = vector.broadcast %add3A_2665 : i32 to vector<16xi32>
      %add3A_2667 = arith.addi %iota3A, %add3A_2666 : vector<16xi32>
      %gather3A_2668 = arith.constant 0 : i32
      %gather3A_2669 = arith.constant 3 : i32
      %gather3A_2670 = arith.constant 0 : i32
      %gather3A_2671 = arith.constant 0 : i32
      %gather3A_2672 = tpu.memref_slice %arg9[%gather3A_2668, %gather3A_2669, %gather3A_2670, %gather3A_2671] : memref<2x4x32x128xf32, #tpu.memory_space<vmem>> -> memref<1x1x32x128xf32, #tpu.memory_space<vmem>>
      %gather3A_2673 = tpu.memref_squeeze %gather3A_2672 : memref<1x1x32x128xf32, #tpu.memory_space<vmem>> -> memref<32x128xf32, #tpu.memory_space<vmem>>
      %gather3A_2674 = tpu.vector_load_idx %gather3A_2673[%add3A_2667, %add3A_2637] : memref<32x128xf32, #tpu.memory_space<vmem>>[vector<16xi32>, vector<16xi32>], vector<16xf32>,
      %gather3A_2675 = arith.constant 0 : i32
      %gather3A_2676 = arith.constant 3 : i32
      %gather3A_2677 = arith.constant 0 : i32
      %gather3A_2678 = arith.constant 0 : i32
      %gather3A_2679 = tpu.memref_slice %arg10[%gather3A_2675, %gather3A_2676, %gather3A_2677, %gather3A_2678] : memref<2x4x32x128xf32, #tpu.memory_space<vmem>> -> memref<1x1x32x128xf32, #tpu.memory_space<vmem>>
      %gather3A_2680 = tpu.memref_squeeze %gather3A_2679 : memref<1x1x32x128xf32, #tpu.memory_space<vmem>> -> memref<32x128xf32, #tpu.memory_space<vmem>>
      %gather3A_2681 = tpu.vector_load_idx %gather3A_2680[%iota3A, %add3A_2657] : memref<32x128xf32, #tpu.memory_space<vmem>>[vector<16xi32>, vector<16xi32>], vector<16xf32>,
      %add3A_2682 = arith.constant 16 : i32
      %add3A_2683 = vector.broadcast %add3A_2682 : i32 to vector<16xi32>
      %add3A_2684 = arith.addi %iota3A, %add3A_2683 : vector<16xi32>
      %gather3A_2685 = arith.constant 0 : i32
      %gather3A_2686 = arith.constant 3 : i32
      %gather3A_2687 = arith.constant 0 : i32
      %gather3A_2688 = arith.constant 0 : i32
      %gather3A_2689 = tpu.memref_slice %arg10[%gather3A_2685, %gather3A_2686, %gather3A_2687, %gather3A_2688] : memref<2x4x32x128xf32, #tpu.memory_space<vmem>> -> memref<1x1x32x128xf32, #tpu.memory_space<vmem>>
      %gather3A_2690 = tpu.memref_squeeze %gather3A_2689 : memref<1x1x32x128xf32, #tpu.memory_space<vmem>> -> memref<32x128xf32, #tpu.memory_space<vmem>>
      %gather3A_2691 = tpu.vector_load_idx %gather3A_2690[%add3A_2684, %add3A_2657] : memref<32x128xf32, #tpu.memory_space<vmem>>[vector<16xi32>, vector<16xi32>], vector<16xf32>,
      %mul3A_2692 = arith.mulf %gather3A_2664, %gather3A_2681 : vector<16xf32>
      %mul3A_2693 = arith.mulf %gather3A_2674, %gather3A_2691 : vector<16xf32>
      %add3A_2694 = arith.addf %mul3A_2692, %mul3A_2693 : vector<16xf32>
      %add3A_2695 = arith.constant 11 : i32
      %add3A_2696 = vector.broadcast %add3A_2695 : i32 to vector<16xi32>
      %add3A_2697 = arith.addi %broadcast_in_dim3A_23, %add3A_2696 : vector<16xi32>
      tpu.vector_store_idx %arg11[%iota3A, %add3A_2697], %add3A_2694 : memref<16x16xf32, #tpu.memory_space<vmem>>[vector<16xi32>, vector<16xi32>], vector<16xf32>,
      %dma_wait3A_2698 = arith.constant 1 : i32
      %dma_wait3A_2699 = arith.constant 0 : i32
      %dma_wait3A_2700 = arith.constant 0 : i32
      %dma_wait3A_2701 = arith.constant 0 : i32
      %dma_wait3A_2702 = tpu.memref_slice %arg9[%dma_wait3A_2698, %dma_wait3A_2699, %dma_wait3A_2700, %dma_wait3A_2701] : memref<2x4x32x128xf32, #tpu.memory_space<vmem>> -> memref<1x1x32x128xf32, #tpu.memory_space<vmem>>
      %dma_wait3A_2703 = tpu.memref_squeeze %dma_wait3A_2702 : memref<1x1x32x128xf32, #tpu.memory_space<vmem>> -> memref<32x128xf32, #tpu.memory_space<vmem>>
      %dma_wait3A_2704 = arith.constant 0 : i32
      %dma_wait3A_2705 = tpu.memref_slice %arg4[%dma_wait3A_2704, %multiple_of3A_1950] : memref<32x1000000xf32, #tpu.memory_space<hbm>> -> memref<32x128xf32, #tpu.memory_space<hbm>>
      %dma_wait3A_2706 = arith.constant 0 : i32
      %dma_wait3A_2707 = arith.constant 0 : i32
      %dma_wait3A_2708 = tpu.memref_slice %arg9[%dma_wait3A_2698, %dma_wait3A_2699, %dma_wait3A_2706, %dma_wait3A_2707] : memref<2x4x32x128xf32, #tpu.memory_space<vmem>> -> memref<1x1x32x128xf32, #tpu.memory_space<vmem>>
      %dma_wait3A_2709 = tpu.memref_squeeze %dma_wait3A_2708 : memref<1x1x32x128xf32, #tpu.memory_space<vmem>> -> memref<32x128xf32, #tpu.memory_space<vmem>>
      %dma_wait3A_2710 = arith.constant 0 : i32
      %dma_wait3A_2711 = tpu.memref_slice %arg4[%dma_wait3A_2710, %multiple_of3A_1950] : memref<32x1000000xf32, #tpu.memory_space<hbm>> -> memref<32x128xf32, #tpu.memory_space<hbm>>
      tpu.wait_dma2 semaphore(%arg14 : memref<!tpu.dma_semaphore, #tpu.memory_space<semaphore_mem>>) src(%dma_wait3A_2711 : memref<32x128xf32, #tpu.memory_space<hbm>>) dst(%dma_wait3A_2709 : memref<32x128xf32, #tpu.memory_space<vmem>>)
      %dma_wait3A_2712 = arith.constant 1 : i32
      %dma_wait3A_2713 = arith.constant 0 : i32
      %dma_wait3A_2714 = arith.constant 0 : i32
      %dma_wait3A_2715 = arith.constant 0 : i32
      %dma_wait3A_2716 = tpu.memref_slice %arg10[%dma_wait3A_2712, %dma_wait3A_2713, %dma_wait3A_2714, %dma_wait3A_2715] : memref<2x4x32x128xf32, #tpu.memory_space<vmem>> -> memref<1x1x32x128xf32, #tpu.memory_space<vmem>>
      %dma_wait3A_2717 = tpu.memref_squeeze %dma_wait3A_2716 : memref<1x1x32x128xf32, #tpu.memory_space<vmem>> -> memref<32x128xf32, #tpu.memory_space<vmem>>
      %dma_wait3A_2718 = arith.constant 0 : i32
      %dma_wait3A_2719 = tpu.memref_slice %arg5[%dma_wait3A_2718, %multiple_of3A_1979] : memref<32x1000000xf32, #tpu.memory_space<hbm>> -> memref<32x128xf32, #tpu.memory_space<hbm>>
      %dma_wait3A_2720 = arith.constant 0 : i32
      %dma_wait3A_2721 = arith.constant 0 : i32
      %dma_wait3A_2722 = tpu.memref_slice %arg10[%dma_wait3A_2712, %dma_wait3A_2713, %dma_wait3A_2720, %dma_wait3A_2721] : memref<2x4x32x128xf32, #tpu.memory_space<vmem>> -> memref<1x1x32x128xf32, #tpu.memory_space<vmem>>
      %dma_wait3A_2723 = tpu.memref_squeeze %dma_wait3A_2722 : memref<1x1x32x128xf32, #tpu.memory_space<vmem>> -> memref<32x128xf32, #tpu.memory_space<vmem>>
      %dma_wait3A_2724 = arith.constant 0 : i32
      %dma_wait3A_2725 = tpu.memref_slice %arg5[%dma_wait3A_2724, %multiple_of3A_1979] : memref<32x1000000xf32, #tpu.memory_space<hbm>> -> memref<32x128xf32, #tpu.memory_space<hbm>>
      tpu.wait_dma2 semaphore(%arg14 : memref<!tpu.dma_semaphore, #tpu.memory_space<semaphore_mem>>) src(%dma_wait3A_2725 : memref<32x128xf32, #tpu.memory_space<hbm>>) dst(%dma_wait3A_2723 : memref<32x128xf32, #tpu.memory_space<vmem>>)
      %dma_wait3A_2726 = arith.constant 1 : i32
      %dma_wait3A_2727 = arith.constant 1 : i32
      %dma_wait3A_2728 = arith.constant 0 : i32
      %dma_wait3A_2729 = arith.constant 0 : i32
      %dma_wait3A_2730 = tpu.memref_slice %arg9[%dma_wait3A_2726, %dma_wait3A_2727, %dma_wait3A_2728, %dma_wait3A_2729] : memref<2x4x32x128xf32, #tpu.memory_space<vmem>> -> memref<1x1x32x128xf32, #tpu.memory_space<vmem>>
      %dma_wait3A_2731 = tpu.memref_squeeze %dma_wait3A_2730 : memref<1x1x32x128xf32, #tpu.memory_space<vmem>> -> memref<32x128xf32, #tpu.memory_space<vmem>>
      %dma_wait3A_2732 = arith.constant 0 : i32
      %dma_wait3A_2733 = tpu.memref_slice %arg4[%dma_wait3A_2732, %multiple_of3A_2036] : memref<32x1000000xf32, #tpu.memory_space<hbm>> -> memref<32x128xf32, #tpu.memory_space<hbm>>
      %dma_wait3A_2734 = arith.constant 0 : i32
      %dma_wait3A_2735 = arith.constant 0 : i32
      %dma_wait3A_2736 = tpu.memref_slice %arg9[%dma_wait3A_2726, %dma_wait3A_2727, %dma_wait3A_2734, %dma_wait3A_2735] : memref<2x4x32x128xf32, #tpu.memory_space<vmem>> -> memref<1x1x32x128xf32, #tpu.memory_space<vmem>>
      %dma_wait3A_2737 = tpu.memref_squeeze %dma_wait3A_2736 : memref<1x1x32x128xf32, #tpu.memory_space<vmem>> -> memref<32x128xf32, #tpu.memory_space<vmem>>
      %dma_wait3A_2738 = arith.constant 0 : i32
      %dma_wait3A_2739 = tpu.memref_slice %arg4[%dma_wait3A_2738, %multiple_of3A_2036] : memref<32x1000000xf32, #tpu.memory_space<hbm>> -> memref<32x128xf32, #tpu.memory_space<hbm>>
      tpu.wait_dma2 semaphore(%arg14 : memref<!tpu.dma_semaphore, #tpu.memory_space<semaphore_mem>>) src(%dma_wait3A_2739 : memref<32x128xf32, #tpu.memory_space<hbm>>) dst(%dma_wait3A_2737 : memref<32x128xf32, #tpu.memory_space<vmem>>)
      %dma_wait3A_2740 = arith.constant 1 : i32
      %dma_wait3A_2741 = arith.constant 1 : i32
      %dma_wait3A_2742 = arith.constant 0 : i32
      %dma_wait3A_2743 = arith.constant 0 : i32
      %dma_wait3A_2744 = tpu.memref_slice %arg10[%dma_wait3A_2740, %dma_wait3A_2741, %dma_wait3A_2742, %dma_wait3A_2743] : memref<2x4x32x128xf32, #tpu.memory_space<vmem>> -> memref<1x1x32x128xf32, #tpu.memory_space<vmem>>
      %dma_wait3A_2745 = tpu.memref_squeeze %dma_wait3A_2744 : memref<1x1x32x128xf32, #tpu.memory_space<vmem>> -> memref<32x128xf32, #tpu.memory_space<vmem>>
      %dma_wait3A_2746 = arith.constant 0 : i32
      %dma_wait3A_2747 = tpu.memref_slice %arg5[%dma_wait3A_2746, %multiple_of3A_2065] : memref<32x1000000xf32, #tpu.memory_space<hbm>> -> memref<32x128xf32, #tpu.memory_space<hbm>>
      %dma_wait3A_2748 = arith.constant 0 : i32
      %dma_wait3A_2749 = arith.constant 0 : i32
      %dma_wait3A_2750 = tpu.memref_slice %arg10[%dma_wait3A_2740, %dma_wait3A_2741, %dma_wait3A_2748, %dma_wait3A_2749] : memref<2x4x32x128xf32, #tpu.memory_space<vmem>> -> memref<1x1x32x128xf32, #tpu.memory_space<vmem>>
      %dma_wait3A_2751 = tpu.memref_squeeze %dma_wait3A_2750 : memref<1x1x32x128xf32, #tpu.memory_space<vmem>> -> memref<32x128xf32, #tpu.memory_space<vmem>>
      %dma_wait3A_2752 = arith.constant 0 : i32
      %dma_wait3A_2753 = tpu.memref_slice %arg5[%dma_wait3A_2752, %multiple_of3A_2065] : memref<32x1000000xf32, #tpu.memory_space<hbm>> -> memref<32x128xf32, #tpu.memory_space<hbm>>
      tpu.wait_dma2 semaphore(%arg14 : memref<!tpu.dma_semaphore, #tpu.memory_space<semaphore_mem>>) src(%dma_wait3A_2753 : memref<32x128xf32, #tpu.memory_space<hbm>>) dst(%dma_wait3A_2751 : memref<32x128xf32, #tpu.memory_space<vmem>>)
      %dma_wait3A_2754 = arith.constant 1 : i32
      %dma_wait3A_2755 = arith.constant 2 : i32
      %dma_wait3A_2756 = arith.constant 0 : i32
      %dma_wait3A_2757 = arith.constant 0 : i32
      %dma_wait3A_2758 = tpu.memref_slice %arg9[%dma_wait3A_2754, %dma_wait3A_2755, %dma_wait3A_2756, %dma_wait3A_2757] : memref<2x4x32x128xf32, #tpu.memory_space<vmem>> -> memref<1x1x32x128xf32, #tpu.memory_space<vmem>>
      %dma_wait3A_2759 = tpu.memref_squeeze %dma_wait3A_2758 : memref<1x1x32x128xf32, #tpu.memory_space<vmem>> -> memref<32x128xf32, #tpu.memory_space<vmem>>
      %dma_wait3A_2760 = arith.constant 0 : i32
      %dma_wait3A_2761 = tpu.memref_slice %arg4[%dma_wait3A_2760, %multiple_of3A_2122] : memref<32x1000000xf32, #tpu.memory_space<hbm>> -> memref<32x128xf32, #tpu.memory_space<hbm>>
      %dma_wait3A_2762 = arith.constant 0 : i32
      %dma_wait3A_2763 = arith.constant 0 : i32
      %dma_wait3A_2764 = tpu.memref_slice %arg9[%dma_wait3A_2754, %dma_wait3A_2755, %dma_wait3A_2762, %dma_wait3A_2763] : memref<2x4x32x128xf32, #tpu.memory_space<vmem>> -> memref<1x1x32x128xf32, #tpu.memory_space<vmem>>
      %dma_wait3A_2765 = tpu.memref_squeeze %dma_wait3A_2764 : memref<1x1x32x128xf32, #tpu.memory_space<vmem>> -> memref<32x128xf32, #tpu.memory_space<vmem>>
      %dma_wait3A_2766 = arith.constant 0 : i32
      %dma_wait3A_2767 = tpu.memref_slice %arg4[%dma_wait3A_2766, %multiple_of3A_2122] : memref<32x1000000xf32, #tpu.memory_space<hbm>> -> memref<32x128xf32, #tpu.memory_space<hbm>>
      tpu.wait_dma2 semaphore(%arg14 : memref<!tpu.dma_semaphore, #tpu.memory_space<semaphore_mem>>) src(%dma_wait3A_2767 : memref<32x128xf32, #tpu.memory_space<hbm>>) dst(%dma_wait3A_2765 : memref<32x128xf32, #tpu.memory_space<vmem>>)
      %dma_wait3A_2768 = arith.constant 1 : i32
      %dma_wait3A_2769 = arith.constant 2 : i32
      %dma_wait3A_2770 = arith.constant 0 : i32
      %dma_wait3A_2771 = arith.constant 0 : i32
      %dma_wait3A_2772 = tpu.memref_slice %arg10[%dma_wait3A_2768, %dma_wait3A_2769, %dma_wait3A_2770, %dma_wait3A_2771] : memref<2x4x32x128xf32, #tpu.memory_space<vmem>> -> memref<1x1x32x128xf32, #tpu.memory_space<vmem>>
      %dma_wait3A_2773 = tpu.memref_squeeze %dma_wait3A_2772 : memref<1x1x32x128xf32, #tpu.memory_space<vmem>> -> memref<32x128xf32, #tpu.memory_space<vmem>>
      %dma_wait3A_2774 = arith.constant 0 : i32
      %dma_wait3A_2775 = tpu.memref_slice %arg5[%dma_wait3A_2774, %multiple_of3A_2151] : memref<32x1000000xf32, #tpu.memory_space<hbm>> -> memref<32x128xf32, #tpu.memory_space<hbm>>
      %dma_wait3A_2776 = arith.constant 0 : i32
      %dma_wait3A_2777 = arith.constant 0 : i32
      %dma_wait3A_2778 = tpu.memref_slice %arg10[%dma_wait3A_2768, %dma_wait3A_2769, %dma_wait3A_2776, %dma_wait3A_2777] : memref<2x4x32x128xf32, #tpu.memory_space<vmem>> -> memref<1x1x32x128xf32, #tpu.memory_space<vmem>>
      %dma_wait3A_2779 = tpu.memref_squeeze %dma_wait3A_2778 : memref<1x1x32x128xf32, #tpu.memory_space<vmem>> -> memref<32x128xf32, #tpu.memory_space<vmem>>
      %dma_wait3A_2780 = arith.constant 0 : i32
      %dma_wait3A_2781 = tpu.memref_slice %arg5[%dma_wait3A_2780, %multiple_of3A_2151] : memref<32x1000000xf32, #tpu.memory_space<hbm>> -> memref<32x128xf32, #tpu.memory_space<hbm>>
      tpu.wait_dma2 semaphore(%arg14 : memref<!tpu.dma_semaphore, #tpu.memory_space<semaphore_mem>>) src(%dma_wait3A_2781 : memref<32x128xf32, #tpu.memory_space<hbm>>) dst(%dma_wait3A_2779 : memref<32x128xf32, #tpu.memory_space<vmem>>)
      %dma_wait3A_2782 = arith.constant 1 : i32
      %dma_wait3A_2783 = arith.constant 3 : i32
      %dma_wait3A_2784 = arith.constant 0 : i32
      %dma_wait3A_2785 = arith.constant 0 : i32
      %dma_wait3A_2786 = tpu.memref_slice %arg9[%dma_wait3A_2782, %dma_wait3A_2783, %dma_wait3A_2784, %dma_wait3A_2785] : memref<2x4x32x128xf32, #tpu.memory_space<vmem>> -> memref<1x1x32x128xf32, #tpu.memory_space<vmem>>
      %dma_wait3A_2787 = tpu.memref_squeeze %dma_wait3A_2786 : memref<1x1x32x128xf32, #tpu.memory_space<vmem>> -> memref<32x128xf32, #tpu.memory_space<vmem>>
      %dma_wait3A_2788 = arith.constant 0 : i32
      %dma_wait3A_2789 = tpu.memref_slice %arg4[%dma_wait3A_2788, %multiple_of3A_2208] : memref<32x1000000xf32, #tpu.memory_space<hbm>> -> memref<32x128xf32, #tpu.memory_space<hbm>>
      %dma_wait3A_2790 = arith.constant 0 : i32
      %dma_wait3A_2791 = arith.constant 0 : i32
      %dma_wait3A_2792 = tpu.memref_slice %arg9[%dma_wait3A_2782, %dma_wait3A_2783, %dma_wait3A_2790, %dma_wait3A_2791] : memref<2x4x32x128xf32, #tpu.memory_space<vmem>> -> memref<1x1x32x128xf32, #tpu.memory_space<vmem>>
      %dma_wait3A_2793 = tpu.memref_squeeze %dma_wait3A_2792 : memref<1x1x32x128xf32, #tpu.memory_space<vmem>> -> memref<32x128xf32, #tpu.memory_space<vmem>>
      %dma_wait3A_2794 = arith.constant 0 : i32
      %dma_wait3A_2795 = tpu.memref_slice %arg4[%dma_wait3A_2794, %multiple_of3A_2208] : memref<32x1000000xf32, #tpu.memory_space<hbm>> -> memref<32x128xf32, #tpu.memory_space<hbm>>
      tpu.wait_dma2 semaphore(%arg14 : memref<!tpu.dma_semaphore, #tpu.memory_space<semaphore_mem>>) src(%dma_wait3A_2795 : memref<32x128xf32, #tpu.memory_space<hbm>>) dst(%dma_wait3A_2793 : memref<32x128xf32, #tpu.memory_space<vmem>>)
      %dma_wait3A_2796 = arith.constant 1 : i32
      %dma_wait3A_2797 = arith.constant 3 : i32
      %dma_wait3A_2798 = arith.constant 0 : i32
      %dma_wait3A_2799 = arith.constant 0 : i32
      %dma_wait3A_2800 = tpu.memref_slice %arg10[%dma_wait3A_2796, %dma_wait3A_2797, %dma_wait3A_2798, %dma_wait3A_2799] : memref<2x4x32x128xf32, #tpu.memory_space<vmem>> -> memref<1x1x32x128xf32, #tpu.memory_space<vmem>>
      %dma_wait3A_2801 = tpu.memref_squeeze %dma_wait3A_2800 : memref<1x1x32x128xf32, #tpu.memory_space<vmem>> -> memref<32x128xf32, #tpu.memory_space<vmem>>
      %dma_wait3A_2802 = arith.constant 0 : i32
      %dma_wait3A_2803 = tpu.memref_slice %arg5[%dma_wait3A_2802, %multiple_of3A_2237] : memref<32x1000000xf32, #tpu.memory_space<hbm>> -> memref<32x128xf32, #tpu.memory_space<hbm>>
      %dma_wait3A_2804 = arith.constant 0 : i32
      %dma_wait3A_2805 = arith.constant 0 : i32
      %dma_wait3A_2806 = tpu.memref_slice %arg10[%dma_wait3A_2796, %dma_wait3A_2797, %dma_wait3A_2804, %dma_wait3A_2805] : memref<2x4x32x128xf32, #tpu.memory_space<vmem>> -> memref<1x1x32x128xf32, #tpu.memory_space<vmem>>
      %dma_wait3A_2807 = tpu.memref_squeeze %dma_wait3A_2806 : memref<1x1x32x128xf32, #tpu.memory_space<vmem>> -> memref<32x128xf32, #tpu.memory_space<vmem>>
      %dma_wait3A_2808 = arith.constant 0 : i32
      %dma_wait3A_2809 = tpu.memref_slice %arg5[%dma_wait3A_2808, %multiple_of3A_2237] : memref<32x1000000xf32, #tpu.memory_space<hbm>> -> memref<32x128xf32, #tpu.memory_space<hbm>>
      tpu.wait_dma2 semaphore(%arg14 : memref<!tpu.dma_semaphore, #tpu.memory_space<semaphore_mem>>) src(%dma_wait3A_2809 : memref<32x128xf32, #tpu.memory_space<hbm>>) dst(%dma_wait3A_2807 : memref<32x128xf32, #tpu.memory_space<vmem>>)
      %slice3A_2810 = vector.extract_strided_slice %get3A_37 {offsets = [12], sizes = [1], strides = [1]} : vector<16xi32> to vector<1xi32>
      %squeeze3A_2811 = vector.extract %slice3A_2810[0] : i32 from vector<1xi32>
      %jit3A_2812 = arith.constant 128 : i32
      %eq3A_2813 = arith.constant 0 : i32
      %eq3A_2814 = arith.cmpi eq, %jit3A_2812, %eq3A_2813 : i32
      %jit3A_2815 = arith.constant 1 : i32
      %select_n3A_2816 = arith.select %eq3A_2814, %jit3A_2815, %jit3A_2812 : i32
      %rem3A_2817 = arith.remsi %squeeze3A_2811, %select_n3A_2816 : i32
      %ne3A_2818 = arith.constant 0 : i32
      %ne3A_2819 = arith.cmpi ne, %rem3A_2817, %ne3A_2818 : i32
      %lt3A_2820 = arith.constant 0 : i32
      %lt3A_2821 = arith.cmpi slt, %rem3A_2817, %lt3A_2820 : i32
      %lt3A_2822 = arith.constant 0 : i32
      %lt3A_2823 = arith.cmpi slt, %select_n3A_2816, %lt3A_2822 : i32
      %ne3A_2824 = arith.xori %lt3A_2821, %lt3A_2823 : i1
      %and3A_2825 = arith.andi %ne3A_2824, %ne3A_2819 : i1
      %add3A_2826 = arith.addi %rem3A_2817, %select_n3A_2816 : i32
      %select_n3A_2827 = arith.select %and3A_2825, %add3A_2826, %rem3A_2817 : i32
      %add3A_2828 = vector.broadcast %select_n3A_2827 : i32 to vector<16xi32>
      %add3A_2829 = arith.addi %broadcast_in_dim3A_23, %add3A_2828 : vector<16xi32>
      %slice3A_2830 = vector.extract_strided_slice %get3A_39 {offsets = [12], sizes = [1], strides = [1]} : vector<16xi32> to vector<1xi32>
      %squeeze3A_2831 = vector.extract %slice3A_2830[0] : i32 from vector<1xi32>
      %jit3A_2832 = arith.constant 128 : i32
      %eq3A_2833 = arith.constant 0 : i32
      %eq3A_2834 = arith.cmpi eq, %jit3A_2832, %eq3A_2833 : i32
      %jit3A_2835 = arith.constant 1 : i32
      %select_n3A_2836 = arith.select %eq3A_2834, %jit3A_2835, %jit3A_2832 : i32
      %rem3A_2837 = arith.remsi %squeeze3A_2831, %select_n3A_2836 : i32
      %ne3A_2838 = arith.constant 0 : i32
      %ne3A_2839 = arith.cmpi ne, %rem3A_2837, %ne3A_2838 : i32
      %lt3A_2840 = arith.constant 0 : i32
      %lt3A_2841 = arith.cmpi slt, %rem3A_2837, %lt3A_2840 : i32
      %lt3A_2842 = arith.constant 0 : i32
      %lt3A_2843 = arith.cmpi slt, %select_n3A_2836, %lt3A_2842 : i32
      %ne3A_2844 = arith.xori %lt3A_2841, %lt3A_2843 : i1
      %and3A_2845 = arith.andi %ne3A_2844, %ne3A_2839 : i1
      %add3A_2846 = arith.addi %rem3A_2837, %select_n3A_2836 : i32
      %select_n3A_2847 = arith.select %and3A_2845, %add3A_2846, %rem3A_2837 : i32
      %add3A_2848 = vector.broadcast %select_n3A_2847 : i32 to vector<16xi32>
      %add3A_2849 = arith.addi %broadcast_in_dim3A_23, %add3A_2848 : vector<16xi32>
      %gather3A_2850 = arith.constant 1 : i32
      %gather3A_2851 = arith.constant 0 : i32
      %gather3A_2852 = arith.constant 0 : i32
      %gather3A_2853 = arith.constant 0 : i32
      %gather3A_2854 = tpu.memref_slice %arg9[%gather3A_2850, %gather3A_2851, %gather3A_2852, %gather3A_2853] : memref<2x4x32x128xf32, #tpu.memory_space<vmem>> -> memref<1x1x32x128xf32, #tpu.memory_space<vmem>>
      %gather3A_2855 = tpu.memref_squeeze %gather3A_2854 : memref<1x1x32x128xf32, #tpu.memory_space<vmem>> -> memref<32x128xf32, #tpu.memory_space<vmem>>
      %gather3A_2856 = tpu.vector_load_idx %gather3A_2855[%iota3A, %add3A_2829] : memref<32x128xf32, #tpu.memory_space<vmem>>[vector<16xi32>, vector<16xi32>], vector<16xf32>,
      %add3A_2857 = arith.constant 16 : i32
      %add3A_2858 = vector.broadcast %add3A_2857 : i32 to vector<16xi32>
      %add3A_2859 = arith.addi %iota3A, %add3A_2858 : vector<16xi32>
      %gather3A_2860 = arith.constant 1 : i32
      %gather3A_2861 = arith.constant 0 : i32
      %gather3A_2862 = arith.constant 0 : i32
      %gather3A_2863 = arith.constant 0 : i32
      %gather3A_2864 = tpu.memref_slice %arg9[%gather3A_2860, %gather3A_2861, %gather3A_2862, %gather3A_2863] : memref<2x4x32x128xf32, #tpu.memory_space<vmem>> -> memref<1x1x32x128xf32, #tpu.memory_space<vmem>>
      %gather3A_2865 = tpu.memref_squeeze %gather3A_2864 : memref<1x1x32x128xf32, #tpu.memory_space<vmem>> -> memref<32x128xf32, #tpu.memory_space<vmem>>
      %gather3A_2866 = tpu.vector_load_idx %gather3A_2865[%add3A_2859, %add3A_2829] : memref<32x128xf32, #tpu.memory_space<vmem>>[vector<16xi32>, vector<16xi32>], vector<16xf32>,
      %gather3A_2867 = arith.constant 1 : i32
      %gather3A_2868 = arith.constant 0 : i32
      %gather3A_2869 = arith.constant 0 : i32
      %gather3A_2870 = arith.constant 0 : i32
      %gather3A_2871 = tpu.memref_slice %arg10[%gather3A_2867, %gather3A_2868, %gather3A_2869, %gather3A_2870] : memref<2x4x32x128xf32, #tpu.memory_space<vmem>> -> memref<1x1x32x128xf32, #tpu.memory_space<vmem>>
      %gather3A_2872 = tpu.memref_squeeze %gather3A_2871 : memref<1x1x32x128xf32, #tpu.memory_space<vmem>> -> memref<32x128xf32, #tpu.memory_space<vmem>>
      %gather3A_2873 = tpu.vector_load_idx %gather3A_2872[%iota3A, %add3A_2849] : memref<32x128xf32, #tpu.memory_space<vmem>>[vector<16xi32>, vector<16xi32>], vector<16xf32>,
      %add3A_2874 = arith.constant 16 : i32
      %add3A_2875 = vector.broadcast %add3A_2874 : i32 to vector<16xi32>
      %add3A_2876 = arith.addi %iota3A, %add3A_2875 : vector<16xi32>
      %gather3A_2877 = arith.constant 1 : i32
      %gather3A_2878 = arith.constant 0 : i32
      %gather3A_2879 = arith.constant 0 : i32
      %gather3A_2880 = arith.constant 0 : i32
      %gather3A_2881 = tpu.memref_slice %arg10[%gather3A_2877, %gather3A_2878, %gather3A_2879, %gather3A_2880] : memref<2x4x32x128xf32, #tpu.memory_space<vmem>> -> memref<1x1x32x128xf32, #tpu.memory_space<vmem>>
      %gather3A_2882 = tpu.memref_squeeze %gather3A_2881 : memref<1x1x32x128xf32, #tpu.memory_space<vmem>> -> memref<32x128xf32, #tpu.memory_space<vmem>>
      %gather3A_2883 = tpu.vector_load_idx %gather3A_2882[%add3A_2876, %add3A_2849] : memref<32x128xf32, #tpu.memory_space<vmem>>[vector<16xi32>, vector<16xi32>], vector<16xf32>,
      %mul3A_2884 = arith.mulf %gather3A_2856, %gather3A_2873 : vector<16xf32>
      %mul3A_2885 = arith.mulf %gather3A_2866, %gather3A_2883 : vector<16xf32>
      %add3A_2886 = arith.addf %mul3A_2884, %mul3A_2885 : vector<16xf32>
      %add3A_2887 = arith.constant 12 : i32
      %add3A_2888 = vector.broadcast %add3A_2887 : i32 to vector<16xi32>
      %add3A_2889 = arith.addi %broadcast_in_dim3A_23, %add3A_2888 : vector<16xi32>
      tpu.vector_store_idx %arg11[%iota3A, %add3A_2889], %add3A_2886 : memref<16x16xf32, #tpu.memory_space<vmem>>[vector<16xi32>, vector<16xi32>], vector<16xf32>,
      %slice3A_2890 = vector.extract_strided_slice %get3A_37 {offsets = [13], sizes = [1], strides = [1]} : vector<16xi32> to vector<1xi32>
      %squeeze3A_2891 = vector.extract %slice3A_2890[0] : i32 from vector<1xi32>
      %jit3A_2892 = arith.constant 128 : i32
      %eq3A_2893 = arith.constant 0 : i32
      %eq3A_2894 = arith.cmpi eq, %jit3A_2892, %eq3A_2893 : i32
      %jit3A_2895 = arith.constant 1 : i32
      %select_n3A_2896 = arith.select %eq3A_2894, %jit3A_2895, %jit3A_2892 : i32
      %rem3A_2897 = arith.remsi %squeeze3A_2891, %select_n3A_2896 : i32
      %ne3A_2898 = arith.constant 0 : i32
      %ne3A_2899 = arith.cmpi ne, %rem3A_2897, %ne3A_2898 : i32
      %lt3A_2900 = arith.constant 0 : i32
      %lt3A_2901 = arith.cmpi slt, %rem3A_2897, %lt3A_2900 : i32
      %lt3A_2902 = arith.constant 0 : i32
      %lt3A_2903 = arith.cmpi slt, %select_n3A_2896, %lt3A_2902 : i32
      %ne3A_2904 = arith.xori %lt3A_2901, %lt3A_2903 : i1
      %and3A_2905 = arith.andi %ne3A_2904, %ne3A_2899 : i1
      %add3A_2906 = arith.addi %rem3A_2897, %select_n3A_2896 : i32
      %select_n3A_2907 = arith.select %and3A_2905, %add3A_2906, %rem3A_2897 : i32
      %add3A_2908 = vector.broadcast %select_n3A_2907 : i32 to vector<16xi32>
      %add3A_2909 = arith.addi %broadcast_in_dim3A_23, %add3A_2908 : vector<16xi32>
      %slice3A_2910 = vector.extract_strided_slice %get3A_39 {offsets = [13], sizes = [1], strides = [1]} : vector<16xi32> to vector<1xi32>
      %squeeze3A_2911 = vector.extract %slice3A_2910[0] : i32 from vector<1xi32>
      %jit3A_2912 = arith.constant 128 : i32
      %eq3A_2913 = arith.constant 0 : i32
      %eq3A_2914 = arith.cmpi eq, %jit3A_2912, %eq3A_2913 : i32
      %jit3A_2915 = arith.constant 1 : i32
      %select_n3A_2916 = arith.select %eq3A_2914, %jit3A_2915, %jit3A_2912 : i32
      %rem3A_2917 = arith.remsi %squeeze3A_2911, %select_n3A_2916 : i32
      %ne3A_2918 = arith.constant 0 : i32
      %ne3A_2919 = arith.cmpi ne, %rem3A_2917, %ne3A_2918 : i32
      %lt3A_2920 = arith.constant 0 : i32
      %lt3A_2921 = arith.cmpi slt, %rem3A_2917, %lt3A_2920 : i32
      %lt3A_2922 = arith.constant 0 : i32
      %lt3A_2923 = arith.cmpi slt, %select_n3A_2916, %lt3A_2922 : i32
      %ne3A_2924 = arith.xori %lt3A_2921, %lt3A_2923 : i1
      %and3A_2925 = arith.andi %ne3A_2924, %ne3A_2919 : i1
      %add3A_2926 = arith.addi %rem3A_2917, %select_n3A_2916 : i32
      %select_n3A_2927 = arith.select %and3A_2925, %add3A_2926, %rem3A_2917 : i32
      %add3A_2928 = vector.broadcast %select_n3A_2927 : i32 to vector<16xi32>
      %add3A_2929 = arith.addi %broadcast_in_dim3A_23, %add3A_2928 : vector<16xi32>
      %gather3A_2930 = arith.constant 1 : i32
      %gather3A_2931 = arith.constant 1 : i32
      %gather3A_2932 = arith.constant 0 : i32
      %gather3A_2933 = arith.constant 0 : i32
      %gather3A_2934 = tpu.memref_slice %arg9[%gather3A_2930, %gather3A_2931, %gather3A_2932, %gather3A_2933] : memref<2x4x32x128xf32, #tpu.memory_space<vmem>> -> memref<1x1x32x128xf32, #tpu.memory_space<vmem>>
      %gather3A_2935 = tpu.memref_squeeze %gather3A_2934 : memref<1x1x32x128xf32, #tpu.memory_space<vmem>> -> memref<32x128xf32, #tpu.memory_space<vmem>>
      %gather3A_2936 = tpu.vector_load_idx %gather3A_2935[%iota3A, %add3A_2909] : memref<32x128xf32, #tpu.memory_space<vmem>>[vector<16xi32>, vector<16xi32>], vector<16xf32>,
      %add3A_2937 = arith.constant 16 : i32
      %add3A_2938 = vector.broadcast %add3A_2937 : i32 to vector<16xi32>
      %add3A_2939 = arith.addi %iota3A, %add3A_2938 : vector<16xi32>
      %gather3A_2940 = arith.constant 1 : i32
      %gather3A_2941 = arith.constant 1 : i32
      %gather3A_2942 = arith.constant 0 : i32
      %gather3A_2943 = arith.constant 0 : i32
      %gather3A_2944 = tpu.memref_slice %arg9[%gather3A_2940, %gather3A_2941, %gather3A_2942, %gather3A_2943] : memref<2x4x32x128xf32, #tpu.memory_space<vmem>> -> memref<1x1x32x128xf32, #tpu.memory_space<vmem>>
      %gather3A_2945 = tpu.memref_squeeze %gather3A_2944 : memref<1x1x32x128xf32, #tpu.memory_space<vmem>> -> memref<32x128xf32, #tpu.memory_space<vmem>>
      %gather3A_2946 = tpu.vector_load_idx %gather3A_2945[%add3A_2939, %add3A_2909] : memref<32x128xf32, #tpu.memory_space<vmem>>[vector<16xi32>, vector<16xi32>], vector<16xf32>,
      %gather3A_2947 = arith.constant 1 : i32
      %gather3A_2948 = arith.constant 1 : i32
      %gather3A_2949 = arith.constant 0 : i32
      %gather3A_2950 = arith.constant 0 : i32
      %gather3A_2951 = tpu.memref_slice %arg10[%gather3A_2947, %gather3A_2948, %gather3A_2949, %gather3A_2950] : memref<2x4x32x128xf32, #tpu.memory_space<vmem>> -> memref<1x1x32x128xf32, #tpu.memory_space<vmem>>
      %gather3A_2952 = tpu.memref_squeeze %gather3A_2951 : memref<1x1x32x128xf32, #tpu.memory_space<vmem>> -> memref<32x128xf32, #tpu.memory_space<vmem>>
      %gather3A_2953 = tpu.vector_load_idx %gather3A_2952[%iota3A, %add3A_2929] : memref<32x128xf32, #tpu.memory_space<vmem>>[vector<16xi32>, vector<16xi32>], vector<16xf32>,
      %add3A_2954 = arith.constant 16 : i32
      %add3A_2955 = vector.broadcast %add3A_2954 : i32 to vector<16xi32>
      %add3A_2956 = arith.addi %iota3A, %add3A_2955 : vector<16xi32>
      %gather3A_2957 = arith.constant 1 : i32
      %gather3A_2958 = arith.constant 1 : i32
      %gather3A_2959 = arith.constant 0 : i32
      %gather3A_2960 = arith.constant 0 : i32
      %gather3A_2961 = tpu.memref_slice %arg10[%gather3A_2957, %gather3A_2958, %gather3A_2959, %gather3A_2960] : memref<2x4x32x128xf32, #tpu.memory_space<vmem>> -> memref<1x1x32x128xf32, #tpu.memory_space<vmem>>
      %gather3A_2962 = tpu.memref_squeeze %gather3A_2961 : memref<1x1x32x128xf32, #tpu.memory_space<vmem>> -> memref<32x128xf32, #tpu.memory_space<vmem>>
      %gather3A_2963 = tpu.vector_load_idx %gather3A_2962[%add3A_2956, %add3A_2929] : memref<32x128xf32, #tpu.memory_space<vmem>>[vector<16xi32>, vector<16xi32>], vector<16xf32>,
      %mul3A_2964 = arith.mulf %gather3A_2936, %gather3A_2953 : vector<16xf32>
      %mul3A_2965 = arith.mulf %gather3A_2946, %gather3A_2963 : vector<16xf32>
      %add3A_2966 = arith.addf %mul3A_2964, %mul3A_2965 : vector<16xf32>
      %add3A_2967 = arith.constant 13 : i32
      %add3A_2968 = vector.broadcast %add3A_2967 : i32 to vector<16xi32>
      %add3A_2969 = arith.addi %broadcast_in_dim3A_23, %add3A_2968 : vector<16xi32>
      tpu.vector_store_idx %arg11[%iota3A, %add3A_2969], %add3A_2966 : memref<16x16xf32, #tpu.memory_space<vmem>>[vector<16xi32>, vector<16xi32>], vector<16xf32>,
      %slice3A_2970 = vector.extract_strided_slice %get3A_37 {offsets = [14], sizes = [1], strides = [1]} : vector<16xi32> to vector<1xi32>
      %squeeze3A_2971 = vector.extract %slice3A_2970[0] : i32 from vector<1xi32>
      %jit3A_2972 = arith.constant 128 : i32
      %eq3A_2973 = arith.constant 0 : i32
      %eq3A_2974 = arith.cmpi eq, %jit3A_2972, %eq3A_2973 : i32
      %jit3A_2975 = arith.constant 1 : i32
      %select_n3A_2976 = arith.select %eq3A_2974, %jit3A_2975, %jit3A_2972 : i32
      %rem3A_2977 = arith.remsi %squeeze3A_2971, %select_n3A_2976 : i32
      %ne3A_2978 = arith.constant 0 : i32
      %ne3A_2979 = arith.cmpi ne, %rem3A_2977, %ne3A_2978 : i32
      %lt3A_2980 = arith.constant 0 : i32
      %lt3A_2981 = arith.cmpi slt, %rem3A_2977, %lt3A_2980 : i32
      %lt3A_2982 = arith.constant 0 : i32
      %lt3A_2983 = arith.cmpi slt, %select_n3A_2976, %lt3A_2982 : i32
      %ne3A_2984 = arith.xori %lt3A_2981, %lt3A_2983 : i1
      %and3A_2985 = arith.andi %ne3A_2984, %ne3A_2979 : i1
      %add3A_2986 = arith.addi %rem3A_2977, %select_n3A_2976 : i32
      %select_n3A_2987 = arith.select %and3A_2985, %add3A_2986, %rem3A_2977 : i32
      %add3A_2988 = vector.broadcast %select_n3A_2987 : i32 to vector<16xi32>
      %add3A_2989 = arith.addi %broadcast_in_dim3A_23, %add3A_2988 : vector<16xi32>
      %slice3A_2990 = vector.extract_strided_slice %get3A_39 {offsets = [14], sizes = [1], strides = [1]} : vector<16xi32> to vector<1xi32>
      %squeeze3A_2991 = vector.extract %slice3A_2990[0] : i32 from vector<1xi32>
      %jit3A_2992 = arith.constant 128 : i32
      %eq3A_2993 = arith.constant 0 : i32
      %eq3A_2994 = arith.cmpi eq, %jit3A_2992, %eq3A_2993 : i32
      %jit3A_2995 = arith.constant 1 : i32
      %select_n3A_2996 = arith.select %eq3A_2994, %jit3A_2995, %jit3A_2992 : i32
      %rem3A_2997 = arith.remsi %squeeze3A_2991, %select_n3A_2996 : i32
      %ne3A_2998 = arith.constant 0 : i32
      %ne3A_2999 = arith.cmpi ne, %rem3A_2997, %ne3A_2998 : i32
      %lt3A_3000 = arith.constant 0 : i32
      %lt3A_3001 = arith.cmpi slt, %rem3A_2997, %lt3A_3000 : i32
      %lt3A_3002 = arith.constant 0 : i32
      %lt3A_3003 = arith.cmpi slt, %select_n3A_2996, %lt3A_3002 : i32
      %ne3A_3004 = arith.xori %lt3A_3001, %lt3A_3003 : i1
      %and3A_3005 = arith.andi %ne3A_3004, %ne3A_2999 : i1
      %add3A_3006 = arith.addi %rem3A_2997, %select_n3A_2996 : i32
      %select_n3A_3007 = arith.select %and3A_3005, %add3A_3006, %rem3A_2997 : i32
      %add3A_3008 = vector.broadcast %select_n3A_3007 : i32 to vector<16xi32>
      %add3A_3009 = arith.addi %broadcast_in_dim3A_23, %add3A_3008 : vector<16xi32>
      %gather3A_3010 = arith.constant 1 : i32
      %gather3A_3011 = arith.constant 2 : i32
      %gather3A_3012 = arith.constant 0 : i32
      %gather3A_3013 = arith.constant 0 : i32
      %gather3A_3014 = tpu.memref_slice %arg9[%gather3A_3010, %gather3A_3011, %gather3A_3012, %gather3A_3013] : memref<2x4x32x128xf32, #tpu.memory_space<vmem>> -> memref<1x1x32x128xf32, #tpu.memory_space<vmem>>
      %gather3A_3015 = tpu.memref_squeeze %gather3A_3014 : memref<1x1x32x128xf32, #tpu.memory_space<vmem>> -> memref<32x128xf32, #tpu.memory_space<vmem>>
      %gather3A_3016 = tpu.vector_load_idx %gather3A_3015[%iota3A, %add3A_2989] : memref<32x128xf32, #tpu.memory_space<vmem>>[vector<16xi32>, vector<16xi32>], vector<16xf32>,
      %add3A_3017 = arith.constant 16 : i32
      %add3A_3018 = vector.broadcast %add3A_3017 : i32 to vector<16xi32>
      %add3A_3019 = arith.addi %iota3A, %add3A_3018 : vector<16xi32>
      %gather3A_3020 = arith.constant 1 : i32
      %gather3A_3021 = arith.constant 2 : i32
      %gather3A_3022 = arith.constant 0 : i32
      %gather3A_3023 = arith.constant 0 : i32
      %gather3A_3024 = tpu.memref_slice %arg9[%gather3A_3020, %gather3A_3021, %gather3A_3022, %gather3A_3023] : memref<2x4x32x128xf32, #tpu.memory_space<vmem>> -> memref<1x1x32x128xf32, #tpu.memory_space<vmem>>
      %gather3A_3025 = tpu.memref_squeeze %gather3A_3024 : memref<1x1x32x128xf32, #tpu.memory_space<vmem>> -> memref<32x128xf32, #tpu.memory_space<vmem>>
      %gather3A_3026 = tpu.vector_load_idx %gather3A_3025[%add3A_3019, %add3A_2989] : memref<32x128xf32, #tpu.memory_space<vmem>>[vector<16xi32>, vector<16xi32>], vector<16xf32>,
      %gather3A_3027 = arith.constant 1 : i32
      %gather3A_3028 = arith.constant 2 : i32
      %gather3A_3029 = arith.constant 0 : i32
      %gather3A_3030 = arith.constant 0 : i32
      %gather3A_3031 = tpu.memref_slice %arg10[%gather3A_3027, %gather3A_3028, %gather3A_3029, %gather3A_3030] : memref<2x4x32x128xf32, #tpu.memory_space<vmem>> -> memref<1x1x32x128xf32, #tpu.memory_space<vmem>>
      %gather3A_3032 = tpu.memref_squeeze %gather3A_3031 : memref<1x1x32x128xf32, #tpu.memory_space<vmem>> -> memref<32x128xf32, #tpu.memory_space<vmem>>
      %gather3A_3033 = tpu.vector_load_idx %gather3A_3032[%iota3A, %add3A_3009] : memref<32x128xf32, #tpu.memory_space<vmem>>[vector<16xi32>, vector<16xi32>], vector<16xf32>,
      %add3A_3034 = arith.constant 16 : i32
      %add3A_3035 = vector.broadcast %add3A_3034 : i32 to vector<16xi32>
      %add3A_3036 = arith.addi %iota3A, %add3A_3035 : vector<16xi32>
      %gather3A_3037 = arith.constant 1 : i32
      %gather3A_3038 = arith.constant 2 : i32
      %gather3A_3039 = arith.constant 0 : i32
      %gather3A_3040 = arith.constant 0 : i32
      %gather3A_3041 = tpu.memref_slice %arg10[%gather3A_3037, %gather3A_3038, %gather3A_3039, %gather3A_3040] : memref<2x4x32x128xf32, #tpu.memory_space<vmem>> -> memref<1x1x32x128xf32, #tpu.memory_space<vmem>>
      %gather3A_3042 = tpu.memref_squeeze %gather3A_3041 : memref<1x1x32x128xf32, #tpu.memory_space<vmem>> -> memref<32x128xf32, #tpu.memory_space<vmem>>
      %gather3A_3043 = tpu.vector_load_idx %gather3A_3042[%add3A_3036, %add3A_3009] : memref<32x128xf32, #tpu.memory_space<vmem>>[vector<16xi32>, vector<16xi32>], vector<16xf32>,
      %mul3A_3044 = arith.mulf %gather3A_3016, %gather3A_3033 : vector<16xf32>
      %mul3A_3045 = arith.mulf %gather3A_3026, %gather3A_3043 : vector<16xf32>
      %add3A_3046 = arith.addf %mul3A_3044, %mul3A_3045 : vector<16xf32>
      %add3A_3047 = arith.constant 14 : i32
      %add3A_3048 = vector.broadcast %add3A_3047 : i32 to vector<16xi32>
      %add3A_3049 = arith.addi %broadcast_in_dim3A_23, %add3A_3048 : vector<16xi32>
      tpu.vector_store_idx %arg11[%iota3A, %add3A_3049], %add3A_3046 : memref<16x16xf32, #tpu.memory_space<vmem>>[vector<16xi32>, vector<16xi32>], vector<16xf32>,
      %slice3A_3050 = vector.extract_strided_slice %get3A_37 {offsets = [15], sizes = [1], strides = [1]} : vector<16xi32> to vector<1xi32>
      %squeeze3A_3051 = vector.extract %slice3A_3050[0] : i32 from vector<1xi32>
      %jit3A_3052 = arith.constant 128 : i32
      %eq3A_3053 = arith.constant 0 : i32
      %eq3A_3054 = arith.cmpi eq, %jit3A_3052, %eq3A_3053 : i32
      %jit3A_3055 = arith.constant 1 : i32
      %select_n3A_3056 = arith.select %eq3A_3054, %jit3A_3055, %jit3A_3052 : i32
      %rem3A_3057 = arith.remsi %squeeze3A_3051, %select_n3A_3056 : i32
      %ne3A_3058 = arith.constant 0 : i32
      %ne3A_3059 = arith.cmpi ne, %rem3A_3057, %ne3A_3058 : i32
      %lt3A_3060 = arith.constant 0 : i32
      %lt3A_3061 = arith.cmpi slt, %rem3A_3057, %lt3A_3060 : i32
      %lt3A_3062 = arith.constant 0 : i32
      %lt3A_3063 = arith.cmpi slt, %select_n3A_3056, %lt3A_3062 : i32
      %ne3A_3064 = arith.xori %lt3A_3061, %lt3A_3063 : i1
      %and3A_3065 = arith.andi %ne3A_3064, %ne3A_3059 : i1
      %add3A_3066 = arith.addi %rem3A_3057, %select_n3A_3056 : i32
      %select_n3A_3067 = arith.select %and3A_3065, %add3A_3066, %rem3A_3057 : i32
      %add3A_3068 = vector.broadcast %select_n3A_3067 : i32 to vector<16xi32>
      %add3A_3069 = arith.addi %broadcast_in_dim3A_23, %add3A_3068 : vector<16xi32>
      %slice3A_3070 = vector.extract_strided_slice %get3A_39 {offsets = [15], sizes = [1], strides = [1]} : vector<16xi32> to vector<1xi32>
      %squeeze3A_3071 = vector.extract %slice3A_3070[0] : i32 from vector<1xi32>
      %jit3A_3072 = arith.constant 128 : i32
      %eq3A_3073 = arith.constant 0 : i32
      %eq3A_3074 = arith.cmpi eq, %jit3A_3072, %eq3A_3073 : i32
      %jit3A_3075 = arith.constant 1 : i32
      %select_n3A_3076 = arith.select %eq3A_3074, %jit3A_3075, %jit3A_3072 : i32
      %rem3A_3077 = arith.remsi %squeeze3A_3071, %select_n3A_3076 : i32
      %ne3A_3078 = arith.constant 0 : i32
      %ne3A_3079 = arith.cmpi ne, %rem3A_3077, %ne3A_3078 : i32
      %lt3A_3080 = arith.constant 0 : i32
      %lt3A_3081 = arith.cmpi slt, %rem3A_3077, %lt3A_3080 : i32
      %lt3A_3082 = arith.constant 0 : i32
      %lt3A_3083 = arith.cmpi slt, %select_n3A_3076, %lt3A_3082 : i32
      %ne3A_3084 = arith.xori %lt3A_3081, %lt3A_3083 : i1
      %and3A_3085 = arith.andi %ne3A_3084, %ne3A_3079 : i1
      %add3A_3086 = arith.addi %rem3A_3077, %select_n3A_3076 : i32
      %select_n3A_3087 = arith.select %and3A_3085, %add3A_3086, %rem3A_3077 : i32
      %add3A_3088 = vector.broadcast %select_n3A_3087 : i32 to vector<16xi32>
      %add3A_3089 = arith.addi %broadcast_in_dim3A_23, %add3A_3088 : vector<16xi32>
      %gather3A_3090 = arith.constant 1 : i32
      %gather3A_3091 = arith.constant 3 : i32
      %gather3A_3092 = arith.constant 0 : i32
      %gather3A_3093 = arith.constant 0 : i32
      %gather3A_3094 = tpu.memref_slice %arg9[%gather3A_3090, %gather3A_3091, %gather3A_3092, %gather3A_3093] : memref<2x4x32x128xf32, #tpu.memory_space<vmem>> -> memref<1x1x32x128xf32, #tpu.memory_space<vmem>>
      %gather3A_3095 = tpu.memref_squeeze %gather3A_3094 : memref<1x1x32x128xf32, #tpu.memory_space<vmem>> -> memref<32x128xf32, #tpu.memory_space<vmem>>
      %gather3A_3096 = tpu.vector_load_idx %gather3A_3095[%iota3A, %add3A_3069] : memref<32x128xf32, #tpu.memory_space<vmem>>[vector<16xi32>, vector<16xi32>], vector<16xf32>,
      %add3A_3097 = arith.constant 16 : i32
      %add3A_3098 = vector.broadcast %add3A_3097 : i32 to vector<16xi32>
      %add3A_3099 = arith.addi %iota3A, %add3A_3098 : vector<16xi32>
      %gather3A_3100 = arith.constant 1 : i32
      %gather3A_3101 = arith.constant 3 : i32
      %gather3A_3102 = arith.constant 0 : i32
      %gather3A_3103 = arith.constant 0 : i32
      %gather3A_3104 = tpu.memref_slice %arg9[%gather3A_3100, %gather3A_3101, %gather3A_3102, %gather3A_3103] : memref<2x4x32x128xf32, #tpu.memory_space<vmem>> -> memref<1x1x32x128xf32, #tpu.memory_space<vmem>>
      %gather3A_3105 = tpu.memref_squeeze %gather3A_3104 : memref<1x1x32x128xf32, #tpu.memory_space<vmem>> -> memref<32x128xf32, #tpu.memory_space<vmem>>
      %gather3A_3106 = tpu.vector_load_idx %gather3A_3105[%add3A_3099, %add3A_3069] : memref<32x128xf32, #tpu.memory_space<vmem>>[vector<16xi32>, vector<16xi32>], vector<16xf32>,
      %gather3A_3107 = arith.constant 1 : i32
      %gather3A_3108 = arith.constant 3 : i32
      %gather3A_3109 = arith.constant 0 : i32
      %gather3A_3110 = arith.constant 0 : i32
      %gather3A_3111 = tpu.memref_slice %arg10[%gather3A_3107, %gather3A_3108, %gather3A_3109, %gather3A_3110] : memref<2x4x32x128xf32, #tpu.memory_space<vmem>> -> memref<1x1x32x128xf32, #tpu.memory_space<vmem>>
      %gather3A_3112 = tpu.memref_squeeze %gather3A_3111 : memref<1x1x32x128xf32, #tpu.memory_space<vmem>> -> memref<32x128xf32, #tpu.memory_space<vmem>>
      %gather3A_3113 = tpu.vector_load_idx %gather3A_3112[%iota3A, %add3A_3089] : memref<32x128xf32, #tpu.memory_space<vmem>>[vector<16xi32>, vector<16xi32>], vector<16xf32>,
      %add3A_3114 = arith.constant 16 : i32
      %add3A_3115 = vector.broadcast %add3A_3114 : i32 to vector<16xi32>
      %add3A_3116 = arith.addi %iota3A, %add3A_3115 : vector<16xi32>
      %gather3A_3117 = arith.constant 1 : i32
      %gather3A_3118 = arith.constant 3 : i32
      %gather3A_3119 = arith.constant 0 : i32
      %gather3A_3120 = arith.constant 0 : i32
      %gather3A_3121 = tpu.memref_slice %arg10[%gather3A_3117, %gather3A_3118, %gather3A_3119, %gather3A_3120] : memref<2x4x32x128xf32, #tpu.memory_space<vmem>> -> memref<1x1x32x128xf32, #tpu.memory_space<vmem>>
      %gather3A_3122 = tpu.memref_squeeze %gather3A_3121 : memref<1x1x32x128xf32, #tpu.memory_space<vmem>> -> memref<32x128xf32, #tpu.memory_space<vmem>>
      %gather3A_3123 = tpu.vector_load_idx %gather3A_3122[%add3A_3116, %add3A_3089] : memref<32x128xf32, #tpu.memory_space<vmem>>[vector<16xi32>, vector<16xi32>], vector<16xf32>,
      %mul3A_3124 = arith.mulf %gather3A_3096, %gather3A_3113 : vector<16xf32>
      %mul3A_3125 = arith.mulf %gather3A_3106, %gather3A_3123 : vector<16xf32>
      %add3A_3126 = arith.addf %mul3A_3124, %mul3A_3125 : vector<16xf32>
      %add3A_3127 = arith.constant 15 : i32
      %add3A_3128 = vector.broadcast %add3A_3127 : i32 to vector<16xi32>
      %add3A_3129 = arith.addi %broadcast_in_dim3A_23, %add3A_3128 : vector<16xi32>
      tpu.vector_store_idx %arg11[%iota3A, %add3A_3129], %add3A_3126 : memref<16x16xf32, #tpu.memory_space<vmem>>[vector<16xi32>, vector<16xi32>], vector<16xf32>,
      %broadcast_in_dim3A_3130 = arith.constant 0.000000e+00 : f32
      %broadcast_in_dim3A_3131 = vector.broadcast %broadcast_in_dim3A_3130 : f32 to vector<16xf32>
      %get3A_3132 = arith.constant 0 : i32
      %get3A_3133 = arith.index_cast %get3A_3132 : i32 to index
      %get3A_3134 = arith.constant 0 : index
      %get3A_3135 = tpu.vector_load %arg11[%get3A_3133, %get3A_3134] {strides = array<i32>} : memref<16x16xf32, #tpu.memory_space<vmem>>, vector<16xf32>,
      %add3A_3136 = arith.addf %broadcast_in_dim3A_3131, %get3A_3135 : vector<16xf32>
      %get3A_3137 = arith.constant 1 : i32
      %get3A_3138 = arith.index_cast %get3A_3137 : i32 to index
      %get3A_3139 = arith.constant 0 : index
      %get3A_3140 = tpu.vector_load %arg11[%get3A_3138, %get3A_3139] {strides = array<i32>} : memref<16x16xf32, #tpu.memory_space<vmem>>, vector<16xf32>,
      %add3A_3141 = arith.addf %add3A_3136, %get3A_3140 : vector<16xf32>
      %get3A_3142 = arith.constant 2 : i32
      %get3A_3143 = arith.index_cast %get3A_3142 : i32 to index
      %get3A_3144 = arith.constant 0 : index
      %get3A_3145 = tpu.vector_load %arg11[%get3A_3143, %get3A_3144] {strides = array<i32>} : memref<16x16xf32, #tpu.memory_space<vmem>>, vector<16xf32>,
      %add3A_3146 = arith.addf %add3A_3141, %get3A_3145 : vector<16xf32>
      %get3A_3147 = arith.constant 3 : i32
      %get3A_3148 = arith.index_cast %get3A_3147 : i32 to index
      %get3A_3149 = arith.constant 0 : index
      %get3A_3150 = tpu.vector_load %arg11[%get3A_3148, %get3A_3149] {strides = array<i32>} : memref<16x16xf32, #tpu.memory_space<vmem>>, vector<16xf32>,
      %add3A_3151 = arith.addf %add3A_3146, %get3A_3150 : vector<16xf32>
      %get3A_3152 = arith.constant 4 : i32
      %get3A_3153 = arith.index_cast %get3A_3152 : i32 to index
      %get3A_3154 = arith.constant 0 : index
      %get3A_3155 = tpu.vector_load %arg11[%get3A_3153, %get3A_3154] {strides = array<i32>} : memref<16x16xf32, #tpu.memory_space<vmem>>, vector<16xf32>,
      %add3A_3156 = arith.addf %add3A_3151, %get3A_3155 : vector<16xf32>
      %get3A_3157 = arith.constant 5 : i32
      %get3A_3158 = arith.index_cast %get3A_3157 : i32 to index
      %get3A_3159 = arith.constant 0 : index
      %get3A_3160 = tpu.vector_load %arg11[%get3A_3158, %get3A_3159] {strides = array<i32>} : memref<16x16xf32, #tpu.memory_space<vmem>>, vector<16xf32>,
      %add3A_3161 = arith.addf %add3A_3156, %get3A_3160 : vector<16xf32>
      %get3A_3162 = arith.constant 6 : i32
      %get3A_3163 = arith.index_cast %get3A_3162 : i32 to index
      %get3A_3164 = arith.constant 0 : index
      %get3A_3165 = tpu.vector_load %arg11[%get3A_3163, %get3A_3164] {strides = array<i32>} : memref<16x16xf32, #tpu.memory_space<vmem>>, vector<16xf32>,
      %add3A_3166 = arith.addf %add3A_3161, %get3A_3165 : vector<16xf32>
      %get3A_3167 = arith.constant 7 : i32
      %get3A_3168 = arith.index_cast %get3A_3167 : i32 to index
      %get3A_3169 = arith.constant 0 : index
      %get3A_3170 = tpu.vector_load %arg11[%get3A_3168, %get3A_3169] {strides = array<i32>} : memref<16x16xf32, #tpu.memory_space<vmem>>, vector<16xf32>,
      %add3A_3171 = arith.addf %add3A_3166, %get3A_3170 : vector<16xf32>
      %get3A_3172 = arith.constant 8 : i32
      %get3A_3173 = arith.index_cast %get3A_3172 : i32 to index
      %get3A_3174 = arith.constant 0 : index
      %get3A_3175 = tpu.vector_load %arg11[%get3A_3173, %get3A_3174] {strides = array<i32>} : memref<16x16xf32, #tpu.memory_space<vmem>>, vector<16xf32>,
      %add3A_3176 = arith.addf %add3A_3171, %get3A_3175 : vector<16xf32>
      %get3A_3177 = arith.constant 9 : i32
      %get3A_3178 = arith.index_cast %get3A_3177 : i32 to index
      %get3A_3179 = arith.constant 0 : index
      %get3A_3180 = tpu.vector_load %arg11[%get3A_3178, %get3A_3179] {strides = array<i32>} : memref<16x16xf32, #tpu.memory_space<vmem>>, vector<16xf32>,
      %add3A_3181 = arith.addf %add3A_3176, %get3A_3180 : vector<16xf32>
      %get3A_3182 = arith.constant 10 : i32
      %get3A_3183 = arith.index_cast %get3A_3182 : i32 to index
      %get3A_3184 = arith.constant 0 : index
      %get3A_3185 = tpu.vector_load %arg11[%get3A_3183, %get3A_3184] {strides = array<i32>} : memref<16x16xf32, #tpu.memory_space<vmem>>, vector<16xf32>,
      %add3A_3186 = arith.addf %add3A_3181, %get3A_3185 : vector<16xf32>
      %get3A_3187 = arith.constant 11 : i32
      %get3A_3188 = arith.index_cast %get3A_3187 : i32 to index
      %get3A_3189 = arith.constant 0 : index
      %get3A_3190 = tpu.vector_load %arg11[%get3A_3188, %get3A_3189] {strides = array<i32>} : memref<16x16xf32, #tpu.memory_space<vmem>>, vector<16xf32>,
      %add3A_3191 = arith.addf %add3A_3186, %get3A_3190 : vector<16xf32>
      %get3A_3192 = arith.constant 12 : i32
      %get3A_3193 = arith.index_cast %get3A_3192 : i32 to index
      %get3A_3194 = arith.constant 0 : index
      %get3A_3195 = tpu.vector_load %arg11[%get3A_3193, %get3A_3194] {strides = array<i32>} : memref<16x16xf32, #tpu.memory_space<vmem>>, vector<16xf32>,
      %add3A_3196 = arith.addf %add3A_3191, %get3A_3195 : vector<16xf32>
      %get3A_3197 = arith.constant 13 : i32
      %get3A_3198 = arith.index_cast %get3A_3197 : i32 to index
      %get3A_3199 = arith.constant 0 : index
      %get3A_3200 = tpu.vector_load %arg11[%get3A_3198, %get3A_3199] {strides = array<i32>} : memref<16x16xf32, #tpu.memory_space<vmem>>, vector<16xf32>,
      %add3A_3201 = arith.addf %add3A_3196, %get3A_3200 : vector<16xf32>
      %get3A_3202 = arith.constant 14 : i32
      %get3A_3203 = arith.index_cast %get3A_3202 : i32 to index
      %get3A_3204 = arith.constant 0 : index
      %get3A_3205 = tpu.vector_load %arg11[%get3A_3203, %get3A_3204] {strides = array<i32>} : memref<16x16xf32, #tpu.memory_space<vmem>>, vector<16xf32>,
      %add3A_3206 = arith.addf %add3A_3201, %get3A_3205 : vector<16xf32>
      %get3A_3207 = arith.constant 15 : i32
      %get3A_3208 = arith.index_cast %get3A_3207 : i32 to index
      %get3A_3209 = arith.constant 0 : index
      %get3A_3210 = tpu.vector_load %arg11[%get3A_3208, %get3A_3209] {strides = array<i32>} : memref<16x16xf32, #tpu.memory_space<vmem>>, vector<16xf32>,
      %add3A_3211 = arith.addf %add3A_3206, %get3A_3210 : vector<16xf32>
      %swap3A = arith.index_cast %mul3A_36 : i32 to index
      %swap3A_3212 = tpu.vector_load %arg12[%swap3A] {strides = array<i32>} : memref<512xf32, #tpu.memory_space<vmem>>, vector<16xf32>,
      tpu.vector_store %arg12[%swap3A], %add3A_3211 {strides = array<i32>} : memref<512xf32, #tpu.memory_space<vmem>>, vector<16xf32>,
    }
    %scan3A_27 = arith.constant 32 : i32
    %mul3A_28 = arith.constant 512 : i32
    %mul3A_29 = arith.muli %add3A, %mul3A_28 : i32
    "tpu.region"() ({
      %run_scoped3A = tpu.sem_alloc : memref<!tpu.dma_semaphore, #tpu.memory_space<semaphore_mem>>
      %dma_start3A_30 = tpu.memref_slice %arg6[%mul3A_29] : memref<16384xf32, #tpu.memory_space<hbm>> -> memref<512xf32, #tpu.memory_space<hbm>>
      %dma_start3A_31 = tpu.memref_slice %arg6[%mul3A_29] : memref<16384xf32, #tpu.memory_space<hbm>> -> memref<512xf32, #tpu.memory_space<hbm>>
      tpu.enqueue_dma source(%arg12 : memref<512xf32, #tpu.memory_space<vmem>>) target(%dma_start3A_31 : memref<512xf32, #tpu.memory_space<hbm>>) target_semaphore(%run_scoped3A : memref<!tpu.dma_semaphore, #tpu.memory_space<semaphore_mem>>)
      %dma_wait3A_32 = tpu.memref_slice %arg6[%mul3A_29] : memref<16384xf32, #tpu.memory_space<hbm>> -> memref<512xf32, #tpu.memory_space<hbm>>
      %dma_wait3A_33 = tpu.memref_slice %arg6[%mul3A_29] : memref<16384xf32, #tpu.memory_space<hbm>> -> memref<512xf32, #tpu.memory_space<hbm>>
      tpu.wait_dma2 semaphore(%run_scoped3A : memref<!tpu.dma_semaphore, #tpu.memory_space<semaphore_mem>>) src(%arg12 : memref<512xf32, #tpu.memory_space<vmem>>) dst(%dma_wait3A_33 : memref<512xf32, #tpu.memory_space<hbm>>)
      tpu.yield
    }) : () -> ()
    return
  }
}

</mosaic_0001>

<sc_bundles>
// kernel: kernel.3.cloned.1.call-start
scs
__scs_entry_jumppad:
0x0: {  	(pc) =	sbr.rel $0x88, $3  }
0x1: {  	(tag) =	ssettag $0x0;
	lr =	simm.s32 $0x1  }
0x2: {  	[smem:$0x3F9D] =	sst lr;
	_ =	strace $0xD0000000  }
0x3: {  	_ = 	snop  }
0x4: {  	_ = 	snop  }
0x5: {  	_ = 	snop  }
0x6: {  	_ = 	snop  }
0x7: {  	_ = 	snop  }
__scs_overlays_trampoline_lowered:
0x8: {  	[smem:$0x3FAC] =	sst s0  }
0x9: {  	[smem:$0x3FAD] =	sst s1  }
0xa: {  	[smem:$0x3FAE] =	sst s2  }
0xb: {  	[smem:$0x3FAF] =	sst s3  }
0xc: {  	[smem:$0x3FB0] =	sst s4  }
0xd: {  	[smem:$0x3FB1] =	sst s5  }
0xe: {  	[smem:$0x3FB2] =	sst s6  }
0xf: {  	[smem:$0x3FB3] =	sst s7  }
0x10: {  	[smem:$0x3FB4] =	sst s8  }
0x11: {  	[smem:$0x3FB5] =	sst s9;
	s0 =	simm.s32 @!p0 $0x0  }
0x12: {  	s1 =	sld [smem:$0x3F9B];
	s0 =	simm.s32 @p0 $0x1  }
0x13: {  	[smem:$0x3FB6] =	sst s0;
	s0 =	simm.s32 @!p1 $0x0  }
0x14: {  	s2 =	sld [smem:$0x3F9A];
	s0 =	simm.s32 @p1 $0x1  }
0x15: {  	[smem:$0x3FB7] =	sst s0;
	s0 =	simm.s32 @!p2 $0x0  }
0x16: {  	s3 =	sld [smem:$0x3FDB];
	s0 =	simm.s32 @p2 $0x1  }
0x17: {  	s4 =	simm.s32 $0x1BF5;
	[smem:$0x3FB9] =	sst s0  }
0x18: {  	s0 =	sld [smem:$0x3F9C];
	_ =	swait.ge [sflag:s4], $0x0  }
0x19: {  	s7 =	sld [smem:$0x3F9D]  }
0x1a: {  	s8 =	sadd.s32 $0xFFFFE003, lr  }
0x1b: {  	s9 =	sadd.s32 $0xFFFFFEF7, lr;
	s5 =	simm.s32 $0xFFFFFFFF;
	p2 =	slt.u32 s8, $0xFFFFF086  }
0x1c: {  	p1 =	slt.u32 s9, $0xF7A;
	s5 =	simm.s32 @!p2 $0x0  }
0x1d: {  	s5 =	simm.s32 @p1 $0x1;
	p0 =	seq.s32 s7, s2  }
0x1e: {  	s7 =	smul.u32 @!p0 $0xF7A, s2;
	p2 =	seq.s32 @!p0 s5, $0x0  }
0x1f: {  	s9 =	smul.u32 $0xF7A, s1;
	s8 =	simm.s32 @!p0 $0x1BF5;
	p2 =	por !p2, p0  }
0x20: {  	[sflag:s8] =	ssyncset.s32 @!p0 $0xFFFFF086;
	s6 =	sadd.s32 @!p0 s3, s7;
	s7 =	simm.s32 @!p0 $0x108  }
0x21: {  	s3 =	sadd.s32 s3, s9;
	s6 =	sadd.s32 @!p0 $0x88, s6;
	s7 =	simm.s32 @p2 $0x1082  }
0x22: {  	[simem:s7], [sflag:s8] =	dma.local @!p0 [hbm:s6], $0xF7A  }
0x23: {  	s9 =	sor.u32 $0xD0000000, s2;
	s6 =	simm.s32 $0x108;
	_ =	swait.ge @!p0 [sflag:s8], $0x0  }
0x24: {  	s3 =	sadd.s32 $0x88, s3;
	s6 =	simm.s32 @!p1 $0x1082;
	[sflag:s4] =	ssyncset.s32 $0xFFFFF086  }
0x25: {  	[simem:s6], [sflag:s4] =	dma.local [hbm:s3], $0xF7A  }
0x26: {  	[smem:$0x3F9D] =	sst s1;
	(tag) =	ssettag s2;
	_ =	strace s9  }
0x27: {  	s1 =	sld [smem:$0x3FAD]  }
0x28: {  	s2 =	sld [smem:$0x3FAE]  }
0x29: {  	s4 =	sld [smem:$0x3FB0]  }
0x2a: {  	p0 =	seq.s32 s5, $0x0;
	s5 =	sld [smem:$0x3FB1]  }
0x2b: {  	s6 =	sld [smem:$0x3FB2]  }
0x2c: {  	s7 =	sld [smem:$0x3FB3]  }
0x2d: {  	s3 =	simm.s32 $0x108;
	s8 =	sld [smem:$0x3FB4]  }
0x2e: {  	s3 =	simm.s32 @!p0 $0x1082;
	s9 =	sld [smem:$0x3FB5]  }
0x2f: {  	lr =	sadd.s32 s0, s3;
	s0 =	sld [smem:$0x3FAC]  }
0x30: {  	s3 =	sld [smem:$0x3FAF]  }
0x31: {  	[smem:$0x3FB8] =	sst s10  }
0x32: {  	s10 =	sld [smem:$0x3FB6];
	_ =	sdelay $0x3  }
0x33: {  	p0 =	seq.s32 s10, $0x1;
	s10 =	sld [smem:$0x3FB8];
	_ =	sdelay $0x3  }
0x34: {  	[smem:$0x3FB8] =	sst s10  }
0x35: {  	s10 =	sld [smem:$0x3FB7];
	_ =	sdelay $0x3  }
0x36: {  	p1 =	seq.s32 s10, $0x1;
	s10 =	sld [smem:$0x3FB8];
	_ =	sdelay $0x3  }
0x37: {  	[smem:$0x3FB8] =	sst s10  }
0x38: {  	s10 =	sld [smem:$0x3FB9]  }
0x39: {  	_ = 	snop;
	(pc) =	sbr.ind lr, $3  }
0x3a: {  	_ = 	snop  }
0x3b: {  	_ = 	snop  }
0x3c: {  	p2 =	seq.s32 s10, $0x1;
	s10 =	sld [smem:$0x3FB8]  }
0x3d: {  	_ =	shalt  }
0x3e: {  	_ =	shalt  }
0x3f: {  	_ =	shalt  }
0x40: {  	_ =	shalt  }
0x41: {  	_ =	shalt  }
0x42: {  	_ =	shalt  }
0x43: {  	_ =	shalt  }
0x44: {  	_ =	shalt  }
0x45: {  	_ =	shalt  }
0x46: {  	_ =	shalt  }
0x47: {  	_ =	shalt  }
0x48: {  	_ =	shalt  }
0x49: {  	_ =	shalt  }
0x4a: {  	_ =	shalt  }
0x4b: {  	_ =	shalt  }
0x4c: {  	_ =	shalt  }
0x4d: {  	_ =	shalt  }
0x4e: {  	_ =	shalt  }
0x4f: {  	_ =	shalt  }
0x50: {  	_ =	shalt  }
0x51: {  	_ =	shalt  }
0x52: {  	_ =	shalt  }
0x53: {  	_ =	shalt  }
0x54: {  	_ =	shalt  }
0x55: {  	_ =	shalt  }
0x56: {  	_ =	shalt  }
0x57: {  	_ =	shalt  }
0x58: {  	_ =	shalt  }
0x59: {  	_ =	shalt  }
0x5a: {  	_ =	shalt  }
0x5b: {  	_ =	shalt  }
0x5c: {  	_ =	shalt  }
0x5d: {  	_ =	shalt  }
0x5e: {  	_ =	shalt  }
0x5f: {  	_ =	shalt  }
0x60: {  	_ =	shalt  }
0x61: {  	_ =	shalt  }
0x62: {  	_ =	shalt  }
0x63: {  	_ =	shalt  }
0x64: {  	_ =	shalt  }
0x65: {  	_ =	shalt  }
0x66: {  	_ =	shalt  }
0x67: {  	_ =	shalt  }
0x68: {  	_ =	shalt  }
0x69: {  	_ =	shalt  }
0x6a: {  	_ =	shalt  }
0x6b: {  	_ =	shalt  }
0x6c: {  	_ =	shalt  }
0x6d: {  	_ =	shalt  }
0x6e: {  	_ =	shalt  }
0x6f: {  	_ =	shalt  }
0x70: {  	_ =	shalt  }
0x71: {  	_ =	shalt  }
0x72: {  	_ =	shalt  }
0x73: {  	_ =	shalt  }
0x74: {  	_ =	shalt  }
0x75: {  	_ =	shalt  }
0x76: {  	_ =	shalt  }
0x77: {  	_ =	shalt  }
0x78: {  	_ =	shalt  }
0x79: {  	_ =	shalt  }
0x7a: {  	_ =	shalt  }
0x7b: {  	_ =	shalt  }
0x7c: {  	_ =	shalt  }
0x7d: {  	_ =	shalt  }
0x7e: {  	_ =	shalt  }
0x7f: {  	_ =	shalt  }
0x80: {  	_ =	shalt  }
0x81: {  	_ =	shalt  }
0x82: {  	_ =	shalt  }
0x83: {  	_ =	shalt  }
0x84: {  	_ =	shalt  }
0x85: {  	_ =	shalt  }
0x86: {  	_ =	shalt  }
0x87: {  	_ =	shalt  }
.Lfunc_end0:
.L_simem_size_0:
called_computation_lowered:
.L_overlay_start_0:
0x88: {  	s2 =	sld [smem:$0x3FD9]  }
0x89: {  	s3 =	sld [smem:$0x3FFE];
	_ =	sdelay $0x1  }
0x8a: {  	s1 =	srdreg.scid  }
0x8b: {  	s0 =	sand.u32 $0x1, s1  }
0x8c: {  	s17 =	sshll.u32 s0, $0xA;
	s2 =	sadd.s32 s3, s2  }
0x8d: {  	s2 =	sadd.s32 s2, s17  }
0x8e: {  	[smem:$0x3FC4] =	sst s2  }
0x8f: {  	_ = 	snop  }
0x90: {  	s2 =	sld [smem:$0x3FC7]  }
0x91: {  	s18 =	sld [smem:$0x3FC6]  }
0x92: {  	s4 =	sld [smem:$0x3FD0];
	(tm) =	ssettm $0x1  }
0x93: {  	s5 =	sld [smem:$0x3FFB];
	_ =	sdelay $0x3  }
0x94: {  	_ =	strace s5  }
0x95: {  	s5 =	sld [smem:$0x3FFC];
	_ =	sdelay $0x3  }
0x96: {  	_ =	strace s5  }
0x97: {  	s5 =	sld [smem:$0x3FFD];
	_ =	sdelay $0x3  }
0x98: {  	_ =	strace s5  }
0x99: {  	_ =	strace $0x8FFFFFFF  }
0x9a: {  	s19 =	sld [smem:$0x3FDB];
	_ =	sdelay $0x1  }
0x9b: {  	s6 =	simm.s32 $_scs_section_size  }
0x9c: {  	s7 =	simm.s32 $_size__tile_overlayer_lowered;
	s8 =	simm.s32 $_tile_overlayer_lowered  }
0x9d: {  	s22 =	simm.s32 $0x1BFF;
	s21 =	sshll.u32 s8, $0x1;
	s5 =	sadd.s32 s6, s19  }
0x9e: {  	s9 =	simm.s32 $0x0;
	s20 =	sshll.u32 s7, $0x1;
	s7 =	sadd.s32 s21, s5  }
0x9f: {  	[timem:s9], [sflag:s22] =	dma.local [hbm:s7], s20  }
0xa0: {  	_ =	swait.ge [sflag:s22], s20  }
0xa1: {  	s6 =	ssub.s32 $0x0, s20;
	[sflag:s22] =	ssyncset.done $0x0  }
0xa2: {  	[sflag:s22] =	ssyncadd.s32 s6;
	_ =	sdelay $0x1  }
0xa3: {  	s23 =	simm.s32 $0x1B8B  }
0xa4: {  	_ =	swait.ge [sflag:s23], $0x1  }
0xa5: {  	[sflag:s23] =	ssyncset.done $0x0  }
0xa6: {  	s25 =	simm.s32 $0x1B8E;
	s24 =	sld [smem:$0x3FFE];
	[sflag:s23] =	ssyncadd.s32 $0xFFFFFFFF  }
0xa7: {  	s26 =	simm.s32 $execute0_lowered;
	[smem:$0x3FD2] =	sst s25  }
0xa8: {  	s7 =	sshll.u32 s26, $0x1;
	_ =	strace $0x80000046;
	[dreg:$0x1] =	wrdreg $0xFFFFFFFF  }
0xa9: {  	s28 =	simm.s32 $_size_execute0_lowered;
	s5 =	sadd.s32 s5, s7;
	[dreg:$0x0] =	wrdreg $0x0  }
0xaa: {  	s7 =	sshll.u32 s28, $0x1;
	[dreg:$0x2] =	wrdreg s5  }
0xab: {  	[dreg:$0x3] =	wrdreg s7  }
0xac: {  	[dreg:$0x4] =	wrdreg $0xC0  }
0xad: {  	_ =	task [dreg:s9], $0x5FFFF  }
0xae: {  	[dreg:$0x1] =	wrdreg $0xFFFFFFFF  }
0xaf: {  	[dreg:$0x0] =	wrdreg $0x60  }
0xb0: {  	[dreg:$0x2] =	wrdreg s24  }
0xb1: {  	[dreg:$0x3] =	wrdreg s2  }
0xb2: {  	[dreg:$0x4] =	wrdreg s18  }
0xb3: {  	[dreg:$0x5] =	wrdreg s4  }
0xb4: {  	[dreg:$0x6] =	wrdreg $0x9  }
0xb5: {  	_ =	task.clear_ibuf [dreg:s9], $0x7FFFF;
	_ =	strace $0x90000046  }
0xb6: {  	s29 =	simm.s32 $0x9;
	_ =	strace $0x80000048  }
0xb7: {  	_ =	swait.ge [sflag:s29], $0x1  }
0xb8: {  	[sflag:s29] =	ssyncadd.s32 $0xFFFFFFFF  }
0xb9: {  	_ =	strace $0x90000048  }
0xba: {  	_ =	sfence  }
0xbb: {  	s30 =	sld [smem:$0x0];
	_ =	sdelay $0x2  }
0xbc: {  	s31 =	sshll.u32 s1, $0xD;
	s1 =	sshrl.u32 s1, $0x2  }
0xbd: {  	s3 =	sand.u32 $0x4000, s31;
	s1 =	sadd.s32 s1, s30  }
0xbe: {  	s0 =	sor.u32 s3, s0;
	s1 =	sshll.u32 s1, $0x11  }
0xbf: {  	s0 =	sor.u32 s1, s0  }
0xc0: {  	s0 =	sadd.s32 $0x8F2B, s0  }
0xc1: {  	[sflag:s0] =	ssyncadd.remote.s32 $0x1  }
0xc2: {  	_ =	sfence.sel $0xFFFF  }
0xc3: {  	[dreg:$0x0] =	wrdreg $0xFFFFFFFF;
	(pc) =	sbr.abs _section_cstart, $3  }
0xc4: {  	[dreg:$0x1] =	wrdreg $0xFFFFFFFF  }
0xc5: {  	_ =	task.clear_ibuf [dreg:s9], $0x2FFFF;
	_ =	strace $0x9FFFFFFF  }
0xc6: {  	(tm) =	ssettm $0x7FFFFFFF  }
0xc7: {  	_ =	shalt  }
tec
execute0_lowered:
.L_overlay_start_1:
0x0: {  	(tag) =	ssettag $0x1  }
0x1: {  	s0 =	rddreg [dreg:$0x0]  }
0x2: {  	s2 =	srdreg.scid;
	s9 =	rddreg [dreg:$0x1]  }
0x3: {  	s6 =	stileid.u32;
	s3 =	rddreg [dreg:$0x2]  }
0x4: {  	s5 =	rddreg [dreg:$0x3];
	s8 =	simm.s32 $0x0;
	s10 =	simm.s32 $0x400  }
0x5: {  	s13 =	simm.s32 $0x7A1400;
	s22 =	simm.s32 $0x8400;
	s1 =	simm.s32 $0x3400  }
0x6: {  	s28 =	simm.s32 $0xB400;
	s29 =	simm.s32 $0x4400;
	s31 =	simm.s32 $0xC400  }
0x7: {  	v0 =	vlaneseq.u32;
	s30 =	simm.s32 $0x2;
	s2 =	sand.u32 $0x1, s2;
	s4 =	sshll.u32 s6, $0x1  }
0x8: {  	s6 =	sshll.u32 s6, $0x7;
	[smem:$0x7FF] =	sst s8;
	v0 =	vmul.u32 $0x80, v0;
	s4 =	sor.u32 s2, s4  }
0x9: {  	s2 =	ssub.s32 $0x2, s2;
	_ =	strace $0x80000047;
	s7 =	sshll.u32 s4, $0x4  }
0xa: {  	s23 =	sshrl.u32 s2, $0x1;
	s26 =	sshll.u32 s4, $0x6;
	v1 =	vor.u32 $0x800, v0;
	s6 =	sor.u32 s6, s7  }
0xb: {  	v2 =	vor.u32 $0x1, v0;
	v3 =	vor.u32 $0x2, v0;
	v4 =	vor.u32 $0x3, v0;
	s24 =	ssub.s32 s2, s23;
	s2 =	sadd.s32 s5, s26;
	s6 =	sand.u32 $0x670, s6  }
0xc: {  	v5 =	vor.u32 $0x4, v0;
	v6 =	vor.u32 $0x5, v0;
	v7 =	vor.u32 $0x6, v0;
	s4 =	simm.s32 $0x0;
	[dreg:$0x7] =	wrdreg s2;
	s6 =	sadd.s32 s0, s6  }
0xd: {  	v8 =	vor.u32 $0x7, v0;
	v9 =	vor.u32 $0x8, v0;
	v10 =	vor.u32 $0x9, v0;
	s23 =	simm.s32 $0x1400;
	s0 =	smax.u32 s24, $0x1;
	[dreg:$0x5] =	wrdreg s6  }
0xe: {  	v11 =	vor.u32 $0xA, v0;
	v12 =	vor.u32 $0xB, v0;
	v13 =	vor.u32 $0xC, v0;
	s26 =	simm.s32 $0xA400;
	s25 =	sadd.s32 $0x800, s6;
	[dreg:$0x8] =	wrdreg s0  }
0xf: {  	v14 =	vor.u32 $0xD, v0;
	v15 =	vor.u32 $0xE, v0;
	v16 =	vor.u32 $0xF, v0;
	s24 =	simm.s32 $0x9400;
	[dreg:$0x6] =	wrdreg s25;
	s25 =	simm.s32 $0x2400  }
.LBB2_1:
0x10: {  	[dreg:$0x9] =	wrdreg s4  }
0x11: {  	s0 =	rddreg [dreg:$0x5];
	s2 =	simm.s32 $0x80  }
0x12: {  	[tilespmem:s8], [sflag:$0x1] =	stream.strided.gather [hbm4b:s0+s2], $0x200, s10, s2, $0x38;
	[tilespmem:$0x10E00] =	vst v63  }
0x13: {  	s19 =	rddreg [dreg:$0x6];
	s20 =	simm.s32 $0x200;
	s21 =	simm.s32 $0x1  }
0x14: {  	[tilespmem:s20], [sflag:$0x1] =	stream.strided.gather [hbm4b:s19+s2], $0x200, s10, s2, $0x38;
	[tilespmem:$0x10E00] =	vst v63  }
0x15: {  	_ =	swait.ge [sflag:s21], $0x200  }
0x16: {  	[sflag:s21] =	ssyncset.done $0x0  }
0x17: {  	[sflag:s21] =	ssyncadd.s32 $0xFFFFFE00  }
0x18: {  	_ =	swait.ge [sflag:s21], $0x200  }
0x19: {  	[sflag:s21] =	ssyncset.done $0x0  }
0x1a: {  	s0 =	simm.s32 $0x0;
	s2 =	simm.s32 $0xF400;
	[sflag:s21] =	ssyncadd.s32 $0xFFFFFE00  }
.LBB2_2:
0x1b: {  	s8 =	sshra.s32 s0, $0x2  }
0x1c: {  	v18 =	vld [tilespmem:s8+$0x0];
	_ =	sdelay $0x1  }
0x1d: {  	v17 =	vld [tilespmem:s8+$0x200];
	_ =	sdelay $0x2  }
0x1e: {  	(v2sf) =	vpush v18, $0x0;
	_ =	sdelay $0x1  }
0x1f: {  	(v2sf) =	vpush v17, $0x0;
	_ =	sdelay $0xc  }
0x20: {  	s4 =	spop (v2sf)  }
0x21: {  	s11 =	sshra.s32 s4, $0x1F  }
0x22: {  	[dreg:$0xa] =	wrdreg s0;
	(v2sf) =	vpush v18, $0x1;
	s5 =	spop (v2sf);
	s0 =	sshrl.u32 s11, $0x19  }
0x23: {  	s7 =	sshra.s32 s5, $0x1F;
	s0 =	sadd.s32 s0, s4  }
0x24: {  	[dreg:$0xb] =	wrdreg s8;
	(v2sf) =	vpush v17, $0x1;
	s7 =	sshrl.u32 s7, $0x19;
	s6 =	sand.u32 $0xFFFFFF80, s0  }
0x25: {  	p0 =	slt.s32 s4, $0x1;
	s12 =	sadd.s32 s7, s5;
	p1 =	sne.s32 s4, s6  }
0x26: {  	s8 =	simm.s32 $0x1;
	s7 =	sand.u32 $0xFFFFFF80, s12;
	p0 =	por !p0, !p1  }
0x27: {  	p3 =	slt.s32 s5, $0x1;
	p4 =	sne.s32 s5, s7;
	p0 =	por !p0, !p0  }
0x28: {  	s0 =	sshrl.u32 s0, $0x7;
	s8 =	simm.s32 @!p0 $0x0;
	p0 =	por !p3, !p4  }
0x29: {  	s7 =	simm.s32 $0x1;
	s0 =	ssub.s32 s0, s8;
	p0 =	por !p0, !p0  }
0x2a: {  	s6 =	sshrl.u32 s12, $0x7;
	s0 =	sshll.u32 s0, $0x7;
	s7 =	simm.s32 @!p0 $0x0  }
0x2b: {  	s0 =	sand.u32 $0x1FFFFF80, s0;
	s6 =	ssub.s32 s6, s7  }
0x2c: {  	s0 =	sadd.s32 s9, s0;
	s14 =	sshll.u32 s6, $0x7  }
0x2d: {  	[tilespmem:s10], [sflag:$0x2] =	stream.strided.gather [hbm4b:s0+s10], $0x1000, s13, s10, $0x38;
	[tilespmem:$0x10E00] =	vst v63  }
0x2e: {  	s0 =	sand.u32 $0x1FFFFF80, s14  }
0x2f: {  	s0 =	sadd.s32 s3, s0  }
0x30: {  	[tilespmem:s22], [sflag:$0x2] =	stream.strided.gather [hbm4b:s0+s10], $0x1000, s13, s10, $0x38;
	[tilespmem:$0x10E00] =	vst v63  }
0x31: {  	s6 =	spop (v2sf)  }
0x32: {  	s15 =	sshra.s32 s6, $0x1F  }
0x33: {  	(v2sf) =	vpush v18, $0x2;
	s11 =	spop (v2sf);
	s0 =	sshrl.u32 s15, $0x19  }
0x34: {  	s17 =	sshra.s32 s11, $0x1F;
	s0 =	sadd.s32 s0, s6  }
0x35: {  	(v2sf) =	vpush v17, $0x2;
	s8 =	sshrl.u32 s17, $0x19;
	s16 =	sand.u32 $0xFFFFFF80, s0  }
0x36: {  	p5 =	slt.s32 s6, $0x1;
	s18 =	sadd.s32 s8, s11;
	p6 =	sne.s32 s6, s16  }
0x37: {  	s12 =	simm.s32 $0x1;
	s8 =	sand.u32 $0xFFFFFF80, s18;
	p0 =	por !p5, !p6  }
0x38: {  	p2 =	slt.s32 s11, $0x1;
	p3 =	sne.s32 s11, s8;
	p0 =	por !p0, !p0  }
0x39: {  	s0 =	sshrl.u32 s0, $0x7;
	s12 =	simm.s32 @!p0 $0x0;
	p0 =	por !p2, !p3  }
0x3a: {  	s8 =	simm.s32 $0x1;
	s0 =	ssub.s32 s0, s12;
	p0 =	por !p0, !p0  }
0x3b: {  	s7 =	sshrl.u32 s18, $0x7;
	s0 =	sshll.u32 s0, $0x7;
	s8 =	simm.s32 @!p0 $0x0  }
0x3c: {  	s0 =	sand.u32 $0x1FFFFF80, s0;
	s7 =	ssub.s32 s7, s8  }
0x3d: {  	s0 =	sadd.s32 s9, s0;
	s19 =	sshll.u32 s7, $0x7  }
0x3e: {  	[tilespmem:s23], [sflag:$0x2] =	stream.strided.gather [hbm4b:s0+s10], $0x1000, s13, s10, $0x38;
	[tilespmem:$0x10E00] =	vst v63  }
0x3f: {  	s0 =	sand.u32 $0x1FFFFF80, s19  }
0x40: {  	s0 =	sadd.s32 s3, s0  }
0x41: {  	[tilespmem:s24], [sflag:$0x2] =	stream.strided.gather [hbm4b:s0+s10], $0x1000, s13, s10, $0x38;
	[tilespmem:$0x10E00] =	vst v63  }
0x42: {  	s14 =	spop (v2sf)  }
0x43: {  	s20 =	sshra.s32 s14, $0x1F  }
0x44: {  	(v2sf) =	vpush v18, $0x3;
	s17 =	spop (v2sf);
	s0 =	sshrl.u32 s20, $0x19  }
0x45: {  	s22 =	sshra.s32 s17, $0x1F;
	s0 =	sadd.s32 s0, s14  }
0x46: {  	(v2sf) =	vpush v17, $0x3;
	s8 =	sshrl.u32 s22, $0x19;
	s21 =	sand.u32 $0xFFFFFF80, s0  }
0x47: {  	p4 =	slt.s32 s14, $0x1;
	s23 =	sadd.s32 s8, s17;
	p5 =	sne.s32 s14, s21  }
0x48: {  	s12 =	simm.s32 $0x1;
	s8 =	sand.u32 $0xFFFFFF80, s23;
	p0 =	por !p4, !p5  }
0x49: {  	p6 =	slt.s32 s17, $0x1;
	p2 =	sne.s32 s17, s8;
	p0 =	por !p0, !p0  }
0x4a: {  	s0 =	sshrl.u32 s0, $0x7;
	s12 =	simm.s32 @!p0 $0x0;
	p0 =	por !p6, !p2  }
0x4b: {  	s8 =	simm.s32 $0x1;
	s0 =	ssub.s32 s0, s12;
	p0 =	por !p0, !p0  }
0x4c: {  	s7 =	sshrl.u32 s23, $0x7;
	s0 =	sshll.u32 s0, $0x7;
	s8 =	simm.s32 @!p0 $0x0  }
0x4d: {  	s0 =	sand.u32 $0x1FFFFF80, s0;
	s7 =	ssub.s32 s7, s8  }
0x4e: {  	s0 =	sadd.s32 s9, s0;
	s24 =	sshll.u32 s7, $0x7  }
0x4f: {  	[tilespmem:s25], [sflag:$0x2] =	stream.strided.gather [hbm4b:s0+s10], $0x1000, s13, s10, $0x38;
	[tilespmem:$0x10E00] =	vst v63  }
0x50: {  	s0 =	sand.u32 $0x1FFFFF80, s24  }
0x51: {  	s0 =	sadd.s32 s3, s0  }
0x52: {  	[tilespmem:s26], [sflag:$0x2] =	stream.strided.gather [hbm4b:s0+s10], $0x1000, s13, s10, $0x38;
	[tilespmem:$0x10E00] =	vst v63  }
0x53: {  	s20 =	spop (v2sf)  }
0x54: {  	s25 =	sshra.s32 s20, $0x1F  }
0x55: {  	(v2sf) =	vpush v18, $0x4;
	s21 =	spop (v2sf);
	s0 =	sshrl.u32 s25, $0x19  }
0x56: {  	s12 =	sshra.s32 s21, $0x1F;
	s0 =	sadd.s32 s0, s20  }
0x57: {  	(v2sf) =	vpush v17, $0x4;
	s8 =	sshrl.u32 s12, $0x19;
	s26 =	sand.u32 $0xFFFFFF80, s0  }
0x58: {  	p3 =	slt.s32 s20, $0x1;
	s15 =	sadd.s32 s8, s21;
	p4 =	sne.s32 s20, s26  }
0x59: {  	p5 =	slt.s32 s21, $0x1;
	s8 =	sand.u32 $0xFFFFFF80, s15;
	p0 =	por !p3, !p4  }
0x5a: {  	s12 =	simm.s32 $0x1;
	p6 =	sne.s32 s21, s8;
	p0 =	por !p0, !p0  }
0x5b: {  	s0 =	sshrl.u32 s0, $0x7;
	s12 =	simm.s32 @!p0 $0x0;
	p0 =	por !p5, !p6  }
0x5c: {  	s8 =	simm.s32 $0x1;
	s0 =	ssub.s32 s0, s12;
	p0 =	por !p0, !p0  }
0x5d: {  	s7 =	sshrl.u32 s15, $0x7;
	s0 =	sshll.u32 s0, $0x7;
	s8 =	simm.s32 @!p0 $0x0  }
0x5e: {  	s0 =	sand.u32 $0x1FFFFF80, s0;
	s7 =	ssub.s32 s7, s8  }
0x5f: {  	s0 =	sadd.s32 s9, s0;
	s16 =	sshll.u32 s7, $0x7  }
0x60: {  	[tilespmem:s1], [sflag:$0x2] =	stream.strided.gather [hbm4b:s0+s10], $0x1000, s13, s10, $0x38;
	[tilespmem:$0x10E00] =	vst v63  }
0x61: {  	s0 =	sand.u32 $0x1FFFFF80, s16  }
0x62: {  	s0 =	sadd.s32 s3, s0  }
0x63: {  	[tilespmem:s28], [sflag:$0x2] =	stream.strided.gather [hbm4b:s0+s10], $0x1000, s13, s10, $0x38;
	[tilespmem:$0x10E00] =	vst v63  }
0x64: {  	s7 =	spop (v2sf)  }
0x65: {  	s18 =	sshra.s32 s7, $0x1F  }
0x66: {  	(v2sf) =	vpush v18, $0x5;
	s8 =	spop (v2sf);
	s0 =	sshrl.u32 s18, $0x19  }
0x67: {  	s15 =	sshra.s32 s8, $0x1F;
	s0 =	sadd.s32 s0, s7  }
0x68: {  	s15 =	sshrl.u32 s15, $0x19;
	s19 =	sand.u32 $0xFFFFFF80, s0  }
0x69: {  	p1 =	slt.s32 s7, $0x1;
	(v2sf) =	vpush v17, $0x5;
	s22 =	sadd.s32 s15, s8;
	p2 =	sne.s32 s7, s19  }
0x6a: {  	s16 =	simm.s32 $0x1;
	s15 =	sand.u32 $0xFFFFFF80, s22;
	p0 =	por !p1, !p2  }
0x6b: {  	p3 =	slt.s32 s8, $0x1;
	p4 =	sne.s32 s8, s15;
	p0 =	por !p0, !p0  }
0x6c: {  	s0 =	sshrl.u32 s0, $0x7;
	s16 =	simm.s32 @!p0 $0x0;
	p0 =	por !p3, !p4  }
0x6d: {  	s15 =	simm.s32 $0x1;
	s0 =	ssub.s32 s0, s16;
	p0 =	por !p0, !p0  }
0x6e: {  	s12 =	sshrl.u32 s22, $0x7;
	s0 =	sshll.u32 s0, $0x7;
	s15 =	simm.s32 @!p0 $0x0  }
0x6f: {  	s0 =	sand.u32 $0x1FFFFF80, s0;
	s12 =	ssub.s32 s12, s15  }
0x70: {  	s0 =	sadd.s32 s9, s0;
	s23 =	sshll.u32 s12, $0x7  }
0x71: {  	[tilespmem:s29], [sflag:$0x2] =	stream.strided.gather [hbm4b:s0+s10], $0x1000, s13, s10, $0x38;
	[tilespmem:$0x10E00] =	vst v63  }
0x72: {  	s0 =	sand.u32 $0x1FFFFF80, s23  }
0x73: {  	s0 =	sadd.s32 s3, s0  }
0x74: {  	[tilespmem:s31], [sflag:$0x2] =	stream.strided.gather [hbm4b:s0+s10], $0x1000, s13, s10, $0x38;
	[tilespmem:$0x10E00] =	vst v63  }
0x75: {  	s0 =	spop (v2sf)  }
0x76: {  	s24 =	sshra.s32 s0, $0x1F  }
0x77: {  	s12 =	sshrl.u32 s24, $0x19  }
0x78: {  	(v2sf) =	vpush v18, $0x6;
	s25 =	sadd.s32 s12, s0;
	s12 =	spop (v2sf)  }
0x79: {  	s26 =	sand.u32 $0xFFFFFF80, s25;
	s18 =	sshra.s32 s12, $0x1F  }
0x7a: {  	p5 =	slt.s32 s0, $0x1;
	s18 =	sshrl.u32 s18, $0x19;
	p6 =	sne.s32 s0, s26  }
0x7b: {  	s19 =	simm.s32 $0x1;
	(v2sf) =	vpush v17, $0x6;
	s1 =	sadd.s32 s18, s12;
	p0 =	por !p5, !p6  }
0x7c: {  	s15 =	sshrl.u32 s25, $0x7;
	s18 =	sand.u32 $0xFFFFFF80, s1;
	p0 =	por !p0, !p0  }
0x7d: {  	p2 =	slt.s32 s12, $0x1;
	s19 =	simm.s32 @!p0 $0x0;
	p3 =	sne.s32 s12, s18  }
0x7e: {  	p0 =	por !p2, !p3;
	s15 =	ssub.s32 s15, s19  }
0x7f: {  	s18 =	simm.s32 $0x1;
	p0 =	por !p0, !p0;
	s15 =	sshll.u32 s15, $0x7  }
0x80: {  	s16 =	sshrl.u32 s1, $0x7;
	s18 =	simm.s32 @!p0 $0x0;
	s15 =	sand.u32 $0x1FFFFF80, s15  }
0x81: {  	s22 =	simm.s32 $0x5400;
	s16 =	ssub.s32 s16, s18;
	s15 =	sadd.s32 s9, s15  }
0x82: {  	[tilespmem:s22], [sflag:$0x2] =	stream.strided.gather [hbm4b:s15+s10], $0x1000, s13, s10, $0x38;
	[tilespmem:$0x10E00] =	vst v63  }
0x83: {  	s23 =	sshll.u32 s16, $0x7  }
0x84: {  	s15 =	sand.u32 $0x1FFFFF80, s23  }
0x85: {  	s24 =	simm.s32 $0xD400;
	s15 =	sadd.s32 s3, s15  }
0x86: {  	[tilespmem:s24], [sflag:$0x2] =	stream.strided.gather [hbm4b:s15+s10], $0x1000, s13, s10, $0x38;
	[tilespmem:$0x10E00] =	vst v63  }
0x87: {  	s15 =	spop (v2sf)  }
0x88: {  	(v2sf) =	vpush v18, $0x7;
	s25 =	sshra.s32 s15, $0x1F  }
0x89: {  	s16 =	sshrl.u32 s25, $0x19  }
0x8a: {  	s26 =	sadd.s32 s16, s15;
	s16 =	spop (v2sf)  }
0x8b: {  	(v2sf) =	vpush v17, $0x7;
	s1 =	sand.u32 $0xFFFFFF80, s26;
	s23 =	sshra.s32 s16, $0x1F  }
0x8c: {  	p4 =	slt.s32 s15, $0x1;
	s22 =	sshrl.u32 s23, $0x19;
	p5 =	sne.s32 s15, s1  }
0x8d: {  	s18 =	sshrl.u32 s26, $0x7;
	s24 =	sadd.s32 s22, s16;
	p0 =	por !p4, !p5  }
0x8e: {  	s23 =	simm.s32 $0x1;
	s22 =	sand.u32 $0xFFFFFF80, s24;
	p0 =	por !p0, !p0  }
0x8f: {  	p6 =	slt.s32 s16, $0x1;
	s23 =	simm.s32 @!p0 $0x0;
	p2 =	sne.s32 s16, s22  }
0x90: {  	p0 =	por !p6, !p2;
	s18 =	ssub.s32 s18, s23  }
0x91: {  	s22 =	simm.s32 $0x1;
	p0 =	por !p0, !p0;
	s18 =	sshll.u32 s18, $0x7  }
0x92: {  	s19 =	sshrl.u32 s24, $0x7;
	s22 =	simm.s32 @!p0 $0x0;
	s18 =	sand.u32 $0x1FFFFF80, s18  }
0x93: {  	s24 =	simm.s32 $0x6400;
	s19 =	ssub.s32 s19, s22;
	s18 =	sadd.s32 s9, s18  }
0x94: {  	[tilespmem:s24], [sflag:$0x2] =	stream.strided.gather [hbm4b:s18+s10], $0x1000, s13, s10, $0x38;
	[tilespmem:$0x10E00] =	vst v63  }
0x95: {  	s23 =	sshll.u32 s19, $0x7  }
0x96: {  	s18 =	sand.u32 $0x1FFFFF80, s23  }
0x97: {  	s24 =	simm.s32 $0xE400;
	s18 =	sadd.s32 s3, s18;
	s19 =	spop (v2sf)  }
0x98: {  	[tilespmem:s24], [sflag:$0x2] =	stream.strided.gather [hbm4b:s18+s10], $0x1000, s13, s10, $0x38;
	[tilespmem:$0x10E00] =	vst v63  }
0x99: {  	s22 =	sshra.s32 s19, $0x1F  }
0x9a: {  	s23 =	sshrl.u32 s22, $0x19;
	s18 =	spop (v2sf)  }
0x9b: {  	s22 =	sadd.s32 s23, s19;
	s23 =	sshra.s32 s18, $0x1F  }
0x9c: {  	s24 =	sand.u32 $0xFFFFFF80, s22;
	s23 =	sshrl.u32 s23, $0x19  }
0x9d: {  	p3 =	slt.s32 s19, $0x1;
	p4 =	sne.s32 s19, s24;
	s23 =	sadd.s32 s23, s18  }
0x9e: {  	p0 =	por !p3, !p4;
	s24 =	sand.u32 $0xFFFFFF80, s23  }
0x9f: {  	p0 =	por !p0, !p0;
	p5 =	sne.s32 s18, s24;
	s24 =	simm.s32 $0x1  }
0xa0: {  	s22 =	sshrl.u32 s22, $0x7;
	p6 =	slt.s32 s18, $0x1;
	s24 =	simm.s32 @!p0 $0x0  }
0xa1: {  	p0 =	por !p6, !p5;
	s22 =	ssub.s32 s22, s24  }
0xa2: {  	p0 =	por !p0, !p0;
	s24 =	simm.s32 $0x1;
	s22 =	sshll.u32 s22, $0x7  }
0xa3: {  	s23 =	sshrl.u32 s23, $0x7;
	s24 =	simm.s32 @!p0 $0x0;
	s22 =	sand.u32 $0x1FFFFF80, s22  }
0xa4: {  	s23 =	ssub.s32 s23, s24;
	s24 =	simm.s32 $0x7400;
	s22 =	sadd.s32 s9, s22  }
0xa5: {  	[tilespmem:s24], [sflag:$0x2] =	stream.strided.gather [hbm4b:s22+s10], $0x1000, s13, s10, $0x38;
	[tilespmem:$0x10E00] =	vst v63  }
0xa6: {  	s24 =	sshll.u32 s23, $0x7  }
0xa7: {  	s22 =	sand.u32 $0x1FFFFF80, s24  }
0xa8: {  	s22 =	sadd.s32 s3, s22  }
0xa9: {  	[tilespmem:s2], [sflag:$0x2] =	stream.strided.gather [hbm4b:s22+s10], $0x1000, s13, s10, $0x38;
	[tilespmem:$0x10E00] =	vst v63  }
0xaa: {  	_ =	swait.ge [sflag:s30], $0x1000  }
0xab: {  	[sflag:s30] =	ssyncset.done $0x0  }
0xac: {  	[sflag:s30] =	ssyncadd.s32 $0xFFFFF000  }
0xad: {  	_ =	swait.ge [sflag:s30], $0x1000  }
0xae: {  	[sflag:s30] =	ssyncset.done $0x0  }
0xaf: {  	[sflag:s30] =	ssyncadd.s32 $0xFFFFF000  }
0xb0: {  	_ =	swait.ge [sflag:s30], $0x1000  }
0xb1: {  	[sflag:s30] =	ssyncset.done $0x0  }
0xb2: {  	[sflag:s30] =	ssyncadd.s32 $0xFFFFF000  }
0xb3: {  	_ =	swait.ge [sflag:s30], $0x1000  }
0xb4: {  	[sflag:s30] =	ssyncset.done $0x0  }
0xb5: {  	[sflag:s30] =	ssyncadd.s32 $0xFFFFF000  }
0xb6: {  	_ =	swait.ge [sflag:s30], $0x1000  }
0xb7: {  	[sflag:s30] =	ssyncset.done $0x0  }
0xb8: {  	[sflag:s30] =	ssyncadd.s32 $0xFFFFF000  }
0xb9: {  	_ =	swait.ge [sflag:s30], $0x1000  }
0xba: {  	[sflag:s30] =	ssyncset.done $0x0  }
0xbb: {  	[sflag:s30] =	ssyncadd.s32 $0xFFFFF000  }
0xbc: {  	s4 =	sand.u32 $0x7F, s4;
	_ =	swait.ge [sflag:s30], $0x1000  }
0xbd: {  	v19 =	vor.u32 s4, v0;
	[sflag:s30] =	ssyncset.done $0x0  }
0xbe: {  	s5 =	sand.u32 $0x7F, s5;
	v20 =	vor.u32 s4, v1;
	[sflag:s30] =	ssyncadd.s32 $0xFFFFF000  }
0xbf: {  	v21 =	vor.u32 s5, v0;
	_ =	swait.ge [sflag:s30], $0x1000  }
0xc0: {  	v22 =	vor.u32 s5, v1;
	[sflag:s30] =	ssyncset.done $0x0  }
0xc1: {  	[sflag:s30] =	ssyncadd.s32 $0xFFFFF000  }
0xc2: {  	v19 =	vld.idx.msk [tilespmem:v19+s10+$0x0], $0xffff  }
0xc3: {  	s25 =	simm.s32 $0x8400;
	v20 =	vld.idx.msk [tilespmem:v20+s10+$0x0], $0xffff  }
0xc4: {  	v21 =	vld.idx.msk [tilespmem:v21+s25+$0x0], $0xffff  }
0xc5: {  	v22 =	vld.idx.msk [tilespmem:v22+s25+$0x0], $0xffff;
	_ =	sdelay $0x3  }
0xc6: {  	s6 =	sand.u32 $0x7F, s6  }
0xc7: {  	v35 =	vor.u32 s6, v0;
	v19 =	vmul.f32 v21, v19;
	v20 =	vmul.f32 v22, v20  }
0xc8: {  	s11 =	sand.u32 $0x7F, s11;
	v36 =	vor.u32 s6, v1  }
0xc9: {  	v37 =	vor.u32 s11, v0;
	v19 =	vadd.f32 v20, v19  }
0xca: {  	v23 =	vor.u32 s11, v1;
	s22 =	simm.s32 $0x10400  }
0xcb: {  	s26 =	simm.s32 $0x1400;
	[tilespmem:v0+s22+$0x0] =	vst.idx.msk $0xffff, v19  }
0xcc: {  	v19 =	vld.idx.msk [tilespmem:v35+s26+$0x0], $0xffff  }
0xcd: {  	s28 =	simm.s32 $0x9400;
	v38 =	vld.idx.msk [tilespmem:v36+s26+$0x0], $0xffff  }
0xce: {  	v20 =	vld.idx.msk [tilespmem:v37+s28+$0x0], $0xffff  }
0xcf: {  	v39 =	vld.idx.msk [tilespmem:v23+s28+$0x0], $0xffff;
	_ =	sdelay $0x3  }
0xd0: {  	s23 =	sand.u32 $0x7F, s14  }
0xd1: {  	v41 =	vor.u32 s23, v0;
	v19 =	vmul.f32 v20, v19;
	v40 =	vmul.f32 v39, v38  }
0xd2: {  	s24 =	sand.u32 $0x7F, s17;
	v42 =	vor.u32 s23, v1  }
0xd3: {  	v43 =	vor.u32 s24, v0;
	(v2sf) =	vpush v18, $0x8;
	v19 =	vadd.f32 v40, v19  }
0xd4: {  	s6 =	simm.s32 $0x10400;
	v44 =	vor.u32 s24, v1  }
0xd5: {  	s29 =	simm.s32 $0x2400;
	[tilespmem:v2+s6+$0x0] =	vst.idx.msk $0xffff, v19  }
0xd6: {  	(v2sf) =	vpush v17, $0x8;
	v19 =	vld.idx.msk [tilespmem:v41+s29+$0x0], $0xffff  }
0xd7: {  	s1 =	simm.s32 $0xA400;
	v45 =	vld.idx.msk [tilespmem:v42+s29+$0x0], $0xffff  }
0xd8: {  	v20 =	vld.idx.msk [tilespmem:v43+s1+$0x0], $0xffff  }
0xd9: {  	v46 =	vld.idx.msk [tilespmem:v44+s1+$0x0], $0xffff;
	_ =	sdelay $0x3  }
0xda: {  	s11 =	sand.u32 $0x7F, s20  }
0xdb: {  	v48 =	vor.u32 s11, v0;
	v19 =	vmul.f32 v20, v19;
	v47 =	vmul.f32 v46, v45  }
0xdc: {  	v49 =	vor.u32 s11, v1;
	s14 =	sand.u32 $0x7F, s21  }
0xdd: {  	v50 =	vor.u32 s14, v0;
	v19 =	vadd.f32 v47, v19  }
0xde: {  	v51 =	vor.u32 s14, v1;
	s17 =	simm.s32 $0x10400  }
0xdf: {  	s4 =	spop (v2sf);
	(v2sf) =	vpush v18, $0x9;
	s1 =	simm.s32 $0x3400;
	[tilespmem:v3+s17+$0x0] =	vst.idx.msk $0xffff, v19  }
0xe0: {  	s20 =	sshra.s32 s4, $0x1F;
	v19 =	vld.idx.msk [tilespmem:v48+s1+$0x0], $0xffff  }
0xe1: {  	s31 =	simm.s32 $0xB400;
	s5 =	sshrl.u32 s20, $0x19;
	v52 =	vld.idx.msk [tilespmem:v49+s1+$0x0], $0xffff  }
0xe2: {  	s5 =	sadd.s32 s5, s4;
	s6 =	spop (v2sf);
	v20 =	vld.idx.msk [tilespmem:v50+s31+$0x0], $0xffff  }
0xe3: {  	s21 =	sand.u32 $0xFFFFFF80, s5;
	(v2sf) =	vpush v17, $0x9;
	s22 =	sshra.s32 s6, $0x1F;
	v53 =	vld.idx.msk [tilespmem:v51+s31+$0x0], $0xffff  }
0xe4: {  	p1 =	slt.s32 s4, $0x1;
	p2 =	sne.s32 s4, s21;
	s14 =	sshrl.u32 s22, $0x19  }
0xe5: {  	p0 =	por !p1, !p2;
	s23 =	sadd.s32 s14, s6  }
0xe6: {  	p0 =	por !p0, !p0;
	s14 =	sand.u32 $0xFFFFFF80, s23  }
0xe7: {  	p3 =	slt.s32 s6, $0x1;
	p4 =	sne.s32 s6, s14;
	s17 =	simm.s32 $0x1  }
0xe8: {  	s5 =	sshrl.u32 s5, $0x7;
	s17 =	simm.s32 @!p0 $0x0;
	p0 =	por !p3, !p4;
	v19 =	vmul.f32 v20, v19;
	v54 =	vmul.f32 v53, v52  }
0xe9: {  	s14 =	simm.s32 $0x1;
	s5 =	ssub.s32 s5, s17;
	p0 =	por !p0, !p0  }
0xea: {  	s11 =	sshrl.u32 s23, $0x7;
	s5 =	sshll.u32 s5, $0x7;
	s14 =	simm.s32 @!p0 $0x0;
	v19 =	vadd.f32 v54, v19  }
0xeb: {  	s24 =	simm.s32 $0x10400;
	s5 =	sand.u32 $0x1FFFFF80, s5;
	s11 =	ssub.s32 s11, s14  }
0xec: {  	s5 =	sadd.s32 s9, s5;
	s17 =	sshll.u32 s11, $0x7;
	[tilespmem:v4+s24+$0x0] =	vst.idx.msk $0xffff, v19  }
0xed: {  	[tilespmem:s10], [sflag:$0x2] =	stream.strided.gather [hbm4b:s5+s10], $0x1000, s13, s10, $0x38;
	[tilespmem:$0x10E00] =	vst v63  }
0xee: {  	s11 =	spop (v2sf);
	s5 =	sand.u32 $0x1FFFFF80, s17  }
0xef: {  	(v2sf) =	vpush v18, $0xA;
	s20 =	sshra.s32 s11, $0x1F;
	s5 =	sadd.s32 s3, s5  }
0xf0: {  	[tilespmem:s25], [sflag:$0x2] =	stream.strided.gather [hbm4b:s5+s10], $0x1000, s13, s10, $0x38;
	[tilespmem:$0x10E00] =	vst v63  }
0xf1: {  	s5 =	sshrl.u32 s20, $0x19  }
0xf2: {  	s21 =	sadd.s32 s5, s11;
	s5 =	spop (v2sf)  }
0xf3: {  	(v2sf) =	vpush v17, $0xA;
	s22 =	sand.u32 $0xFFFFFF80, s21;
	s23 =	sshra.s32 s5, $0x1F  }
0xf4: {  	p5 =	slt.s32 s11, $0x1;
	s20 =	sshrl.u32 s23, $0x19;
	p6 =	sne.s32 s11, s22  }
0xf5: {  	s14 =	sshrl.u32 s21, $0x7;
	s25 =	sadd.s32 s20, s5;
	p0 =	por !p5, !p6  }
0xf6: {  	s21 =	simm.s32 $0x1;
	s20 =	sand.u32 $0xFFFFFF80, s25;
	p0 =	por !p0, !p0  }
0xf7: {  	p2 =	slt.s32 s5, $0x1;
	s21 =	simm.s32 @!p0 $0x0;
	p3 =	sne.s32 s5, s20  }
0xf8: {  	p0 =	por !p2, !p3;
	s14 =	ssub.s32 s14, s21  }
0xf9: {  	s20 =	simm.s32 $0x1;
	p0 =	por !p0, !p0;
	s14 =	sshll.u32 s14, $0x7  }
0xfa: {  	s17 =	sshrl.u32 s25, $0x7;
	s20 =	simm.s32 @!p0 $0x0;
	s14 =	sand.u32 $0x1FFFFF80, s14  }
0xfb: {  	s17 =	ssub.s32 s17, s20;
	s14 =	sadd.s32 s9, s14  }
0xfc: {  	[tilespmem:s26], [sflag:$0x2] =	stream.strided.gather [hbm4b:s14+s10], $0x1000, s13, s10, $0x38;
	[tilespmem:$0x10E00] =	vst v63  }
0xfd: {  	s22 =	sshll.u32 s17, $0x7  }
0xfe: {  	s17 =	spop (v2sf);
	s14 =	sand.u32 $0x1FFFFF80, s22  }
0xff: {  	(v2sf) =	vpush v18, $0xB;
	s23 =	sshra.s32 s17, $0x1F;
	s14 =	sadd.s32 s3, s14  }
0x100: {  	[tilespmem:s28], [sflag:$0x2] =	stream.strided.gather [hbm4b:s14+s10], $0x1000, s13, s10, $0x38;
	[tilespmem:$0x10E00] =	vst v63  }
0x101: {  	s14 =	sshrl.u32 s23, $0x19  }
0x102: {  	s20 =	sadd.s32 s14, s17;
	s14 =	spop (v2sf)  }
0x103: {  	s25 =	sand.u32 $0xFFFFFF80, s20;
	(v2sf) =	vpush v17, $0xB;
	s23 =	sshra.s32 s14, $0x1F  }
0x104: {  	p4 =	slt.s32 s17, $0x1;
	p5 =	sne.s32 s17, s25;
	s22 =	sshrl.u32 s23, $0x19  }
0x105: {  	s20 =	sshrl.u32 s20, $0x7;
	p0 =	por !p4, !p5;
	s25 =	sadd.s32 s22, s14  }
0x106: {  	s23 =	simm.s32 $0x1;
	p0 =	por !p0, !p0;
	s22 =	sand.u32 $0xFFFFFF80, s25  }
0x107: {  	p6 =	slt.s32 s14, $0x1;
	s23 =	simm.s32 @!p0 $0x0;
	p2 =	sne.s32 s14, s22  }
0x108: {  	s20 =	ssub.s32 s20, s23;
	p0 =	por !p6, !p2  }
0x109: {  	s22 =	simm.s32 $0x1;
	s20 =	sshll.u32 s20, $0x7;
	p0 =	por !p0, !p0  }
0x10a: {  	s21 =	sshrl.u32 s25, $0x7;
	s20 =	sand.u32 $0x1FFFFF80, s20;
	s22 =	simm.s32 @!p0 $0x0  }
0x10b: {  	s24 =	simm.s32 $0x2400;
	s20 =	sadd.s32 s9, s20;
	s21 =	ssub.s32 s21, s22  }
0x10c: {  	[tilespmem:s24], [sflag:$0x2] =	stream.strided.gather [hbm4b:s20+s10], $0x1000, s13, s10, $0x38;
	[tilespmem:$0x10E00] =	vst v63  }
0x10d: {  	s21 =	sshll.u32 s21, $0x7  }
0x10e: {  	s20 =	sand.u32 $0x1FFFFF80, s21;
	s21 =	spop (v2sf)  }
0x10f: {  	s26 =	simm.s32 $0xA400;
	s20 =	sadd.s32 s3, s20;
	s22 =	sshra.s32 s21, $0x1F  }
0x110: {  	[tilespmem:s26], [sflag:$0x2] =	stream.strided.gather [hbm4b:s20+s10], $0x1000, s13, s10, $0x38;
	[tilespmem:$0x10E00] =	vst v63  }
0x111: {  	s23 =	sshrl.u32 s22, $0x19  }
0x112: {  	s22 =	sadd.s32 s23, s21;
	s20 =	spop (v2sf)  }
0x113: {  	s25 =	sand.u32 $0xFFFFFF80, s22;
	s24 =	sshra.s32 s20, $0x1F  }
0x114: {  	p3 =	slt.s32 s21, $0x1;
	p4 =	sne.s32 s21, s25;
	s23 =	sshrl.u32 s24, $0x19  }
0x115: {  	s22 =	sshrl.u32 s22, $0x7;
	p0 =	por !p3, !p4;
	s23 =	sadd.s32 s23, s20  }
0x116: {  	s24 =	simm.s32 $0x1;
	p0 =	por !p0, !p0;
	s25 =	sand.u32 $0xFFFFFF80, s23  }
0x117: {  	p6 =	slt.s32 s20, $0x1;
	s24 =	simm.s32 @!p0 $0x0;
	p5 =	sne.s32 s20, s25  }
0x118: {  	s22 =	ssub.s32 s22, s24;
	p0 =	por !p6, !p5  }
0x119: {  	s24 =	simm.s32 $0x1;
	s22 =	sshll.u32 s22, $0x7;
	p0 =	por !p0, !p0  }
0x11a: {  	s23 =	sshrl.u32 s23, $0x7;
	s22 =	sand.u32 $0x1FFFFF80, s22;
	s24 =	simm.s32 @!p0 $0x0  }
0x11b: {  	s22 =	sadd.s32 s9, s22;
	s23 =	ssub.s32 s23, s24  }
0x11c: {  	[tilespmem:s1], [sflag:$0x2] =	stream.strided.gather [hbm4b:s22+s10], $0x1000, s13, s10, $0x38;
	[tilespmem:$0x10E00] =	vst v63  }
0x11d: {  	s25 =	sshll.u32 s23, $0x7  }
0x11e: {  	s22 =	sand.u32 $0x1FFFFF80, s25  }
0x11f: {  	s28 =	simm.s32 $0xB400;
	s22 =	sadd.s32 s3, s22  }
0x120: {  	[tilespmem:s28], [sflag:$0x2] =	stream.strided.gather [hbm4b:s22+s10], $0x1000, s13, s10, $0x38;
	[tilespmem:$0x10E00] =	vst v63  }
0x121: {  	_ =	swait.ge [sflag:s30], $0x1000  }
0x122: {  	[sflag:s30] =	ssyncset.done $0x0  }
0x123: {  	[sflag:s30] =	ssyncadd.s32 $0xFFFFF000  }
0x124: {  	_ =	swait.ge [sflag:s30], $0x1000  }
0x125: {  	[sflag:s30] =	ssyncset.done $0x0  }
0x126: {  	[sflag:s30] =	ssyncadd.s32 $0xFFFFF000  }
0x127: {  	_ =	swait.ge [sflag:s30], $0x1000  }
0x128: {  	[sflag:s30] =	ssyncset.done $0x0  }
0x129: {  	[sflag:s30] =	ssyncadd.s32 $0xFFFFF000  }
0x12a: {  	_ =	swait.ge [sflag:s30], $0x1000  }
0x12b: {  	[sflag:s30] =	ssyncset.done $0x0  }
0x12c: {  	[sflag:s30] =	ssyncadd.s32 $0xFFFFF000  }
0x12d: {  	_ =	swait.ge [sflag:s30], $0x1000  }
0x12e: {  	[sflag:s30] =	ssyncset.done $0x0  }
0x12f: {  	[sflag:s30] =	ssyncadd.s32 $0xFFFFF000  }
0x130: {  	_ =	swait.ge [sflag:s30], $0x1000  }
0x131: {  	[sflag:s30] =	ssyncset.done $0x0  }
0x132: {  	[sflag:s30] =	ssyncadd.s32 $0xFFFFF000  }
0x133: {  	s7 =	sand.u32 $0x7F, s7;
	_ =	swait.ge [sflag:s30], $0x1000  }
0x134: {  	v19 =	vor.u32 s7, v0;
	[sflag:s30] =	ssyncset.done $0x0  }
0x135: {  	s8 =	sand.u32 $0x7F, s8;
	v55 =	vor.u32 s7, v1;
	[sflag:s30] =	ssyncadd.s32 $0xFFFFF000  }
0x136: {  	v56 =	vor.u32 s8, v0;
	_ =	swait.ge [sflag:s30], $0x1000  }
0x137: {  	v57 =	vor.u32 s8, v1;
	[sflag:s30] =	ssyncset.done $0x0  }
0x138: {  	s29 =	simm.s32 $0x4400;
	[sflag:s30] =	ssyncadd.s32 $0xFFFFF000  }
0x139: {  	v19 =	vld.idx.msk [tilespmem:v19+s29+$0x0], $0xffff  }
0x13a: {  	s31 =	simm.s32 $0xC400;
	v20 =	vld.idx.msk [tilespmem:v55+s29+$0x0], $0xffff  }
0x13b: {  	v21 =	vld.idx.msk [tilespmem:v56+s31+$0x0], $0xffff  }
0x13c: {  	v22 =	vld.idx.msk [tilespmem:v57+s31+$0x0], $0xffff;
	_ =	sdelay $0x3  }
0x13d: {  	s0 =	sand.u32 $0x7F, s0  }
0x13e: {  	v58 =	vor.u32 s0, v0;
	v19 =	vmul.f32 v21, v19;
	v20 =	vmul.f32 v22, v20  }
0x13f: {  	v59 =	vor.u32 s0, v1;
	s23 =	sand.u32 $0x7F, s12  }
0x140: {  	v60 =	vor.u32 s23, v0;
	v19 =	vadd.f32 v20, v19  }
0x141: {  	s24 =	simm.s32 $0x10400;
	v61 =	vor.u32 s23, v1  }
0x142: {  	s25 =	simm.s32 $0x5400;
	[tilespmem:v5+s24+$0x0] =	vst.idx.msk $0xffff, v19  }
0x143: {  	s7 =	simm.s32 $0x5400;
	v19 =	vld.idx.msk [tilespmem:v58+s25+$0x0], $0xffff  }
0x144: {  	s8 =	simm.s32 $0xD400;
	v62 =	vld.idx.msk [tilespmem:v59+s7+$0x0], $0xffff  }
0x145: {  	s12 =	simm.s32 $0xD400;
	v20 =	vld.idx.msk [tilespmem:v60+s8+$0x0], $0xffff  }
0x146: {  	v63 =	vld.idx.msk [tilespmem:v61+s12+$0x0], $0xffff;
	_ =	sdelay $0x3  }
0x147: {  	s15 =	sand.u32 $0x7F, s15  }
0x148: {  	v25 =	vor.u32 s15, v0;
	v19 =	vmul.f32 v20, v19;
	v24 =	vmul.f32 v63, v62  }
0x149: {  	v26 =	vor.u32 s15, v1;
	s22 =	sand.u32 $0x7F, s16  }
0x14a: {  	v27 =	vor.u32 s22, v0;
	(v2sf) =	vpush v18, $0xC;
	v19 =	vadd.f32 v24, v19  }
0x14b: {  	s23 =	simm.s32 $0x10400;
	v28 =	vor.u32 s22, v1  }
0x14c: {  	s24 =	simm.s32 $0x6400;
	[tilespmem:v6+s23+$0x0] =	vst.idx.msk $0xffff, v19  }
0x14d: {  	(v2sf) =	vpush v17, $0xC;
	s25 =	simm.s32 $0x6400;
	v19 =	vld.idx.msk [tilespmem:v25+s24+$0x0], $0xffff  }
0x14e: {  	s7 =	simm.s32 $0xE400;
	v29 =	vld.idx.msk [tilespmem:v26+s25+$0x0], $0xffff  }
0x14f: {  	s8 =	simm.s32 $0xE400;
	v20 =	vld.idx.msk [tilespmem:v27+s7+$0x0], $0xffff  }
0x150: {  	v30 =	vld.idx.msk [tilespmem:v28+s8+$0x0], $0xffff;
	_ =	sdelay $0x3  }
0x151: {  	s12 =	sand.u32 $0x7F, s19  }
0x152: {  	v32 =	vor.u32 s12, v0;
	v19 =	vmul.f32 v20, v19;
	v31 =	vmul.f32 v30, v29  }
0x153: {  	s15 =	sand.u32 $0x7F, s18;
	v33 =	vor.u32 s12, v1  }
0x154: {  	v34 =	vor.u32 s15, v0;
	v19 =	vadd.f32 v31, v19  }
0x155: {  	v35 =	vor.u32 s15, v1;
	s16 =	simm.s32 $0x10400  }
0x156: {  	s18 =	simm.s32 $0x7400;
	s0 =	spop (v2sf);
	(v2sf) =	vpush v18, $0xD;
	[tilespmem:v7+s16+$0x0] =	vst.idx.msk $0xffff, v19  }
0x157: {  	s19 =	simm.s32 $0x7400;
	s22 =	sshra.s32 s0, $0x1F;
	v19 =	vld.idx.msk [tilespmem:v32+s18+$0x0], $0xffff  }
0x158: {  	s7 =	sshrl.u32 s22, $0x19;
	v36 =	vld.idx.msk [tilespmem:v33+s19+$0x0], $0xffff  }
0x159: {  	s23 =	sadd.s32 s7, s0;
	s7 =	spop (v2sf);
	v20 =	vld.idx.msk [tilespmem:v34+s2+$0x0], $0xffff  }
0x15a: {  	(v2sf) =	vpush v17, $0xD;
	s25 =	sshra.s32 s7, $0x1F;
	v37 =	vld.idx.msk [tilespmem:v35+s2+$0x0], $0xffff  }
0x15b: {  	s24 =	sand.u32 $0xFFFFFF80, s23;
	s15 =	sshrl.u32 s25, $0x19  }
0x15c: {  	p1 =	slt.s32 s0, $0x1;
	p2 =	sne.s32 s0, s24;
	s2 =	sadd.s32 s15, s7  }
0x15d: {  	p3 =	slt.s32 s7, $0x1;
	p0 =	por !p1, !p2;
	s15 =	sand.u32 $0xFFFFFF80, s2  }
0x15e: {  	p0 =	por !p0, !p0;
	s16 =	simm.s32 $0x1;
	p4 =	sne.s32 s7, s15  }
0x15f: {  	s8 =	sshrl.u32 s23, $0x7;
	s16 =	simm.s32 @!p0 $0x0;
	p0 =	por !p3, !p4;
	v19 =	vmul.f32 v20, v19;
	v38 =	vmul.f32 v37, v36  }
0x160: {  	s8 =	ssub.s32 s8, s16;
	s15 =	simm.s32 $0x1;
	p0 =	por !p0, !p0  }
0x161: {  	s12 =	sshrl.u32 s2, $0x7;
	s8 =	sshll.u32 s8, $0x7;
	s15 =	simm.s32 @!p0 $0x0;
	v19 =	vadd.f32 v38, v19  }
0x162: {  	s16 =	simm.s32 $0x10400;
	s8 =	sand.u32 $0x1FFFFF80, s8;
	s12 =	ssub.s32 s12, s15  }
0x163: {  	s8 =	sadd.s32 s9, s8;
	s18 =	sshll.u32 s12, $0x7;
	[tilespmem:v8+s16+$0x0] =	vst.idx.msk $0xffff, v19  }
0x164: {  	[tilespmem:s29], [sflag:$0x2] =	stream.strided.gather [hbm4b:s8+s10], $0x1000, s13, s10, $0x38;
	[tilespmem:$0x10E00] =	vst v63  }
0x165: {  	s12 =	spop (v2sf);
	s8 =	sand.u32 $0x1FFFFF80, s18  }
0x166: {  	s19 =	sshra.s32 s12, $0x1F;
	s8 =	sadd.s32 s3, s8  }
0x167: {  	[tilespmem:s31], [sflag:$0x2] =	stream.strided.gather [hbm4b:s8+s10], $0x1000, s13, s10, $0x38;
	[tilespmem:$0x10E00] =	vst v63  }
0x168: {  	s8 =	sshrl.u32 s19, $0x19  }
0x169: {  	(v2sf) =	vpush v18, $0xE;
	s22 =	sadd.s32 s8, s12;
	s8 =	spop (v2sf)  }
0x16a: {  	s23 =	sand.u32 $0xFFFFFF80, s22;
	s24 =	sshra.s32 s8, $0x1F  }
0x16b: {  	p5 =	slt.s32 s12, $0x1;
	s18 =	sshrl.u32 s24, $0x19;
	p6 =	sne.s32 s12, s23  }
0x16c: {  	s19 =	simm.s32 $0x1;
	(v2sf) =	vpush v17, $0xE;
	s25 =	sadd.s32 s18, s8;
	p0 =	por !p5, !p6  }
0x16d: {  	s15 =	sshrl.u32 s22, $0x7;
	s18 =	sand.u32 $0xFFFFFF80, s25;
	p0 =	por !p0, !p0  }
0x16e: {  	p2 =	slt.s32 s8, $0x1;
	s19 =	simm.s32 @!p0 $0x0;
	p3 =	sne.s32 s8, s18  }
0x16f: {  	p0 =	por !p2, !p3;
	s15 =	ssub.s32 s15, s19  }
0x170: {  	s18 =	simm.s32 $0x1;
	p0 =	por !p0, !p0;
	s15 =	sshll.u32 s15, $0x7  }
0x171: {  	s16 =	sshrl.u32 s25, $0x7;
	s18 =	simm.s32 @!p0 $0x0;
	s15 =	sand.u32 $0x1FFFFF80, s15  }
0x172: {  	s2 =	simm.s32 $0x5400;
	s16 =	ssub.s32 s16, s18;
	s15 =	sadd.s32 s9, s15  }
0x173: {  	[tilespmem:s2], [sflag:$0x2] =	stream.strided.gather [hbm4b:s15+s10], $0x1000, s13, s10, $0x38;
	[tilespmem:$0x10E00] =	vst v63  }
0x174: {  	s18 =	sshll.u32 s16, $0x7  }
0x175: {  	s15 =	sand.u32 $0x1FFFFF80, s18  }
0x176: {  	s19 =	simm.s32 $0xD400;
	s15 =	sadd.s32 s3, s15  }
0x177: {  	[tilespmem:s19], [sflag:$0x2] =	stream.strided.gather [hbm4b:s15+s10], $0x1000, s13, s10, $0x38;
	[tilespmem:$0x10E00] =	vst v63  }
0x178: {  	s15 =	spop (v2sf)  }
0x179: {  	(v2sf) =	vpush v18, $0xF;
	s22 =	sshra.s32 s15, $0x1F  }
0x17a: {  	s16 =	sshrl.u32 s22, $0x19  }
0x17b: {  	s23 =	sadd.s32 s16, s15;
	s16 =	spop (v2sf)  }
0x17c: {  	s24 =	sand.u32 $0xFFFFFF80, s23;
	s25 =	sshra.s32 s16, $0x1F  }
0x17d: {  	p4 =	slt.s32 s15, $0x1;
	(v2sf) =	vpush v17, $0xF;
	s22 =	sshrl.u32 s25, $0x19;
	p5 =	sne.s32 s15, s24  }
0x17e: {  	s18 =	sshrl.u32 s23, $0x7;
	s2 =	sadd.s32 s22, s16;
	p0 =	por !p4, !p5  }
0x17f: {  	s23 =	simm.s32 $0x1;
	s22 =	sand.u32 $0xFFFFFF80, s2;
	p0 =	por !p0, !p0  }
0x180: {  	p6 =	slt.s32 s16, $0x1;
	s23 =	simm.s32 @!p0 $0x0;
	p2 =	sne.s32 s16, s22  }
0x181: {  	p0 =	por !p6, !p2;
	s18 =	ssub.s32 s18, s23  }
0x182: {  	s22 =	simm.s32 $0x1;
	p0 =	por !p0, !p0;
	s18 =	sshll.u32 s18, $0x7  }
0x183: {  	s19 =	sshrl.u32 s2, $0x7;
	s22 =	simm.s32 @!p0 $0x0;
	s18 =	sand.u32 $0x1FFFFF80, s18  }
0x184: {  	s24 =	simm.s32 $0x6400;
	s19 =	ssub.s32 s19, s22;
	s18 =	sadd.s32 s9, s18  }
0x185: {  	[tilespmem:s24], [sflag:$0x2] =	stream.strided.gather [hbm4b:s18+s10], $0x1000, s13, s10, $0x38;
	[tilespmem:$0x10E00] =	vst v63  }
0x186: {  	s25 =	sshll.u32 s19, $0x7  }
0x187: {  	s19 =	sand.u32 $0x1FFFFF80, s25  }
0x188: {  	s2 =	simm.s32 $0xE400;
	s18 =	spop (v2sf);
	s19 =	sadd.s32 s3, s19  }
0x189: {  	[tilespmem:s2], [sflag:$0x2] =	stream.strided.gather [hbm4b:s19+s10], $0x1000, s13, s10, $0x38;
	[tilespmem:$0x10E00] =	vst v63  }
0x18a: {  	s23 =	sshra.s32 s18, $0x1F  }
0x18b: {  	s24 =	sshrl.u32 s23, $0x19  }
0x18c: {  	s19 =	spop (v2sf);
	s22 =	sadd.s32 s24, s18  }
0x18d: {  	s25 =	sshra.s32 s19, $0x1F;
	s2 =	sand.u32 $0xFFFFFF80, s22  }
0x18e: {  	p3 =	slt.s32 s18, $0x1;
	s23 =	sshrl.u32 s25, $0x19;
	p4 =	sne.s32 s18, s2  }
0x18f: {  	s24 =	simm.s32 $0x1;
	s23 =	sadd.s32 s23, s19;
	p0 =	por !p3, !p4  }
0x190: {  	s22 =	sshrl.u32 s22, $0x7;
	s25 =	sand.u32 $0xFFFFFF80, s23;
	p0 =	por !p0, !p0  }
0x191: {  	p6 =	slt.s32 s19, $0x1;
	p5 =	sne.s32 s19, s25;
	s24 =	simm.s32 @!p0 $0x0  }
0x192: {  	p0 =	por !p6, !p5;
	s22 =	ssub.s32 s22, s24  }
0x193: {  	s24 =	simm.s32 $0x1;
	p0 =	por !p0, !p0;
	s22 =	sshll.u32 s22, $0x7  }
0x194: {  	s23 =	sshrl.u32 s23, $0x7;
	s24 =	simm.s32 @!p0 $0x0;
	s22 =	sand.u32 $0x1FFFFF80, s22  }
0x195: {  	s2 =	simm.s32 $0x7400;
	s23 =	ssub.s32 s23, s24;
	s22 =	sadd.s32 s9, s22  }
0x196: {  	[tilespmem:s2], [sflag:$0x2] =	stream.strided.gather [hbm4b:s22+s10], $0x1000, s13, s10, $0x38;
	[tilespmem:$0x10E00] =	vst v63  }
0x197: {  	s2 =	sshll.u32 s23, $0x7  }
0x198: {  	s22 =	sand.u32 $0x1FFFFF80, s2  }
0x199: {  	s25 =	simm.s32 $0xF400;
	s22 =	sadd.s32 s3, s22  }
0x19a: {  	[tilespmem:s25], [sflag:$0x2] =	stream.strided.gather [hbm4b:s22+s10], $0x1000, s13, s10, $0x38;
	[tilespmem:$0x10E00] =	vst v63  }
0x19b: {  	_ =	swait.ge [sflag:s30], $0x1000  }
0x19c: {  	[sflag:s30] =	ssyncset.done $0x0  }
0x19d: {  	[sflag:s30] =	ssyncadd.s32 $0xFFFFF000  }
0x19e: {  	_ =	swait.ge [sflag:s30], $0x1000  }
0x19f: {  	[sflag:s30] =	ssyncset.done $0x0  }
0x1a0: {  	[sflag:s30] =	ssyncadd.s32 $0xFFFFF000  }
0x1a1: {  	_ =	swait.ge [sflag:s30], $0x1000  }
0x1a2: {  	[sflag:s30] =	ssyncset.done $0x0  }
0x1a3: {  	[sflag:s30] =	ssyncadd.s32 $0xFFFFF000  }
0x1a4: {  	_ =	swait.ge [sflag:s30], $0x1000  }
0x1a5: {  	[sflag:s30] =	ssyncset.done $0x0  }
0x1a6: {  	[sflag:s30] =	ssyncadd.s32 $0xFFFFF000  }
0x1a7: {  	_ =	swait.ge [sflag:s30], $0x1000  }
0x1a8: {  	[sflag:s30] =	ssyncset.done $0x0  }
0x1a9: {  	[sflag:s30] =	ssyncadd.s32 $0xFFFFF000  }
0x1aa: {  	_ =	swait.ge [sflag:s30], $0x1000  }
0x1ab: {  	[sflag:s30] =	ssyncset.done $0x0  }
0x1ac: {  	[sflag:s30] =	ssyncadd.s32 $0xFFFFF000  }
0x1ad: {  	s4 =	sand.u32 $0x7F, s4;
	_ =	swait.ge [sflag:s30], $0x1000  }
0x1ae: {  	v17 =	vor.u32 s4, v0;
	[sflag:s30] =	ssyncset.done $0x0  }
0x1af: {  	v18 =	vor.u32 s4, v1;
	s25 =	sand.u32 $0x7F, s6;
	[sflag:s30] =	ssyncadd.s32 $0xFFFFF000  }
0x1b0: {  	v19 =	vor.u32 s25, v0;
	_ =	swait.ge [sflag:s30], $0x1000  }
0x1b1: {  	v39 =	vor.u32 s25, v1;
	[sflag:s30] =	ssyncset.done $0x0  }
0x1b2: {  	[sflag:s30] =	ssyncadd.s32 $0xFFFFF000  }
0x1b3: {  	v17 =	vld.idx.msk [tilespmem:v17+s10+$0x0], $0xffff  }
0x1b4: {  	s22 =	simm.s32 $0x8400;
	v18 =	vld.idx.msk [tilespmem:v18+s10+$0x0], $0xffff  }
0x1b5: {  	v19 =	vld.idx.msk [tilespmem:v19+s22+$0x0], $0xffff  }
0x1b6: {  	v20 =	vld.idx.msk [tilespmem:v39+s22+$0x0], $0xffff;
	_ =	sdelay $0x3  }
0x1b7: {  	s2 =	sand.u32 $0x7F, s11  }
0x1b8: {  	v17 =	vmul.f32 v19, v17;
	v18 =	vmul.f32 v20, v18;
	v19 =	vor.u32 s2, v0  }
0x1b9: {  	v40 =	vor.u32 s2, v1;
	s6 =	sand.u32 $0x7F, s5  }
0x1ba: {  	v41 =	vor.u32 s6, v1;
	v17 =	vadd.f32 v18, v17  }
0x1bb: {  	s11 =	simm.s32 $0x10400;
	v18 =	vor.u32 s6, v0  }
0x1bc: {  	s23 =	simm.s32 $0x1400;
	[tilespmem:v9+s11+$0x0] =	vst.idx.msk $0xffff, v17  }
0x1bd: {  	v17 =	vld.idx.msk [tilespmem:v19+s23+$0x0], $0xffff  }
0x1be: {  	s24 =	simm.s32 $0x9400;
	v19 =	vld.idx.msk [tilespmem:v40+s23+$0x0], $0xffff  }
0x1bf: {  	v42 =	vld.idx.msk [tilespmem:v41+s24+$0x0], $0xffff  }
0x1c0: {  	v18 =	vld.idx.msk [tilespmem:v18+s24+$0x0], $0xffff;
	_ =	sdelay $0x3  }
0x1c1: {  	s25 =	sand.u32 $0x7F, s17  }
0x1c2: {  	v17 =	vmul.f32 v18, v17;
	v18 =	vmul.f32 v42, v19;
	v19 =	vor.u32 s25, v0  }
0x1c3: {  	v43 =	vor.u32 s25, v1;
	s2 =	sand.u32 $0x7F, s14  }
0x1c4: {  	v44 =	vor.u32 s2, v1;
	v17 =	vadd.f32 v18, v17  }
0x1c5: {  	s4 =	simm.s32 $0x10400;
	v18 =	vor.u32 s2, v0  }
0x1c6: {  	s6 =	simm.s32 $0x2400;
	[tilespmem:v10+s4+$0x0] =	vst.idx.msk $0xffff, v17  }
0x1c7: {  	v17 =	vld.idx.msk [tilespmem:v19+s6+$0x0], $0xffff  }
0x1c8: {  	v19 =	vld.idx.msk [tilespmem:v43+s6+$0x0], $0xffff  }
0x1c9: {  	v45 =	vld.idx.msk [tilespmem:v44+s26+$0x0], $0xffff  }
0x1ca: {  	v18 =	vld.idx.msk [tilespmem:v18+s26+$0x0], $0xffff;
	_ =	sdelay $0x3  }
0x1cb: {  	s11 =	sand.u32 $0x7F, s21  }
0x1cc: {  	v17 =	vmul.f32 v18, v17;
	v18 =	vmul.f32 v45, v19;
	v19 =	vor.u32 s11, v0  }
0x1cd: {  	s14 =	sand.u32 $0x7F, s20;
	v46 =	vor.u32 s11, v1  }
0x1ce: {  	v47 =	vor.u32 s14, v1;
	v17 =	vadd.f32 v18, v17  }
0x1cf: {  	s17 =	simm.s32 $0x10400;
	v18 =	vor.u32 s14, v0  }
0x1d0: {  	[tilespmem:v11+s17+$0x0] =	vst.idx.msk $0xffff, v17  }
0x1d1: {  	v17 =	vld.idx.msk [tilespmem:v19+s1+$0x0], $0xffff  }
0x1d2: {  	v19 =	vld.idx.msk [tilespmem:v46+s1+$0x0], $0xffff  }
0x1d3: {  	v48 =	vld.idx.msk [tilespmem:v47+s28+$0x0], $0xffff  }
0x1d4: {  	v18 =	vld.idx.msk [tilespmem:v18+s28+$0x0], $0xffff;
	_ =	sdelay $0x4  }
0x1d5: {  	v17 =	vmul.f32 v18, v17;
	v18 =	vmul.f32 v48, v19;
	_ =	sdelay $0x1  }
0x1d6: {  	v17 =	vadd.f32 v18, v17  }
0x1d7: {  	s20 =	simm.s32 $0x10400  }
0x1d8: {  	[tilespmem:v12+s20+$0x0] =	vst.idx.msk $0xffff, v17  }
0x1d9: {  	_ =	swait.ge [sflag:s30], $0x1000  }
0x1da: {  	[sflag:s30] =	ssyncset.done $0x0  }
0x1db: {  	[sflag:s30] =	ssyncadd.s32 $0xFFFFF000  }
0x1dc: {  	_ =	swait.ge [sflag:s30], $0x1000  }
0x1dd: {  	[sflag:s30] =	ssyncset.done $0x0  }
0x1de: {  	[sflag:s30] =	ssyncadd.s32 $0xFFFFF000  }
0x1df: {  	_ =	swait.ge [sflag:s30], $0x1000  }
0x1e0: {  	[sflag:s30] =	ssyncset.done $0x0  }
0x1e1: {  	[sflag:s30] =	ssyncadd.s32 $0xFFFFF000  }
0x1e2: {  	_ =	swait.ge [sflag:s30], $0x1000  }
0x1e3: {  	[sflag:s30] =	ssyncset.done $0x0  }
0x1e4: {  	[sflag:s30] =	ssyncadd.s32 $0xFFFFF000  }
0x1e5: {  	_ =	swait.ge [sflag:s30], $0x1000  }
0x1e6: {  	[sflag:s30] =	ssyncset.done $0x0  }
0x1e7: {  	[sflag:s30] =	ssyncadd.s32 $0xFFFFF000  }
0x1e8: {  	_ =	swait.ge [sflag:s30], $0x1000  }
0x1e9: {  	[sflag:s30] =	ssyncset.done $0x0  }
0x1ea: {  	[sflag:s30] =	ssyncadd.s32 $0xFFFFF000  }
0x1eb: {  	s0 =	sand.u32 $0x7F, s0;
	_ =	swait.ge [sflag:s30], $0x1000  }
0x1ec: {  	v17 =	vor.u32 s0, v0;
	[sflag:s30] =	ssyncset.done $0x0  }
0x1ed: {  	s21 =	sand.u32 $0x7F, s7;
	v18 =	vor.u32 s0, v1;
	[sflag:s30] =	ssyncadd.s32 $0xFFFFF000  }
0x1ee: {  	v19 =	vor.u32 s21, v0;
	_ =	swait.ge [sflag:s30], $0x1000  }
0x1ef: {  	v49 =	vor.u32 s21, v1;
	[sflag:s30] =	ssyncset.done $0x0  }
0x1f0: {  	[sflag:s30] =	ssyncadd.s32 $0xFFFFF000  }
0x1f1: {  	v17 =	vld.idx.msk [tilespmem:v17+s29+$0x0], $0xffff  }
0x1f2: {  	v18 =	vld.idx.msk [tilespmem:v18+s29+$0x0], $0xffff  }
0x1f3: {  	v19 =	vld.idx.msk [tilespmem:v19+s31+$0x0], $0xffff  }
0x1f4: {  	v20 =	vld.idx.msk [tilespmem:v49+s31+$0x0], $0xffff;
	_ =	sdelay $0x3  }
0x1f5: {  	s2 =	sand.u32 $0x7F, s12  }
0x1f6: {  	v17 =	vmul.f32 v19, v17;
	v18 =	vmul.f32 v20, v18;
	v19 =	vor.u32 s2, v0  }
0x1f7: {  	v50 =	vor.u32 s2, v1;
	s4 =	sand.u32 $0x7F, s8  }
0x1f8: {  	v51 =	vor.u32 s4, v1;
	v17 =	vadd.f32 v18, v17  }
0x1f9: {  	s6 =	simm.s32 $0x10400;
	v18 =	vor.u32 s4, v0  }
0x1fa: {  	s5 =	simm.s32 $0x5400;
	[tilespmem:v13+s6+$0x0] =	vst.idx.msk $0xffff, v17  }
0x1fb: {  	v17 =	vld.idx.msk [tilespmem:v19+s5+$0x0], $0xffff  }
0x1fc: {  	s11 =	simm.s32 $0xD400;
	v19 =	vld.idx.msk [tilespmem:v50+s5+$0x0], $0xffff  }
0x1fd: {  	v52 =	vld.idx.msk [tilespmem:v51+s11+$0x0], $0xffff  }
0x1fe: {  	v18 =	vld.idx.msk [tilespmem:v18+s11+$0x0], $0xffff;
	_ =	sdelay $0x3  }
0x1ff: {  	s12 =	sand.u32 $0x7F, s15  }
0x200: {  	v17 =	vmul.f32 v18, v17;
	v18 =	vmul.f32 v52, v19;
	v19 =	vor.u32 s12, v0  }
0x201: {  	v53 =	vor.u32 s12, v1;
	s14 =	sand.u32 $0x7F, s16  }
0x202: {  	v54 =	vor.u32 s14, v1;
	v17 =	vadd.f32 v18, v17  }
0x203: {  	s15 =	simm.s32 $0x10400;
	v18 =	vor.u32 s14, v0  }
0x204: {  	s8 =	simm.s32 $0x6400;
	[tilespmem:v14+s15+$0x0] =	vst.idx.msk $0xffff, v17  }
0x205: {  	v17 =	vld.idx.msk [tilespmem:v19+s8+$0x0], $0xffff  }
0x206: {  	s7 =	simm.s32 $0xE400;
	v19 =	vld.idx.msk [tilespmem:v53+s8+$0x0], $0xffff  }
0x207: {  	v55 =	vld.idx.msk [tilespmem:v54+s7+$0x0], $0xffff  }
0x208: {  	v18 =	vld.idx.msk [tilespmem:v18+s7+$0x0], $0xffff;
	_ =	sdelay $0x3  }
0x209: {  	s18 =	sand.u32 $0x7F, s18  }
0x20a: {  	v17 =	vmul.f32 v18, v17;
	v18 =	vmul.f32 v55, v19;
	v19 =	vor.u32 s18, v0  }
0x20b: {  	v56 =	vor.u32 s18, v1;
	s19 =	sand.u32 $0x7F, s19  }
0x20c: {  	v57 =	vor.u32 s19, v1;
	v17 =	vadd.f32 v18, v17  }
0x20d: {  	s16 =	simm.s32 $0x10400;
	v18 =	vor.u32 s19, v0  }
0x20e: {  	s17 =	simm.s32 $0x7400;
	[tilespmem:v15+s16+$0x0] =	vst.idx.msk $0xffff, v17  }
0x20f: {  	v17 =	vld.idx.msk [tilespmem:v19+s17+$0x0], $0xffff  }
0x210: {  	s2 =	simm.s32 $0xF400;
	v19 =	vld.idx.msk [tilespmem:v56+s17+$0x0], $0xffff  }
0x211: {  	v58 =	vld.idx.msk [tilespmem:v57+s2+$0x0], $0xffff  }
0x212: {  	v18 =	vld.idx.msk [tilespmem:v18+s2+$0x0], $0xffff;
	_ =	sdelay $0x4  }
0x213: {  	v17 =	vmul.f32 v18, v17;
	v18 =	vmul.f32 v58, v19;
	_ =	sdelay $0x1  }
0x214: {  	v17 =	vadd.f32 v18, v17;
	_ =	sdelay $0x1  }
0x215: {  	[tilespmem:v16+s16+$0x0] =	vst.idx.msk $0xffff, v17  }
0x216: {  	v17 =	vld [tilespmem:$0x10400];
	_ =	sdelay $0x1  }
0x217: {  	v18 =	vld [tilespmem:$0x10480];
	_ =	sdelay $0x1  }
0x218: {  	v19 =	vld [tilespmem:$0x10500]  }
0x219: {  	v17 =	vadd.f32 $0.0e+00, v17  }
0x21a: {  	v59 =	vld [tilespmem:$0x10580]  }
0x21b: {  	v17 =	vadd.f32 v18, v17  }
0x21c: {  	v18 =	vld [tilespmem:$0x10600]  }
0x21d: {  	v17 =	vadd.f32 v19, v17  }
0x21e: {  	v19 =	vld [tilespmem:$0x10680]  }
0x21f: {  	v17 =	vadd.f32 v59, v17  }
0x220: {  	v60 =	vld [tilespmem:$0x10700]  }
0x221: {  	v17 =	vadd.f32 v18, v17  }
0x222: {  	v18 =	vld [tilespmem:$0x10780]  }
0x223: {  	v17 =	vadd.f32 v19, v17  }
0x224: {  	v19 =	vld [tilespmem:$0x10800]  }
0x225: {  	v17 =	vadd.f32 v60, v17  }
0x226: {  	v61 =	vld [tilespmem:$0x10880]  }
0x227: {  	v17 =	vadd.f32 v18, v17  }
0x228: {  	v18 =	vld [tilespmem:$0x10900]  }
0x229: {  	v17 =	vadd.f32 v19, v17  }
0x22a: {  	v19 =	vld [tilespmem:$0x10980]  }
0x22b: {  	v17 =	vadd.f32 v61, v17  }
0x22c: {  	v62 =	vld [tilespmem:$0x10A00]  }
0x22d: {  	v17 =	vadd.f32 v18, v17  }
0x22e: {  	v18 =	vld [tilespmem:$0x10A80]  }
0x22f: {  	v17 =	vadd.f32 v19, v17  }
0x230: {  	v19 =	vld [tilespmem:$0x10B00]  }
0x231: {  	v17 =	vadd.f32 v62, v17  }
0x232: {  	v63 =	vld [tilespmem:$0x10B80]  }
0x233: {  	s20 =	rddreg [dreg:$0xa];
	v17 =	vadd.f32 v18, v17  }
0x234: {  	p0 =	sne.s32 s20, $0x7C0  }
.Ltmp0:
0x235: {  	v17 =	vadd.f32 v19, v17;
	(pc) =	sbr.rel @p0 .LBB2_2-.Ltmp0, $4  }
0x236: {  	_ = 	snop  }
0x237: {  	v17 =	vadd.f32 v63, v17  }
0x238: {  	s21 =	rddreg [dreg:$0xb]  }
0x239: {  	s25 =	simm.s32 $0x2400;
	s0 =	sadd.s32 $0x40, s20;
	[tilespmem:s21+$0x10C00] =	vst v17  }
0x23a: {  	s8 =	simm.s32 $0x0  }
0x23b: {  	s0 =	rddreg [dreg:$0x7];
	s2 =	simm.s32 $0x10C00;
	s20 =	simm.s32 $0x3  }
0x23c: {  	[hbm4b:s0+s8] =	stream.linear.scatter [tilespmem:s2], [sflag:$0x3], $0x200, $0x38;
	[tilespmem:$0x10E00] =	vst v63  }
0x23d: {  	_ =	swait.ge [sflag:s20], $0x200  }
0x23e: {  	s4 =	rddreg [dreg:$0x9]  }
0x23f: {  	s21 =	rddreg [dreg:$0x8];
	s4 =	sadd.s32 $0x1, s4  }
0x240: {  	p0 =	sne.s32 s4, s21  }
.Ltmp1:
0x241: {  	_ = 	snop;
	(pc) =	sbr.rel @p0 .LBB2_1-.Ltmp1, $3  }
0x242: {  	_ =	sdelay $0x1  }
0x243: {  	[sflag:s20] =	ssyncset.done $0x0  }
0x244: {  	[sflag:s20] =	ssyncadd.s32 $0xFFFFFE00  }
0x245: {  	_ =	sfence.sel $0x180000  }
0x246: {  	[bflag:$0x0] =	sbarrier.arrive $0xFFFF  }
0x247: {  	_ =	strace $0x90000047  }
0x248: {  	s0 =	stileid.u32;
	[bflag:$0x2] =	sbarrier.arrive $0xFFFF  }
0x249: {  	p0 =	sne.s32 s0, $0x0;
	s0 =	rddreg [dreg:$0x4]  }
0x24a: {  	s0 =	sadd.s32 @!p0 $0x100000, s0  }
0x24b: {  	[sflag:s0] =	ssyncadd.tile.s32 @!p0 $0x1;
	_ =	shalt  }
.Lfunc_end2:
_tile_overlayer_lowered:
.L_overlay_start_2:
0x24c: {  	(tag) =	ssettag $0x2  }
0x24d: {  	s0 =	rddreg [dreg:$0x0];
	s2 =	stileid.u32  }
0x24e: {  	s1 =	rddreg [dreg:$0x1];
	p0 =	sne.s32 s2, $0x0  }
0x24f: {  	s3 =	rddreg [dreg:$0x2];
	[bflag:$0x3] =	sbarrier.arrive $0xFFFF;
	s2 =	simm.s32 @!p0 $0x1C03  }
0x250: {  	[timem:s3], [sflag:s2] =	dma.local @!p0 [hbm:s0], s1  }
0x251: {  	s0 =	simm.s32 @!p0 $0x3  }
0x252: {  	_ =	swait.ge @!p0 [sflag:s0], s1  }
0x253: {  	s1 =	ssub.s32 @!p0 $0x0, s1;
	[sflag:s0] =	ssyncset.done @!p0 $0x0  }
0x254: {  	[sflag:s0] =	ssyncadd.s32 @!p0 s1  }
0x255: {  	[bflag:$0x3] =	sbarrier.arrive $0xFFFF  }
0x256: {  	_ =	shalt  }

</sc_bundles>
